<compile_context>
chip_gen: v7x
topology: tpu7x:2x2x1
jax: 0.10.2.dev20260603
libtpu: 0.0.44.dev20260713+nightly
codegen_flags: <defaults>
</compile_context>

<pallas_src>
import jax
import jax.numpy as jnp
import numpy as np
from jax import lax
from jax.experimental import pallas as pl
from jax.experimental.pallas import tpu as pltpu
from jax.experimental.pallas import tpu_sc as plsc

NUM_BINS = 10
MIN_CLAMP = 0.01
MAX_CLAMP = 100.0
BATCH = 16384
NUM_CLASSES = 1000

_EDGE_BITS = np.array(
    [0x00000000, 0x3DCCCCCD, 0x3E4CCCCD, 0x3E99999A, 0x3ECCCCCD, 0x3F000000,
     0x3F19999A, 0x3F333333, 0x3F4CCCCD, 0x3F666667, 0x3F800000],
    dtype=np.uint32)
_EDGES = tuple(_EDGE_BITS.view(np.float32).tolist())

_NC, _NS = 2, 16
_NW = _NC * _NS
_LANES = 16
_ROWS_PER_W = BATCH // _NW
_GROUPS = _ROWS_PER_W // _LANES

_TC_BLOCK_COLS = 2048
_TC_GRID = BATCH // _TC_BLOCK_COLS


def _tc_colmax_kernel(prob_ref, out_ref):
    m = jnp.max(prob_ref[...], axis=0)
    out_ref[...] = m.reshape(_TC_BLOCK_COLS // 128, 128)


def _sc_bin_kernel(mx_hbm, params_hbm, out_hbm, mx_v, params_v, out_v):
    cid = lax.axis_index("c")
    sid = lax.axis_index("s")
    wid = cid * _NS + sid
    base = wid * _ROWS_PER_W

    pltpu.sync_copy(params_hbm, params_v)
    pltpu.sync_copy(mx_hbm.at[pl.ds(base, _ROWS_PER_W)], mx_v)

    for k in range(_GROUPS):
        m = mx_v[pl.ds(k * _LANES, _LANES)]
        cnt = jnp.zeros((_LANES,), jnp.int32)
        for e in _EDGES:
            cnt = cnt + jnp.where(m > jnp.float32(e),
                                  jnp.int32(1), jnp.int32(0))
        bin_idx = jnp.clip(cnt - 1, 0, NUM_BINS - 1)
        bv = plsc.load_gather(params_v, [bin_idx])
        temp = jnp.clip(bv * bv, MIN_CLAMP, MAX_CLAMP)
        out_v[pl.ds(k * _LANES, _LANES)] = m * (1.0 / temp)

    pltpu.sync_copy(out_v, out_hbm.at[pl.ds(base, _ROWS_PER_W)])


@jax.jit
def _run(prob, params16):
    maxes = pl.pallas_call(
        _tc_colmax_kernel,
        grid=(_TC_GRID,),
        in_specs=[pl.BlockSpec((NUM_CLASSES, _TC_BLOCK_COLS),
                               lambda i: (0, i))],
        out_specs=pl.BlockSpec((_TC_BLOCK_COLS // 128, 128),
                               lambda i: (i, 0)),
        out_shape=jax.ShapeDtypeStruct((BATCH // 128, 128), jnp.float32),
    )(prob.T)

    mesh = plsc.VectorSubcoreMesh(core_axis_name="c", subcore_axis_name="s",
                                  num_cores=_NC, num_subcores=_NS)
    f = pl.kernel(
        _sc_bin_kernel,
        out_type=jax.ShapeDtypeStruct((BATCH,), jnp.float32),
        mesh=mesh,
        scratch_types=[
            pltpu.VMEM((_ROWS_PER_W,), jnp.float32),
            pltpu.VMEM((_LANES,), jnp.float32),
            pltpu.VMEM((_ROWS_PER_W,), jnp.float32),
        ],
        compiler_params=pltpu.CompilerParams(needs_layout_passes=False),
    )
    calibrated = jnp.broadcast_to(
        (params16[0] * jnp.float32(0.0)).reshape(1, 1),
        (BATCH, NUM_CLASSES))
    output = f(maxes.reshape(BATCH), params16)
    return output, calibrated


def kernel(probabilities, bin_params):
    params16 = jnp.concatenate(
        [bin_params, jnp.zeros((_LANES - NUM_BINS,), jnp.float32)])
    output, calibrated = _run(probabilities, params16)
    return (output, calibrated)

# --- scband reference (transcript-rebuilt; emitter-appended) ---
"""Pipeline reference for scband-kgec-plus-20796231647622 (READ-ONLY COPY).

The authoritative reference and input builder live on the scoring server;
editing this copy changes nothing except your own understanding.
"""

import jax, jax.numpy as jnp
import numpy as np

NUM_BINS = 10
MIN_CLAMP = 0.01
MAX_CLAMP = 100.0
BATCH = 16384
NUM_CLASSES = 1000


def setup_inputs(seed: int = 0) -> dict:
    key = jax.random.key(seed)
    k1, k2 = jax.random.split(key)
    probabilities = jax.random.uniform(k1, (BATCH, NUM_CLASSES), dtype=jnp.float32)
    # learned parameter: one scaling value per histogram bin (init to ones, as in torch)
    bin_params = jnp.ones((NUM_BINS,), dtype=jnp.float32)
    return {"probabilities": probabilities, "bin_params": bin_params}


def reference(probabilities, bin_params):
    # edges = torch.linspace(0, 1, num_bins + 1)
    edges = jnp.linspace(0.0, 1.0, NUM_BINS + 1, dtype=jnp.float32)
    # sorted_probs, _ = torch.sort(probabilities, dim=1, descending=True)
    sorted_probs = jnp.sort(probabilities, axis=1)[:, ::-1]
    calibrated_probabilities = jnp.zeros_like(probabilities)
    max_probs = sorted_probs[:, 0]
    # torch.bucketize(v, edges) with right=False  <=>  searchsorted side='left'
    bin_indices = jnp.searchsorted(edges, max_probs, side='left') - 1
    bin_indices = jnp.clip(bin_indices, 0, NUM_BINS - 1)
    # gather per-sample bin parameter
    bin_values = jnp.take(bin_params, bin_indices, axis=0)
    # scaling: p * (1 / clamp(t**2, min_clamp, max_clamp))
    temp = jnp.clip(bin_values ** 2, MIN_CLAMP, MAX_CLAMP)
    output = max_probs * (1.0 / temp)
    # if_predict=False path: calibrated_probabilities stays zeros
    return (output, calibrated_probabilities)

if __name__ == "__main__":
    import jax
    _d = setup_inputs()
    print(jax.jit(kernel)(*tuple(_d.values())))

</pallas_src>

<mosaic_0001>
#map = affine_map<(d0, d1) -> (0)>
module attributes {stable_mosaic.version = 14 : i64} {
  func.func @_sc_bin_kernel(%arg0: i32, %arg1: i32, %arg2: memref<16384xf32, #tpu.memory_space<hbm>>, %arg3: memref<16xf32, #tpu.memory_space<hbm>>, %arg4: memref<16384xf32, #tpu.memory_space<hbm>>, %arg5: memref<512xf32, #tpu.memory_space<vmem>>, %arg6: memref<16xf32, #tpu.memory_space<vmem>>, %arg7: memref<512xf32, #tpu.memory_space<vmem>>) attributes {dimension_semantics = [#tpu.dimension_semantics<core_parallel>, #tpu.dimension_semantics<subcore_parallel>], iteration_bounds = array<i64: 2, 16>, scalar_prefetch = 0 : i64, scratch_operands = 3 : i64, tpu.core_type = #tpu.core_type<sc_vector_subcore>, window_params = [{transform_indices = #map}, {transform_indices = #map}, {transform_indices = #map}]} {
    %mul3A = arith.constant 16 : i32
    %mul3A_0 = arith.muli %arg0, %mul3A : i32
    %add3A = arith.addi %mul3A_0, %arg1 : i32
    %mul3A_1 = arith.constant 512 : i32
    %mul3A_2 = arith.muli %add3A, %mul3A_1 : i32
    "tpu.region"() ({
      %run_scoped3A = tpu.sem_alloc : memref<!tpu.dma_semaphore, #tpu.memory_space<semaphore_mem>>
      tpu.enqueue_dma source(%arg3 : memref<16xf32, #tpu.memory_space<hbm>>) target(%arg6 : memref<16xf32, #tpu.memory_space<vmem>>) target_semaphore(%run_scoped3A : memref<!tpu.dma_semaphore, #tpu.memory_space<semaphore_mem>>)
      tpu.wait_dma2 semaphore(%run_scoped3A : memref<!tpu.dma_semaphore, #tpu.memory_space<semaphore_mem>>) src(%arg3 : memref<16xf32, #tpu.memory_space<hbm>>) dst(%arg6 : memref<16xf32, #tpu.memory_space<vmem>>)
      tpu.yield
    }) : () -> ()
    "tpu.region"() ({
      %run_scoped3A = tpu.sem_alloc : memref<!tpu.dma_semaphore, #tpu.memory_space<semaphore_mem>>
      %dma_start3A = tpu.memref_slice %arg2[%mul3A_2] : memref<16384xf32, #tpu.memory_space<hbm>> -> memref<512xf32, #tpu.memory_space<hbm>>
      %dma_start3A_4024 = tpu.memref_slice %arg2[%mul3A_2] : memref<16384xf32, #tpu.memory_space<hbm>> -> memref<512xf32, #tpu.memory_space<hbm>>
      tpu.enqueue_dma source(%dma_start3A_4024 : memref<512xf32, #tpu.memory_space<hbm>>) target(%arg5 : memref<512xf32, #tpu.memory_space<vmem>>) target_semaphore(%run_scoped3A : memref<!tpu.dma_semaphore, #tpu.memory_space<semaphore_mem>>)
      %dma_wait3A = tpu.memref_slice %arg2[%mul3A_2] : memref<16384xf32, #tpu.memory_space<hbm>> -> memref<512xf32, #tpu.memory_space<hbm>>
      %dma_wait3A_4025 = tpu.memref_slice %arg2[%mul3A_2] : memref<16384xf32, #tpu.memory_space<hbm>> -> memref<512xf32, #tpu.memory_space<hbm>>
      tpu.wait_dma2 semaphore(%run_scoped3A : memref<!tpu.dma_semaphore, #tpu.memory_space<semaphore_mem>>) src(%dma_wait3A_4025 : memref<512xf32, #tpu.memory_space<hbm>>) dst(%arg5 : memref<512xf32, #tpu.memory_space<vmem>>)
      tpu.yield
    }) : () -> ()
    %get3A = arith.constant 0 : index
    %get3A_3 = tpu.vector_load %arg5[%get3A] {strides = array<i32>} : memref<512xf32, #tpu.memory_space<vmem>>, vector<16xf32>,
    %broadcast_in_dim3A = arith.constant 0 : i32
    %broadcast_in_dim3A_4 = vector.broadcast %broadcast_in_dim3A : i32 to vector<16xi32>
    %gt3A = arith.constant 0.000000e+00 : f32
    %gt3A_5 = vector.broadcast %gt3A : f32 to vector<16xf32>
    %gt3A_6 = arith.cmpf ogt, %get3A_3, %gt3A_5 : vector<16xf32>
    %jit3A = arith.constant 1 : i32
    %jit3A_7 = arith.constant 0 : i32
    %broadcast_in_dim3A_8 = vector.broadcast %jit3A : i32 to vector<16xi32>
    %broadcast_in_dim3A_9 = vector.broadcast %jit3A_7 : i32 to vector<16xi32>
    %select_n3A = arith.select %gt3A_6, %broadcast_in_dim3A_8, %broadcast_in_dim3A_9 : vector<16xi1>, vector<16xi32>
    %add3A_10 = arith.addi %broadcast_in_dim3A_4, %select_n3A : vector<16xi32>
    %gt3A_11 = arith.constant 1.000000e-01 : f32
    %gt3A_12 = vector.broadcast %gt3A_11 : f32 to vector<16xf32>
    %gt3A_13 = arith.cmpf ogt, %get3A_3, %gt3A_12 : vector<16xf32>
    %jit3A_14 = arith.constant 1 : i32
    %jit3A_15 = arith.constant 0 : i32
    %broadcast_in_dim3A_16 = vector.broadcast %jit3A_14 : i32 to vector<16xi32>
    %broadcast_in_dim3A_17 = vector.broadcast %jit3A_15 : i32 to vector<16xi32>
    %select_n3A_18 = arith.select %gt3A_13, %broadcast_in_dim3A_16, %broadcast_in_dim3A_17 : vector<16xi1>, vector<16xi32>
    %add3A_19 = arith.addi %add3A_10, %select_n3A_18 : vector<16xi32>
    %gt3A_20 = arith.constant 2.000000e-01 : f32
    %gt3A_21 = vector.broadcast %gt3A_20 : f32 to vector<16xf32>
    %gt3A_22 = arith.cmpf ogt, %get3A_3, %gt3A_21 : vector<16xf32>
    %jit3A_23 = arith.constant 1 : i32
    %jit3A_24 = arith.constant 0 : i32
    %broadcast_in_dim3A_25 = vector.broadcast %jit3A_23 : i32 to vector<16xi32>
    %broadcast_in_dim3A_26 = vector.broadcast %jit3A_24 : i32 to vector<16xi32>
    %select_n3A_27 = arith.select %gt3A_22, %broadcast_in_dim3A_25, %broadcast_in_dim3A_26 : vector<16xi1>, vector<16xi32>
    %add3A_28 = arith.addi %add3A_19, %select_n3A_27 : vector<16xi32>
    %gt3A_29 = arith.constant 3.000000e-01 : f32
    %gt3A_30 = vector.broadcast %gt3A_29 : f32 to vector<16xf32>
    %gt3A_31 = arith.cmpf ogt, %get3A_3, %gt3A_30 : vector<16xf32>
    %jit3A_32 = arith.constant 1 : i32
    %jit3A_33 = arith.constant 0 : i32
    %broadcast_in_dim3A_34 = vector.broadcast %jit3A_32 : i32 to vector<16xi32>
    %broadcast_in_dim3A_35 = vector.broadcast %jit3A_33 : i32 to vector<16xi32>
    %select_n3A_36 = arith.select %gt3A_31, %broadcast_in_dim3A_34, %broadcast_in_dim3A_35 : vector<16xi1>, vector<16xi32>
    %add3A_37 = arith.addi %add3A_28, %select_n3A_36 : vector<16xi32>
    %gt3A_38 = arith.constant 4.000000e-01 : f32
    %gt3A_39 = vector.broadcast %gt3A_38 : f32 to vector<16xf32>
    %gt3A_40 = arith.cmpf ogt, %get3A_3, %gt3A_39 : vector<16xf32>
    %jit3A_41 = arith.constant 1 : i32
    %jit3A_42 = arith.constant 0 : i32
    %broadcast_in_dim3A_43 = vector.broadcast %jit3A_41 : i32 to vector<16xi32>
    %broadcast_in_dim3A_44 = vector.broadcast %jit3A_42 : i32 to vector<16xi32>
    %select_n3A_45 = arith.select %gt3A_40, %broadcast_in_dim3A_43, %broadcast_in_dim3A_44 : vector<16xi1>, vector<16xi32>
    %add3A_46 = arith.addi %add3A_37, %select_n3A_45 : vector<16xi32>
    %gt3A_47 = arith.constant 5.000000e-01 : f32
    %gt3A_48 = vector.broadcast %gt3A_47 : f32 to vector<16xf32>
    %gt3A_49 = arith.cmpf ogt, %get3A_3, %gt3A_48 : vector<16xf32>
    %jit3A_50 = arith.constant 1 : i32
    %jit3A_51 = arith.constant 0 : i32
    %broadcast_in_dim3A_52 = vector.broadcast %jit3A_50 : i32 to vector<16xi32>
    %broadcast_in_dim3A_53 = vector.broadcast %jit3A_51 : i32 to vector<16xi32>
    %select_n3A_54 = arith.select %gt3A_49, %broadcast_in_dim3A_52, %broadcast_in_dim3A_53 : vector<16xi1>, vector<16xi32>
    %add3A_55 = arith.addi %add3A_46, %select_n3A_54 : vector<16xi32>
    %gt3A_56 = arith.constant 6.000000e-01 : f32
    %gt3A_57 = vector.broadcast %gt3A_56 : f32 to vector<16xf32>
    %gt3A_58 = arith.cmpf ogt, %get3A_3, %gt3A_57 : vector<16xf32>
    %jit3A_59 = arith.constant 1 : i32
    %jit3A_60 = arith.constant 0 : i32
    %broadcast_in_dim3A_61 = vector.broadcast %jit3A_59 : i32 to vector<16xi32>
    %broadcast_in_dim3A_62 = vector.broadcast %jit3A_60 : i32 to vector<16xi32>
    %select_n3A_63 = arith.select %gt3A_58, %broadcast_in_dim3A_61, %broadcast_in_dim3A_62 : vector<16xi1>, vector<16xi32>
    %add3A_64 = arith.addi %add3A_55, %select_n3A_63 : vector<16xi32>
    %gt3A_65 = arith.constant 0.699999988 : f32
    %gt3A_66 = vector.broadcast %gt3A_65 : f32 to vector<16xf32>
    %gt3A_67 = arith.cmpf ogt, %get3A_3, %gt3A_66 : vector<16xf32>
    %jit3A_68 = arith.constant 1 : i32
    %jit3A_69 = arith.constant 0 : i32
    %broadcast_in_dim3A_70 = vector.broadcast %jit3A_68 : i32 to vector<16xi32>
    %broadcast_in_dim3A_71 = vector.broadcast %jit3A_69 : i32 to vector<16xi32>
    %select_n3A_72 = arith.select %gt3A_67, %broadcast_in_dim3A_70, %broadcast_in_dim3A_71 : vector<16xi1>, vector<16xi32>
    %add3A_73 = arith.addi %add3A_64, %select_n3A_72 : vector<16xi32>
    %gt3A_74 = arith.constant 8.000000e-01 : f32
    %gt3A_75 = vector.broadcast %gt3A_74 : f32 to vector<16xf32>
    %gt3A_76 = arith.cmpf ogt, %get3A_3, %gt3A_75 : vector<16xf32>
    %jit3A_77 = arith.constant 1 : i32
    %jit3A_78 = arith.constant 0 : i32
    %broadcast_in_dim3A_79 = vector.broadcast %jit3A_77 : i32 to vector<16xi32>
    %broadcast_in_dim3A_80 = vector.broadcast %jit3A_78 : i32 to vector<16xi32>
    %select_n3A_81 = arith.select %gt3A_76, %broadcast_in_dim3A_79, %broadcast_in_dim3A_80 : vector<16xi1>, vector<16xi32>
    %add3A_82 = arith.addi %add3A_73, %select_n3A_81 : vector<16xi32>
    %gt3A_83 = arith.constant 0.900000035 : f32
    %gt3A_84 = vector.broadcast %gt3A_83 : f32 to vector<16xf32>
    %gt3A_85 = arith.cmpf ogt, %get3A_3, %gt3A_84 : vector<16xf32>
    %jit3A_86 = arith.constant 1 : i32
    %jit3A_87 = arith.constant 0 : i32
    %broadcast_in_dim3A_88 = vector.broadcast %jit3A_86 : i32 to vector<16xi32>
    %broadcast_in_dim3A_89 = vector.broadcast %jit3A_87 : i32 to vector<16xi32>
    %select_n3A_90 = arith.select %gt3A_85, %broadcast_in_dim3A_88, %broadcast_in_dim3A_89 : vector<16xi1>, vector<16xi32>
    %add3A_91 = arith.addi %add3A_82, %select_n3A_90 : vector<16xi32>
    %gt3A_92 = arith.constant 1.000000e+00 : f32
    %gt3A_93 = vector.broadcast %gt3A_92 : f32 to vector<16xf32>
    %gt3A_94 = arith.cmpf ogt, %get3A_3, %gt3A_93 : vector<16xf32>
    %jit3A_95 = arith.constant 1 : i32
    %jit3A_96 = arith.constant 0 : i32
    %broadcast_in_dim3A_97 = vector.broadcast %jit3A_95 : i32 to vector<16xi32>
    %broadcast_in_dim3A_98 = vector.broadcast %jit3A_96 : i32 to vector<16xi32>
    %select_n3A_99 = arith.select %gt3A_94, %broadcast_in_dim3A_97, %broadcast_in_dim3A_98 : vector<16xi1>, vector<16xi32>
    %add3A_100 = arith.addi %add3A_91, %select_n3A_99 : vector<16xi32>
    %sub3A = arith.constant 1 : i32
    %sub3A_101 = vector.broadcast %sub3A : i32 to vector<16xi32>
    %sub3A_102 = arith.subi %add3A_100, %sub3A_101 : vector<16xi32>
    %jit3A_103 = arith.constant 0 : i32
    %jit3A_104 = arith.constant 9 : i32
    %max3A = vector.broadcast %jit3A_103 : i32 to vector<16xi32>
    %max3A_105 = arith.maxsi %max3A, %sub3A_102 : vector<16xi32>
    %min3A = vector.broadcast %jit3A_104 : i32 to vector<16xi32>
    %min3A_106 = arith.minsi %min3A, %max3A_105 : vector<16xi32>
    %gather3A = tpu.vector_load_idx %arg6[%min3A_106] : memref<16xf32, #tpu.memory_space<vmem>>[vector<16xi32>], vector<16xf32>,
    %mul3A_107 = arith.mulf %gather3A, %gather3A : vector<16xf32>
    %jit3A_108 = arith.constant 0.00999999977 : f32
    %jit3A_109 = arith.constant 1.000000e+02 : f32
    %max3A_110 = vector.broadcast %jit3A_108 : f32 to vector<16xf32>
    %max3A_111 = arith.maximumf %max3A_110, %mul3A_107 : vector<16xf32>
    %min3A_112 = vector.broadcast %jit3A_109 : f32 to vector<16xf32>
    %min3A_113 = arith.minimumf %min3A_112, %max3A_111 : vector<16xf32>
    %div3A = arith.constant 1.000000e+00 : f32
    %div3A_114 = vector.broadcast %div3A : f32 to vector<16xf32>
    %div3A_115 = arith.divf %div3A_114, %min3A_113 : vector<16xf32>
    %mul3A_116 = arith.mulf %get3A_3, %div3A_115 : vector<16xf32>
    %swap3A = arith.constant 0 : index
    %swap3A_117 = tpu.vector_load %arg7[%swap3A] {strides = array<i32>} : memref<512xf32, #tpu.memory_space<vmem>>, vector<16xf32>,
    tpu.vector_store %arg7[%swap3A], %mul3A_116 {strides = array<i32>} : memref<512xf32, #tpu.memory_space<vmem>>, vector<16xf32>,
    %get3A_118 = arith.constant 16 : index
    %get3A_119 = tpu.vector_load %arg5[%get3A_118] {strides = array<i32>} : memref<512xf32, #tpu.memory_space<vmem>>, vector<16xf32>,
    %broadcast_in_dim3A_120 = arith.constant 0 : i32
    %broadcast_in_dim3A_121 = vector.broadcast %broadcast_in_dim3A_120 : i32 to vector<16xi32>
    %gt3A_122 = arith.constant 0.000000e+00 : f32
    %gt3A_123 = vector.broadcast %gt3A_122 : f32 to vector<16xf32>
    %gt3A_124 = arith.cmpf ogt, %get3A_119, %gt3A_123 : vector<16xf32>
    %jit3A_125 = arith.constant 1 : i32
    %jit3A_126 = arith.constant 0 : i32
    %broadcast_in_dim3A_127 = vector.broadcast %jit3A_125 : i32 to vector<16xi32>
    %broadcast_in_dim3A_128 = vector.broadcast %jit3A_126 : i32 to vector<16xi32>
    %select_n3A_129 = arith.select %gt3A_124, %broadcast_in_dim3A_127, %broadcast_in_dim3A_128 : vector<16xi1>, vector<16xi32>
    %add3A_130 = arith.addi %broadcast_in_dim3A_121, %select_n3A_129 : vector<16xi32>
    %gt3A_131 = arith.constant 1.000000e-01 : f32
    %gt3A_132 = vector.broadcast %gt3A_131 : f32 to vector<16xf32>
    %gt3A_133 = arith.cmpf ogt, %get3A_119, %gt3A_132 : vector<16xf32>
    %jit3A_134 = arith.constant 1 : i32
    %jit3A_135 = arith.constant 0 : i32
    %broadcast_in_dim3A_136 = vector.broadcast %jit3A_134 : i32 to vector<16xi32>
    %broadcast_in_dim3A_137 = vector.broadcast %jit3A_135 : i32 to vector<16xi32>
    %select_n3A_138 = arith.select %gt3A_133, %broadcast_in_dim3A_136, %broadcast_in_dim3A_137 : vector<16xi1>, vector<16xi32>
    %add3A_139 = arith.addi %add3A_130, %select_n3A_138 : vector<16xi32>
    %gt3A_140 = arith.constant 2.000000e-01 : f32
    %gt3A_141 = vector.broadcast %gt3A_140 : f32 to vector<16xf32>
    %gt3A_142 = arith.cmpf ogt, %get3A_119, %gt3A_141 : vector<16xf32>
    %jit3A_143 = arith.constant 1 : i32
    %jit3A_144 = arith.constant 0 : i32
    %broadcast_in_dim3A_145 = vector.broadcast %jit3A_143 : i32 to vector<16xi32>
    %broadcast_in_dim3A_146 = vector.broadcast %jit3A_144 : i32 to vector<16xi32>
    %select_n3A_147 = arith.select %gt3A_142, %broadcast_in_dim3A_145, %broadcast_in_dim3A_146 : vector<16xi1>, vector<16xi32>
    %add3A_148 = arith.addi %add3A_139, %select_n3A_147 : vector<16xi32>
    %gt3A_149 = arith.constant 3.000000e-01 : f32
    %gt3A_150 = vector.broadcast %gt3A_149 : f32 to vector<16xf32>
    %gt3A_151 = arith.cmpf ogt, %get3A_119, %gt3A_150 : vector<16xf32>
    %jit3A_152 = arith.constant 1 : i32
    %jit3A_153 = arith.constant 0 : i32
    %broadcast_in_dim3A_154 = vector.broadcast %jit3A_152 : i32 to vector<16xi32>
    %broadcast_in_dim3A_155 = vector.broadcast %jit3A_153 : i32 to vector<16xi32>
    %select_n3A_156 = arith.select %gt3A_151, %broadcast_in_dim3A_154, %broadcast_in_dim3A_155 : vector<16xi1>, vector<16xi32>
    %add3A_157 = arith.addi %add3A_148, %select_n3A_156 : vector<16xi32>
    %gt3A_158 = arith.constant 4.000000e-01 : f32
    %gt3A_159 = vector.broadcast %gt3A_158 : f32 to vector<16xf32>
    %gt3A_160 = arith.cmpf ogt, %get3A_119, %gt3A_159 : vector<16xf32>
    %jit3A_161 = arith.constant 1 : i32
    %jit3A_162 = arith.constant 0 : i32
    %broadcast_in_dim3A_163 = vector.broadcast %jit3A_161 : i32 to vector<16xi32>
    %broadcast_in_dim3A_164 = vector.broadcast %jit3A_162 : i32 to vector<16xi32>
    %select_n3A_165 = arith.select %gt3A_160, %broadcast_in_dim3A_163, %broadcast_in_dim3A_164 : vector<16xi1>, vector<16xi32>
    %add3A_166 = arith.addi %add3A_157, %select_n3A_165 : vector<16xi32>
    %gt3A_167 = arith.constant 5.000000e-01 : f32
    %gt3A_168 = vector.broadcast %gt3A_167 : f32 to vector<16xf32>
    %gt3A_169 = arith.cmpf ogt, %get3A_119, %gt3A_168 : vector<16xf32>
    %jit3A_170 = arith.constant 1 : i32
    %jit3A_171 = arith.constant 0 : i32
    %broadcast_in_dim3A_172 = vector.broadcast %jit3A_170 : i32 to vector<16xi32>
    %broadcast_in_dim3A_173 = vector.broadcast %jit3A_171 : i32 to vector<16xi32>
    %select_n3A_174 = arith.select %gt3A_169, %broadcast_in_dim3A_172, %broadcast_in_dim3A_173 : vector<16xi1>, vector<16xi32>
    %add3A_175 = arith.addi %add3A_166, %select_n3A_174 : vector<16xi32>
    %gt3A_176 = arith.constant 6.000000e-01 : f32
    %gt3A_177 = vector.broadcast %gt3A_176 : f32 to vector<16xf32>
    %gt3A_178 = arith.cmpf ogt, %get3A_119, %gt3A_177 : vector<16xf32>
    %jit3A_179 = arith.constant 1 : i32
    %jit3A_180 = arith.constant 0 : i32
    %broadcast_in_dim3A_181 = vector.broadcast %jit3A_179 : i32 to vector<16xi32>
    %broadcast_in_dim3A_182 = vector.broadcast %jit3A_180 : i32 to vector<16xi32>
    %select_n3A_183 = arith.select %gt3A_178, %broadcast_in_dim3A_181, %broadcast_in_dim3A_182 : vector<16xi1>, vector<16xi32>
    %add3A_184 = arith.addi %add3A_175, %select_n3A_183 : vector<16xi32>
    %gt3A_185 = arith.constant 0.699999988 : f32
    %gt3A_186 = vector.broadcast %gt3A_185 : f32 to vector<16xf32>
    %gt3A_187 = arith.cmpf ogt, %get3A_119, %gt3A_186 : vector<16xf32>
    %jit3A_188 = arith.constant 1 : i32
    %jit3A_189 = arith.constant 0 : i32
    %broadcast_in_dim3A_190 = vector.broadcast %jit3A_188 : i32 to vector<16xi32>
    %broadcast_in_dim3A_191 = vector.broadcast %jit3A_189 : i32 to vector<16xi32>
    %select_n3A_192 = arith.select %gt3A_187, %broadcast_in_dim3A_190, %broadcast_in_dim3A_191 : vector<16xi1>, vector<16xi32>
    %add3A_193 = arith.addi %add3A_184, %select_n3A_192 : vector<16xi32>
    %gt3A_194 = arith.constant 8.000000e-01 : f32
    %gt3A_195 = vector.broadcast %gt3A_194 : f32 to vector<16xf32>
    %gt3A_196 = arith.cmpf ogt, %get3A_119, %gt3A_195 : vector<16xf32>
    %jit3A_197 = arith.constant 1 : i32
    %jit3A_198 = arith.constant 0 : i32
    %broadcast_in_dim3A_199 = vector.broadcast %jit3A_197 : i32 to vector<16xi32>
    %broadcast_in_dim3A_200 = vector.broadcast %jit3A_198 : i32 to vector<16xi32>
    %select_n3A_201 = arith.select %gt3A_196, %broadcast_in_dim3A_199, %broadcast_in_dim3A_200 : vector<16xi1>, vector<16xi32>
    %add3A_202 = arith.addi %add3A_193, %select_n3A_201 : vector<16xi32>
    %gt3A_203 = arith.constant 0.900000035 : f32
    %gt3A_204 = vector.broadcast %gt3A_203 : f32 to vector<16xf32>
    %gt3A_205 = arith.cmpf ogt, %get3A_119, %gt3A_204 : vector<16xf32>
    %jit3A_206 = arith.constant 1 : i32
    %jit3A_207 = arith.constant 0 : i32
    %broadcast_in_dim3A_208 = vector.broadcast %jit3A_206 : i32 to vector<16xi32>
    %broadcast_in_dim3A_209 = vector.broadcast %jit3A_207 : i32 to vector<16xi32>
    %select_n3A_210 = arith.select %gt3A_205, %broadcast_in_dim3A_208, %broadcast_in_dim3A_209 : vector<16xi1>, vector<16xi32>
    %add3A_211 = arith.addi %add3A_202, %select_n3A_210 : vector<16xi32>
    %gt3A_212 = arith.constant 1.000000e+00 : f32
    %gt3A_213 = vector.broadcast %gt3A_212 : f32 to vector<16xf32>
    %gt3A_214 = arith.cmpf ogt, %get3A_119, %gt3A_213 : vector<16xf32>
    %jit3A_215 = arith.constant 1 : i32
    %jit3A_216 = arith.constant 0 : i32
    %broadcast_in_dim3A_217 = vector.broadcast %jit3A_215 : i32 to vector<16xi32>
    %broadcast_in_dim3A_218 = vector.broadcast %jit3A_216 : i32 to vector<16xi32>
    %select_n3A_219 = arith.select %gt3A_214, %broadcast_in_dim3A_217, %broadcast_in_dim3A_218 : vector<16xi1>, vector<16xi32>
    %add3A_220 = arith.addi %add3A_211, %select_n3A_219 : vector<16xi32>
    %sub3A_221 = arith.constant 1 : i32
    %sub3A_222 = vector.broadcast %sub3A_221 : i32 to vector<16xi32>
    %sub3A_223 = arith.subi %add3A_220, %sub3A_222 : vector<16xi32>
    %jit3A_224 = arith.constant 0 : i32
    %jit3A_225 = arith.constant 9 : i32
    %max3A_226 = vector.broadcast %jit3A_224 : i32 to vector<16xi32>
    %max3A_227 = arith.maxsi %max3A_226, %sub3A_223 : vector<16xi32>
    %min3A_228 = vector.broadcast %jit3A_225 : i32 to vector<16xi32>
    %min3A_229 = arith.minsi %min3A_228, %max3A_227 : vector<16xi32>
    %gather3A_230 = tpu.vector_load_idx %arg6[%min3A_229] : memref<16xf32, #tpu.memory_space<vmem>>[vector<16xi32>], vector<16xf32>,
    %mul3A_231 = arith.mulf %gather3A_230, %gather3A_230 : vector<16xf32>
    %jit3A_232 = arith.constant 0.00999999977 : f32
    %jit3A_233 = arith.constant 1.000000e+02 : f32
    %max3A_234 = vector.broadcast %jit3A_232 : f32 to vector<16xf32>
    %max3A_235 = arith.maximumf %max3A_234, %mul3A_231 : vector<16xf32>
    %min3A_236 = vector.broadcast %jit3A_233 : f32 to vector<16xf32>
    %min3A_237 = arith.minimumf %min3A_236, %max3A_235 : vector<16xf32>
    %div3A_238 = arith.constant 1.000000e+00 : f32
    %div3A_239 = vector.broadcast %div3A_238 : f32 to vector<16xf32>
    %div3A_240 = arith.divf %div3A_239, %min3A_237 : vector<16xf32>
    %mul3A_241 = arith.mulf %get3A_119, %div3A_240 : vector<16xf32>
    %swap3A_242 = arith.constant 16 : index
    %swap3A_243 = tpu.vector_load %arg7[%swap3A_242] {strides = array<i32>} : memref<512xf32, #tpu.memory_space<vmem>>, vector<16xf32>,
    tpu.vector_store %arg7[%swap3A_242], %mul3A_241 {strides = array<i32>} : memref<512xf32, #tpu.memory_space<vmem>>, vector<16xf32>,
    %get3A_244 = arith.constant 32 : index
    %get3A_245 = tpu.vector_load %arg5[%get3A_244] {strides = array<i32>} : memref<512xf32, #tpu.memory_space<vmem>>, vector<16xf32>,
    %broadcast_in_dim3A_246 = arith.constant 0 : i32
    %broadcast_in_dim3A_247 = vector.broadcast %broadcast_in_dim3A_246 : i32 to vector<16xi32>
    %gt3A_248 = arith.constant 0.000000e+00 : f32
    %gt3A_249 = vector.broadcast %gt3A_248 : f32 to vector<16xf32>
    %gt3A_250 = arith.cmpf ogt, %get3A_245, %gt3A_249 : vector<16xf32>
    %jit3A_251 = arith.constant 1 : i32
    %jit3A_252 = arith.constant 0 : i32
    %broadcast_in_dim3A_253 = vector.broadcast %jit3A_251 : i32 to vector<16xi32>
    %broadcast_in_dim3A_254 = vector.broadcast %jit3A_252 : i32 to vector<16xi32>
    %select_n3A_255 = arith.select %gt3A_250, %broadcast_in_dim3A_253, %broadcast_in_dim3A_254 : vector<16xi1>, vector<16xi32>
    %add3A_256 = arith.addi %broadcast_in_dim3A_247, %select_n3A_255 : vector<16xi32>
    %gt3A_257 = arith.constant 1.000000e-01 : f32
    %gt3A_258 = vector.broadcast %gt3A_257 : f32 to vector<16xf32>
    %gt3A_259 = arith.cmpf ogt, %get3A_245, %gt3A_258 : vector<16xf32>
    %jit3A_260 = arith.constant 1 : i32
    %jit3A_261 = arith.constant 0 : i32
    %broadcast_in_dim3A_262 = vector.broadcast %jit3A_260 : i32 to vector<16xi32>
    %broadcast_in_dim3A_263 = vector.broadcast %jit3A_261 : i32 to vector<16xi32>
    %select_n3A_264 = arith.select %gt3A_259, %broadcast_in_dim3A_262, %broadcast_in_dim3A_263 : vector<16xi1>, vector<16xi32>
    %add3A_265 = arith.addi %add3A_256, %select_n3A_264 : vector<16xi32>
    %gt3A_266 = arith.constant 2.000000e-01 : f32
    %gt3A_267 = vector.broadcast %gt3A_266 : f32 to vector<16xf32>
    %gt3A_268 = arith.cmpf ogt, %get3A_245, %gt3A_267 : vector<16xf32>
    %jit3A_269 = arith.constant 1 : i32
    %jit3A_270 = arith.constant 0 : i32
    %broadcast_in_dim3A_271 = vector.broadcast %jit3A_269 : i32 to vector<16xi32>
    %broadcast_in_dim3A_272 = vector.broadcast %jit3A_270 : i32 to vector<16xi32>
    %select_n3A_273 = arith.select %gt3A_268, %broadcast_in_dim3A_271, %broadcast_in_dim3A_272 : vector<16xi1>, vector<16xi32>
    %add3A_274 = arith.addi %add3A_265, %select_n3A_273 : vector<16xi32>
    %gt3A_275 = arith.constant 3.000000e-01 : f32
    %gt3A_276 = vector.broadcast %gt3A_275 : f32 to vector<16xf32>
    %gt3A_277 = arith.cmpf ogt, %get3A_245, %gt3A_276 : vector<16xf32>
    %jit3A_278 = arith.constant 1 : i32
    %jit3A_279 = arith.constant 0 : i32
    %broadcast_in_dim3A_280 = vector.broadcast %jit3A_278 : i32 to vector<16xi32>
    %broadcast_in_dim3A_281 = vector.broadcast %jit3A_279 : i32 to vector<16xi32>
    %select_n3A_282 = arith.select %gt3A_277, %broadcast_in_dim3A_280, %broadcast_in_dim3A_281 : vector<16xi1>, vector<16xi32>
    %add3A_283 = arith.addi %add3A_274, %select_n3A_282 : vector<16xi32>
    %gt3A_284 = arith.constant 4.000000e-01 : f32
    %gt3A_285 = vector.broadcast %gt3A_284 : f32 to vector<16xf32>
    %gt3A_286 = arith.cmpf ogt, %get3A_245, %gt3A_285 : vector<16xf32>
    %jit3A_287 = arith.constant 1 : i32
    %jit3A_288 = arith.constant 0 : i32
    %broadcast_in_dim3A_289 = vector.broadcast %jit3A_287 : i32 to vector<16xi32>
    %broadcast_in_dim3A_290 = vector.broadcast %jit3A_288 : i32 to vector<16xi32>
    %select_n3A_291 = arith.select %gt3A_286, %broadcast_in_dim3A_289, %broadcast_in_dim3A_290 : vector<16xi1>, vector<16xi32>
    %add3A_292 = arith.addi %add3A_283, %select_n3A_291 : vector<16xi32>
    %gt3A_293 = arith.constant 5.000000e-01 : f32
    %gt3A_294 = vector.broadcast %gt3A_293 : f32 to vector<16xf32>
    %gt3A_295 = arith.cmpf ogt, %get3A_245, %gt3A_294 : vector<16xf32>
    %jit3A_296 = arith.constant 1 : i32
    %jit3A_297 = arith.constant 0 : i32
    %broadcast_in_dim3A_298 = vector.broadcast %jit3A_296 : i32 to vector<16xi32>
    %broadcast_in_dim3A_299 = vector.broadcast %jit3A_297 : i32 to vector<16xi32>
    %select_n3A_300 = arith.select %gt3A_295, %broadcast_in_dim3A_298, %broadcast_in_dim3A_299 : vector<16xi1>, vector<16xi32>
    %add3A_301 = arith.addi %add3A_292, %select_n3A_300 : vector<16xi32>
    %gt3A_302 = arith.constant 6.000000e-01 : f32
    %gt3A_303 = vector.broadcast %gt3A_302 : f32 to vector<16xf32>
    %gt3A_304 = arith.cmpf ogt, %get3A_245, %gt3A_303 : vector<16xf32>
    %jit3A_305 = arith.constant 1 : i32
    %jit3A_306 = arith.constant 0 : i32
    %broadcast_in_dim3A_307 = vector.broadcast %jit3A_305 : i32 to vector<16xi32>
    %broadcast_in_dim3A_308 = vector.broadcast %jit3A_306 : i32 to vector<16xi32>
    %select_n3A_309 = arith.select %gt3A_304, %broadcast_in_dim3A_307, %broadcast_in_dim3A_308 : vector<16xi1>, vector<16xi32>
    %add3A_310 = arith.addi %add3A_301, %select_n3A_309 : vector<16xi32>
    %gt3A_311 = arith.constant 0.699999988 : f32
    %gt3A_312 = vector.broadcast %gt3A_311 : f32 to vector<16xf32>
    %gt3A_313 = arith.cmpf ogt, %get3A_245, %gt3A_312 : vector<16xf32>
    %jit3A_314 = arith.constant 1 : i32
    %jit3A_315 = arith.constant 0 : i32
    %broadcast_in_dim3A_316 = vector.broadcast %jit3A_314 : i32 to vector<16xi32>
    %broadcast_in_dim3A_317 = vector.broadcast %jit3A_315 : i32 to vector<16xi32>
    %select_n3A_318 = arith.select %gt3A_313, %broadcast_in_dim3A_316, %broadcast_in_dim3A_317 : vector<16xi1>, vector<16xi32>
    %add3A_319 = arith.addi %add3A_310, %select_n3A_318 : vector<16xi32>
    %gt3A_320 = arith.constant 8.000000e-01 : f32
    %gt3A_321 = vector.broadcast %gt3A_320 : f32 to vector<16xf32>
    %gt3A_322 = arith.cmpf ogt, %get3A_245, %gt3A_321 : vector<16xf32>
    %jit3A_323 = arith.constant 1 : i32
    %jit3A_324 = arith.constant 0 : i32
    %broadcast_in_dim3A_325 = vector.broadcast %jit3A_323 : i32 to vector<16xi32>
    %broadcast_in_dim3A_326 = vector.broadcast %jit3A_324 : i32 to vector<16xi32>
    %select_n3A_327 = arith.select %gt3A_322, %broadcast_in_dim3A_325, %broadcast_in_dim3A_326 : vector<16xi1>, vector<16xi32>
    %add3A_328 = arith.addi %add3A_319, %select_n3A_327 : vector<16xi32>
    %gt3A_329 = arith.constant 0.900000035 : f32
    %gt3A_330 = vector.broadcast %gt3A_329 : f32 to vector<16xf32>
    %gt3A_331 = arith.cmpf ogt, %get3A_245, %gt3A_330 : vector<16xf32>
    %jit3A_332 = arith.constant 1 : i32
    %jit3A_333 = arith.constant 0 : i32
    %broadcast_in_dim3A_334 = vector.broadcast %jit3A_332 : i32 to vector<16xi32>
    %broadcast_in_dim3A_335 = vector.broadcast %jit3A_333 : i32 to vector<16xi32>
    %select_n3A_336 = arith.select %gt3A_331, %broadcast_in_dim3A_334, %broadcast_in_dim3A_335 : vector<16xi1>, vector<16xi32>
    %add3A_337 = arith.addi %add3A_328, %select_n3A_336 : vector<16xi32>
    %gt3A_338 = arith.constant 1.000000e+00 : f32
    %gt3A_339 = vector.broadcast %gt3A_338 : f32 to vector<16xf32>
    %gt3A_340 = arith.cmpf ogt, %get3A_245, %gt3A_339 : vector<16xf32>
    %jit3A_341 = arith.constant 1 : i32
    %jit3A_342 = arith.constant 0 : i32
    %broadcast_in_dim3A_343 = vector.broadcast %jit3A_341 : i32 to vector<16xi32>
    %broadcast_in_dim3A_344 = vector.broadcast %jit3A_342 : i32 to vector<16xi32>
    %select_n3A_345 = arith.select %gt3A_340, %broadcast_in_dim3A_343, %broadcast_in_dim3A_344 : vector<16xi1>, vector<16xi32>
    %add3A_346 = arith.addi %add3A_337, %select_n3A_345 : vector<16xi32>
    %sub3A_347 = arith.constant 1 : i32
    %sub3A_348 = vector.broadcast %sub3A_347 : i32 to vector<16xi32>
    %sub3A_349 = arith.subi %add3A_346, %sub3A_348 : vector<16xi32>
    %jit3A_350 = arith.constant 0 : i32
    %jit3A_351 = arith.constant 9 : i32
    %max3A_352 = vector.broadcast %jit3A_350 : i32 to vector<16xi32>
    %max3A_353 = arith.maxsi %max3A_352, %sub3A_349 : vector<16xi32>
    %min3A_354 = vector.broadcast %jit3A_351 : i32 to vector<16xi32>
    %min3A_355 = arith.minsi %min3A_354, %max3A_353 : vector<16xi32>
    %gather3A_356 = tpu.vector_load_idx %arg6[%min3A_355] : memref<16xf32, #tpu.memory_space<vmem>>[vector<16xi32>], vector<16xf32>,
    %mul3A_357 = arith.mulf %gather3A_356, %gather3A_356 : vector<16xf32>
    %jit3A_358 = arith.constant 0.00999999977 : f32
    %jit3A_359 = arith.constant 1.000000e+02 : f32
    %max3A_360 = vector.broadcast %jit3A_358 : f32 to vector<16xf32>
    %max3A_361 = arith.maximumf %max3A_360, %mul3A_357 : vector<16xf32>
    %min3A_362 = vector.broadcast %jit3A_359 : f32 to vector<16xf32>
    %min3A_363 = arith.minimumf %min3A_362, %max3A_361 : vector<16xf32>
    %div3A_364 = arith.constant 1.000000e+00 : f32
    %div3A_365 = vector.broadcast %div3A_364 : f32 to vector<16xf32>
    %div3A_366 = arith.divf %div3A_365, %min3A_363 : vector<16xf32>
    %mul3A_367 = arith.mulf %get3A_245, %div3A_366 : vector<16xf32>
    %swap3A_368 = arith.constant 32 : index
    %swap3A_369 = tpu.vector_load %arg7[%swap3A_368] {strides = array<i32>} : memref<512xf32, #tpu.memory_space<vmem>>, vector<16xf32>,
    tpu.vector_store %arg7[%swap3A_368], %mul3A_367 {strides = array<i32>} : memref<512xf32, #tpu.memory_space<vmem>>, vector<16xf32>,
    %get3A_370 = arith.constant 48 : index
    %get3A_371 = tpu.vector_load %arg5[%get3A_370] {strides = array<i32>} : memref<512xf32, #tpu.memory_space<vmem>>, vector<16xf32>,
    %broadcast_in_dim3A_372 = arith.constant 0 : i32
    %broadcast_in_dim3A_373 = vector.broadcast %broadcast_in_dim3A_372 : i32 to vector<16xi32>
    %gt3A_374 = arith.constant 0.000000e+00 : f32
    %gt3A_375 = vector.broadcast %gt3A_374 : f32 to vector<16xf32>
    %gt3A_376 = arith.cmpf ogt, %get3A_371, %gt3A_375 : vector<16xf32>
    %jit3A_377 = arith.constant 1 : i32
    %jit3A_378 = arith.constant 0 : i32
    %broadcast_in_dim3A_379 = vector.broadcast %jit3A_377 : i32 to vector<16xi32>
    %broadcast_in_dim3A_380 = vector.broadcast %jit3A_378 : i32 to vector<16xi32>
    %select_n3A_381 = arith.select %gt3A_376, %broadcast_in_dim3A_379, %broadcast_in_dim3A_380 : vector<16xi1>, vector<16xi32>
    %add3A_382 = arith.addi %broadcast_in_dim3A_373, %select_n3A_381 : vector<16xi32>
    %gt3A_383 = arith.constant 1.000000e-01 : f32
    %gt3A_384 = vector.broadcast %gt3A_383 : f32 to vector<16xf32>
    %gt3A_385 = arith.cmpf ogt, %get3A_371, %gt3A_384 : vector<16xf32>
    %jit3A_386 = arith.constant 1 : i32
    %jit3A_387 = arith.constant 0 : i32
    %broadcast_in_dim3A_388 = vector.broadcast %jit3A_386 : i32 to vector<16xi32>
    %broadcast_in_dim3A_389 = vector.broadcast %jit3A_387 : i32 to vector<16xi32>
    %select_n3A_390 = arith.select %gt3A_385, %broadcast_in_dim3A_388, %broadcast_in_dim3A_389 : vector<16xi1>, vector<16xi32>
    %add3A_391 = arith.addi %add3A_382, %select_n3A_390 : vector<16xi32>
    %gt3A_392 = arith.constant 2.000000e-01 : f32
    %gt3A_393 = vector.broadcast %gt3A_392 : f32 to vector<16xf32>
    %gt3A_394 = arith.cmpf ogt, %get3A_371, %gt3A_393 : vector<16xf32>
    %jit3A_395 = arith.constant 1 : i32
    %jit3A_396 = arith.constant 0 : i32
    %broadcast_in_dim3A_397 = vector.broadcast %jit3A_395 : i32 to vector<16xi32>
    %broadcast_in_dim3A_398 = vector.broadcast %jit3A_396 : i32 to vector<16xi32>
    %select_n3A_399 = arith.select %gt3A_394, %broadcast_in_dim3A_397, %broadcast_in_dim3A_398 : vector<16xi1>, vector<16xi32>
    %add3A_400 = arith.addi %add3A_391, %select_n3A_399 : vector<16xi32>
    %gt3A_401 = arith.constant 3.000000e-01 : f32
    %gt3A_402 = vector.broadcast %gt3A_401 : f32 to vector<16xf32>
    %gt3A_403 = arith.cmpf ogt, %get3A_371, %gt3A_402 : vector<16xf32>
    %jit3A_404 = arith.constant 1 : i32
    %jit3A_405 = arith.constant 0 : i32
    %broadcast_in_dim3A_406 = vector.broadcast %jit3A_404 : i32 to vector<16xi32>
    %broadcast_in_dim3A_407 = vector.broadcast %jit3A_405 : i32 to vector<16xi32>
    %select_n3A_408 = arith.select %gt3A_403, %broadcast_in_dim3A_406, %broadcast_in_dim3A_407 : vector<16xi1>, vector<16xi32>
    %add3A_409 = arith.addi %add3A_400, %select_n3A_408 : vector<16xi32>
    %gt3A_410 = arith.constant 4.000000e-01 : f32
    %gt3A_411 = vector.broadcast %gt3A_410 : f32 to vector<16xf32>
    %gt3A_412 = arith.cmpf ogt, %get3A_371, %gt3A_411 : vector<16xf32>
    %jit3A_413 = arith.constant 1 : i32
    %jit3A_414 = arith.constant 0 : i32
    %broadcast_in_dim3A_415 = vector.broadcast %jit3A_413 : i32 to vector<16xi32>
    %broadcast_in_dim3A_416 = vector.broadcast %jit3A_414 : i32 to vector<16xi32>
    %select_n3A_417 = arith.select %gt3A_412, %broadcast_in_dim3A_415, %broadcast_in_dim3A_416 : vector<16xi1>, vector<16xi32>
    %add3A_418 = arith.addi %add3A_409, %select_n3A_417 : vector<16xi32>
    %gt3A_419 = arith.constant 5.000000e-01 : f32
    %gt3A_420 = vector.broadcast %gt3A_419 : f32 to vector<16xf32>
    %gt3A_421 = arith.cmpf ogt, %get3A_371, %gt3A_420 : vector<16xf32>
    %jit3A_422 = arith.constant 1 : i32
    %jit3A_423 = arith.constant 0 : i32
    %broadcast_in_dim3A_424 = vector.broadcast %jit3A_422 : i32 to vector<16xi32>
    %broadcast_in_dim3A_425 = vector.broadcast %jit3A_423 : i32 to vector<16xi32>
    %select_n3A_426 = arith.select %gt3A_421, %broadcast_in_dim3A_424, %broadcast_in_dim3A_425 : vector<16xi1>, vector<16xi32>
    %add3A_427 = arith.addi %add3A_418, %select_n3A_426 : vector<16xi32>
    %gt3A_428 = arith.constant 6.000000e-01 : f32
    %gt3A_429 = vector.broadcast %gt3A_428 : f32 to vector<16xf32>
    %gt3A_430 = arith.cmpf ogt, %get3A_371, %gt3A_429 : vector<16xf32>
    %jit3A_431 = arith.constant 1 : i32
    %jit3A_432 = arith.constant 0 : i32
    %broadcast_in_dim3A_433 = vector.broadcast %jit3A_431 : i32 to vector<16xi32>
    %broadcast_in_dim3A_434 = vector.broadcast %jit3A_432 : i32 to vector<16xi32>
    %select_n3A_435 = arith.select %gt3A_430, %broadcast_in_dim3A_433, %broadcast_in_dim3A_434 : vector<16xi1>, vector<16xi32>
    %add3A_436 = arith.addi %add3A_427, %select_n3A_435 : vector<16xi32>
    %gt3A_437 = arith.constant 0.699999988 : f32
    %gt3A_438 = vector.broadcast %gt3A_437 : f32 to vector<16xf32>
    %gt3A_439 = arith.cmpf ogt, %get3A_371, %gt3A_438 : vector<16xf32>
    %jit3A_440 = arith.constant 1 : i32
    %jit3A_441 = arith.constant 0 : i32
    %broadcast_in_dim3A_442 = vector.broadcast %jit3A_440 : i32 to vector<16xi32>
    %broadcast_in_dim3A_443 = vector.broadcast %jit3A_441 : i32 to vector<16xi32>
    %select_n3A_444 = arith.select %gt3A_439, %broadcast_in_dim3A_442, %broadcast_in_dim3A_443 : vector<16xi1>, vector<16xi32>
    %add3A_445 = arith.addi %add3A_436, %select_n3A_444 : vector<16xi32>
    %gt3A_446 = arith.constant 8.000000e-01 : f32
    %gt3A_447 = vector.broadcast %gt3A_446 : f32 to vector<16xf32>
    %gt3A_448 = arith.cmpf ogt, %get3A_371, %gt3A_447 : vector<16xf32>
    %jit3A_449 = arith.constant 1 : i32
    %jit3A_450 = arith.constant 0 : i32
    %broadcast_in_dim3A_451 = vector.broadcast %jit3A_449 : i32 to vector<16xi32>
    %broadcast_in_dim3A_452 = vector.broadcast %jit3A_450 : i32 to vector<16xi32>
    %select_n3A_453 = arith.select %gt3A_448, %broadcast_in_dim3A_451, %broadcast_in_dim3A_452 : vector<16xi1>, vector<16xi32>
    %add3A_454 = arith.addi %add3A_445, %select_n3A_453 : vector<16xi32>
    %gt3A_455 = arith.constant 0.900000035 : f32
    %gt3A_456 = vector.broadcast %gt3A_455 : f32 to vector<16xf32>
    %gt3A_457 = arith.cmpf ogt, %get3A_371, %gt3A_456 : vector<16xf32>
    %jit3A_458 = arith.constant 1 : i32
    %jit3A_459 = arith.constant 0 : i32
    %broadcast_in_dim3A_460 = vector.broadcast %jit3A_458 : i32 to vector<16xi32>
    %broadcast_in_dim3A_461 = vector.broadcast %jit3A_459 : i32 to vector<16xi32>
    %select_n3A_462 = arith.select %gt3A_457, %broadcast_in_dim3A_460, %broadcast_in_dim3A_461 : vector<16xi1>, vector<16xi32>
    %add3A_463 = arith.addi %add3A_454, %select_n3A_462 : vector<16xi32>
    %gt3A_464 = arith.constant 1.000000e+00 : f32
    %gt3A_465 = vector.broadcast %gt3A_464 : f32 to vector<16xf32>
    %gt3A_466 = arith.cmpf ogt, %get3A_371, %gt3A_465 : vector<16xf32>
    %jit3A_467 = arith.constant 1 : i32
    %jit3A_468 = arith.constant 0 : i32
    %broadcast_in_dim3A_469 = vector.broadcast %jit3A_467 : i32 to vector<16xi32>
    %broadcast_in_dim3A_470 = vector.broadcast %jit3A_468 : i32 to vector<16xi32>
    %select_n3A_471 = arith.select %gt3A_466, %broadcast_in_dim3A_469, %broadcast_in_dim3A_470 : vector<16xi1>, vector<16xi32>
    %add3A_472 = arith.addi %add3A_463, %select_n3A_471 : vector<16xi32>
    %sub3A_473 = arith.constant 1 : i32
    %sub3A_474 = vector.broadcast %sub3A_473 : i32 to vector<16xi32>
    %sub3A_475 = arith.subi %add3A_472, %sub3A_474 : vector<16xi32>
    %jit3A_476 = arith.constant 0 : i32
    %jit3A_477 = arith.constant 9 : i32
    %max3A_478 = vector.broadcast %jit3A_476 : i32 to vector<16xi32>
    %max3A_479 = arith.maxsi %max3A_478, %sub3A_475 : vector<16xi32>
    %min3A_480 = vector.broadcast %jit3A_477 : i32 to vector<16xi32>
    %min3A_481 = arith.minsi %min3A_480, %max3A_479 : vector<16xi32>
    %gather3A_482 = tpu.vector_load_idx %arg6[%min3A_481] : memref<16xf32, #tpu.memory_space<vmem>>[vector<16xi32>], vector<16xf32>,
    %mul3A_483 = arith.mulf %gather3A_482, %gather3A_482 : vector<16xf32>
    %jit3A_484 = arith.constant 0.00999999977 : f32
    %jit3A_485 = arith.constant 1.000000e+02 : f32
    %max3A_486 = vector.broadcast %jit3A_484 : f32 to vector<16xf32>
    %max3A_487 = arith.maximumf %max3A_486, %mul3A_483 : vector<16xf32>
    %min3A_488 = vector.broadcast %jit3A_485 : f32 to vector<16xf32>
    %min3A_489 = arith.minimumf %min3A_488, %max3A_487 : vector<16xf32>
    %div3A_490 = arith.constant 1.000000e+00 : f32
    %div3A_491 = vector.broadcast %div3A_490 : f32 to vector<16xf32>
    %div3A_492 = arith.divf %div3A_491, %min3A_489 : vector<16xf32>
    %mul3A_493 = arith.mulf %get3A_371, %div3A_492 : vector<16xf32>
    %swap3A_494 = arith.constant 48 : index
    %swap3A_495 = tpu.vector_load %arg7[%swap3A_494] {strides = array<i32>} : memref<512xf32, #tpu.memory_space<vmem>>, vector<16xf32>,
    tpu.vector_store %arg7[%swap3A_494], %mul3A_493 {strides = array<i32>} : memref<512xf32, #tpu.memory_space<vmem>>, vector<16xf32>,
    %get3A_496 = arith.constant 64 : index
    %get3A_497 = tpu.vector_load %arg5[%get3A_496] {strides = array<i32>} : memref<512xf32, #tpu.memory_space<vmem>>, vector<16xf32>,
    %broadcast_in_dim3A_498 = arith.constant 0 : i32
    %broadcast_in_dim3A_499 = vector.broadcast %broadcast_in_dim3A_498 : i32 to vector<16xi32>
    %gt3A_500 = arith.constant 0.000000e+00 : f32
    %gt3A_501 = vector.broadcast %gt3A_500 : f32 to vector<16xf32>
    %gt3A_502 = arith.cmpf ogt, %get3A_497, %gt3A_501 : vector<16xf32>
    %jit3A_503 = arith.constant 1 : i32
    %jit3A_504 = arith.constant 0 : i32
    %broadcast_in_dim3A_505 = vector.broadcast %jit3A_503 : i32 to vector<16xi32>
    %broadcast_in_dim3A_506 = vector.broadcast %jit3A_504 : i32 to vector<16xi32>
    %select_n3A_507 = arith.select %gt3A_502, %broadcast_in_dim3A_505, %broadcast_in_dim3A_506 : vector<16xi1>, vector<16xi32>
    %add3A_508 = arith.addi %broadcast_in_dim3A_499, %select_n3A_507 : vector<16xi32>
    %gt3A_509 = arith.constant 1.000000e-01 : f32
    %gt3A_510 = vector.broadcast %gt3A_509 : f32 to vector<16xf32>
    %gt3A_511 = arith.cmpf ogt, %get3A_497, %gt3A_510 : vector<16xf32>
    %jit3A_512 = arith.constant 1 : i32
    %jit3A_513 = arith.constant 0 : i32
    %broadcast_in_dim3A_514 = vector.broadcast %jit3A_512 : i32 to vector<16xi32>
    %broadcast_in_dim3A_515 = vector.broadcast %jit3A_513 : i32 to vector<16xi32>
    %select_n3A_516 = arith.select %gt3A_511, %broadcast_in_dim3A_514, %broadcast_in_dim3A_515 : vector<16xi1>, vector<16xi32>
    %add3A_517 = arith.addi %add3A_508, %select_n3A_516 : vector<16xi32>
    %gt3A_518 = arith.constant 2.000000e-01 : f32
    %gt3A_519 = vector.broadcast %gt3A_518 : f32 to vector<16xf32>
    %gt3A_520 = arith.cmpf ogt, %get3A_497, %gt3A_519 : vector<16xf32>
    %jit3A_521 = arith.constant 1 : i32
    %jit3A_522 = arith.constant 0 : i32
    %broadcast_in_dim3A_523 = vector.broadcast %jit3A_521 : i32 to vector<16xi32>
    %broadcast_in_dim3A_524 = vector.broadcast %jit3A_522 : i32 to vector<16xi32>
    %select_n3A_525 = arith.select %gt3A_520, %broadcast_in_dim3A_523, %broadcast_in_dim3A_524 : vector<16xi1>, vector<16xi32>
    %add3A_526 = arith.addi %add3A_517, %select_n3A_525 : vector<16xi32>
    %gt3A_527 = arith.constant 3.000000e-01 : f32
    %gt3A_528 = vector.broadcast %gt3A_527 : f32 to vector<16xf32>
    %gt3A_529 = arith.cmpf ogt, %get3A_497, %gt3A_528 : vector<16xf32>
    %jit3A_530 = arith.constant 1 : i32
    %jit3A_531 = arith.constant 0 : i32
    %broadcast_in_dim3A_532 = vector.broadcast %jit3A_530 : i32 to vector<16xi32>
    %broadcast_in_dim3A_533 = vector.broadcast %jit3A_531 : i32 to vector<16xi32>
    %select_n3A_534 = arith.select %gt3A_529, %broadcast_in_dim3A_532, %broadcast_in_dim3A_533 : vector<16xi1>, vector<16xi32>
    %add3A_535 = arith.addi %add3A_526, %select_n3A_534 : vector<16xi32>
    %gt3A_536 = arith.constant 4.000000e-01 : f32
    %gt3A_537 = vector.broadcast %gt3A_536 : f32 to vector<16xf32>
    %gt3A_538 = arith.cmpf ogt, %get3A_497, %gt3A_537 : vector<16xf32>
    %jit3A_539 = arith.constant 1 : i32
    %jit3A_540 = arith.constant 0 : i32
    %broadcast_in_dim3A_541 = vector.broadcast %jit3A_539 : i32 to vector<16xi32>
    %broadcast_in_dim3A_542 = vector.broadcast %jit3A_540 : i32 to vector<16xi32>
    %select_n3A_543 = arith.select %gt3A_538, %broadcast_in_dim3A_541, %broadcast_in_dim3A_542 : vector<16xi1>, vector<16xi32>
    %add3A_544 = arith.addi %add3A_535, %select_n3A_543 : vector<16xi32>
    %gt3A_545 = arith.constant 5.000000e-01 : f32
    %gt3A_546 = vector.broadcast %gt3A_545 : f32 to vector<16xf32>
    %gt3A_547 = arith.cmpf ogt, %get3A_497, %gt3A_546 : vector<16xf32>
    %jit3A_548 = arith.constant 1 : i32
    %jit3A_549 = arith.constant 0 : i32
    %broadcast_in_dim3A_550 = vector.broadcast %jit3A_548 : i32 to vector<16xi32>
    %broadcast_in_dim3A_551 = vector.broadcast %jit3A_549 : i32 to vector<16xi32>
    %select_n3A_552 = arith.select %gt3A_547, %broadcast_in_dim3A_550, %broadcast_in_dim3A_551 : vector<16xi1>, vector<16xi32>
    %add3A_553 = arith.addi %add3A_544, %select_n3A_552 : vector<16xi32>
    %gt3A_554 = arith.constant 6.000000e-01 : f32
    %gt3A_555 = vector.broadcast %gt3A_554 : f32 to vector<16xf32>
    %gt3A_556 = arith.cmpf ogt, %get3A_497, %gt3A_555 : vector<16xf32>
    %jit3A_557 = arith.constant 1 : i32
    %jit3A_558 = arith.constant 0 : i32
    %broadcast_in_dim3A_559 = vector.broadcast %jit3A_557 : i32 to vector<16xi32>
    %broadcast_in_dim3A_560 = vector.broadcast %jit3A_558 : i32 to vector<16xi32>
    %select_n3A_561 = arith.select %gt3A_556, %broadcast_in_dim3A_559, %broadcast_in_dim3A_560 : vector<16xi1>, vector<16xi32>
    %add3A_562 = arith.addi %add3A_553, %select_n3A_561 : vector<16xi32>
    %gt3A_563 = arith.constant 0.699999988 : f32
    %gt3A_564 = vector.broadcast %gt3A_563 : f32 to vector<16xf32>
    %gt3A_565 = arith.cmpf ogt, %get3A_497, %gt3A_564 : vector<16xf32>
    %jit3A_566 = arith.constant 1 : i32
    %jit3A_567 = arith.constant 0 : i32
    %broadcast_in_dim3A_568 = vector.broadcast %jit3A_566 : i32 to vector<16xi32>
    %broadcast_in_dim3A_569 = vector.broadcast %jit3A_567 : i32 to vector<16xi32>
    %select_n3A_570 = arith.select %gt3A_565, %broadcast_in_dim3A_568, %broadcast_in_dim3A_569 : vector<16xi1>, vector<16xi32>
    %add3A_571 = arith.addi %add3A_562, %select_n3A_570 : vector<16xi32>
    %gt3A_572 = arith.constant 8.000000e-01 : f32
    %gt3A_573 = vector.broadcast %gt3A_572 : f32 to vector<16xf32>
    %gt3A_574 = arith.cmpf ogt, %get3A_497, %gt3A_573 : vector<16xf32>
    %jit3A_575 = arith.constant 1 : i32
    %jit3A_576 = arith.constant 0 : i32
    %broadcast_in_dim3A_577 = vector.broadcast %jit3A_575 : i32 to vector<16xi32>
    %broadcast_in_dim3A_578 = vector.broadcast %jit3A_576 : i32 to vector<16xi32>
    %select_n3A_579 = arith.select %gt3A_574, %broadcast_in_dim3A_577, %broadcast_in_dim3A_578 : vector<16xi1>, vector<16xi32>
    %add3A_580 = arith.addi %add3A_571, %select_n3A_579 : vector<16xi32>
    %gt3A_581 = arith.constant 0.900000035 : f32
    %gt3A_582 = vector.broadcast %gt3A_581 : f32 to vector<16xf32>
    %gt3A_583 = arith.cmpf ogt, %get3A_497, %gt3A_582 : vector<16xf32>
    %jit3A_584 = arith.constant 1 : i32
    %jit3A_585 = arith.constant 0 : i32
    %broadcast_in_dim3A_586 = vector.broadcast %jit3A_584 : i32 to vector<16xi32>
    %broadcast_in_dim3A_587 = vector.broadcast %jit3A_585 : i32 to vector<16xi32>
    %select_n3A_588 = arith.select %gt3A_583, %broadcast_in_dim3A_586, %broadcast_in_dim3A_587 : vector<16xi1>, vector<16xi32>
    %add3A_589 = arith.addi %add3A_580, %select_n3A_588 : vector<16xi32>
    %gt3A_590 = arith.constant 1.000000e+00 : f32
    %gt3A_591 = vector.broadcast %gt3A_590 : f32 to vector<16xf32>
    %gt3A_592 = arith.cmpf ogt, %get3A_497, %gt3A_591 : vector<16xf32>
    %jit3A_593 = arith.constant 1 : i32
    %jit3A_594 = arith.constant 0 : i32
    %broadcast_in_dim3A_595 = vector.broadcast %jit3A_593 : i32 to vector<16xi32>
    %broadcast_in_dim3A_596 = vector.broadcast %jit3A_594 : i32 to vector<16xi32>
    %select_n3A_597 = arith.select %gt3A_592, %broadcast_in_dim3A_595, %broadcast_in_dim3A_596 : vector<16xi1>, vector<16xi32>
    %add3A_598 = arith.addi %add3A_589, %select_n3A_597 : vector<16xi32>
    %sub3A_599 = arith.constant 1 : i32
    %sub3A_600 = vector.broadcast %sub3A_599 : i32 to vector<16xi32>
    %sub3A_601 = arith.subi %add3A_598, %sub3A_600 : vector<16xi32>
    %jit3A_602 = arith.constant 0 : i32
    %jit3A_603 = arith.constant 9 : i32
    %max3A_604 = vector.broadcast %jit3A_602 : i32 to vector<16xi32>
    %max3A_605 = arith.maxsi %max3A_604, %sub3A_601 : vector<16xi32>
    %min3A_606 = vector.broadcast %jit3A_603 : i32 to vector<16xi32>
    %min3A_607 = arith.minsi %min3A_606, %max3A_605 : vector<16xi32>
    %gather3A_608 = tpu.vector_load_idx %arg6[%min3A_607] : memref<16xf32, #tpu.memory_space<vmem>>[vector<16xi32>], vector<16xf32>,
    %mul3A_609 = arith.mulf %gather3A_608, %gather3A_608 : vector<16xf32>
    %jit3A_610 = arith.constant 0.00999999977 : f32
    %jit3A_611 = arith.constant 1.000000e+02 : f32
    %max3A_612 = vector.broadcast %jit3A_610 : f32 to vector<16xf32>
    %max3A_613 = arith.maximumf %max3A_612, %mul3A_609 : vector<16xf32>
    %min3A_614 = vector.broadcast %jit3A_611 : f32 to vector<16xf32>
    %min3A_615 = arith.minimumf %min3A_614, %max3A_613 : vector<16xf32>
    %div3A_616 = arith.constant 1.000000e+00 : f32
    %div3A_617 = vector.broadcast %div3A_616 : f32 to vector<16xf32>
    %div3A_618 = arith.divf %div3A_617, %min3A_615 : vector<16xf32>
    %mul3A_619 = arith.mulf %get3A_497, %div3A_618 : vector<16xf32>
    %swap3A_620 = arith.constant 64 : index
    %swap3A_621 = tpu.vector_load %arg7[%swap3A_620] {strides = array<i32>} : memref<512xf32, #tpu.memory_space<vmem>>, vector<16xf32>,
    tpu.vector_store %arg7[%swap3A_620], %mul3A_619 {strides = array<i32>} : memref<512xf32, #tpu.memory_space<vmem>>, vector<16xf32>,
    %get3A_622 = arith.constant 80 : index
    %get3A_623 = tpu.vector_load %arg5[%get3A_622] {strides = array<i32>} : memref<512xf32, #tpu.memory_space<vmem>>, vector<16xf32>,
    %broadcast_in_dim3A_624 = arith.constant 0 : i32
    %broadcast_in_dim3A_625 = vector.broadcast %broadcast_in_dim3A_624 : i32 to vector<16xi32>
    %gt3A_626 = arith.constant 0.000000e+00 : f32
    %gt3A_627 = vector.broadcast %gt3A_626 : f32 to vector<16xf32>
    %gt3A_628 = arith.cmpf ogt, %get3A_623, %gt3A_627 : vector<16xf32>
    %jit3A_629 = arith.constant 1 : i32
    %jit3A_630 = arith.constant 0 : i32
    %broadcast_in_dim3A_631 = vector.broadcast %jit3A_629 : i32 to vector<16xi32>
    %broadcast_in_dim3A_632 = vector.broadcast %jit3A_630 : i32 to vector<16xi32>
    %select_n3A_633 = arith.select %gt3A_628, %broadcast_in_dim3A_631, %broadcast_in_dim3A_632 : vector<16xi1>, vector<16xi32>
    %add3A_634 = arith.addi %broadcast_in_dim3A_625, %select_n3A_633 : vector<16xi32>
    %gt3A_635 = arith.constant 1.000000e-01 : f32
    %gt3A_636 = vector.broadcast %gt3A_635 : f32 to vector<16xf32>
    %gt3A_637 = arith.cmpf ogt, %get3A_623, %gt3A_636 : vector<16xf32>
    %jit3A_638 = arith.constant 1 : i32
    %jit3A_639 = arith.constant 0 : i32
    %broadcast_in_dim3A_640 = vector.broadcast %jit3A_638 : i32 to vector<16xi32>
    %broadcast_in_dim3A_641 = vector.broadcast %jit3A_639 : i32 to vector<16xi32>
    %select_n3A_642 = arith.select %gt3A_637, %broadcast_in_dim3A_640, %broadcast_in_dim3A_641 : vector<16xi1>, vector<16xi32>
    %add3A_643 = arith.addi %add3A_634, %select_n3A_642 : vector<16xi32>
    %gt3A_644 = arith.constant 2.000000e-01 : f32
    %gt3A_645 = vector.broadcast %gt3A_644 : f32 to vector<16xf32>
    %gt3A_646 = arith.cmpf ogt, %get3A_623, %gt3A_645 : vector<16xf32>
    %jit3A_647 = arith.constant 1 : i32
    %jit3A_648 = arith.constant 0 : i32
    %broadcast_in_dim3A_649 = vector.broadcast %jit3A_647 : i32 to vector<16xi32>
    %broadcast_in_dim3A_650 = vector.broadcast %jit3A_648 : i32 to vector<16xi32>
    %select_n3A_651 = arith.select %gt3A_646, %broadcast_in_dim3A_649, %broadcast_in_dim3A_650 : vector<16xi1>, vector<16xi32>
    %add3A_652 = arith.addi %add3A_643, %select_n3A_651 : vector<16xi32>
    %gt3A_653 = arith.constant 3.000000e-01 : f32
    %gt3A_654 = vector.broadcast %gt3A_653 : f32 to vector<16xf32>
    %gt3A_655 = arith.cmpf ogt, %get3A_623, %gt3A_654 : vector<16xf32>
    %jit3A_656 = arith.constant 1 : i32
    %jit3A_657 = arith.constant 0 : i32
    %broadcast_in_dim3A_658 = vector.broadcast %jit3A_656 : i32 to vector<16xi32>
    %broadcast_in_dim3A_659 = vector.broadcast %jit3A_657 : i32 to vector<16xi32>
    %select_n3A_660 = arith.select %gt3A_655, %broadcast_in_dim3A_658, %broadcast_in_dim3A_659 : vector<16xi1>, vector<16xi32>
    %add3A_661 = arith.addi %add3A_652, %select_n3A_660 : vector<16xi32>
    %gt3A_662 = arith.constant 4.000000e-01 : f32
    %gt3A_663 = vector.broadcast %gt3A_662 : f32 to vector<16xf32>
    %gt3A_664 = arith.cmpf ogt, %get3A_623, %gt3A_663 : vector<16xf32>
    %jit3A_665 = arith.constant 1 : i32
    %jit3A_666 = arith.constant 0 : i32
    %broadcast_in_dim3A_667 = vector.broadcast %jit3A_665 : i32 to vector<16xi32>
    %broadcast_in_dim3A_668 = vector.broadcast %jit3A_666 : i32 to vector<16xi32>
    %select_n3A_669 = arith.select %gt3A_664, %broadcast_in_dim3A_667, %broadcast_in_dim3A_668 : vector<16xi1>, vector<16xi32>
    %add3A_670 = arith.addi %add3A_661, %select_n3A_669 : vector<16xi32>
    %gt3A_671 = arith.constant 5.000000e-01 : f32
    %gt3A_672 = vector.broadcast %gt3A_671 : f32 to vector<16xf32>
    %gt3A_673 = arith.cmpf ogt, %get3A_623, %gt3A_672 : vector<16xf32>
    %jit3A_674 = arith.constant 1 : i32
    %jit3A_675 = arith.constant 0 : i32
    %broadcast_in_dim3A_676 = vector.broadcast %jit3A_674 : i32 to vector<16xi32>
    %broadcast_in_dim3A_677 = vector.broadcast %jit3A_675 : i32 to vector<16xi32>
    %select_n3A_678 = arith.select %gt3A_673, %broadcast_in_dim3A_676, %broadcast_in_dim3A_677 : vector<16xi1>, vector<16xi32>
    %add3A_679 = arith.addi %add3A_670, %select_n3A_678 : vector<16xi32>
    %gt3A_680 = arith.constant 6.000000e-01 : f32
    %gt3A_681 = vector.broadcast %gt3A_680 : f32 to vector<16xf32>
    %gt3A_682 = arith.cmpf ogt, %get3A_623, %gt3A_681 : vector<16xf32>
    %jit3A_683 = arith.constant 1 : i32
    %jit3A_684 = arith.constant 0 : i32
    %broadcast_in_dim3A_685 = vector.broadcast %jit3A_683 : i32 to vector<16xi32>
    %broadcast_in_dim3A_686 = vector.broadcast %jit3A_684 : i32 to vector<16xi32>
    %select_n3A_687 = arith.select %gt3A_682, %broadcast_in_dim3A_685, %broadcast_in_dim3A_686 : vector<16xi1>, vector<16xi32>
    %add3A_688 = arith.addi %add3A_679, %select_n3A_687 : vector<16xi32>
    %gt3A_689 = arith.constant 0.699999988 : f32
    %gt3A_690 = vector.broadcast %gt3A_689 : f32 to vector<16xf32>
    %gt3A_691 = arith.cmpf ogt, %get3A_623, %gt3A_690 : vector<16xf32>
    %jit3A_692 = arith.constant 1 : i32
    %jit3A_693 = arith.constant 0 : i32
    %broadcast_in_dim3A_694 = vector.broadcast %jit3A_692 : i32 to vector<16xi32>
    %broadcast_in_dim3A_695 = vector.broadcast %jit3A_693 : i32 to vector<16xi32>
    %select_n3A_696 = arith.select %gt3A_691, %broadcast_in_dim3A_694, %broadcast_in_dim3A_695 : vector<16xi1>, vector<16xi32>
    %add3A_697 = arith.addi %add3A_688, %select_n3A_696 : vector<16xi32>
    %gt3A_698 = arith.constant 8.000000e-01 : f32
    %gt3A_699 = vector.broadcast %gt3A_698 : f32 to vector<16xf32>
    %gt3A_700 = arith.cmpf ogt, %get3A_623, %gt3A_699 : vector<16xf32>
    %jit3A_701 = arith.constant 1 : i32
    %jit3A_702 = arith.constant 0 : i32
    %broadcast_in_dim3A_703 = vector.broadcast %jit3A_701 : i32 to vector<16xi32>
    %broadcast_in_dim3A_704 = vector.broadcast %jit3A_702 : i32 to vector<16xi32>
    %select_n3A_705 = arith.select %gt3A_700, %broadcast_in_dim3A_703, %broadcast_in_dim3A_704 : vector<16xi1>, vector<16xi32>
    %add3A_706 = arith.addi %add3A_697, %select_n3A_705 : vector<16xi32>
    %gt3A_707 = arith.constant 0.900000035 : f32
    %gt3A_708 = vector.broadcast %gt3A_707 : f32 to vector<16xf32>
    %gt3A_709 = arith.cmpf ogt, %get3A_623, %gt3A_708 : vector<16xf32>
    %jit3A_710 = arith.constant 1 : i32
    %jit3A_711 = arith.constant 0 : i32
    %broadcast_in_dim3A_712 = vector.broadcast %jit3A_710 : i32 to vector<16xi32>
    %broadcast_in_dim3A_713 = vector.broadcast %jit3A_711 : i32 to vector<16xi32>
    %select_n3A_714 = arith.select %gt3A_709, %broadcast_in_dim3A_712, %broadcast_in_dim3A_713 : vector<16xi1>, vector<16xi32>
    %add3A_715 = arith.addi %add3A_706, %select_n3A_714 : vector<16xi32>
    %gt3A_716 = arith.constant 1.000000e+00 : f32
    %gt3A_717 = vector.broadcast %gt3A_716 : f32 to vector<16xf32>
    %gt3A_718 = arith.cmpf ogt, %get3A_623, %gt3A_717 : vector<16xf32>
    %jit3A_719 = arith.constant 1 : i32
    %jit3A_720 = arith.constant 0 : i32
    %broadcast_in_dim3A_721 = vector.broadcast %jit3A_719 : i32 to vector<16xi32>
    %broadcast_in_dim3A_722 = vector.broadcast %jit3A_720 : i32 to vector<16xi32>
    %select_n3A_723 = arith.select %gt3A_718, %broadcast_in_dim3A_721, %broadcast_in_dim3A_722 : vector<16xi1>, vector<16xi32>
    %add3A_724 = arith.addi %add3A_715, %select_n3A_723 : vector<16xi32>
    %sub3A_725 = arith.constant 1 : i32
    %sub3A_726 = vector.broadcast %sub3A_725 : i32 to vector<16xi32>
    %sub3A_727 = arith.subi %add3A_724, %sub3A_726 : vector<16xi32>
    %jit3A_728 = arith.constant 0 : i32
    %jit3A_729 = arith.constant 9 : i32
    %max3A_730 = vector.broadcast %jit3A_728 : i32 to vector<16xi32>
    %max3A_731 = arith.maxsi %max3A_730, %sub3A_727 : vector<16xi32>
    %min3A_732 = vector.broadcast %jit3A_729 : i32 to vector<16xi32>
    %min3A_733 = arith.minsi %min3A_732, %max3A_731 : vector<16xi32>
    %gather3A_734 = tpu.vector_load_idx %arg6[%min3A_733] : memref<16xf32, #tpu.memory_space<vmem>>[vector<16xi32>], vector<16xf32>,
    %mul3A_735 = arith.mulf %gather3A_734, %gather3A_734 : vector<16xf32>
    %jit3A_736 = arith.constant 0.00999999977 : f32
    %jit3A_737 = arith.constant 1.000000e+02 : f32
    %max3A_738 = vector.broadcast %jit3A_736 : f32 to vector<16xf32>
    %max3A_739 = arith.maximumf %max3A_738, %mul3A_735 : vector<16xf32>
    %min3A_740 = vector.broadcast %jit3A_737 : f32 to vector<16xf32>
    %min3A_741 = arith.minimumf %min3A_740, %max3A_739 : vector<16xf32>
    %div3A_742 = arith.constant 1.000000e+00 : f32
    %div3A_743 = vector.broadcast %div3A_742 : f32 to vector<16xf32>
    %div3A_744 = arith.divf %div3A_743, %min3A_741 : vector<16xf32>
    %mul3A_745 = arith.mulf %get3A_623, %div3A_744 : vector<16xf32>
    %swap3A_746 = arith.constant 80 : index
    %swap3A_747 = tpu.vector_load %arg7[%swap3A_746] {strides = array<i32>} : memref<512xf32, #tpu.memory_space<vmem>>, vector<16xf32>,
    tpu.vector_store %arg7[%swap3A_746], %mul3A_745 {strides = array<i32>} : memref<512xf32, #tpu.memory_space<vmem>>, vector<16xf32>,
    %get3A_748 = arith.constant 96 : index
    %get3A_749 = tpu.vector_load %arg5[%get3A_748] {strides = array<i32>} : memref<512xf32, #tpu.memory_space<vmem>>, vector<16xf32>,
    %broadcast_in_dim3A_750 = arith.constant 0 : i32
    %broadcast_in_dim3A_751 = vector.broadcast %broadcast_in_dim3A_750 : i32 to vector<16xi32>
    %gt3A_752 = arith.constant 0.000000e+00 : f32
    %gt3A_753 = vector.broadcast %gt3A_752 : f32 to vector<16xf32>
    %gt3A_754 = arith.cmpf ogt, %get3A_749, %gt3A_753 : vector<16xf32>
    %jit3A_755 = arith.constant 1 : i32
    %jit3A_756 = arith.constant 0 : i32
    %broadcast_in_dim3A_757 = vector.broadcast %jit3A_755 : i32 to vector<16xi32>
    %broadcast_in_dim3A_758 = vector.broadcast %jit3A_756 : i32 to vector<16xi32>
    %select_n3A_759 = arith.select %gt3A_754, %broadcast_in_dim3A_757, %broadcast_in_dim3A_758 : vector<16xi1>, vector<16xi32>
    %add3A_760 = arith.addi %broadcast_in_dim3A_751, %select_n3A_759 : vector<16xi32>
    %gt3A_761 = arith.constant 1.000000e-01 : f32
    %gt3A_762 = vector.broadcast %gt3A_761 : f32 to vector<16xf32>
    %gt3A_763 = arith.cmpf ogt, %get3A_749, %gt3A_762 : vector<16xf32>
    %jit3A_764 = arith.constant 1 : i32
    %jit3A_765 = arith.constant 0 : i32
    %broadcast_in_dim3A_766 = vector.broadcast %jit3A_764 : i32 to vector<16xi32>
    %broadcast_in_dim3A_767 = vector.broadcast %jit3A_765 : i32 to vector<16xi32>
    %select_n3A_768 = arith.select %gt3A_763, %broadcast_in_dim3A_766, %broadcast_in_dim3A_767 : vector<16xi1>, vector<16xi32>
    %add3A_769 = arith.addi %add3A_760, %select_n3A_768 : vector<16xi32>
    %gt3A_770 = arith.constant 2.000000e-01 : f32
    %gt3A_771 = vector.broadcast %gt3A_770 : f32 to vector<16xf32>
    %gt3A_772 = arith.cmpf ogt, %get3A_749, %gt3A_771 : vector<16xf32>
    %jit3A_773 = arith.constant 1 : i32
    %jit3A_774 = arith.constant 0 : i32
    %broadcast_in_dim3A_775 = vector.broadcast %jit3A_773 : i32 to vector<16xi32>
    %broadcast_in_dim3A_776 = vector.broadcast %jit3A_774 : i32 to vector<16xi32>
    %select_n3A_777 = arith.select %gt3A_772, %broadcast_in_dim3A_775, %broadcast_in_dim3A_776 : vector<16xi1>, vector<16xi32>
    %add3A_778 = arith.addi %add3A_769, %select_n3A_777 : vector<16xi32>
    %gt3A_779 = arith.constant 3.000000e-01 : f32
    %gt3A_780 = vector.broadcast %gt3A_779 : f32 to vector<16xf32>
    %gt3A_781 = arith.cmpf ogt, %get3A_749, %gt3A_780 : vector<16xf32>
    %jit3A_782 = arith.constant 1 : i32
    %jit3A_783 = arith.constant 0 : i32
    %broadcast_in_dim3A_784 = vector.broadcast %jit3A_782 : i32 to vector<16xi32>
    %broadcast_in_dim3A_785 = vector.broadcast %jit3A_783 : i32 to vector<16xi32>
    %select_n3A_786 = arith.select %gt3A_781, %broadcast_in_dim3A_784, %broadcast_in_dim3A_785 : vector<16xi1>, vector<16xi32>
    %add3A_787 = arith.addi %add3A_778, %select_n3A_786 : vector<16xi32>
    %gt3A_788 = arith.constant 4.000000e-01 : f32
    %gt3A_789 = vector.broadcast %gt3A_788 : f32 to vector<16xf32>
    %gt3A_790 = arith.cmpf ogt, %get3A_749, %gt3A_789 : vector<16xf32>
    %jit3A_791 = arith.constant 1 : i32
    %jit3A_792 = arith.constant 0 : i32
    %broadcast_in_dim3A_793 = vector.broadcast %jit3A_791 : i32 to vector<16xi32>
    %broadcast_in_dim3A_794 = vector.broadcast %jit3A_792 : i32 to vector<16xi32>
    %select_n3A_795 = arith.select %gt3A_790, %broadcast_in_dim3A_793, %broadcast_in_dim3A_794 : vector<16xi1>, vector<16xi32>
    %add3A_796 = arith.addi %add3A_787, %select_n3A_795 : vector<16xi32>
    %gt3A_797 = arith.constant 5.000000e-01 : f32
    %gt3A_798 = vector.broadcast %gt3A_797 : f32 to vector<16xf32>
    %gt3A_799 = arith.cmpf ogt, %get3A_749, %gt3A_798 : vector<16xf32>
    %jit3A_800 = arith.constant 1 : i32
    %jit3A_801 = arith.constant 0 : i32
    %broadcast_in_dim3A_802 = vector.broadcast %jit3A_800 : i32 to vector<16xi32>
    %broadcast_in_dim3A_803 = vector.broadcast %jit3A_801 : i32 to vector<16xi32>
    %select_n3A_804 = arith.select %gt3A_799, %broadcast_in_dim3A_802, %broadcast_in_dim3A_803 : vector<16xi1>, vector<16xi32>
    %add3A_805 = arith.addi %add3A_796, %select_n3A_804 : vector<16xi32>
    %gt3A_806 = arith.constant 6.000000e-01 : f32
    %gt3A_807 = vector.broadcast %gt3A_806 : f32 to vector<16xf32>
    %gt3A_808 = arith.cmpf ogt, %get3A_749, %gt3A_807 : vector<16xf32>
    %jit3A_809 = arith.constant 1 : i32
    %jit3A_810 = arith.constant 0 : i32
    %broadcast_in_dim3A_811 = vector.broadcast %jit3A_809 : i32 to vector<16xi32>
    %broadcast_in_dim3A_812 = vector.broadcast %jit3A_810 : i32 to vector<16xi32>
    %select_n3A_813 = arith.select %gt3A_808, %broadcast_in_dim3A_811, %broadcast_in_dim3A_812 : vector<16xi1>, vector<16xi32>
    %add3A_814 = arith.addi %add3A_805, %select_n3A_813 : vector<16xi32>
    %gt3A_815 = arith.constant 0.699999988 : f32
    %gt3A_816 = vector.broadcast %gt3A_815 : f32 to vector<16xf32>
    %gt3A_817 = arith.cmpf ogt, %get3A_749, %gt3A_816 : vector<16xf32>
    %jit3A_818 = arith.constant 1 : i32
    %jit3A_819 = arith.constant 0 : i32
    %broadcast_in_dim3A_820 = vector.broadcast %jit3A_818 : i32 to vector<16xi32>
    %broadcast_in_dim3A_821 = vector.broadcast %jit3A_819 : i32 to vector<16xi32>
    %select_n3A_822 = arith.select %gt3A_817, %broadcast_in_dim3A_820, %broadcast_in_dim3A_821 : vector<16xi1>, vector<16xi32>
    %add3A_823 = arith.addi %add3A_814, %select_n3A_822 : vector<16xi32>
    %gt3A_824 = arith.constant 8.000000e-01 : f32
    %gt3A_825 = vector.broadcast %gt3A_824 : f32 to vector<16xf32>
    %gt3A_826 = arith.cmpf ogt, %get3A_749, %gt3A_825 : vector<16xf32>
    %jit3A_827 = arith.constant 1 : i32
    %jit3A_828 = arith.constant 0 : i32
    %broadcast_in_dim3A_829 = vector.broadcast %jit3A_827 : i32 to vector<16xi32>
    %broadcast_in_dim3A_830 = vector.broadcast %jit3A_828 : i32 to vector<16xi32>
    %select_n3A_831 = arith.select %gt3A_826, %broadcast_in_dim3A_829, %broadcast_in_dim3A_830 : vector<16xi1>, vector<16xi32>
    %add3A_832 = arith.addi %add3A_823, %select_n3A_831 : vector<16xi32>
    %gt3A_833 = arith.constant 0.900000035 : f32
    %gt3A_834 = vector.broadcast %gt3A_833 : f32 to vector<16xf32>
    %gt3A_835 = arith.cmpf ogt, %get3A_749, %gt3A_834 : vector<16xf32>
    %jit3A_836 = arith.constant 1 : i32
    %jit3A_837 = arith.constant 0 : i32
    %broadcast_in_dim3A_838 = vector.broadcast %jit3A_836 : i32 to vector<16xi32>
    %broadcast_in_dim3A_839 = vector.broadcast %jit3A_837 : i32 to vector<16xi32>
    %select_n3A_840 = arith.select %gt3A_835, %broadcast_in_dim3A_838, %broadcast_in_dim3A_839 : vector<16xi1>, vector<16xi32>
    %add3A_841 = arith.addi %add3A_832, %select_n3A_840 : vector<16xi32>
    %gt3A_842 = arith.constant 1.000000e+00 : f32
    %gt3A_843 = vector.broadcast %gt3A_842 : f32 to vector<16xf32>
    %gt3A_844 = arith.cmpf ogt, %get3A_749, %gt3A_843 : vector<16xf32>
    %jit3A_845 = arith.constant 1 : i32
    %jit3A_846 = arith.constant 0 : i32
    %broadcast_in_dim3A_847 = vector.broadcast %jit3A_845 : i32 to vector<16xi32>
    %broadcast_in_dim3A_848 = vector.broadcast %jit3A_846 : i32 to vector<16xi32>
    %select_n3A_849 = arith.select %gt3A_844, %broadcast_in_dim3A_847, %broadcast_in_dim3A_848 : vector<16xi1>, vector<16xi32>
    %add3A_850 = arith.addi %add3A_841, %select_n3A_849 : vector<16xi32>
    %sub3A_851 = arith.constant 1 : i32
    %sub3A_852 = vector.broadcast %sub3A_851 : i32 to vector<16xi32>
    %sub3A_853 = arith.subi %add3A_850, %sub3A_852 : vector<16xi32>
    %jit3A_854 = arith.constant 0 : i32
    %jit3A_855 = arith.constant 9 : i32
    %max3A_856 = vector.broadcast %jit3A_854 : i32 to vector<16xi32>
    %max3A_857 = arith.maxsi %max3A_856, %sub3A_853 : vector<16xi32>
    %min3A_858 = vector.broadcast %jit3A_855 : i32 to vector<16xi32>
    %min3A_859 = arith.minsi %min3A_858, %max3A_857 : vector<16xi32>
    %gather3A_860 = tpu.vector_load_idx %arg6[%min3A_859] : memref<16xf32, #tpu.memory_space<vmem>>[vector<16xi32>], vector<16xf32>,
    %mul3A_861 = arith.mulf %gather3A_860, %gather3A_860 : vector<16xf32>
    %jit3A_862 = arith.constant 0.00999999977 : f32
    %jit3A_863 = arith.constant 1.000000e+02 : f32
    %max3A_864 = vector.broadcast %jit3A_862 : f32 to vector<16xf32>
    %max3A_865 = arith.maximumf %max3A_864, %mul3A_861 : vector<16xf32>
    %min3A_866 = vector.broadcast %jit3A_863 : f32 to vector<16xf32>
    %min3A_867 = arith.minimumf %min3A_866, %max3A_865 : vector<16xf32>
    %div3A_868 = arith.constant 1.000000e+00 : f32
    %div3A_869 = vector.broadcast %div3A_868 : f32 to vector<16xf32>
    %div3A_870 = arith.divf %div3A_869, %min3A_867 : vector<16xf32>
    %mul3A_871 = arith.mulf %get3A_749, %div3A_870 : vector<16xf32>
    %swap3A_872 = arith.constant 96 : index
    %swap3A_873 = tpu.vector_load %arg7[%swap3A_872] {strides = array<i32>} : memref<512xf32, #tpu.memory_space<vmem>>, vector<16xf32>,
    tpu.vector_store %arg7[%swap3A_872], %mul3A_871 {strides = array<i32>} : memref<512xf32, #tpu.memory_space<vmem>>, vector<16xf32>,
    %get3A_874 = arith.constant 112 : index
    %get3A_875 = tpu.vector_load %arg5[%get3A_874] {strides = array<i32>} : memref<512xf32, #tpu.memory_space<vmem>>, vector<16xf32>,
    %broadcast_in_dim3A_876 = arith.constant 0 : i32
    %broadcast_in_dim3A_877 = vector.broadcast %broadcast_in_dim3A_876 : i32 to vector<16xi32>
    %gt3A_878 = arith.constant 0.000000e+00 : f32
    %gt3A_879 = vector.broadcast %gt3A_878 : f32 to vector<16xf32>
    %gt3A_880 = arith.cmpf ogt, %get3A_875, %gt3A_879 : vector<16xf32>
    %jit3A_881 = arith.constant 1 : i32
    %jit3A_882 = arith.constant 0 : i32
    %broadcast_in_dim3A_883 = vector.broadcast %jit3A_881 : i32 to vector<16xi32>
    %broadcast_in_dim3A_884 = vector.broadcast %jit3A_882 : i32 to vector<16xi32>
    %select_n3A_885 = arith.select %gt3A_880, %broadcast_in_dim3A_883, %broadcast_in_dim3A_884 : vector<16xi1>, vector<16xi32>
    %add3A_886 = arith.addi %broadcast_in_dim3A_877, %select_n3A_885 : vector<16xi32>
    %gt3A_887 = arith.constant 1.000000e-01 : f32
    %gt3A_888 = vector.broadcast %gt3A_887 : f32 to vector<16xf32>
    %gt3A_889 = arith.cmpf ogt, %get3A_875, %gt3A_888 : vector<16xf32>
    %jit3A_890 = arith.constant 1 : i32
    %jit3A_891 = arith.constant 0 : i32
    %broadcast_in_dim3A_892 = vector.broadcast %jit3A_890 : i32 to vector<16xi32>
    %broadcast_in_dim3A_893 = vector.broadcast %jit3A_891 : i32 to vector<16xi32>
    %select_n3A_894 = arith.select %gt3A_889, %broadcast_in_dim3A_892, %broadcast_in_dim3A_893 : vector<16xi1>, vector<16xi32>
    %add3A_895 = arith.addi %add3A_886, %select_n3A_894 : vector<16xi32>
    %gt3A_896 = arith.constant 2.000000e-01 : f32
    %gt3A_897 = vector.broadcast %gt3A_896 : f32 to vector<16xf32>
    %gt3A_898 = arith.cmpf ogt, %get3A_875, %gt3A_897 : vector<16xf32>
    %jit3A_899 = arith.constant 1 : i32
    %jit3A_900 = arith.constant 0 : i32
    %broadcast_in_dim3A_901 = vector.broadcast %jit3A_899 : i32 to vector<16xi32>
    %broadcast_in_dim3A_902 = vector.broadcast %jit3A_900 : i32 to vector<16xi32>
    %select_n3A_903 = arith.select %gt3A_898, %broadcast_in_dim3A_901, %broadcast_in_dim3A_902 : vector<16xi1>, vector<16xi32>
    %add3A_904 = arith.addi %add3A_895, %select_n3A_903 : vector<16xi32>
    %gt3A_905 = arith.constant 3.000000e-01 : f32
    %gt3A_906 = vector.broadcast %gt3A_905 : f32 to vector<16xf32>
    %gt3A_907 = arith.cmpf ogt, %get3A_875, %gt3A_906 : vector<16xf32>
    %jit3A_908 = arith.constant 1 : i32
    %jit3A_909 = arith.constant 0 : i32
    %broadcast_in_dim3A_910 = vector.broadcast %jit3A_908 : i32 to vector<16xi32>
    %broadcast_in_dim3A_911 = vector.broadcast %jit3A_909 : i32 to vector<16xi32>
    %select_n3A_912 = arith.select %gt3A_907, %broadcast_in_dim3A_910, %broadcast_in_dim3A_911 : vector<16xi1>, vector<16xi32>
    %add3A_913 = arith.addi %add3A_904, %select_n3A_912 : vector<16xi32>
    %gt3A_914 = arith.constant 4.000000e-01 : f32
    %gt3A_915 = vector.broadcast %gt3A_914 : f32 to vector<16xf32>
    %gt3A_916 = arith.cmpf ogt, %get3A_875, %gt3A_915 : vector<16xf32>
    %jit3A_917 = arith.constant 1 : i32
    %jit3A_918 = arith.constant 0 : i32
    %broadcast_in_dim3A_919 = vector.broadcast %jit3A_917 : i32 to vector<16xi32>
    %broadcast_in_dim3A_920 = vector.broadcast %jit3A_918 : i32 to vector<16xi32>
    %select_n3A_921 = arith.select %gt3A_916, %broadcast_in_dim3A_919, %broadcast_in_dim3A_920 : vector<16xi1>, vector<16xi32>
    %add3A_922 = arith.addi %add3A_913, %select_n3A_921 : vector<16xi32>
    %gt3A_923 = arith.constant 5.000000e-01 : f32
    %gt3A_924 = vector.broadcast %gt3A_923 : f32 to vector<16xf32>
    %gt3A_925 = arith.cmpf ogt, %get3A_875, %gt3A_924 : vector<16xf32>
    %jit3A_926 = arith.constant 1 : i32
    %jit3A_927 = arith.constant 0 : i32
    %broadcast_in_dim3A_928 = vector.broadcast %jit3A_926 : i32 to vector<16xi32>
    %broadcast_in_dim3A_929 = vector.broadcast %jit3A_927 : i32 to vector<16xi32>
    %select_n3A_930 = arith.select %gt3A_925, %broadcast_in_dim3A_928, %broadcast_in_dim3A_929 : vector<16xi1>, vector<16xi32>
    %add3A_931 = arith.addi %add3A_922, %select_n3A_930 : vector<16xi32>
    %gt3A_932 = arith.constant 6.000000e-01 : f32
    %gt3A_933 = vector.broadcast %gt3A_932 : f32 to vector<16xf32>
    %gt3A_934 = arith.cmpf ogt, %get3A_875, %gt3A_933 : vector<16xf32>
    %jit3A_935 = arith.constant 1 : i32
    %jit3A_936 = arith.constant 0 : i32
    %broadcast_in_dim3A_937 = vector.broadcast %jit3A_935 : i32 to vector<16xi32>
    %broadcast_in_dim3A_938 = vector.broadcast %jit3A_936 : i32 to vector<16xi32>
    %select_n3A_939 = arith.select %gt3A_934, %broadcast_in_dim3A_937, %broadcast_in_dim3A_938 : vector<16xi1>, vector<16xi32>
    %add3A_940 = arith.addi %add3A_931, %select_n3A_939 : vector<16xi32>
    %gt3A_941 = arith.constant 0.699999988 : f32
    %gt3A_942 = vector.broadcast %gt3A_941 : f32 to vector<16xf32>
    %gt3A_943 = arith.cmpf ogt, %get3A_875, %gt3A_942 : vector<16xf32>
    %jit3A_944 = arith.constant 1 : i32
    %jit3A_945 = arith.constant 0 : i32
    %broadcast_in_dim3A_946 = vector.broadcast %jit3A_944 : i32 to vector<16xi32>
    %broadcast_in_dim3A_947 = vector.broadcast %jit3A_945 : i32 to vector<16xi32>
    %select_n3A_948 = arith.select %gt3A_943, %broadcast_in_dim3A_946, %broadcast_in_dim3A_947 : vector<16xi1>, vector<16xi32>
    %add3A_949 = arith.addi %add3A_940, %select_n3A_948 : vector<16xi32>
    %gt3A_950 = arith.constant 8.000000e-01 : f32
    %gt3A_951 = vector.broadcast %gt3A_950 : f32 to vector<16xf32>
    %gt3A_952 = arith.cmpf ogt, %get3A_875, %gt3A_951 : vector<16xf32>
    %jit3A_953 = arith.constant 1 : i32
    %jit3A_954 = arith.constant 0 : i32
    %broadcast_in_dim3A_955 = vector.broadcast %jit3A_953 : i32 to vector<16xi32>
    %broadcast_in_dim3A_956 = vector.broadcast %jit3A_954 : i32 to vector<16xi32>
    %select_n3A_957 = arith.select %gt3A_952, %broadcast_in_dim3A_955, %broadcast_in_dim3A_956 : vector<16xi1>, vector<16xi32>
    %add3A_958 = arith.addi %add3A_949, %select_n3A_957 : vector<16xi32>
    %gt3A_959 = arith.constant 0.900000035 : f32
    %gt3A_960 = vector.broadcast %gt3A_959 : f32 to vector<16xf32>
    %gt3A_961 = arith.cmpf ogt, %get3A_875, %gt3A_960 : vector<16xf32>
    %jit3A_962 = arith.constant 1 : i32
    %jit3A_963 = arith.constant 0 : i32
    %broadcast_in_dim3A_964 = vector.broadcast %jit3A_962 : i32 to vector<16xi32>
    %broadcast_in_dim3A_965 = vector.broadcast %jit3A_963 : i32 to vector<16xi32>
    %select_n3A_966 = arith.select %gt3A_961, %broadcast_in_dim3A_964, %broadcast_in_dim3A_965 : vector<16xi1>, vector<16xi32>
    %add3A_967 = arith.addi %add3A_958, %select_n3A_966 : vector<16xi32>
    %gt3A_968 = arith.constant 1.000000e+00 : f32
    %gt3A_969 = vector.broadcast %gt3A_968 : f32 to vector<16xf32>
    %gt3A_970 = arith.cmpf ogt, %get3A_875, %gt3A_969 : vector<16xf32>
    %jit3A_971 = arith.constant 1 : i32
    %jit3A_972 = arith.constant 0 : i32
    %broadcast_in_dim3A_973 = vector.broadcast %jit3A_971 : i32 to vector<16xi32>
    %broadcast_in_dim3A_974 = vector.broadcast %jit3A_972 : i32 to vector<16xi32>
    %select_n3A_975 = arith.select %gt3A_970, %broadcast_in_dim3A_973, %broadcast_in_dim3A_974 : vector<16xi1>, vector<16xi32>
    %add3A_976 = arith.addi %add3A_967, %select_n3A_975 : vector<16xi32>
    %sub3A_977 = arith.constant 1 : i32
    %sub3A_978 = vector.broadcast %sub3A_977 : i32 to vector<16xi32>
    %sub3A_979 = arith.subi %add3A_976, %sub3A_978 : vector<16xi32>
    %jit3A_980 = arith.constant 0 : i32
    %jit3A_981 = arith.constant 9 : i32
    %max3A_982 = vector.broadcast %jit3A_980 : i32 to vector<16xi32>
    %max3A_983 = arith.maxsi %max3A_982, %sub3A_979 : vector<16xi32>
    %min3A_984 = vector.broadcast %jit3A_981 : i32 to vector<16xi32>
    %min3A_985 = arith.minsi %min3A_984, %max3A_983 : vector<16xi32>
    %gather3A_986 = tpu.vector_load_idx %arg6[%min3A_985] : memref<16xf32, #tpu.memory_space<vmem>>[vector<16xi32>], vector<16xf32>,
    %mul3A_987 = arith.mulf %gather3A_986, %gather3A_986 : vector<16xf32>
    %jit3A_988 = arith.constant 0.00999999977 : f32
    %jit3A_989 = arith.constant 1.000000e+02 : f32
    %max3A_990 = vector.broadcast %jit3A_988 : f32 to vector<16xf32>
    %max3A_991 = arith.maximumf %max3A_990, %mul3A_987 : vector<16xf32>
    %min3A_992 = vector.broadcast %jit3A_989 : f32 to vector<16xf32>
    %min3A_993 = arith.minimumf %min3A_992, %max3A_991 : vector<16xf32>
    %div3A_994 = arith.constant 1.000000e+00 : f32
    %div3A_995 = vector.broadcast %div3A_994 : f32 to vector<16xf32>
    %div3A_996 = arith.divf %div3A_995, %min3A_993 : vector<16xf32>
    %mul3A_997 = arith.mulf %get3A_875, %div3A_996 : vector<16xf32>
    %swap3A_998 = arith.constant 112 : index
    %swap3A_999 = tpu.vector_load %arg7[%swap3A_998] {strides = array<i32>} : memref<512xf32, #tpu.memory_space<vmem>>, vector<16xf32>,
    tpu.vector_store %arg7[%swap3A_998], %mul3A_997 {strides = array<i32>} : memref<512xf32, #tpu.memory_space<vmem>>, vector<16xf32>,
    %get3A_1000 = arith.constant 128 : index
    %get3A_1001 = tpu.vector_load %arg5[%get3A_1000] {strides = array<i32>} : memref<512xf32, #tpu.memory_space<vmem>>, vector<16xf32>,
    %broadcast_in_dim3A_1002 = arith.constant 0 : i32
    %broadcast_in_dim3A_1003 = vector.broadcast %broadcast_in_dim3A_1002 : i32 to vector<16xi32>
    %gt3A_1004 = arith.constant 0.000000e+00 : f32
    %gt3A_1005 = vector.broadcast %gt3A_1004 : f32 to vector<16xf32>
    %gt3A_1006 = arith.cmpf ogt, %get3A_1001, %gt3A_1005 : vector<16xf32>
    %jit3A_1007 = arith.constant 1 : i32
    %jit3A_1008 = arith.constant 0 : i32
    %broadcast_in_dim3A_1009 = vector.broadcast %jit3A_1007 : i32 to vector<16xi32>
    %broadcast_in_dim3A_1010 = vector.broadcast %jit3A_1008 : i32 to vector<16xi32>
    %select_n3A_1011 = arith.select %gt3A_1006, %broadcast_in_dim3A_1009, %broadcast_in_dim3A_1010 : vector<16xi1>, vector<16xi32>
    %add3A_1012 = arith.addi %broadcast_in_dim3A_1003, %select_n3A_1011 : vector<16xi32>
    %gt3A_1013 = arith.constant 1.000000e-01 : f32
    %gt3A_1014 = vector.broadcast %gt3A_1013 : f32 to vector<16xf32>
    %gt3A_1015 = arith.cmpf ogt, %get3A_1001, %gt3A_1014 : vector<16xf32>
    %jit3A_1016 = arith.constant 1 : i32
    %jit3A_1017 = arith.constant 0 : i32
    %broadcast_in_dim3A_1018 = vector.broadcast %jit3A_1016 : i32 to vector<16xi32>
    %broadcast_in_dim3A_1019 = vector.broadcast %jit3A_1017 : i32 to vector<16xi32>
    %select_n3A_1020 = arith.select %gt3A_1015, %broadcast_in_dim3A_1018, %broadcast_in_dim3A_1019 : vector<16xi1>, vector<16xi32>
    %add3A_1021 = arith.addi %add3A_1012, %select_n3A_1020 : vector<16xi32>
    %gt3A_1022 = arith.constant 2.000000e-01 : f32
    %gt3A_1023 = vector.broadcast %gt3A_1022 : f32 to vector<16xf32>
    %gt3A_1024 = arith.cmpf ogt, %get3A_1001, %gt3A_1023 : vector<16xf32>
    %jit3A_1025 = arith.constant 1 : i32
    %jit3A_1026 = arith.constant 0 : i32
    %broadcast_in_dim3A_1027 = vector.broadcast %jit3A_1025 : i32 to vector<16xi32>
    %broadcast_in_dim3A_1028 = vector.broadcast %jit3A_1026 : i32 to vector<16xi32>
    %select_n3A_1029 = arith.select %gt3A_1024, %broadcast_in_dim3A_1027, %broadcast_in_dim3A_1028 : vector<16xi1>, vector<16xi32>
    %add3A_1030 = arith.addi %add3A_1021, %select_n3A_1029 : vector<16xi32>
    %gt3A_1031 = arith.constant 3.000000e-01 : f32
    %gt3A_1032 = vector.broadcast %gt3A_1031 : f32 to vector<16xf32>
    %gt3A_1033 = arith.cmpf ogt, %get3A_1001, %gt3A_1032 : vector<16xf32>
    %jit3A_1034 = arith.constant 1 : i32
    %jit3A_1035 = arith.constant 0 : i32
    %broadcast_in_dim3A_1036 = vector.broadcast %jit3A_1034 : i32 to vector<16xi32>
    %broadcast_in_dim3A_1037 = vector.broadcast %jit3A_1035 : i32 to vector<16xi32>
    %select_n3A_1038 = arith.select %gt3A_1033, %broadcast_in_dim3A_1036, %broadcast_in_dim3A_1037 : vector<16xi1>, vector<16xi32>
    %add3A_1039 = arith.addi %add3A_1030, %select_n3A_1038 : vector<16xi32>
    %gt3A_1040 = arith.constant 4.000000e-01 : f32
    %gt3A_1041 = vector.broadcast %gt3A_1040 : f32 to vector<16xf32>
    %gt3A_1042 = arith.cmpf ogt, %get3A_1001, %gt3A_1041 : vector<16xf32>
    %jit3A_1043 = arith.constant 1 : i32
    %jit3A_1044 = arith.constant 0 : i32
    %broadcast_in_dim3A_1045 = vector.broadcast %jit3A_1043 : i32 to vector<16xi32>
    %broadcast_in_dim3A_1046 = vector.broadcast %jit3A_1044 : i32 to vector<16xi32>
    %select_n3A_1047 = arith.select %gt3A_1042, %broadcast_in_dim3A_1045, %broadcast_in_dim3A_1046 : vector<16xi1>, vector<16xi32>
    %add3A_1048 = arith.addi %add3A_1039, %select_n3A_1047 : vector<16xi32>
    %gt3A_1049 = arith.constant 5.000000e-01 : f32
    %gt3A_1050 = vector.broadcast %gt3A_1049 : f32 to vector<16xf32>
    %gt3A_1051 = arith.cmpf ogt, %get3A_1001, %gt3A_1050 : vector<16xf32>
    %jit3A_1052 = arith.constant 1 : i32
    %jit3A_1053 = arith.constant 0 : i32
    %broadcast_in_dim3A_1054 = vector.broadcast %jit3A_1052 : i32 to vector<16xi32>
    %broadcast_in_dim3A_1055 = vector.broadcast %jit3A_1053 : i32 to vector<16xi32>
    %select_n3A_1056 = arith.select %gt3A_1051, %broadcast_in_dim3A_1054, %broadcast_in_dim3A_1055 : vector<16xi1>, vector<16xi32>
    %add3A_1057 = arith.addi %add3A_1048, %select_n3A_1056 : vector<16xi32>
    %gt3A_1058 = arith.constant 6.000000e-01 : f32
    %gt3A_1059 = vector.broadcast %gt3A_1058 : f32 to vector<16xf32>
    %gt3A_1060 = arith.cmpf ogt, %get3A_1001, %gt3A_1059 : vector<16xf32>
    %jit3A_1061 = arith.constant 1 : i32
    %jit3A_1062 = arith.constant 0 : i32
    %broadcast_in_dim3A_1063 = vector.broadcast %jit3A_1061 : i32 to vector<16xi32>
    %broadcast_in_dim3A_1064 = vector.broadcast %jit3A_1062 : i32 to vector<16xi32>
    %select_n3A_1065 = arith.select %gt3A_1060, %broadcast_in_dim3A_1063, %broadcast_in_dim3A_1064 : vector<16xi1>, vector<16xi32>
    %add3A_1066 = arith.addi %add3A_1057, %select_n3A_1065 : vector<16xi32>
    %gt3A_1067 = arith.constant 0.699999988 : f32
    %gt3A_1068 = vector.broadcast %gt3A_1067 : f32 to vector<16xf32>
    %gt3A_1069 = arith.cmpf ogt, %get3A_1001, %gt3A_1068 : vector<16xf32>
    %jit3A_1070 = arith.constant 1 : i32
    %jit3A_1071 = arith.constant 0 : i32
    %broadcast_in_dim3A_1072 = vector.broadcast %jit3A_1070 : i32 to vector<16xi32>
    %broadcast_in_dim3A_1073 = vector.broadcast %jit3A_1071 : i32 to vector<16xi32>
    %select_n3A_1074 = arith.select %gt3A_1069, %broadcast_in_dim3A_1072, %broadcast_in_dim3A_1073 : vector<16xi1>, vector<16xi32>
    %add3A_1075 = arith.addi %add3A_1066, %select_n3A_1074 : vector<16xi32>
    %gt3A_1076 = arith.constant 8.000000e-01 : f32
    %gt3A_1077 = vector.broadcast %gt3A_1076 : f32 to vector<16xf32>
    %gt3A_1078 = arith.cmpf ogt, %get3A_1001, %gt3A_1077 : vector<16xf32>
    %jit3A_1079 = arith.constant 1 : i32
    %jit3A_1080 = arith.constant 0 : i32
    %broadcast_in_dim3A_1081 = vector.broadcast %jit3A_1079 : i32 to vector<16xi32>
    %broadcast_in_dim3A_1082 = vector.broadcast %jit3A_1080 : i32 to vector<16xi32>
    %select_n3A_1083 = arith.select %gt3A_1078, %broadcast_in_dim3A_1081, %broadcast_in_dim3A_1082 : vector<16xi1>, vector<16xi32>
    %add3A_1084 = arith.addi %add3A_1075, %select_n3A_1083 : vector<16xi32>
    %gt3A_1085 = arith.constant 0.900000035 : f32
    %gt3A_1086 = vector.broadcast %gt3A_1085 : f32 to vector<16xf32>
    %gt3A_1087 = arith.cmpf ogt, %get3A_1001, %gt3A_1086 : vector<16xf32>
    %jit3A_1088 = arith.constant 1 : i32
    %jit3A_1089 = arith.constant 0 : i32
    %broadcast_in_dim3A_1090 = vector.broadcast %jit3A_1088 : i32 to vector<16xi32>
    %broadcast_in_dim3A_1091 = vector.broadcast %jit3A_1089 : i32 to vector<16xi32>
    %select_n3A_1092 = arith.select %gt3A_1087, %broadcast_in_dim3A_1090, %broadcast_in_dim3A_1091 : vector<16xi1>, vector<16xi32>
    %add3A_1093 = arith.addi %add3A_1084, %select_n3A_1092 : vector<16xi32>
    %gt3A_1094 = arith.constant 1.000000e+00 : f32
    %gt3A_1095 = vector.broadcast %gt3A_1094 : f32 to vector<16xf32>
    %gt3A_1096 = arith.cmpf ogt, %get3A_1001, %gt3A_1095 : vector<16xf32>
    %jit3A_1097 = arith.constant 1 : i32
    %jit3A_1098 = arith.constant 0 : i32
    %broadcast_in_dim3A_1099 = vector.broadcast %jit3A_1097 : i32 to vector<16xi32>
    %broadcast_in_dim3A_1100 = vector.broadcast %jit3A_1098 : i32 to vector<16xi32>
    %select_n3A_1101 = arith.select %gt3A_1096, %broadcast_in_dim3A_1099, %broadcast_in_dim3A_1100 : vector<16xi1>, vector<16xi32>
    %add3A_1102 = arith.addi %add3A_1093, %select_n3A_1101 : vector<16xi32>
    %sub3A_1103 = arith.constant 1 : i32
    %sub3A_1104 = vector.broadcast %sub3A_1103 : i32 to vector<16xi32>
    %sub3A_1105 = arith.subi %add3A_1102, %sub3A_1104 : vector<16xi32>
    %jit3A_1106 = arith.constant 0 : i32
    %jit3A_1107 = arith.constant 9 : i32
    %max3A_1108 = vector.broadcast %jit3A_1106 : i32 to vector<16xi32>
    %max3A_1109 = arith.maxsi %max3A_1108, %sub3A_1105 : vector<16xi32>
    %min3A_1110 = vector.broadcast %jit3A_1107 : i32 to vector<16xi32>
    %min3A_1111 = arith.minsi %min3A_1110, %max3A_1109 : vector<16xi32>
    %gather3A_1112 = tpu.vector_load_idx %arg6[%min3A_1111] : memref<16xf32, #tpu.memory_space<vmem>>[vector<16xi32>], vector<16xf32>,
    %mul3A_1113 = arith.mulf %gather3A_1112, %gather3A_1112 : vector<16xf32>
    %jit3A_1114 = arith.constant 0.00999999977 : f32
    %jit3A_1115 = arith.constant 1.000000e+02 : f32
    %max3A_1116 = vector.broadcast %jit3A_1114 : f32 to vector<16xf32>
    %max3A_1117 = arith.maximumf %max3A_1116, %mul3A_1113 : vector<16xf32>
    %min3A_1118 = vector.broadcast %jit3A_1115 : f32 to vector<16xf32>
    %min3A_1119 = arith.minimumf %min3A_1118, %max3A_1117 : vector<16xf32>
    %div3A_1120 = arith.constant 1.000000e+00 : f32
    %div3A_1121 = vector.broadcast %div3A_1120 : f32 to vector<16xf32>
    %div3A_1122 = arith.divf %div3A_1121, %min3A_1119 : vector<16xf32>
    %mul3A_1123 = arith.mulf %get3A_1001, %div3A_1122 : vector<16xf32>
    %swap3A_1124 = arith.constant 128 : index
    %swap3A_1125 = tpu.vector_load %arg7[%swap3A_1124] {strides = array<i32>} : memref<512xf32, #tpu.memory_space<vmem>>, vector<16xf32>,
    tpu.vector_store %arg7[%swap3A_1124], %mul3A_1123 {strides = array<i32>} : memref<512xf32, #tpu.memory_space<vmem>>, vector<16xf32>,
    %get3A_1126 = arith.constant 144 : index
    %get3A_1127 = tpu.vector_load %arg5[%get3A_1126] {strides = array<i32>} : memref<512xf32, #tpu.memory_space<vmem>>, vector<16xf32>,
    %broadcast_in_dim3A_1128 = arith.constant 0 : i32
    %broadcast_in_dim3A_1129 = vector.broadcast %broadcast_in_dim3A_1128 : i32 to vector<16xi32>
    %gt3A_1130 = arith.constant 0.000000e+00 : f32
    %gt3A_1131 = vector.broadcast %gt3A_1130 : f32 to vector<16xf32>
    %gt3A_1132 = arith.cmpf ogt, %get3A_1127, %gt3A_1131 : vector<16xf32>
    %jit3A_1133 = arith.constant 1 : i32
    %jit3A_1134 = arith.constant 0 : i32
    %broadcast_in_dim3A_1135 = vector.broadcast %jit3A_1133 : i32 to vector<16xi32>
    %broadcast_in_dim3A_1136 = vector.broadcast %jit3A_1134 : i32 to vector<16xi32>
    %select_n3A_1137 = arith.select %gt3A_1132, %broadcast_in_dim3A_1135, %broadcast_in_dim3A_1136 : vector<16xi1>, vector<16xi32>
    %add3A_1138 = arith.addi %broadcast_in_dim3A_1129, %select_n3A_1137 : vector<16xi32>
    %gt3A_1139 = arith.constant 1.000000e-01 : f32
    %gt3A_1140 = vector.broadcast %gt3A_1139 : f32 to vector<16xf32>
    %gt3A_1141 = arith.cmpf ogt, %get3A_1127, %gt3A_1140 : vector<16xf32>
    %jit3A_1142 = arith.constant 1 : i32
    %jit3A_1143 = arith.constant 0 : i32
    %broadcast_in_dim3A_1144 = vector.broadcast %jit3A_1142 : i32 to vector<16xi32>
    %broadcast_in_dim3A_1145 = vector.broadcast %jit3A_1143 : i32 to vector<16xi32>
    %select_n3A_1146 = arith.select %gt3A_1141, %broadcast_in_dim3A_1144, %broadcast_in_dim3A_1145 : vector<16xi1>, vector<16xi32>
    %add3A_1147 = arith.addi %add3A_1138, %select_n3A_1146 : vector<16xi32>
    %gt3A_1148 = arith.constant 2.000000e-01 : f32
    %gt3A_1149 = vector.broadcast %gt3A_1148 : f32 to vector<16xf32>
    %gt3A_1150 = arith.cmpf ogt, %get3A_1127, %gt3A_1149 : vector<16xf32>
    %jit3A_1151 = arith.constant 1 : i32
    %jit3A_1152 = arith.constant 0 : i32
    %broadcast_in_dim3A_1153 = vector.broadcast %jit3A_1151 : i32 to vector<16xi32>
    %broadcast_in_dim3A_1154 = vector.broadcast %jit3A_1152 : i32 to vector<16xi32>
    %select_n3A_1155 = arith.select %gt3A_1150, %broadcast_in_dim3A_1153, %broadcast_in_dim3A_1154 : vector<16xi1>, vector<16xi32>
    %add3A_1156 = arith.addi %add3A_1147, %select_n3A_1155 : vector<16xi32>
    %gt3A_1157 = arith.constant 3.000000e-01 : f32
    %gt3A_1158 = vector.broadcast %gt3A_1157 : f32 to vector<16xf32>
    %gt3A_1159 = arith.cmpf ogt, %get3A_1127, %gt3A_1158 : vector<16xf32>
    %jit3A_1160 = arith.constant 1 : i32
    %jit3A_1161 = arith.constant 0 : i32
    %broadcast_in_dim3A_1162 = vector.broadcast %jit3A_1160 : i32 to vector<16xi32>
    %broadcast_in_dim3A_1163 = vector.broadcast %jit3A_1161 : i32 to vector<16xi32>
    %select_n3A_1164 = arith.select %gt3A_1159, %broadcast_in_dim3A_1162, %broadcast_in_dim3A_1163 : vector<16xi1>, vector<16xi32>
    %add3A_1165 = arith.addi %add3A_1156, %select_n3A_1164 : vector<16xi32>
    %gt3A_1166 = arith.constant 4.000000e-01 : f32
    %gt3A_1167 = vector.broadcast %gt3A_1166 : f32 to vector<16xf32>
    %gt3A_1168 = arith.cmpf ogt, %get3A_1127, %gt3A_1167 : vector<16xf32>
    %jit3A_1169 = arith.constant 1 : i32
    %jit3A_1170 = arith.constant 0 : i32
    %broadcast_in_dim3A_1171 = vector.broadcast %jit3A_1169 : i32 to vector<16xi32>
    %broadcast_in_dim3A_1172 = vector.broadcast %jit3A_1170 : i32 to vector<16xi32>
    %select_n3A_1173 = arith.select %gt3A_1168, %broadcast_in_dim3A_1171, %broadcast_in_dim3A_1172 : vector<16xi1>, vector<16xi32>
    %add3A_1174 = arith.addi %add3A_1165, %select_n3A_1173 : vector<16xi32>
    %gt3A_1175 = arith.constant 5.000000e-01 : f32
    %gt3A_1176 = vector.broadcast %gt3A_1175 : f32 to vector<16xf32>
    %gt3A_1177 = arith.cmpf ogt, %get3A_1127, %gt3A_1176 : vector<16xf32>
    %jit3A_1178 = arith.constant 1 : i32
    %jit3A_1179 = arith.constant 0 : i32
    %broadcast_in_dim3A_1180 = vector.broadcast %jit3A_1178 : i32 to vector<16xi32>
    %broadcast_in_dim3A_1181 = vector.broadcast %jit3A_1179 : i32 to vector<16xi32>
    %select_n3A_1182 = arith.select %gt3A_1177, %broadcast_in_dim3A_1180, %broadcast_in_dim3A_1181 : vector<16xi1>, vector<16xi32>
    %add3A_1183 = arith.addi %add3A_1174, %select_n3A_1182 : vector<16xi32>
    %gt3A_1184 = arith.constant 6.000000e-01 : f32
    %gt3A_1185 = vector.broadcast %gt3A_1184 : f32 to vector<16xf32>
    %gt3A_1186 = arith.cmpf ogt, %get3A_1127, %gt3A_1185 : vector<16xf32>
    %jit3A_1187 = arith.constant 1 : i32
    %jit3A_1188 = arith.constant 0 : i32
    %broadcast_in_dim3A_1189 = vector.broadcast %jit3A_1187 : i32 to vector<16xi32>
    %broadcast_in_dim3A_1190 = vector.broadcast %jit3A_1188 : i32 to vector<16xi32>
    %select_n3A_1191 = arith.select %gt3A_1186, %broadcast_in_dim3A_1189, %broadcast_in_dim3A_1190 : vector<16xi1>, vector<16xi32>
    %add3A_1192 = arith.addi %add3A_1183, %select_n3A_1191 : vector<16xi32>
    %gt3A_1193 = arith.constant 0.699999988 : f32
    %gt3A_1194 = vector.broadcast %gt3A_1193 : f32 to vector<16xf32>
    %gt3A_1195 = arith.cmpf ogt, %get3A_1127, %gt3A_1194 : vector<16xf32>
    %jit3A_1196 = arith.constant 1 : i32
    %jit3A_1197 = arith.constant 0 : i32
    %broadcast_in_dim3A_1198 = vector.broadcast %jit3A_1196 : i32 to vector<16xi32>
    %broadcast_in_dim3A_1199 = vector.broadcast %jit3A_1197 : i32 to vector<16xi32>
    %select_n3A_1200 = arith.select %gt3A_1195, %broadcast_in_dim3A_1198, %broadcast_in_dim3A_1199 : vector<16xi1>, vector<16xi32>
    %add3A_1201 = arith.addi %add3A_1192, %select_n3A_1200 : vector<16xi32>
    %gt3A_1202 = arith.constant 8.000000e-01 : f32
    %gt3A_1203 = vector.broadcast %gt3A_1202 : f32 to vector<16xf32>
    %gt3A_1204 = arith.cmpf ogt, %get3A_1127, %gt3A_1203 : vector<16xf32>
    %jit3A_1205 = arith.constant 1 : i32
    %jit3A_1206 = arith.constant 0 : i32
    %broadcast_in_dim3A_1207 = vector.broadcast %jit3A_1205 : i32 to vector<16xi32>
    %broadcast_in_dim3A_1208 = vector.broadcast %jit3A_1206 : i32 to vector<16xi32>
    %select_n3A_1209 = arith.select %gt3A_1204, %broadcast_in_dim3A_1207, %broadcast_in_dim3A_1208 : vector<16xi1>, vector<16xi32>
    %add3A_1210 = arith.addi %add3A_1201, %select_n3A_1209 : vector<16xi32>
    %gt3A_1211 = arith.constant 0.900000035 : f32
    %gt3A_1212 = vector.broadcast %gt3A_1211 : f32 to vector<16xf32>
    %gt3A_1213 = arith.cmpf ogt, %get3A_1127, %gt3A_1212 : vector<16xf32>
    %jit3A_1214 = arith.constant 1 : i32
    %jit3A_1215 = arith.constant 0 : i32
    %broadcast_in_dim3A_1216 = vector.broadcast %jit3A_1214 : i32 to vector<16xi32>
    %broadcast_in_dim3A_1217 = vector.broadcast %jit3A_1215 : i32 to vector<16xi32>
    %select_n3A_1218 = arith.select %gt3A_1213, %broadcast_in_dim3A_1216, %broadcast_in_dim3A_1217 : vector<16xi1>, vector<16xi32>
    %add3A_1219 = arith.addi %add3A_1210, %select_n3A_1218 : vector<16xi32>
    %gt3A_1220 = arith.constant 1.000000e+00 : f32
    %gt3A_1221 = vector.broadcast %gt3A_1220 : f32 to vector<16xf32>
    %gt3A_1222 = arith.cmpf ogt, %get3A_1127, %gt3A_1221 : vector<16xf32>
    %jit3A_1223 = arith.constant 1 : i32
    %jit3A_1224 = arith.constant 0 : i32
    %broadcast_in_dim3A_1225 = vector.broadcast %jit3A_1223 : i32 to vector<16xi32>
    %broadcast_in_dim3A_1226 = vector.broadcast %jit3A_1224 : i32 to vector<16xi32>
    %select_n3A_1227 = arith.select %gt3A_1222, %broadcast_in_dim3A_1225, %broadcast_in_dim3A_1226 : vector<16xi1>, vector<16xi32>
    %add3A_1228 = arith.addi %add3A_1219, %select_n3A_1227 : vector<16xi32>
    %sub3A_1229 = arith.constant 1 : i32
    %sub3A_1230 = vector.broadcast %sub3A_1229 : i32 to vector<16xi32>
    %sub3A_1231 = arith.subi %add3A_1228, %sub3A_1230 : vector<16xi32>
    %jit3A_1232 = arith.constant 0 : i32
    %jit3A_1233 = arith.constant 9 : i32
    %max3A_1234 = vector.broadcast %jit3A_1232 : i32 to vector<16xi32>
    %max3A_1235 = arith.maxsi %max3A_1234, %sub3A_1231 : vector<16xi32>
    %min3A_1236 = vector.broadcast %jit3A_1233 : i32 to vector<16xi32>
    %min3A_1237 = arith.minsi %min3A_1236, %max3A_1235 : vector<16xi32>
    %gather3A_1238 = tpu.vector_load_idx %arg6[%min3A_1237] : memref<16xf32, #tpu.memory_space<vmem>>[vector<16xi32>], vector<16xf32>,
    %mul3A_1239 = arith.mulf %gather3A_1238, %gather3A_1238 : vector<16xf32>
    %jit3A_1240 = arith.constant 0.00999999977 : f32
    %jit3A_1241 = arith.constant 1.000000e+02 : f32
    %max3A_1242 = vector.broadcast %jit3A_1240 : f32 to vector<16xf32>
    %max3A_1243 = arith.maximumf %max3A_1242, %mul3A_1239 : vector<16xf32>
    %min3A_1244 = vector.broadcast %jit3A_1241 : f32 to vector<16xf32>
    %min3A_1245 = arith.minimumf %min3A_1244, %max3A_1243 : vector<16xf32>
    %div3A_1246 = arith.constant 1.000000e+00 : f32
    %div3A_1247 = vector.broadcast %div3A_1246 : f32 to vector<16xf32>
    %div3A_1248 = arith.divf %div3A_1247, %min3A_1245 : vector<16xf32>
    %mul3A_1249 = arith.mulf %get3A_1127, %div3A_1248 : vector<16xf32>
    %swap3A_1250 = arith.constant 144 : index
    %swap3A_1251 = tpu.vector_load %arg7[%swap3A_1250] {strides = array<i32>} : memref<512xf32, #tpu.memory_space<vmem>>, vector<16xf32>,
    tpu.vector_store %arg7[%swap3A_1250], %mul3A_1249 {strides = array<i32>} : memref<512xf32, #tpu.memory_space<vmem>>, vector<16xf32>,
    %get3A_1252 = arith.constant 160 : index
    %get3A_1253 = tpu.vector_load %arg5[%get3A_1252] {strides = array<i32>} : memref<512xf32, #tpu.memory_space<vmem>>, vector<16xf32>,
    %broadcast_in_dim3A_1254 = arith.constant 0 : i32
    %broadcast_in_dim3A_1255 = vector.broadcast %broadcast_in_dim3A_1254 : i32 to vector<16xi32>
    %gt3A_1256 = arith.constant 0.000000e+00 : f32
    %gt3A_1257 = vector.broadcast %gt3A_1256 : f32 to vector<16xf32>
    %gt3A_1258 = arith.cmpf ogt, %get3A_1253, %gt3A_1257 : vector<16xf32>
    %jit3A_1259 = arith.constant 1 : i32
    %jit3A_1260 = arith.constant 0 : i32
    %broadcast_in_dim3A_1261 = vector.broadcast %jit3A_1259 : i32 to vector<16xi32>
    %broadcast_in_dim3A_1262 = vector.broadcast %jit3A_1260 : i32 to vector<16xi32>
    %select_n3A_1263 = arith.select %gt3A_1258, %broadcast_in_dim3A_1261, %broadcast_in_dim3A_1262 : vector<16xi1>, vector<16xi32>
    %add3A_1264 = arith.addi %broadcast_in_dim3A_1255, %select_n3A_1263 : vector<16xi32>
    %gt3A_1265 = arith.constant 1.000000e-01 : f32
    %gt3A_1266 = vector.broadcast %gt3A_1265 : f32 to vector<16xf32>
    %gt3A_1267 = arith.cmpf ogt, %get3A_1253, %gt3A_1266 : vector<16xf32>
    %jit3A_1268 = arith.constant 1 : i32
    %jit3A_1269 = arith.constant 0 : i32
    %broadcast_in_dim3A_1270 = vector.broadcast %jit3A_1268 : i32 to vector<16xi32>
    %broadcast_in_dim3A_1271 = vector.broadcast %jit3A_1269 : i32 to vector<16xi32>
    %select_n3A_1272 = arith.select %gt3A_1267, %broadcast_in_dim3A_1270, %broadcast_in_dim3A_1271 : vector<16xi1>, vector<16xi32>
    %add3A_1273 = arith.addi %add3A_1264, %select_n3A_1272 : vector<16xi32>
    %gt3A_1274 = arith.constant 2.000000e-01 : f32
    %gt3A_1275 = vector.broadcast %gt3A_1274 : f32 to vector<16xf32>
    %gt3A_1276 = arith.cmpf ogt, %get3A_1253, %gt3A_1275 : vector<16xf32>
    %jit3A_1277 = arith.constant 1 : i32
    %jit3A_1278 = arith.constant 0 : i32
    %broadcast_in_dim3A_1279 = vector.broadcast %jit3A_1277 : i32 to vector<16xi32>
    %broadcast_in_dim3A_1280 = vector.broadcast %jit3A_1278 : i32 to vector<16xi32>
    %select_n3A_1281 = arith.select %gt3A_1276, %broadcast_in_dim3A_1279, %broadcast_in_dim3A_1280 : vector<16xi1>, vector<16xi32>
    %add3A_1282 = arith.addi %add3A_1273, %select_n3A_1281 : vector<16xi32>
    %gt3A_1283 = arith.constant 3.000000e-01 : f32
    %gt3A_1284 = vector.broadcast %gt3A_1283 : f32 to vector<16xf32>
    %gt3A_1285 = arith.cmpf ogt, %get3A_1253, %gt3A_1284 : vector<16xf32>
    %jit3A_1286 = arith.constant 1 : i32
    %jit3A_1287 = arith.constant 0 : i32
    %broadcast_in_dim3A_1288 = vector.broadcast %jit3A_1286 : i32 to vector<16xi32>
    %broadcast_in_dim3A_1289 = vector.broadcast %jit3A_1287 : i32 to vector<16xi32>
    %select_n3A_1290 = arith.select %gt3A_1285, %broadcast_in_dim3A_1288, %broadcast_in_dim3A_1289 : vector<16xi1>, vector<16xi32>
    %add3A_1291 = arith.addi %add3A_1282, %select_n3A_1290 : vector<16xi32>
    %gt3A_1292 = arith.constant 4.000000e-01 : f32
    %gt3A_1293 = vector.broadcast %gt3A_1292 : f32 to vector<16xf32>
    %gt3A_1294 = arith.cmpf ogt, %get3A_1253, %gt3A_1293 : vector<16xf32>
    %jit3A_1295 = arith.constant 1 : i32
    %jit3A_1296 = arith.constant 0 : i32
    %broadcast_in_dim3A_1297 = vector.broadcast %jit3A_1295 : i32 to vector<16xi32>
    %broadcast_in_dim3A_1298 = vector.broadcast %jit3A_1296 : i32 to vector<16xi32>
    %select_n3A_1299 = arith.select %gt3A_1294, %broadcast_in_dim3A_1297, %broadcast_in_dim3A_1298 : vector<16xi1>, vector<16xi32>
    %add3A_1300 = arith.addi %add3A_1291, %select_n3A_1299 : vector<16xi32>
    %gt3A_1301 = arith.constant 5.000000e-01 : f32
    %gt3A_1302 = vector.broadcast %gt3A_1301 : f32 to vector<16xf32>
    %gt3A_1303 = arith.cmpf ogt, %get3A_1253, %gt3A_1302 : vector<16xf32>
    %jit3A_1304 = arith.constant 1 : i32
    %jit3A_1305 = arith.constant 0 : i32
    %broadcast_in_dim3A_1306 = vector.broadcast %jit3A_1304 : i32 to vector<16xi32>
    %broadcast_in_dim3A_1307 = vector.broadcast %jit3A_1305 : i32 to vector<16xi32>
    %select_n3A_1308 = arith.select %gt3A_1303, %broadcast_in_dim3A_1306, %broadcast_in_dim3A_1307 : vector<16xi1>, vector<16xi32>
    %add3A_1309 = arith.addi %add3A_1300, %select_n3A_1308 : vector<16xi32>
    %gt3A_1310 = arith.constant 6.000000e-01 : f32
    %gt3A_1311 = vector.broadcast %gt3A_1310 : f32 to vector<16xf32>
    %gt3A_1312 = arith.cmpf ogt, %get3A_1253, %gt3A_1311 : vector<16xf32>
    %jit3A_1313 = arith.constant 1 : i32
    %jit3A_1314 = arith.constant 0 : i32
    %broadcast_in_dim3A_1315 = vector.broadcast %jit3A_1313 : i32 to vector<16xi32>
    %broadcast_in_dim3A_1316 = vector.broadcast %jit3A_1314 : i32 to vector<16xi32>
    %select_n3A_1317 = arith.select %gt3A_1312, %broadcast_in_dim3A_1315, %broadcast_in_dim3A_1316 : vector<16xi1>, vector<16xi32>
    %add3A_1318 = arith.addi %add3A_1309, %select_n3A_1317 : vector<16xi32>
    %gt3A_1319 = arith.constant 0.699999988 : f32
    %gt3A_1320 = vector.broadcast %gt3A_1319 : f32 to vector<16xf32>
    %gt3A_1321 = arith.cmpf ogt, %get3A_1253, %gt3A_1320 : vector<16xf32>
    %jit3A_1322 = arith.constant 1 : i32
    %jit3A_1323 = arith.constant 0 : i32
    %broadcast_in_dim3A_1324 = vector.broadcast %jit3A_1322 : i32 to vector<16xi32>
    %broadcast_in_dim3A_1325 = vector.broadcast %jit3A_1323 : i32 to vector<16xi32>
    %select_n3A_1326 = arith.select %gt3A_1321, %broadcast_in_dim3A_1324, %broadcast_in_dim3A_1325 : vector<16xi1>, vector<16xi32>
    %add3A_1327 = arith.addi %add3A_1318, %select_n3A_1326 : vector<16xi32>
    %gt3A_1328 = arith.constant 8.000000e-01 : f32
    %gt3A_1329 = vector.broadcast %gt3A_1328 : f32 to vector<16xf32>
    %gt3A_1330 = arith.cmpf ogt, %get3A_1253, %gt3A_1329 : vector<16xf32>
    %jit3A_1331 = arith.constant 1 : i32
    %jit3A_1332 = arith.constant 0 : i32
    %broadcast_in_dim3A_1333 = vector.broadcast %jit3A_1331 : i32 to vector<16xi32>
    %broadcast_in_dim3A_1334 = vector.broadcast %jit3A_1332 : i32 to vector<16xi32>
    %select_n3A_1335 = arith.select %gt3A_1330, %broadcast_in_dim3A_1333, %broadcast_in_dim3A_1334 : vector<16xi1>, vector<16xi32>
    %add3A_1336 = arith.addi %add3A_1327, %select_n3A_1335 : vector<16xi32>
    %gt3A_1337 = arith.constant 0.900000035 : f32
    %gt3A_1338 = vector.broadcast %gt3A_1337 : f32 to vector<16xf32>
    %gt3A_1339 = arith.cmpf ogt, %get3A_1253, %gt3A_1338 : vector<16xf32>
    %jit3A_1340 = arith.constant 1 : i32
    %jit3A_1341 = arith.constant 0 : i32
    %broadcast_in_dim3A_1342 = vector.broadcast %jit3A_1340 : i32 to vector<16xi32>
    %broadcast_in_dim3A_1343 = vector.broadcast %jit3A_1341 : i32 to vector<16xi32>
    %select_n3A_1344 = arith.select %gt3A_1339, %broadcast_in_dim3A_1342, %broadcast_in_dim3A_1343 : vector<16xi1>, vector<16xi32>
    %add3A_1345 = arith.addi %add3A_1336, %select_n3A_1344 : vector<16xi32>
    %gt3A_1346 = arith.constant 1.000000e+00 : f32
    %gt3A_1347 = vector.broadcast %gt3A_1346 : f32 to vector<16xf32>
    %gt3A_1348 = arith.cmpf ogt, %get3A_1253, %gt3A_1347 : vector<16xf32>
    %jit3A_1349 = arith.constant 1 : i32
    %jit3A_1350 = arith.constant 0 : i32
    %broadcast_in_dim3A_1351 = vector.broadcast %jit3A_1349 : i32 to vector<16xi32>
    %broadcast_in_dim3A_1352 = vector.broadcast %jit3A_1350 : i32 to vector<16xi32>
    %select_n3A_1353 = arith.select %gt3A_1348, %broadcast_in_dim3A_1351, %broadcast_in_dim3A_1352 : vector<16xi1>, vector<16xi32>
    %add3A_1354 = arith.addi %add3A_1345, %select_n3A_1353 : vector<16xi32>
    %sub3A_1355 = arith.constant 1 : i32
    %sub3A_1356 = vector.broadcast %sub3A_1355 : i32 to vector<16xi32>
    %sub3A_1357 = arith.subi %add3A_1354, %sub3A_1356 : vector<16xi32>
    %jit3A_1358 = arith.constant 0 : i32
    %jit3A_1359 = arith.constant 9 : i32
    %max3A_1360 = vector.broadcast %jit3A_1358 : i32 to vector<16xi32>
    %max3A_1361 = arith.maxsi %max3A_1360, %sub3A_1357 : vector<16xi32>
    %min3A_1362 = vector.broadcast %jit3A_1359 : i32 to vector<16xi32>
    %min3A_1363 = arith.minsi %min3A_1362, %max3A_1361 : vector<16xi32>
    %gather3A_1364 = tpu.vector_load_idx %arg6[%min3A_1363] : memref<16xf32, #tpu.memory_space<vmem>>[vector<16xi32>], vector<16xf32>,
    %mul3A_1365 = arith.mulf %gather3A_1364, %gather3A_1364 : vector<16xf32>
    %jit3A_1366 = arith.constant 0.00999999977 : f32
    %jit3A_1367 = arith.constant 1.000000e+02 : f32
    %max3A_1368 = vector.broadcast %jit3A_1366 : f32 to vector<16xf32>
    %max3A_1369 = arith.maximumf %max3A_1368, %mul3A_1365 : vector<16xf32>
    %min3A_1370 = vector.broadcast %jit3A_1367 : f32 to vector<16xf32>
    %min3A_1371 = arith.minimumf %min3A_1370, %max3A_1369 : vector<16xf32>
    %div3A_1372 = arith.constant 1.000000e+00 : f32
    %div3A_1373 = vector.broadcast %div3A_1372 : f32 to vector<16xf32>
    %div3A_1374 = arith.divf %div3A_1373, %min3A_1371 : vector<16xf32>
    %mul3A_1375 = arith.mulf %get3A_1253, %div3A_1374 : vector<16xf32>
    %swap3A_1376 = arith.constant 160 : index
    %swap3A_1377 = tpu.vector_load %arg7[%swap3A_1376] {strides = array<i32>} : memref<512xf32, #tpu.memory_space<vmem>>, vector<16xf32>,
    tpu.vector_store %arg7[%swap3A_1376], %mul3A_1375 {strides = array<i32>} : memref<512xf32, #tpu.memory_space<vmem>>, vector<16xf32>,
    %get3A_1378 = arith.constant 176 : index
    %get3A_1379 = tpu.vector_load %arg5[%get3A_1378] {strides = array<i32>} : memref<512xf32, #tpu.memory_space<vmem>>, vector<16xf32>,
    %broadcast_in_dim3A_1380 = arith.constant 0 : i32
    %broadcast_in_dim3A_1381 = vector.broadcast %broadcast_in_dim3A_1380 : i32 to vector<16xi32>
    %gt3A_1382 = arith.constant 0.000000e+00 : f32
    %gt3A_1383 = vector.broadcast %gt3A_1382 : f32 to vector<16xf32>
    %gt3A_1384 = arith.cmpf ogt, %get3A_1379, %gt3A_1383 : vector<16xf32>
    %jit3A_1385 = arith.constant 1 : i32
    %jit3A_1386 = arith.constant 0 : i32
    %broadcast_in_dim3A_1387 = vector.broadcast %jit3A_1385 : i32 to vector<16xi32>
    %broadcast_in_dim3A_1388 = vector.broadcast %jit3A_1386 : i32 to vector<16xi32>
    %select_n3A_1389 = arith.select %gt3A_1384, %broadcast_in_dim3A_1387, %broadcast_in_dim3A_1388 : vector<16xi1>, vector<16xi32>
    %add3A_1390 = arith.addi %broadcast_in_dim3A_1381, %select_n3A_1389 : vector<16xi32>
    %gt3A_1391 = arith.constant 1.000000e-01 : f32
    %gt3A_1392 = vector.broadcast %gt3A_1391 : f32 to vector<16xf32>
    %gt3A_1393 = arith.cmpf ogt, %get3A_1379, %gt3A_1392 : vector<16xf32>
    %jit3A_1394 = arith.constant 1 : i32
    %jit3A_1395 = arith.constant 0 : i32
    %broadcast_in_dim3A_1396 = vector.broadcast %jit3A_1394 : i32 to vector<16xi32>
    %broadcast_in_dim3A_1397 = vector.broadcast %jit3A_1395 : i32 to vector<16xi32>
    %select_n3A_1398 = arith.select %gt3A_1393, %broadcast_in_dim3A_1396, %broadcast_in_dim3A_1397 : vector<16xi1>, vector<16xi32>
    %add3A_1399 = arith.addi %add3A_1390, %select_n3A_1398 : vector<16xi32>
    %gt3A_1400 = arith.constant 2.000000e-01 : f32
    %gt3A_1401 = vector.broadcast %gt3A_1400 : f32 to vector<16xf32>
    %gt3A_1402 = arith.cmpf ogt, %get3A_1379, %gt3A_1401 : vector<16xf32>
    %jit3A_1403 = arith.constant 1 : i32
    %jit3A_1404 = arith.constant 0 : i32
    %broadcast_in_dim3A_1405 = vector.broadcast %jit3A_1403 : i32 to vector<16xi32>
    %broadcast_in_dim3A_1406 = vector.broadcast %jit3A_1404 : i32 to vector<16xi32>
    %select_n3A_1407 = arith.select %gt3A_1402, %broadcast_in_dim3A_1405, %broadcast_in_dim3A_1406 : vector<16xi1>, vector<16xi32>
    %add3A_1408 = arith.addi %add3A_1399, %select_n3A_1407 : vector<16xi32>
    %gt3A_1409 = arith.constant 3.000000e-01 : f32
    %gt3A_1410 = vector.broadcast %gt3A_1409 : f32 to vector<16xf32>
    %gt3A_1411 = arith.cmpf ogt, %get3A_1379, %gt3A_1410 : vector<16xf32>
    %jit3A_1412 = arith.constant 1 : i32
    %jit3A_1413 = arith.constant 0 : i32
    %broadcast_in_dim3A_1414 = vector.broadcast %jit3A_1412 : i32 to vector<16xi32>
    %broadcast_in_dim3A_1415 = vector.broadcast %jit3A_1413 : i32 to vector<16xi32>
    %select_n3A_1416 = arith.select %gt3A_1411, %broadcast_in_dim3A_1414, %broadcast_in_dim3A_1415 : vector<16xi1>, vector<16xi32>
    %add3A_1417 = arith.addi %add3A_1408, %select_n3A_1416 : vector<16xi32>
    %gt3A_1418 = arith.constant 4.000000e-01 : f32
    %gt3A_1419 = vector.broadcast %gt3A_1418 : f32 to vector<16xf32>
    %gt3A_1420 = arith.cmpf ogt, %get3A_1379, %gt3A_1419 : vector<16xf32>
    %jit3A_1421 = arith.constant 1 : i32
    %jit3A_1422 = arith.constant 0 : i32
    %broadcast_in_dim3A_1423 = vector.broadcast %jit3A_1421 : i32 to vector<16xi32>
    %broadcast_in_dim3A_1424 = vector.broadcast %jit3A_1422 : i32 to vector<16xi32>
    %select_n3A_1425 = arith.select %gt3A_1420, %broadcast_in_dim3A_1423, %broadcast_in_dim3A_1424 : vector<16xi1>, vector<16xi32>
    %add3A_1426 = arith.addi %add3A_1417, %select_n3A_1425 : vector<16xi32>
    %gt3A_1427 = arith.constant 5.000000e-01 : f32
    %gt3A_1428 = vector.broadcast %gt3A_1427 : f32 to vector<16xf32>
    %gt3A_1429 = arith.cmpf ogt, %get3A_1379, %gt3A_1428 : vector<16xf32>
    %jit3A_1430 = arith.constant 1 : i32
    %jit3A_1431 = arith.constant 0 : i32
    %broadcast_in_dim3A_1432 = vector.broadcast %jit3A_1430 : i32 to vector<16xi32>
    %broadcast_in_dim3A_1433 = vector.broadcast %jit3A_1431 : i32 to vector<16xi32>
    %select_n3A_1434 = arith.select %gt3A_1429, %broadcast_in_dim3A_1432, %broadcast_in_dim3A_1433 : vector<16xi1>, vector<16xi32>
    %add3A_1435 = arith.addi %add3A_1426, %select_n3A_1434 : vector<16xi32>
    %gt3A_1436 = arith.constant 6.000000e-01 : f32
    %gt3A_1437 = vector.broadcast %gt3A_1436 : f32 to vector<16xf32>
    %gt3A_1438 = arith.cmpf ogt, %get3A_1379, %gt3A_1437 : vector<16xf32>
    %jit3A_1439 = arith.constant 1 : i32
    %jit3A_1440 = arith.constant 0 : i32
    %broadcast_in_dim3A_1441 = vector.broadcast %jit3A_1439 : i32 to vector<16xi32>
    %broadcast_in_dim3A_1442 = vector.broadcast %jit3A_1440 : i32 to vector<16xi32>
    %select_n3A_1443 = arith.select %gt3A_1438, %broadcast_in_dim3A_1441, %broadcast_in_dim3A_1442 : vector<16xi1>, vector<16xi32>
    %add3A_1444 = arith.addi %add3A_1435, %select_n3A_1443 : vector<16xi32>
    %gt3A_1445 = arith.constant 0.699999988 : f32
    %gt3A_1446 = vector.broadcast %gt3A_1445 : f32 to vector<16xf32>
    %gt3A_1447 = arith.cmpf ogt, %get3A_1379, %gt3A_1446 : vector<16xf32>
    %jit3A_1448 = arith.constant 1 : i32
    %jit3A_1449 = arith.constant 0 : i32
    %broadcast_in_dim3A_1450 = vector.broadcast %jit3A_1448 : i32 to vector<16xi32>
    %broadcast_in_dim3A_1451 = vector.broadcast %jit3A_1449 : i32 to vector<16xi32>
    %select_n3A_1452 = arith.select %gt3A_1447, %broadcast_in_dim3A_1450, %broadcast_in_dim3A_1451 : vector<16xi1>, vector<16xi32>
    %add3A_1453 = arith.addi %add3A_1444, %select_n3A_1452 : vector<16xi32>
    %gt3A_1454 = arith.constant 8.000000e-01 : f32
    %gt3A_1455 = vector.broadcast %gt3A_1454 : f32 to vector<16xf32>
    %gt3A_1456 = arith.cmpf ogt, %get3A_1379, %gt3A_1455 : vector<16xf32>
    %jit3A_1457 = arith.constant 1 : i32
    %jit3A_1458 = arith.constant 0 : i32
    %broadcast_in_dim3A_1459 = vector.broadcast %jit3A_1457 : i32 to vector<16xi32>
    %broadcast_in_dim3A_1460 = vector.broadcast %jit3A_1458 : i32 to vector<16xi32>
    %select_n3A_1461 = arith.select %gt3A_1456, %broadcast_in_dim3A_1459, %broadcast_in_dim3A_1460 : vector<16xi1>, vector<16xi32>
    %add3A_1462 = arith.addi %add3A_1453, %select_n3A_1461 : vector<16xi32>
    %gt3A_1463 = arith.constant 0.900000035 : f32
    %gt3A_1464 = vector.broadcast %gt3A_1463 : f32 to vector<16xf32>
    %gt3A_1465 = arith.cmpf ogt, %get3A_1379, %gt3A_1464 : vector<16xf32>
    %jit3A_1466 = arith.constant 1 : i32
    %jit3A_1467 = arith.constant 0 : i32
    %broadcast_in_dim3A_1468 = vector.broadcast %jit3A_1466 : i32 to vector<16xi32>
    %broadcast_in_dim3A_1469 = vector.broadcast %jit3A_1467 : i32 to vector<16xi32>
    %select_n3A_1470 = arith.select %gt3A_1465, %broadcast_in_dim3A_1468, %broadcast_in_dim3A_1469 : vector<16xi1>, vector<16xi32>
    %add3A_1471 = arith.addi %add3A_1462, %select_n3A_1470 : vector<16xi32>
    %gt3A_1472 = arith.constant 1.000000e+00 : f32
    %gt3A_1473 = vector.broadcast %gt3A_1472 : f32 to vector<16xf32>
    %gt3A_1474 = arith.cmpf ogt, %get3A_1379, %gt3A_1473 : vector<16xf32>
    %jit3A_1475 = arith.constant 1 : i32
    %jit3A_1476 = arith.constant 0 : i32
    %broadcast_in_dim3A_1477 = vector.broadcast %jit3A_1475 : i32 to vector<16xi32>
    %broadcast_in_dim3A_1478 = vector.broadcast %jit3A_1476 : i32 to vector<16xi32>
    %select_n3A_1479 = arith.select %gt3A_1474, %broadcast_in_dim3A_1477, %broadcast_in_dim3A_1478 : vector<16xi1>, vector<16xi32>
    %add3A_1480 = arith.addi %add3A_1471, %select_n3A_1479 : vector<16xi32>
    %sub3A_1481 = arith.constant 1 : i32
    %sub3A_1482 = vector.broadcast %sub3A_1481 : i32 to vector<16xi32>
    %sub3A_1483 = arith.subi %add3A_1480, %sub3A_1482 : vector<16xi32>
    %jit3A_1484 = arith.constant 0 : i32
    %jit3A_1485 = arith.constant 9 : i32
    %max3A_1486 = vector.broadcast %jit3A_1484 : i32 to vector<16xi32>
    %max3A_1487 = arith.maxsi %max3A_1486, %sub3A_1483 : vector<16xi32>
    %min3A_1488 = vector.broadcast %jit3A_1485 : i32 to vector<16xi32>
    %min3A_1489 = arith.minsi %min3A_1488, %max3A_1487 : vector<16xi32>
    %gather3A_1490 = tpu.vector_load_idx %arg6[%min3A_1489] : memref<16xf32, #tpu.memory_space<vmem>>[vector<16xi32>], vector<16xf32>,
    %mul3A_1491 = arith.mulf %gather3A_1490, %gather3A_1490 : vector<16xf32>
    %jit3A_1492 = arith.constant 0.00999999977 : f32
    %jit3A_1493 = arith.constant 1.000000e+02 : f32
    %max3A_1494 = vector.broadcast %jit3A_1492 : f32 to vector<16xf32>
    %max3A_1495 = arith.maximumf %max3A_1494, %mul3A_1491 : vector<16xf32>
    %min3A_1496 = vector.broadcast %jit3A_1493 : f32 to vector<16xf32>
    %min3A_1497 = arith.minimumf %min3A_1496, %max3A_1495 : vector<16xf32>
    %div3A_1498 = arith.constant 1.000000e+00 : f32
    %div3A_1499 = vector.broadcast %div3A_1498 : f32 to vector<16xf32>
    %div3A_1500 = arith.divf %div3A_1499, %min3A_1497 : vector<16xf32>
    %mul3A_1501 = arith.mulf %get3A_1379, %div3A_1500 : vector<16xf32>
    %swap3A_1502 = arith.constant 176 : index
    %swap3A_1503 = tpu.vector_load %arg7[%swap3A_1502] {strides = array<i32>} : memref<512xf32, #tpu.memory_space<vmem>>, vector<16xf32>,
    tpu.vector_store %arg7[%swap3A_1502], %mul3A_1501 {strides = array<i32>} : memref<512xf32, #tpu.memory_space<vmem>>, vector<16xf32>,
    %get3A_1504 = arith.constant 192 : index
    %get3A_1505 = tpu.vector_load %arg5[%get3A_1504] {strides = array<i32>} : memref<512xf32, #tpu.memory_space<vmem>>, vector<16xf32>,
    %broadcast_in_dim3A_1506 = arith.constant 0 : i32
    %broadcast_in_dim3A_1507 = vector.broadcast %broadcast_in_dim3A_1506 : i32 to vector<16xi32>
    %gt3A_1508 = arith.constant 0.000000e+00 : f32
    %gt3A_1509 = vector.broadcast %gt3A_1508 : f32 to vector<16xf32>
    %gt3A_1510 = arith.cmpf ogt, %get3A_1505, %gt3A_1509 : vector<16xf32>
    %jit3A_1511 = arith.constant 1 : i32
    %jit3A_1512 = arith.constant 0 : i32
    %broadcast_in_dim3A_1513 = vector.broadcast %jit3A_1511 : i32 to vector<16xi32>
    %broadcast_in_dim3A_1514 = vector.broadcast %jit3A_1512 : i32 to vector<16xi32>
    %select_n3A_1515 = arith.select %gt3A_1510, %broadcast_in_dim3A_1513, %broadcast_in_dim3A_1514 : vector<16xi1>, vector<16xi32>
    %add3A_1516 = arith.addi %broadcast_in_dim3A_1507, %select_n3A_1515 : vector<16xi32>
    %gt3A_1517 = arith.constant 1.000000e-01 : f32
    %gt3A_1518 = vector.broadcast %gt3A_1517 : f32 to vector<16xf32>
    %gt3A_1519 = arith.cmpf ogt, %get3A_1505, %gt3A_1518 : vector<16xf32>
    %jit3A_1520 = arith.constant 1 : i32
    %jit3A_1521 = arith.constant 0 : i32
    %broadcast_in_dim3A_1522 = vector.broadcast %jit3A_1520 : i32 to vector<16xi32>
    %broadcast_in_dim3A_1523 = vector.broadcast %jit3A_1521 : i32 to vector<16xi32>
    %select_n3A_1524 = arith.select %gt3A_1519, %broadcast_in_dim3A_1522, %broadcast_in_dim3A_1523 : vector<16xi1>, vector<16xi32>
    %add3A_1525 = arith.addi %add3A_1516, %select_n3A_1524 : vector<16xi32>
    %gt3A_1526 = arith.constant 2.000000e-01 : f32
    %gt3A_1527 = vector.broadcast %gt3A_1526 : f32 to vector<16xf32>
    %gt3A_1528 = arith.cmpf ogt, %get3A_1505, %gt3A_1527 : vector<16xf32>
    %jit3A_1529 = arith.constant 1 : i32
    %jit3A_1530 = arith.constant 0 : i32
    %broadcast_in_dim3A_1531 = vector.broadcast %jit3A_1529 : i32 to vector<16xi32>
    %broadcast_in_dim3A_1532 = vector.broadcast %jit3A_1530 : i32 to vector<16xi32>
    %select_n3A_1533 = arith.select %gt3A_1528, %broadcast_in_dim3A_1531, %broadcast_in_dim3A_1532 : vector<16xi1>, vector<16xi32>
    %add3A_1534 = arith.addi %add3A_1525, %select_n3A_1533 : vector<16xi32>
    %gt3A_1535 = arith.constant 3.000000e-01 : f32
    %gt3A_1536 = vector.broadcast %gt3A_1535 : f32 to vector<16xf32>
    %gt3A_1537 = arith.cmpf ogt, %get3A_1505, %gt3A_1536 : vector<16xf32>
    %jit3A_1538 = arith.constant 1 : i32
    %jit3A_1539 = arith.constant 0 : i32
    %broadcast_in_dim3A_1540 = vector.broadcast %jit3A_1538 : i32 to vector<16xi32>
    %broadcast_in_dim3A_1541 = vector.broadcast %jit3A_1539 : i32 to vector<16xi32>
    %select_n3A_1542 = arith.select %gt3A_1537, %broadcast_in_dim3A_1540, %broadcast_in_dim3A_1541 : vector<16xi1>, vector<16xi32>
    %add3A_1543 = arith.addi %add3A_1534, %select_n3A_1542 : vector<16xi32>
    %gt3A_1544 = arith.constant 4.000000e-01 : f32
    %gt3A_1545 = vector.broadcast %gt3A_1544 : f32 to vector<16xf32>
    %gt3A_1546 = arith.cmpf ogt, %get3A_1505, %gt3A_1545 : vector<16xf32>
    %jit3A_1547 = arith.constant 1 : i32
    %jit3A_1548 = arith.constant 0 : i32
    %broadcast_in_dim3A_1549 = vector.broadcast %jit3A_1547 : i32 to vector<16xi32>
    %broadcast_in_dim3A_1550 = vector.broadcast %jit3A_1548 : i32 to vector<16xi32>
    %select_n3A_1551 = arith.select %gt3A_1546, %broadcast_in_dim3A_1549, %broadcast_in_dim3A_1550 : vector<16xi1>, vector<16xi32>
    %add3A_1552 = arith.addi %add3A_1543, %select_n3A_1551 : vector<16xi32>
    %gt3A_1553 = arith.constant 5.000000e-01 : f32
    %gt3A_1554 = vector.broadcast %gt3A_1553 : f32 to vector<16xf32>
    %gt3A_1555 = arith.cmpf ogt, %get3A_1505, %gt3A_1554 : vector<16xf32>
    %jit3A_1556 = arith.constant 1 : i32
    %jit3A_1557 = arith.constant 0 : i32
    %broadcast_in_dim3A_1558 = vector.broadcast %jit3A_1556 : i32 to vector<16xi32>
    %broadcast_in_dim3A_1559 = vector.broadcast %jit3A_1557 : i32 to vector<16xi32>
    %select_n3A_1560 = arith.select %gt3A_1555, %broadcast_in_dim3A_1558, %broadcast_in_dim3A_1559 : vector<16xi1>, vector<16xi32>
    %add3A_1561 = arith.addi %add3A_1552, %select_n3A_1560 : vector<16xi32>
    %gt3A_1562 = arith.constant 6.000000e-01 : f32
    %gt3A_1563 = vector.broadcast %gt3A_1562 : f32 to vector<16xf32>
    %gt3A_1564 = arith.cmpf ogt, %get3A_1505, %gt3A_1563 : vector<16xf32>
    %jit3A_1565 = arith.constant 1 : i32
    %jit3A_1566 = arith.constant 0 : i32
    %broadcast_in_dim3A_1567 = vector.broadcast %jit3A_1565 : i32 to vector<16xi32>
    %broadcast_in_dim3A_1568 = vector.broadcast %jit3A_1566 : i32 to vector<16xi32>
    %select_n3A_1569 = arith.select %gt3A_1564, %broadcast_in_dim3A_1567, %broadcast_in_dim3A_1568 : vector<16xi1>, vector<16xi32>
    %add3A_1570 = arith.addi %add3A_1561, %select_n3A_1569 : vector<16xi32>
    %gt3A_1571 = arith.constant 0.699999988 : f32
    %gt3A_1572 = vector.broadcast %gt3A_1571 : f32 to vector<16xf32>
    %gt3A_1573 = arith.cmpf ogt, %get3A_1505, %gt3A_1572 : vector<16xf32>
    %jit3A_1574 = arith.constant 1 : i32
    %jit3A_1575 = arith.constant 0 : i32
    %broadcast_in_dim3A_1576 = vector.broadcast %jit3A_1574 : i32 to vector<16xi32>
    %broadcast_in_dim3A_1577 = vector.broadcast %jit3A_1575 : i32 to vector<16xi32>
    %select_n3A_1578 = arith.select %gt3A_1573, %broadcast_in_dim3A_1576, %broadcast_in_dim3A_1577 : vector<16xi1>, vector<16xi32>
    %add3A_1579 = arith.addi %add3A_1570, %select_n3A_1578 : vector<16xi32>
    %gt3A_1580 = arith.constant 8.000000e-01 : f32
    %gt3A_1581 = vector.broadcast %gt3A_1580 : f32 to vector<16xf32>
    %gt3A_1582 = arith.cmpf ogt, %get3A_1505, %gt3A_1581 : vector<16xf32>
    %jit3A_1583 = arith.constant 1 : i32
    %jit3A_1584 = arith.constant 0 : i32
    %broadcast_in_dim3A_1585 = vector.broadcast %jit3A_1583 : i32 to vector<16xi32>
    %broadcast_in_dim3A_1586 = vector.broadcast %jit3A_1584 : i32 to vector<16xi32>
    %select_n3A_1587 = arith.select %gt3A_1582, %broadcast_in_dim3A_1585, %broadcast_in_dim3A_1586 : vector<16xi1>, vector<16xi32>
    %add3A_1588 = arith.addi %add3A_1579, %select_n3A_1587 : vector<16xi32>
    %gt3A_1589 = arith.constant 0.900000035 : f32
    %gt3A_1590 = vector.broadcast %gt3A_1589 : f32 to vector<16xf32>
    %gt3A_1591 = arith.cmpf ogt, %get3A_1505, %gt3A_1590 : vector<16xf32>
    %jit3A_1592 = arith.constant 1 : i32
    %jit3A_1593 = arith.constant 0 : i32
    %broadcast_in_dim3A_1594 = vector.broadcast %jit3A_1592 : i32 to vector<16xi32>
    %broadcast_in_dim3A_1595 = vector.broadcast %jit3A_1593 : i32 to vector<16xi32>
    %select_n3A_1596 = arith.select %gt3A_1591, %broadcast_in_dim3A_1594, %broadcast_in_dim3A_1595 : vector<16xi1>, vector<16xi32>
    %add3A_1597 = arith.addi %add3A_1588, %select_n3A_1596 : vector<16xi32>
    %gt3A_1598 = arith.constant 1.000000e+00 : f32
    %gt3A_1599 = vector.broadcast %gt3A_1598 : f32 to vector<16xf32>
    %gt3A_1600 = arith.cmpf ogt, %get3A_1505, %gt3A_1599 : vector<16xf32>
    %jit3A_1601 = arith.constant 1 : i32
    %jit3A_1602 = arith.constant 0 : i32
    %broadcast_in_dim3A_1603 = vector.broadcast %jit3A_1601 : i32 to vector<16xi32>
    %broadcast_in_dim3A_1604 = vector.broadcast %jit3A_1602 : i32 to vector<16xi32>
    %select_n3A_1605 = arith.select %gt3A_1600, %broadcast_in_dim3A_1603, %broadcast_in_dim3A_1604 : vector<16xi1>, vector<16xi32>
    %add3A_1606 = arith.addi %add3A_1597, %select_n3A_1605 : vector<16xi32>
    %sub3A_1607 = arith.constant 1 : i32
    %sub3A_1608 = vector.broadcast %sub3A_1607 : i32 to vector<16xi32>
    %sub3A_1609 = arith.subi %add3A_1606, %sub3A_1608 : vector<16xi32>
    %jit3A_1610 = arith.constant 0 : i32
    %jit3A_1611 = arith.constant 9 : i32
    %max3A_1612 = vector.broadcast %jit3A_1610 : i32 to vector<16xi32>
    %max3A_1613 = arith.maxsi %max3A_1612, %sub3A_1609 : vector<16xi32>
    %min3A_1614 = vector.broadcast %jit3A_1611 : i32 to vector<16xi32>
    %min3A_1615 = arith.minsi %min3A_1614, %max3A_1613 : vector<16xi32>
    %gather3A_1616 = tpu.vector_load_idx %arg6[%min3A_1615] : memref<16xf32, #tpu.memory_space<vmem>>[vector<16xi32>], vector<16xf32>,
    %mul3A_1617 = arith.mulf %gather3A_1616, %gather3A_1616 : vector<16xf32>
    %jit3A_1618 = arith.constant 0.00999999977 : f32
    %jit3A_1619 = arith.constant 1.000000e+02 : f32
    %max3A_1620 = vector.broadcast %jit3A_1618 : f32 to vector<16xf32>
    %max3A_1621 = arith.maximumf %max3A_1620, %mul3A_1617 : vector<16xf32>
    %min3A_1622 = vector.broadcast %jit3A_1619 : f32 to vector<16xf32>
    %min3A_1623 = arith.minimumf %min3A_1622, %max3A_1621 : vector<16xf32>
    %div3A_1624 = arith.constant 1.000000e+00 : f32
    %div3A_1625 = vector.broadcast %div3A_1624 : f32 to vector<16xf32>
    %div3A_1626 = arith.divf %div3A_1625, %min3A_1623 : vector<16xf32>
    %mul3A_1627 = arith.mulf %get3A_1505, %div3A_1626 : vector<16xf32>
    %swap3A_1628 = arith.constant 192 : index
    %swap3A_1629 = tpu.vector_load %arg7[%swap3A_1628] {strides = array<i32>} : memref<512xf32, #tpu.memory_space<vmem>>, vector<16xf32>,
    tpu.vector_store %arg7[%swap3A_1628], %mul3A_1627 {strides = array<i32>} : memref<512xf32, #tpu.memory_space<vmem>>, vector<16xf32>,
    %get3A_1630 = arith.constant 208 : index
    %get3A_1631 = tpu.vector_load %arg5[%get3A_1630] {strides = array<i32>} : memref<512xf32, #tpu.memory_space<vmem>>, vector<16xf32>,
    %broadcast_in_dim3A_1632 = arith.constant 0 : i32
    %broadcast_in_dim3A_1633 = vector.broadcast %broadcast_in_dim3A_1632 : i32 to vector<16xi32>
    %gt3A_1634 = arith.constant 0.000000e+00 : f32
    %gt3A_1635 = vector.broadcast %gt3A_1634 : f32 to vector<16xf32>
    %gt3A_1636 = arith.cmpf ogt, %get3A_1631, %gt3A_1635 : vector<16xf32>
    %jit3A_1637 = arith.constant 1 : i32
    %jit3A_1638 = arith.constant 0 : i32
    %broadcast_in_dim3A_1639 = vector.broadcast %jit3A_1637 : i32 to vector<16xi32>
    %broadcast_in_dim3A_1640 = vector.broadcast %jit3A_1638 : i32 to vector<16xi32>
    %select_n3A_1641 = arith.select %gt3A_1636, %broadcast_in_dim3A_1639, %broadcast_in_dim3A_1640 : vector<16xi1>, vector<16xi32>
    %add3A_1642 = arith.addi %broadcast_in_dim3A_1633, %select_n3A_1641 : vector<16xi32>
    %gt3A_1643 = arith.constant 1.000000e-01 : f32
    %gt3A_1644 = vector.broadcast %gt3A_1643 : f32 to vector<16xf32>
    %gt3A_1645 = arith.cmpf ogt, %get3A_1631, %gt3A_1644 : vector<16xf32>
    %jit3A_1646 = arith.constant 1 : i32
    %jit3A_1647 = arith.constant 0 : i32
    %broadcast_in_dim3A_1648 = vector.broadcast %jit3A_1646 : i32 to vector<16xi32>
    %broadcast_in_dim3A_1649 = vector.broadcast %jit3A_1647 : i32 to vector<16xi32>
    %select_n3A_1650 = arith.select %gt3A_1645, %broadcast_in_dim3A_1648, %broadcast_in_dim3A_1649 : vector<16xi1>, vector<16xi32>
    %add3A_1651 = arith.addi %add3A_1642, %select_n3A_1650 : vector<16xi32>
    %gt3A_1652 = arith.constant 2.000000e-01 : f32
    %gt3A_1653 = vector.broadcast %gt3A_1652 : f32 to vector<16xf32>
    %gt3A_1654 = arith.cmpf ogt, %get3A_1631, %gt3A_1653 : vector<16xf32>
    %jit3A_1655 = arith.constant 1 : i32
    %jit3A_1656 = arith.constant 0 : i32
    %broadcast_in_dim3A_1657 = vector.broadcast %jit3A_1655 : i32 to vector<16xi32>
    %broadcast_in_dim3A_1658 = vector.broadcast %jit3A_1656 : i32 to vector<16xi32>
    %select_n3A_1659 = arith.select %gt3A_1654, %broadcast_in_dim3A_1657, %broadcast_in_dim3A_1658 : vector<16xi1>, vector<16xi32>
    %add3A_1660 = arith.addi %add3A_1651, %select_n3A_1659 : vector<16xi32>
    %gt3A_1661 = arith.constant 3.000000e-01 : f32
    %gt3A_1662 = vector.broadcast %gt3A_1661 : f32 to vector<16xf32>
    %gt3A_1663 = arith.cmpf ogt, %get3A_1631, %gt3A_1662 : vector<16xf32>
    %jit3A_1664 = arith.constant 1 : i32
    %jit3A_1665 = arith.constant 0 : i32
    %broadcast_in_dim3A_1666 = vector.broadcast %jit3A_1664 : i32 to vector<16xi32>
    %broadcast_in_dim3A_1667 = vector.broadcast %jit3A_1665 : i32 to vector<16xi32>
    %select_n3A_1668 = arith.select %gt3A_1663, %broadcast_in_dim3A_1666, %broadcast_in_dim3A_1667 : vector<16xi1>, vector<16xi32>
    %add3A_1669 = arith.addi %add3A_1660, %select_n3A_1668 : vector<16xi32>
    %gt3A_1670 = arith.constant 4.000000e-01 : f32
    %gt3A_1671 = vector.broadcast %gt3A_1670 : f32 to vector<16xf32>
    %gt3A_1672 = arith.cmpf ogt, %get3A_1631, %gt3A_1671 : vector<16xf32>
    %jit3A_1673 = arith.constant 1 : i32
    %jit3A_1674 = arith.constant 0 : i32
    %broadcast_in_dim3A_1675 = vector.broadcast %jit3A_1673 : i32 to vector<16xi32>
    %broadcast_in_dim3A_1676 = vector.broadcast %jit3A_1674 : i32 to vector<16xi32>
    %select_n3A_1677 = arith.select %gt3A_1672, %broadcast_in_dim3A_1675, %broadcast_in_dim3A_1676 : vector<16xi1>, vector<16xi32>
    %add3A_1678 = arith.addi %add3A_1669, %select_n3A_1677 : vector<16xi32>
    %gt3A_1679 = arith.constant 5.000000e-01 : f32
    %gt3A_1680 = vector.broadcast %gt3A_1679 : f32 to vector<16xf32>
    %gt3A_1681 = arith.cmpf ogt, %get3A_1631, %gt3A_1680 : vector<16xf32>
    %jit3A_1682 = arith.constant 1 : i32
    %jit3A_1683 = arith.constant 0 : i32
    %broadcast_in_dim3A_1684 = vector.broadcast %jit3A_1682 : i32 to vector<16xi32>
    %broadcast_in_dim3A_1685 = vector.broadcast %jit3A_1683 : i32 to vector<16xi32>
    %select_n3A_1686 = arith.select %gt3A_1681, %broadcast_in_dim3A_1684, %broadcast_in_dim3A_1685 : vector<16xi1>, vector<16xi32>
    %add3A_1687 = arith.addi %add3A_1678, %select_n3A_1686 : vector<16xi32>
    %gt3A_1688 = arith.constant 6.000000e-01 : f32
    %gt3A_1689 = vector.broadcast %gt3A_1688 : f32 to vector<16xf32>
    %gt3A_1690 = arith.cmpf ogt, %get3A_1631, %gt3A_1689 : vector<16xf32>
    %jit3A_1691 = arith.constant 1 : i32
    %jit3A_1692 = arith.constant 0 : i32
    %broadcast_in_dim3A_1693 = vector.broadcast %jit3A_1691 : i32 to vector<16xi32>
    %broadcast_in_dim3A_1694 = vector.broadcast %jit3A_1692 : i32 to vector<16xi32>
    %select_n3A_1695 = arith.select %gt3A_1690, %broadcast_in_dim3A_1693, %broadcast_in_dim3A_1694 : vector<16xi1>, vector<16xi32>
    %add3A_1696 = arith.addi %add3A_1687, %select_n3A_1695 : vector<16xi32>
    %gt3A_1697 = arith.constant 0.699999988 : f32
    %gt3A_1698 = vector.broadcast %gt3A_1697 : f32 to vector<16xf32>
    %gt3A_1699 = arith.cmpf ogt, %get3A_1631, %gt3A_1698 : vector<16xf32>
    %jit3A_1700 = arith.constant 1 : i32
    %jit3A_1701 = arith.constant 0 : i32
    %broadcast_in_dim3A_1702 = vector.broadcast %jit3A_1700 : i32 to vector<16xi32>
    %broadcast_in_dim3A_1703 = vector.broadcast %jit3A_1701 : i32 to vector<16xi32>
    %select_n3A_1704 = arith.select %gt3A_1699, %broadcast_in_dim3A_1702, %broadcast_in_dim3A_1703 : vector<16xi1>, vector<16xi32>
    %add3A_1705 = arith.addi %add3A_1696, %select_n3A_1704 : vector<16xi32>
    %gt3A_1706 = arith.constant 8.000000e-01 : f32
    %gt3A_1707 = vector.broadcast %gt3A_1706 : f32 to vector<16xf32>
    %gt3A_1708 = arith.cmpf ogt, %get3A_1631, %gt3A_1707 : vector<16xf32>
    %jit3A_1709 = arith.constant 1 : i32
    %jit3A_1710 = arith.constant 0 : i32
    %broadcast_in_dim3A_1711 = vector.broadcast %jit3A_1709 : i32 to vector<16xi32>
    %broadcast_in_dim3A_1712 = vector.broadcast %jit3A_1710 : i32 to vector<16xi32>
    %select_n3A_1713 = arith.select %gt3A_1708, %broadcast_in_dim3A_1711, %broadcast_in_dim3A_1712 : vector<16xi1>, vector<16xi32>
    %add3A_1714 = arith.addi %add3A_1705, %select_n3A_1713 : vector<16xi32>
    %gt3A_1715 = arith.constant 0.900000035 : f32
    %gt3A_1716 = vector.broadcast %gt3A_1715 : f32 to vector<16xf32>
    %gt3A_1717 = arith.cmpf ogt, %get3A_1631, %gt3A_1716 : vector<16xf32>
    %jit3A_1718 = arith.constant 1 : i32
    %jit3A_1719 = arith.constant 0 : i32
    %broadcast_in_dim3A_1720 = vector.broadcast %jit3A_1718 : i32 to vector<16xi32>
    %broadcast_in_dim3A_1721 = vector.broadcast %jit3A_1719 : i32 to vector<16xi32>
    %select_n3A_1722 = arith.select %gt3A_1717, %broadcast_in_dim3A_1720, %broadcast_in_dim3A_1721 : vector<16xi1>, vector<16xi32>
    %add3A_1723 = arith.addi %add3A_1714, %select_n3A_1722 : vector<16xi32>
    %gt3A_1724 = arith.constant 1.000000e+00 : f32
    %gt3A_1725 = vector.broadcast %gt3A_1724 : f32 to vector<16xf32>
    %gt3A_1726 = arith.cmpf ogt, %get3A_1631, %gt3A_1725 : vector<16xf32>
    %jit3A_1727 = arith.constant 1 : i32
    %jit3A_1728 = arith.constant 0 : i32
    %broadcast_in_dim3A_1729 = vector.broadcast %jit3A_1727 : i32 to vector<16xi32>
    %broadcast_in_dim3A_1730 = vector.broadcast %jit3A_1728 : i32 to vector<16xi32>
    %select_n3A_1731 = arith.select %gt3A_1726, %broadcast_in_dim3A_1729, %broadcast_in_dim3A_1730 : vector<16xi1>, vector<16xi32>
    %add3A_1732 = arith.addi %add3A_1723, %select_n3A_1731 : vector<16xi32>
    %sub3A_1733 = arith.constant 1 : i32
    %sub3A_1734 = vector.broadcast %sub3A_1733 : i32 to vector<16xi32>
    %sub3A_1735 = arith.subi %add3A_1732, %sub3A_1734 : vector<16xi32>
    %jit3A_1736 = arith.constant 0 : i32
    %jit3A_1737 = arith.constant 9 : i32
    %max3A_1738 = vector.broadcast %jit3A_1736 : i32 to vector<16xi32>
    %max3A_1739 = arith.maxsi %max3A_1738, %sub3A_1735 : vector<16xi32>
    %min3A_1740 = vector.broadcast %jit3A_1737 : i32 to vector<16xi32>
    %min3A_1741 = arith.minsi %min3A_1740, %max3A_1739 : vector<16xi32>
    %gather3A_1742 = tpu.vector_load_idx %arg6[%min3A_1741] : memref<16xf32, #tpu.memory_space<vmem>>[vector<16xi32>], vector<16xf32>,
    %mul3A_1743 = arith.mulf %gather3A_1742, %gather3A_1742 : vector<16xf32>
    %jit3A_1744 = arith.constant 0.00999999977 : f32
    %jit3A_1745 = arith.constant 1.000000e+02 : f32
    %max3A_1746 = vector.broadcast %jit3A_1744 : f32 to vector<16xf32>
    %max3A_1747 = arith.maximumf %max3A_1746, %mul3A_1743 : vector<16xf32>
    %min3A_1748 = vector.broadcast %jit3A_1745 : f32 to vector<16xf32>
    %min3A_1749 = arith.minimumf %min3A_1748, %max3A_1747 : vector<16xf32>
    %div3A_1750 = arith.constant 1.000000e+00 : f32
    %div3A_1751 = vector.broadcast %div3A_1750 : f32 to vector<16xf32>
    %div3A_1752 = arith.divf %div3A_1751, %min3A_1749 : vector<16xf32>
    %mul3A_1753 = arith.mulf %get3A_1631, %div3A_1752 : vector<16xf32>
    %swap3A_1754 = arith.constant 208 : index
    %swap3A_1755 = tpu.vector_load %arg7[%swap3A_1754] {strides = array<i32>} : memref<512xf32, #tpu.memory_space<vmem>>, vector<16xf32>,
    tpu.vector_store %arg7[%swap3A_1754], %mul3A_1753 {strides = array<i32>} : memref<512xf32, #tpu.memory_space<vmem>>, vector<16xf32>,
    %get3A_1756 = arith.constant 224 : index
    %get3A_1757 = tpu.vector_load %arg5[%get3A_1756] {strides = array<i32>} : memref<512xf32, #tpu.memory_space<vmem>>, vector<16xf32>,
    %broadcast_in_dim3A_1758 = arith.constant 0 : i32
    %broadcast_in_dim3A_1759 = vector.broadcast %broadcast_in_dim3A_1758 : i32 to vector<16xi32>
    %gt3A_1760 = arith.constant 0.000000e+00 : f32
    %gt3A_1761 = vector.broadcast %gt3A_1760 : f32 to vector<16xf32>
    %gt3A_1762 = arith.cmpf ogt, %get3A_1757, %gt3A_1761 : vector<16xf32>
    %jit3A_1763 = arith.constant 1 : i32
    %jit3A_1764 = arith.constant 0 : i32
    %broadcast_in_dim3A_1765 = vector.broadcast %jit3A_1763 : i32 to vector<16xi32>
    %broadcast_in_dim3A_1766 = vector.broadcast %jit3A_1764 : i32 to vector<16xi32>
    %select_n3A_1767 = arith.select %gt3A_1762, %broadcast_in_dim3A_1765, %broadcast_in_dim3A_1766 : vector<16xi1>, vector<16xi32>
    %add3A_1768 = arith.addi %broadcast_in_dim3A_1759, %select_n3A_1767 : vector<16xi32>
    %gt3A_1769 = arith.constant 1.000000e-01 : f32
    %gt3A_1770 = vector.broadcast %gt3A_1769 : f32 to vector<16xf32>
    %gt3A_1771 = arith.cmpf ogt, %get3A_1757, %gt3A_1770 : vector<16xf32>
    %jit3A_1772 = arith.constant 1 : i32
    %jit3A_1773 = arith.constant 0 : i32
    %broadcast_in_dim3A_1774 = vector.broadcast %jit3A_1772 : i32 to vector<16xi32>
    %broadcast_in_dim3A_1775 = vector.broadcast %jit3A_1773 : i32 to vector<16xi32>
    %select_n3A_1776 = arith.select %gt3A_1771, %broadcast_in_dim3A_1774, %broadcast_in_dim3A_1775 : vector<16xi1>, vector<16xi32>
    %add3A_1777 = arith.addi %add3A_1768, %select_n3A_1776 : vector<16xi32>
    %gt3A_1778 = arith.constant 2.000000e-01 : f32
    %gt3A_1779 = vector.broadcast %gt3A_1778 : f32 to vector<16xf32>
    %gt3A_1780 = arith.cmpf ogt, %get3A_1757, %gt3A_1779 : vector<16xf32>
    %jit3A_1781 = arith.constant 1 : i32
    %jit3A_1782 = arith.constant 0 : i32
    %broadcast_in_dim3A_1783 = vector.broadcast %jit3A_1781 : i32 to vector<16xi32>
    %broadcast_in_dim3A_1784 = vector.broadcast %jit3A_1782 : i32 to vector<16xi32>
    %select_n3A_1785 = arith.select %gt3A_1780, %broadcast_in_dim3A_1783, %broadcast_in_dim3A_1784 : vector<16xi1>, vector<16xi32>
    %add3A_1786 = arith.addi %add3A_1777, %select_n3A_1785 : vector<16xi32>
    %gt3A_1787 = arith.constant 3.000000e-01 : f32
    %gt3A_1788 = vector.broadcast %gt3A_1787 : f32 to vector<16xf32>
    %gt3A_1789 = arith.cmpf ogt, %get3A_1757, %gt3A_1788 : vector<16xf32>
    %jit3A_1790 = arith.constant 1 : i32
    %jit3A_1791 = arith.constant 0 : i32
    %broadcast_in_dim3A_1792 = vector.broadcast %jit3A_1790 : i32 to vector<16xi32>
    %broadcast_in_dim3A_1793 = vector.broadcast %jit3A_1791 : i32 to vector<16xi32>
    %select_n3A_1794 = arith.select %gt3A_1789, %broadcast_in_dim3A_1792, %broadcast_in_dim3A_1793 : vector<16xi1>, vector<16xi32>
    %add3A_1795 = arith.addi %add3A_1786, %select_n3A_1794 : vector<16xi32>
    %gt3A_1796 = arith.constant 4.000000e-01 : f32
    %gt3A_1797 = vector.broadcast %gt3A_1796 : f32 to vector<16xf32>
    %gt3A_1798 = arith.cmpf ogt, %get3A_1757, %gt3A_1797 : vector<16xf32>
    %jit3A_1799 = arith.constant 1 : i32
    %jit3A_1800 = arith.constant 0 : i32
    %broadcast_in_dim3A_1801 = vector.broadcast %jit3A_1799 : i32 to vector<16xi32>
    %broadcast_in_dim3A_1802 = vector.broadcast %jit3A_1800 : i32 to vector<16xi32>
    %select_n3A_1803 = arith.select %gt3A_1798, %broadcast_in_dim3A_1801, %broadcast_in_dim3A_1802 : vector<16xi1>, vector<16xi32>
    %add3A_1804 = arith.addi %add3A_1795, %select_n3A_1803 : vector<16xi32>
    %gt3A_1805 = arith.constant 5.000000e-01 : f32
    %gt3A_1806 = vector.broadcast %gt3A_1805 : f32 to vector<16xf32>
    %gt3A_1807 = arith.cmpf ogt, %get3A_1757, %gt3A_1806 : vector<16xf32>
    %jit3A_1808 = arith.constant 1 : i32
    %jit3A_1809 = arith.constant 0 : i32
    %broadcast_in_dim3A_1810 = vector.broadcast %jit3A_1808 : i32 to vector<16xi32>
    %broadcast_in_dim3A_1811 = vector.broadcast %jit3A_1809 : i32 to vector<16xi32>
    %select_n3A_1812 = arith.select %gt3A_1807, %broadcast_in_dim3A_1810, %broadcast_in_dim3A_1811 : vector<16xi1>, vector<16xi32>
    %add3A_1813 = arith.addi %add3A_1804, %select_n3A_1812 : vector<16xi32>
    %gt3A_1814 = arith.constant 6.000000e-01 : f32
    %gt3A_1815 = vector.broadcast %gt3A_1814 : f32 to vector<16xf32>
    %gt3A_1816 = arith.cmpf ogt, %get3A_1757, %gt3A_1815 : vector<16xf32>
    %jit3A_1817 = arith.constant 1 : i32
    %jit3A_1818 = arith.constant 0 : i32
    %broadcast_in_dim3A_1819 = vector.broadcast %jit3A_1817 : i32 to vector<16xi32>
    %broadcast_in_dim3A_1820 = vector.broadcast %jit3A_1818 : i32 to vector<16xi32>
    %select_n3A_1821 = arith.select %gt3A_1816, %broadcast_in_dim3A_1819, %broadcast_in_dim3A_1820 : vector<16xi1>, vector<16xi32>
    %add3A_1822 = arith.addi %add3A_1813, %select_n3A_1821 : vector<16xi32>
    %gt3A_1823 = arith.constant 0.699999988 : f32
    %gt3A_1824 = vector.broadcast %gt3A_1823 : f32 to vector<16xf32>
    %gt3A_1825 = arith.cmpf ogt, %get3A_1757, %gt3A_1824 : vector<16xf32>
    %jit3A_1826 = arith.constant 1 : i32
    %jit3A_1827 = arith.constant 0 : i32
    %broadcast_in_dim3A_1828 = vector.broadcast %jit3A_1826 : i32 to vector<16xi32>
    %broadcast_in_dim3A_1829 = vector.broadcast %jit3A_1827 : i32 to vector<16xi32>
    %select_n3A_1830 = arith.select %gt3A_1825, %broadcast_in_dim3A_1828, %broadcast_in_dim3A_1829 : vector<16xi1>, vector<16xi32>
    %add3A_1831 = arith.addi %add3A_1822, %select_n3A_1830 : vector<16xi32>
    %gt3A_1832 = arith.constant 8.000000e-01 : f32
    %gt3A_1833 = vector.broadcast %gt3A_1832 : f32 to vector<16xf32>
    %gt3A_1834 = arith.cmpf ogt, %get3A_1757, %gt3A_1833 : vector<16xf32>
    %jit3A_1835 = arith.constant 1 : i32
    %jit3A_1836 = arith.constant 0 : i32
    %broadcast_in_dim3A_1837 = vector.broadcast %jit3A_1835 : i32 to vector<16xi32>
    %broadcast_in_dim3A_1838 = vector.broadcast %jit3A_1836 : i32 to vector<16xi32>
    %select_n3A_1839 = arith.select %gt3A_1834, %broadcast_in_dim3A_1837, %broadcast_in_dim3A_1838 : vector<16xi1>, vector<16xi32>
    %add3A_1840 = arith.addi %add3A_1831, %select_n3A_1839 : vector<16xi32>
    %gt3A_1841 = arith.constant 0.900000035 : f32
    %gt3A_1842 = vector.broadcast %gt3A_1841 : f32 to vector<16xf32>
    %gt3A_1843 = arith.cmpf ogt, %get3A_1757, %gt3A_1842 : vector<16xf32>
    %jit3A_1844 = arith.constant 1 : i32
    %jit3A_1845 = arith.constant 0 : i32
    %broadcast_in_dim3A_1846 = vector.broadcast %jit3A_1844 : i32 to vector<16xi32>
    %broadcast_in_dim3A_1847 = vector.broadcast %jit3A_1845 : i32 to vector<16xi32>
    %select_n3A_1848 = arith.select %gt3A_1843, %broadcast_in_dim3A_1846, %broadcast_in_dim3A_1847 : vector<16xi1>, vector<16xi32>
    %add3A_1849 = arith.addi %add3A_1840, %select_n3A_1848 : vector<16xi32>
    %gt3A_1850 = arith.constant 1.000000e+00 : f32
    %gt3A_1851 = vector.broadcast %gt3A_1850 : f32 to vector<16xf32>
    %gt3A_1852 = arith.cmpf ogt, %get3A_1757, %gt3A_1851 : vector<16xf32>
    %jit3A_1853 = arith.constant 1 : i32
    %jit3A_1854 = arith.constant 0 : i32
    %broadcast_in_dim3A_1855 = vector.broadcast %jit3A_1853 : i32 to vector<16xi32>
    %broadcast_in_dim3A_1856 = vector.broadcast %jit3A_1854 : i32 to vector<16xi32>
    %select_n3A_1857 = arith.select %gt3A_1852, %broadcast_in_dim3A_1855, %broadcast_in_dim3A_1856 : vector<16xi1>, vector<16xi32>
    %add3A_1858 = arith.addi %add3A_1849, %select_n3A_1857 : vector<16xi32>
    %sub3A_1859 = arith.constant 1 : i32
    %sub3A_1860 = vector.broadcast %sub3A_1859 : i32 to vector<16xi32>
    %sub3A_1861 = arith.subi %add3A_1858, %sub3A_1860 : vector<16xi32>
    %jit3A_1862 = arith.constant 0 : i32
    %jit3A_1863 = arith.constant 9 : i32
    %max3A_1864 = vector.broadcast %jit3A_1862 : i32 to vector<16xi32>
    %max3A_1865 = arith.maxsi %max3A_1864, %sub3A_1861 : vector<16xi32>
    %min3A_1866 = vector.broadcast %jit3A_1863 : i32 to vector<16xi32>
    %min3A_1867 = arith.minsi %min3A_1866, %max3A_1865 : vector<16xi32>
    %gather3A_1868 = tpu.vector_load_idx %arg6[%min3A_1867] : memref<16xf32, #tpu.memory_space<vmem>>[vector<16xi32>], vector<16xf32>,
    %mul3A_1869 = arith.mulf %gather3A_1868, %gather3A_1868 : vector<16xf32>
    %jit3A_1870 = arith.constant 0.00999999977 : f32
    %jit3A_1871 = arith.constant 1.000000e+02 : f32
    %max3A_1872 = vector.broadcast %jit3A_1870 : f32 to vector<16xf32>
    %max3A_1873 = arith.maximumf %max3A_1872, %mul3A_1869 : vector<16xf32>
    %min3A_1874 = vector.broadcast %jit3A_1871 : f32 to vector<16xf32>
    %min3A_1875 = arith.minimumf %min3A_1874, %max3A_1873 : vector<16xf32>
    %div3A_1876 = arith.constant 1.000000e+00 : f32
    %div3A_1877 = vector.broadcast %div3A_1876 : f32 to vector<16xf32>
    %div3A_1878 = arith.divf %div3A_1877, %min3A_1875 : vector<16xf32>
    %mul3A_1879 = arith.mulf %get3A_1757, %div3A_1878 : vector<16xf32>
    %swap3A_1880 = arith.constant 224 : index
    %swap3A_1881 = tpu.vector_load %arg7[%swap3A_1880] {strides = array<i32>} : memref<512xf32, #tpu.memory_space<vmem>>, vector<16xf32>,
    tpu.vector_store %arg7[%swap3A_1880], %mul3A_1879 {strides = array<i32>} : memref<512xf32, #tpu.memory_space<vmem>>, vector<16xf32>,
    %get3A_1882 = arith.constant 240 : index
    %get3A_1883 = tpu.vector_load %arg5[%get3A_1882] {strides = array<i32>} : memref<512xf32, #tpu.memory_space<vmem>>, vector<16xf32>,
    %broadcast_in_dim3A_1884 = arith.constant 0 : i32
    %broadcast_in_dim3A_1885 = vector.broadcast %broadcast_in_dim3A_1884 : i32 to vector<16xi32>
    %gt3A_1886 = arith.constant 0.000000e+00 : f32
    %gt3A_1887 = vector.broadcast %gt3A_1886 : f32 to vector<16xf32>
    %gt3A_1888 = arith.cmpf ogt, %get3A_1883, %gt3A_1887 : vector<16xf32>
    %jit3A_1889 = arith.constant 1 : i32
    %jit3A_1890 = arith.constant 0 : i32
    %broadcast_in_dim3A_1891 = vector.broadcast %jit3A_1889 : i32 to vector<16xi32>
    %broadcast_in_dim3A_1892 = vector.broadcast %jit3A_1890 : i32 to vector<16xi32>
    %select_n3A_1893 = arith.select %gt3A_1888, %broadcast_in_dim3A_1891, %broadcast_in_dim3A_1892 : vector<16xi1>, vector<16xi32>
    %add3A_1894 = arith.addi %broadcast_in_dim3A_1885, %select_n3A_1893 : vector<16xi32>
    %gt3A_1895 = arith.constant 1.000000e-01 : f32
    %gt3A_1896 = vector.broadcast %gt3A_1895 : f32 to vector<16xf32>
    %gt3A_1897 = arith.cmpf ogt, %get3A_1883, %gt3A_1896 : vector<16xf32>
    %jit3A_1898 = arith.constant 1 : i32
    %jit3A_1899 = arith.constant 0 : i32
    %broadcast_in_dim3A_1900 = vector.broadcast %jit3A_1898 : i32 to vector<16xi32>
    %broadcast_in_dim3A_1901 = vector.broadcast %jit3A_1899 : i32 to vector<16xi32>
    %select_n3A_1902 = arith.select %gt3A_1897, %broadcast_in_dim3A_1900, %broadcast_in_dim3A_1901 : vector<16xi1>, vector<16xi32>
    %add3A_1903 = arith.addi %add3A_1894, %select_n3A_1902 : vector<16xi32>
    %gt3A_1904 = arith.constant 2.000000e-01 : f32
    %gt3A_1905 = vector.broadcast %gt3A_1904 : f32 to vector<16xf32>
    %gt3A_1906 = arith.cmpf ogt, %get3A_1883, %gt3A_1905 : vector<16xf32>
    %jit3A_1907 = arith.constant 1 : i32
    %jit3A_1908 = arith.constant 0 : i32
    %broadcast_in_dim3A_1909 = vector.broadcast %jit3A_1907 : i32 to vector<16xi32>
    %broadcast_in_dim3A_1910 = vector.broadcast %jit3A_1908 : i32 to vector<16xi32>
    %select_n3A_1911 = arith.select %gt3A_1906, %broadcast_in_dim3A_1909, %broadcast_in_dim3A_1910 : vector<16xi1>, vector<16xi32>
    %add3A_1912 = arith.addi %add3A_1903, %select_n3A_1911 : vector<16xi32>
    %gt3A_1913 = arith.constant 3.000000e-01 : f32
    %gt3A_1914 = vector.broadcast %gt3A_1913 : f32 to vector<16xf32>
    %gt3A_1915 = arith.cmpf ogt, %get3A_1883, %gt3A_1914 : vector<16xf32>
    %jit3A_1916 = arith.constant 1 : i32
    %jit3A_1917 = arith.constant 0 : i32
    %broadcast_in_dim3A_1918 = vector.broadcast %jit3A_1916 : i32 to vector<16xi32>
    %broadcast_in_dim3A_1919 = vector.broadcast %jit3A_1917 : i32 to vector<16xi32>
    %select_n3A_1920 = arith.select %gt3A_1915, %broadcast_in_dim3A_1918, %broadcast_in_dim3A_1919 : vector<16xi1>, vector<16xi32>
    %add3A_1921 = arith.addi %add3A_1912, %select_n3A_1920 : vector<16xi32>
    %gt3A_1922 = arith.constant 4.000000e-01 : f32
    %gt3A_1923 = vector.broadcast %gt3A_1922 : f32 to vector<16xf32>
    %gt3A_1924 = arith.cmpf ogt, %get3A_1883, %gt3A_1923 : vector<16xf32>
    %jit3A_1925 = arith.constant 1 : i32
    %jit3A_1926 = arith.constant 0 : i32
    %broadcast_in_dim3A_1927 = vector.broadcast %jit3A_1925 : i32 to vector<16xi32>
    %broadcast_in_dim3A_1928 = vector.broadcast %jit3A_1926 : i32 to vector<16xi32>
    %select_n3A_1929 = arith.select %gt3A_1924, %broadcast_in_dim3A_1927, %broadcast_in_dim3A_1928 : vector<16xi1>, vector<16xi32>
    %add3A_1930 = arith.addi %add3A_1921, %select_n3A_1929 : vector<16xi32>
    %gt3A_1931 = arith.constant 5.000000e-01 : f32
    %gt3A_1932 = vector.broadcast %gt3A_1931 : f32 to vector<16xf32>
    %gt3A_1933 = arith.cmpf ogt, %get3A_1883, %gt3A_1932 : vector<16xf32>
    %jit3A_1934 = arith.constant 1 : i32
    %jit3A_1935 = arith.constant 0 : i32
    %broadcast_in_dim3A_1936 = vector.broadcast %jit3A_1934 : i32 to vector<16xi32>
    %broadcast_in_dim3A_1937 = vector.broadcast %jit3A_1935 : i32 to vector<16xi32>
    %select_n3A_1938 = arith.select %gt3A_1933, %broadcast_in_dim3A_1936, %broadcast_in_dim3A_1937 : vector<16xi1>, vector<16xi32>
    %add3A_1939 = arith.addi %add3A_1930, %select_n3A_1938 : vector<16xi32>
    %gt3A_1940 = arith.constant 6.000000e-01 : f32
    %gt3A_1941 = vector.broadcast %gt3A_1940 : f32 to vector<16xf32>
    %gt3A_1942 = arith.cmpf ogt, %get3A_1883, %gt3A_1941 : vector<16xf32>
    %jit3A_1943 = arith.constant 1 : i32
    %jit3A_1944 = arith.constant 0 : i32
    %broadcast_in_dim3A_1945 = vector.broadcast %jit3A_1943 : i32 to vector<16xi32>
    %broadcast_in_dim3A_1946 = vector.broadcast %jit3A_1944 : i32 to vector<16xi32>
    %select_n3A_1947 = arith.select %gt3A_1942, %broadcast_in_dim3A_1945, %broadcast_in_dim3A_1946 : vector<16xi1>, vector<16xi32>
    %add3A_1948 = arith.addi %add3A_1939, %select_n3A_1947 : vector<16xi32>
    %gt3A_1949 = arith.constant 0.699999988 : f32
    %gt3A_1950 = vector.broadcast %gt3A_1949 : f32 to vector<16xf32>
    %gt3A_1951 = arith.cmpf ogt, %get3A_1883, %gt3A_1950 : vector<16xf32>
    %jit3A_1952 = arith.constant 1 : i32
    %jit3A_1953 = arith.constant 0 : i32
    %broadcast_in_dim3A_1954 = vector.broadcast %jit3A_1952 : i32 to vector<16xi32>
    %broadcast_in_dim3A_1955 = vector.broadcast %jit3A_1953 : i32 to vector<16xi32>
    %select_n3A_1956 = arith.select %gt3A_1951, %broadcast_in_dim3A_1954, %broadcast_in_dim3A_1955 : vector<16xi1>, vector<16xi32>
    %add3A_1957 = arith.addi %add3A_1948, %select_n3A_1956 : vector<16xi32>
    %gt3A_1958 = arith.constant 8.000000e-01 : f32
    %gt3A_1959 = vector.broadcast %gt3A_1958 : f32 to vector<16xf32>
    %gt3A_1960 = arith.cmpf ogt, %get3A_1883, %gt3A_1959 : vector<16xf32>
    %jit3A_1961 = arith.constant 1 : i32
    %jit3A_1962 = arith.constant 0 : i32
    %broadcast_in_dim3A_1963 = vector.broadcast %jit3A_1961 : i32 to vector<16xi32>
    %broadcast_in_dim3A_1964 = vector.broadcast %jit3A_1962 : i32 to vector<16xi32>
    %select_n3A_1965 = arith.select %gt3A_1960, %broadcast_in_dim3A_1963, %broadcast_in_dim3A_1964 : vector<16xi1>, vector<16xi32>
    %add3A_1966 = arith.addi %add3A_1957, %select_n3A_1965 : vector<16xi32>
    %gt3A_1967 = arith.constant 0.900000035 : f32
    %gt3A_1968 = vector.broadcast %gt3A_1967 : f32 to vector<16xf32>
    %gt3A_1969 = arith.cmpf ogt, %get3A_1883, %gt3A_1968 : vector<16xf32>
    %jit3A_1970 = arith.constant 1 : i32
    %jit3A_1971 = arith.constant 0 : i32
    %broadcast_in_dim3A_1972 = vector.broadcast %jit3A_1970 : i32 to vector<16xi32>
    %broadcast_in_dim3A_1973 = vector.broadcast %jit3A_1971 : i32 to vector<16xi32>
    %select_n3A_1974 = arith.select %gt3A_1969, %broadcast_in_dim3A_1972, %broadcast_in_dim3A_1973 : vector<16xi1>, vector<16xi32>
    %add3A_1975 = arith.addi %add3A_1966, %select_n3A_1974 : vector<16xi32>
    %gt3A_1976 = arith.constant 1.000000e+00 : f32
    %gt3A_1977 = vector.broadcast %gt3A_1976 : f32 to vector<16xf32>
    %gt3A_1978 = arith.cmpf ogt, %get3A_1883, %gt3A_1977 : vector<16xf32>
    %jit3A_1979 = arith.constant 1 : i32
    %jit3A_1980 = arith.constant 0 : i32
    %broadcast_in_dim3A_1981 = vector.broadcast %jit3A_1979 : i32 to vector<16xi32>
    %broadcast_in_dim3A_1982 = vector.broadcast %jit3A_1980 : i32 to vector<16xi32>
    %select_n3A_1983 = arith.select %gt3A_1978, %broadcast_in_dim3A_1981, %broadcast_in_dim3A_1982 : vector<16xi1>, vector<16xi32>
    %add3A_1984 = arith.addi %add3A_1975, %select_n3A_1983 : vector<16xi32>
    %sub3A_1985 = arith.constant 1 : i32
    %sub3A_1986 = vector.broadcast %sub3A_1985 : i32 to vector<16xi32>
    %sub3A_1987 = arith.subi %add3A_1984, %sub3A_1986 : vector<16xi32>
    %jit3A_1988 = arith.constant 0 : i32
    %jit3A_1989 = arith.constant 9 : i32
    %max3A_1990 = vector.broadcast %jit3A_1988 : i32 to vector<16xi32>
    %max3A_1991 = arith.maxsi %max3A_1990, %sub3A_1987 : vector<16xi32>
    %min3A_1992 = vector.broadcast %jit3A_1989 : i32 to vector<16xi32>
    %min3A_1993 = arith.minsi %min3A_1992, %max3A_1991 : vector<16xi32>
    %gather3A_1994 = tpu.vector_load_idx %arg6[%min3A_1993] : memref<16xf32, #tpu.memory_space<vmem>>[vector<16xi32>], vector<16xf32>,
    %mul3A_1995 = arith.mulf %gather3A_1994, %gather3A_1994 : vector<16xf32>
    %jit3A_1996 = arith.constant 0.00999999977 : f32
    %jit3A_1997 = arith.constant 1.000000e+02 : f32
    %max3A_1998 = vector.broadcast %jit3A_1996 : f32 to vector<16xf32>
    %max3A_1999 = arith.maximumf %max3A_1998, %mul3A_1995 : vector<16xf32>
    %min3A_2000 = vector.broadcast %jit3A_1997 : f32 to vector<16xf32>
    %min3A_2001 = arith.minimumf %min3A_2000, %max3A_1999 : vector<16xf32>
    %div3A_2002 = arith.constant 1.000000e+00 : f32
    %div3A_2003 = vector.broadcast %div3A_2002 : f32 to vector<16xf32>
    %div3A_2004 = arith.divf %div3A_2003, %min3A_2001 : vector<16xf32>
    %mul3A_2005 = arith.mulf %get3A_1883, %div3A_2004 : vector<16xf32>
    %swap3A_2006 = arith.constant 240 : index
    %swap3A_2007 = tpu.vector_load %arg7[%swap3A_2006] {strides = array<i32>} : memref<512xf32, #tpu.memory_space<vmem>>, vector<16xf32>,
    tpu.vector_store %arg7[%swap3A_2006], %mul3A_2005 {strides = array<i32>} : memref<512xf32, #tpu.memory_space<vmem>>, vector<16xf32>,
    %get3A_2008 = arith.constant 256 : index
    %get3A_2009 = tpu.vector_load %arg5[%get3A_2008] {strides = array<i32>} : memref<512xf32, #tpu.memory_space<vmem>>, vector<16xf32>,
    %broadcast_in_dim3A_2010 = arith.constant 0 : i32
    %broadcast_in_dim3A_2011 = vector.broadcast %broadcast_in_dim3A_2010 : i32 to vector<16xi32>
    %gt3A_2012 = arith.constant 0.000000e+00 : f32
    %gt3A_2013 = vector.broadcast %gt3A_2012 : f32 to vector<16xf32>
    %gt3A_2014 = arith.cmpf ogt, %get3A_2009, %gt3A_2013 : vector<16xf32>
    %jit3A_2015 = arith.constant 1 : i32
    %jit3A_2016 = arith.constant 0 : i32
    %broadcast_in_dim3A_2017 = vector.broadcast %jit3A_2015 : i32 to vector<16xi32>
    %broadcast_in_dim3A_2018 = vector.broadcast %jit3A_2016 : i32 to vector<16xi32>
    %select_n3A_2019 = arith.select %gt3A_2014, %broadcast_in_dim3A_2017, %broadcast_in_dim3A_2018 : vector<16xi1>, vector<16xi32>
    %add3A_2020 = arith.addi %broadcast_in_dim3A_2011, %select_n3A_2019 : vector<16xi32>
    %gt3A_2021 = arith.constant 1.000000e-01 : f32
    %gt3A_2022 = vector.broadcast %gt3A_2021 : f32 to vector<16xf32>
    %gt3A_2023 = arith.cmpf ogt, %get3A_2009, %gt3A_2022 : vector<16xf32>
    %jit3A_2024 = arith.constant 1 : i32
    %jit3A_2025 = arith.constant 0 : i32
    %broadcast_in_dim3A_2026 = vector.broadcast %jit3A_2024 : i32 to vector<16xi32>
    %broadcast_in_dim3A_2027 = vector.broadcast %jit3A_2025 : i32 to vector<16xi32>
    %select_n3A_2028 = arith.select %gt3A_2023, %broadcast_in_dim3A_2026, %broadcast_in_dim3A_2027 : vector<16xi1>, vector<16xi32>
    %add3A_2029 = arith.addi %add3A_2020, %select_n3A_2028 : vector<16xi32>
    %gt3A_2030 = arith.constant 2.000000e-01 : f32
    %gt3A_2031 = vector.broadcast %gt3A_2030 : f32 to vector<16xf32>
    %gt3A_2032 = arith.cmpf ogt, %get3A_2009, %gt3A_2031 : vector<16xf32>
    %jit3A_2033 = arith.constant 1 : i32
    %jit3A_2034 = arith.constant 0 : i32
    %broadcast_in_dim3A_2035 = vector.broadcast %jit3A_2033 : i32 to vector<16xi32>
    %broadcast_in_dim3A_2036 = vector.broadcast %jit3A_2034 : i32 to vector<16xi32>
    %select_n3A_2037 = arith.select %gt3A_2032, %broadcast_in_dim3A_2035, %broadcast_in_dim3A_2036 : vector<16xi1>, vector<16xi32>
    %add3A_2038 = arith.addi %add3A_2029, %select_n3A_2037 : vector<16xi32>
    %gt3A_2039 = arith.constant 3.000000e-01 : f32
    %gt3A_2040 = vector.broadcast %gt3A_2039 : f32 to vector<16xf32>
    %gt3A_2041 = arith.cmpf ogt, %get3A_2009, %gt3A_2040 : vector<16xf32>
    %jit3A_2042 = arith.constant 1 : i32
    %jit3A_2043 = arith.constant 0 : i32
    %broadcast_in_dim3A_2044 = vector.broadcast %jit3A_2042 : i32 to vector<16xi32>
    %broadcast_in_dim3A_2045 = vector.broadcast %jit3A_2043 : i32 to vector<16xi32>
    %select_n3A_2046 = arith.select %gt3A_2041, %broadcast_in_dim3A_2044, %broadcast_in_dim3A_2045 : vector<16xi1>, vector<16xi32>
    %add3A_2047 = arith.addi %add3A_2038, %select_n3A_2046 : vector<16xi32>
    %gt3A_2048 = arith.constant 4.000000e-01 : f32
    %gt3A_2049 = vector.broadcast %gt3A_2048 : f32 to vector<16xf32>
    %gt3A_2050 = arith.cmpf ogt, %get3A_2009, %gt3A_2049 : vector<16xf32>
    %jit3A_2051 = arith.constant 1 : i32
    %jit3A_2052 = arith.constant 0 : i32
    %broadcast_in_dim3A_2053 = vector.broadcast %jit3A_2051 : i32 to vector<16xi32>
    %broadcast_in_dim3A_2054 = vector.broadcast %jit3A_2052 : i32 to vector<16xi32>
    %select_n3A_2055 = arith.select %gt3A_2050, %broadcast_in_dim3A_2053, %broadcast_in_dim3A_2054 : vector<16xi1>, vector<16xi32>
    %add3A_2056 = arith.addi %add3A_2047, %select_n3A_2055 : vector<16xi32>
    %gt3A_2057 = arith.constant 5.000000e-01 : f32
    %gt3A_2058 = vector.broadcast %gt3A_2057 : f32 to vector<16xf32>
    %gt3A_2059 = arith.cmpf ogt, %get3A_2009, %gt3A_2058 : vector<16xf32>
    %jit3A_2060 = arith.constant 1 : i32
    %jit3A_2061 = arith.constant 0 : i32
    %broadcast_in_dim3A_2062 = vector.broadcast %jit3A_2060 : i32 to vector<16xi32>
    %broadcast_in_dim3A_2063 = vector.broadcast %jit3A_2061 : i32 to vector<16xi32>
    %select_n3A_2064 = arith.select %gt3A_2059, %broadcast_in_dim3A_2062, %broadcast_in_dim3A_2063 : vector<16xi1>, vector<16xi32>
    %add3A_2065 = arith.addi %add3A_2056, %select_n3A_2064 : vector<16xi32>
    %gt3A_2066 = arith.constant 6.000000e-01 : f32
    %gt3A_2067 = vector.broadcast %gt3A_2066 : f32 to vector<16xf32>
    %gt3A_2068 = arith.cmpf ogt, %get3A_2009, %gt3A_2067 : vector<16xf32>
    %jit3A_2069 = arith.constant 1 : i32
    %jit3A_2070 = arith.constant 0 : i32
    %broadcast_in_dim3A_2071 = vector.broadcast %jit3A_2069 : i32 to vector<16xi32>
    %broadcast_in_dim3A_2072 = vector.broadcast %jit3A_2070 : i32 to vector<16xi32>
    %select_n3A_2073 = arith.select %gt3A_2068, %broadcast_in_dim3A_2071, %broadcast_in_dim3A_2072 : vector<16xi1>, vector<16xi32>
    %add3A_2074 = arith.addi %add3A_2065, %select_n3A_2073 : vector<16xi32>
    %gt3A_2075 = arith.constant 0.699999988 : f32
    %gt3A_2076 = vector.broadcast %gt3A_2075 : f32 to vector<16xf32>
    %gt3A_2077 = arith.cmpf ogt, %get3A_2009, %gt3A_2076 : vector<16xf32>
    %jit3A_2078 = arith.constant 1 : i32
    %jit3A_2079 = arith.constant 0 : i32
    %broadcast_in_dim3A_2080 = vector.broadcast %jit3A_2078 : i32 to vector<16xi32>
    %broadcast_in_dim3A_2081 = vector.broadcast %jit3A_2079 : i32 to vector<16xi32>
    %select_n3A_2082 = arith.select %gt3A_2077, %broadcast_in_dim3A_2080, %broadcast_in_dim3A_2081 : vector<16xi1>, vector<16xi32>
    %add3A_2083 = arith.addi %add3A_2074, %select_n3A_2082 : vector<16xi32>
    %gt3A_2084 = arith.constant 8.000000e-01 : f32
    %gt3A_2085 = vector.broadcast %gt3A_2084 : f32 to vector<16xf32>
    %gt3A_2086 = arith.cmpf ogt, %get3A_2009, %gt3A_2085 : vector<16xf32>
    %jit3A_2087 = arith.constant 1 : i32
    %jit3A_2088 = arith.constant 0 : i32
    %broadcast_in_dim3A_2089 = vector.broadcast %jit3A_2087 : i32 to vector<16xi32>
    %broadcast_in_dim3A_2090 = vector.broadcast %jit3A_2088 : i32 to vector<16xi32>
    %select_n3A_2091 = arith.select %gt3A_2086, %broadcast_in_dim3A_2089, %broadcast_in_dim3A_2090 : vector<16xi1>, vector<16xi32>
    %add3A_2092 = arith.addi %add3A_2083, %select_n3A_2091 : vector<16xi32>
    %gt3A_2093 = arith.constant 0.900000035 : f32
    %gt3A_2094 = vector.broadcast %gt3A_2093 : f32 to vector<16xf32>
    %gt3A_2095 = arith.cmpf ogt, %get3A_2009, %gt3A_2094 : vector<16xf32>
    %jit3A_2096 = arith.constant 1 : i32
    %jit3A_2097 = arith.constant 0 : i32
    %broadcast_in_dim3A_2098 = vector.broadcast %jit3A_2096 : i32 to vector<16xi32>
    %broadcast_in_dim3A_2099 = vector.broadcast %jit3A_2097 : i32 to vector<16xi32>
    %select_n3A_2100 = arith.select %gt3A_2095, %broadcast_in_dim3A_2098, %broadcast_in_dim3A_2099 : vector<16xi1>, vector<16xi32>
    %add3A_2101 = arith.addi %add3A_2092, %select_n3A_2100 : vector<16xi32>
    %gt3A_2102 = arith.constant 1.000000e+00 : f32
    %gt3A_2103 = vector.broadcast %gt3A_2102 : f32 to vector<16xf32>
    %gt3A_2104 = arith.cmpf ogt, %get3A_2009, %gt3A_2103 : vector<16xf32>
    %jit3A_2105 = arith.constant 1 : i32
    %jit3A_2106 = arith.constant 0 : i32
    %broadcast_in_dim3A_2107 = vector.broadcast %jit3A_2105 : i32 to vector<16xi32>
    %broadcast_in_dim3A_2108 = vector.broadcast %jit3A_2106 : i32 to vector<16xi32>
    %select_n3A_2109 = arith.select %gt3A_2104, %broadcast_in_dim3A_2107, %broadcast_in_dim3A_2108 : vector<16xi1>, vector<16xi32>
    %add3A_2110 = arith.addi %add3A_2101, %select_n3A_2109 : vector<16xi32>
    %sub3A_2111 = arith.constant 1 : i32
    %sub3A_2112 = vector.broadcast %sub3A_2111 : i32 to vector<16xi32>
    %sub3A_2113 = arith.subi %add3A_2110, %sub3A_2112 : vector<16xi32>
    %jit3A_2114 = arith.constant 0 : i32
    %jit3A_2115 = arith.constant 9 : i32
    %max3A_2116 = vector.broadcast %jit3A_2114 : i32 to vector<16xi32>
    %max3A_2117 = arith.maxsi %max3A_2116, %sub3A_2113 : vector<16xi32>
    %min3A_2118 = vector.broadcast %jit3A_2115 : i32 to vector<16xi32>
    %min3A_2119 = arith.minsi %min3A_2118, %max3A_2117 : vector<16xi32>
    %gather3A_2120 = tpu.vector_load_idx %arg6[%min3A_2119] : memref<16xf32, #tpu.memory_space<vmem>>[vector<16xi32>], vector<16xf32>,
    %mul3A_2121 = arith.mulf %gather3A_2120, %gather3A_2120 : vector<16xf32>
    %jit3A_2122 = arith.constant 0.00999999977 : f32
    %jit3A_2123 = arith.constant 1.000000e+02 : f32
    %max3A_2124 = vector.broadcast %jit3A_2122 : f32 to vector<16xf32>
    %max3A_2125 = arith.maximumf %max3A_2124, %mul3A_2121 : vector<16xf32>
    %min3A_2126 = vector.broadcast %jit3A_2123 : f32 to vector<16xf32>
    %min3A_2127 = arith.minimumf %min3A_2126, %max3A_2125 : vector<16xf32>
    %div3A_2128 = arith.constant 1.000000e+00 : f32
    %div3A_2129 = vector.broadcast %div3A_2128 : f32 to vector<16xf32>
    %div3A_2130 = arith.divf %div3A_2129, %min3A_2127 : vector<16xf32>
    %mul3A_2131 = arith.mulf %get3A_2009, %div3A_2130 : vector<16xf32>
    %swap3A_2132 = arith.constant 256 : index
    %swap3A_2133 = tpu.vector_load %arg7[%swap3A_2132] {strides = array<i32>} : memref<512xf32, #tpu.memory_space<vmem>>, vector<16xf32>,
    tpu.vector_store %arg7[%swap3A_2132], %mul3A_2131 {strides = array<i32>} : memref<512xf32, #tpu.memory_space<vmem>>, vector<16xf32>,
    %get3A_2134 = arith.constant 272 : index
    %get3A_2135 = tpu.vector_load %arg5[%get3A_2134] {strides = array<i32>} : memref<512xf32, #tpu.memory_space<vmem>>, vector<16xf32>,
    %broadcast_in_dim3A_2136 = arith.constant 0 : i32
    %broadcast_in_dim3A_2137 = vector.broadcast %broadcast_in_dim3A_2136 : i32 to vector<16xi32>
    %gt3A_2138 = arith.constant 0.000000e+00 : f32
    %gt3A_2139 = vector.broadcast %gt3A_2138 : f32 to vector<16xf32>
    %gt3A_2140 = arith.cmpf ogt, %get3A_2135, %gt3A_2139 : vector<16xf32>
    %jit3A_2141 = arith.constant 1 : i32
    %jit3A_2142 = arith.constant 0 : i32
    %broadcast_in_dim3A_2143 = vector.broadcast %jit3A_2141 : i32 to vector<16xi32>
    %broadcast_in_dim3A_2144 = vector.broadcast %jit3A_2142 : i32 to vector<16xi32>
    %select_n3A_2145 = arith.select %gt3A_2140, %broadcast_in_dim3A_2143, %broadcast_in_dim3A_2144 : vector<16xi1>, vector<16xi32>
    %add3A_2146 = arith.addi %broadcast_in_dim3A_2137, %select_n3A_2145 : vector<16xi32>
    %gt3A_2147 = arith.constant 1.000000e-01 : f32
    %gt3A_2148 = vector.broadcast %gt3A_2147 : f32 to vector<16xf32>
    %gt3A_2149 = arith.cmpf ogt, %get3A_2135, %gt3A_2148 : vector<16xf32>
    %jit3A_2150 = arith.constant 1 : i32
    %jit3A_2151 = arith.constant 0 : i32
    %broadcast_in_dim3A_2152 = vector.broadcast %jit3A_2150 : i32 to vector<16xi32>
    %broadcast_in_dim3A_2153 = vector.broadcast %jit3A_2151 : i32 to vector<16xi32>
    %select_n3A_2154 = arith.select %gt3A_2149, %broadcast_in_dim3A_2152, %broadcast_in_dim3A_2153 : vector<16xi1>, vector<16xi32>
    %add3A_2155 = arith.addi %add3A_2146, %select_n3A_2154 : vector<16xi32>
    %gt3A_2156 = arith.constant 2.000000e-01 : f32
    %gt3A_2157 = vector.broadcast %gt3A_2156 : f32 to vector<16xf32>
    %gt3A_2158 = arith.cmpf ogt, %get3A_2135, %gt3A_2157 : vector<16xf32>
    %jit3A_2159 = arith.constant 1 : i32
    %jit3A_2160 = arith.constant 0 : i32
    %broadcast_in_dim3A_2161 = vector.broadcast %jit3A_2159 : i32 to vector<16xi32>
    %broadcast_in_dim3A_2162 = vector.broadcast %jit3A_2160 : i32 to vector<16xi32>
    %select_n3A_2163 = arith.select %gt3A_2158, %broadcast_in_dim3A_2161, %broadcast_in_dim3A_2162 : vector<16xi1>, vector<16xi32>
    %add3A_2164 = arith.addi %add3A_2155, %select_n3A_2163 : vector<16xi32>
    %gt3A_2165 = arith.constant 3.000000e-01 : f32
    %gt3A_2166 = vector.broadcast %gt3A_2165 : f32 to vector<16xf32>
    %gt3A_2167 = arith.cmpf ogt, %get3A_2135, %gt3A_2166 : vector<16xf32>
    %jit3A_2168 = arith.constant 1 : i32
    %jit3A_2169 = arith.constant 0 : i32
    %broadcast_in_dim3A_2170 = vector.broadcast %jit3A_2168 : i32 to vector<16xi32>
    %broadcast_in_dim3A_2171 = vector.broadcast %jit3A_2169 : i32 to vector<16xi32>
    %select_n3A_2172 = arith.select %gt3A_2167, %broadcast_in_dim3A_2170, %broadcast_in_dim3A_2171 : vector<16xi1>, vector<16xi32>
    %add3A_2173 = arith.addi %add3A_2164, %select_n3A_2172 : vector<16xi32>
    %gt3A_2174 = arith.constant 4.000000e-01 : f32
    %gt3A_2175 = vector.broadcast %gt3A_2174 : f32 to vector<16xf32>
    %gt3A_2176 = arith.cmpf ogt, %get3A_2135, %gt3A_2175 : vector<16xf32>
    %jit3A_2177 = arith.constant 1 : i32
    %jit3A_2178 = arith.constant 0 : i32
    %broadcast_in_dim3A_2179 = vector.broadcast %jit3A_2177 : i32 to vector<16xi32>
    %broadcast_in_dim3A_2180 = vector.broadcast %jit3A_2178 : i32 to vector<16xi32>
    %select_n3A_2181 = arith.select %gt3A_2176, %broadcast_in_dim3A_2179, %broadcast_in_dim3A_2180 : vector<16xi1>, vector<16xi32>
    %add3A_2182 = arith.addi %add3A_2173, %select_n3A_2181 : vector<16xi32>
    %gt3A_2183 = arith.constant 5.000000e-01 : f32
    %gt3A_2184 = vector.broadcast %gt3A_2183 : f32 to vector<16xf32>
    %gt3A_2185 = arith.cmpf ogt, %get3A_2135, %gt3A_2184 : vector<16xf32>
    %jit3A_2186 = arith.constant 1 : i32
    %jit3A_2187 = arith.constant 0 : i32
    %broadcast_in_dim3A_2188 = vector.broadcast %jit3A_2186 : i32 to vector<16xi32>
    %broadcast_in_dim3A_2189 = vector.broadcast %jit3A_2187 : i32 to vector<16xi32>
    %select_n3A_2190 = arith.select %gt3A_2185, %broadcast_in_dim3A_2188, %broadcast_in_dim3A_2189 : vector<16xi1>, vector<16xi32>
    %add3A_2191 = arith.addi %add3A_2182, %select_n3A_2190 : vector<16xi32>
    %gt3A_2192 = arith.constant 6.000000e-01 : f32
    %gt3A_2193 = vector.broadcast %gt3A_2192 : f32 to vector<16xf32>
    %gt3A_2194 = arith.cmpf ogt, %get3A_2135, %gt3A_2193 : vector<16xf32>
    %jit3A_2195 = arith.constant 1 : i32
    %jit3A_2196 = arith.constant 0 : i32
    %broadcast_in_dim3A_2197 = vector.broadcast %jit3A_2195 : i32 to vector<16xi32>
    %broadcast_in_dim3A_2198 = vector.broadcast %jit3A_2196 : i32 to vector<16xi32>
    %select_n3A_2199 = arith.select %gt3A_2194, %broadcast_in_dim3A_2197, %broadcast_in_dim3A_2198 : vector<16xi1>, vector<16xi32>
    %add3A_2200 = arith.addi %add3A_2191, %select_n3A_2199 : vector<16xi32>
    %gt3A_2201 = arith.constant 0.699999988 : f32
    %gt3A_2202 = vector.broadcast %gt3A_2201 : f32 to vector<16xf32>
    %gt3A_2203 = arith.cmpf ogt, %get3A_2135, %gt3A_2202 : vector<16xf32>
    %jit3A_2204 = arith.constant 1 : i32
    %jit3A_2205 = arith.constant 0 : i32
    %broadcast_in_dim3A_2206 = vector.broadcast %jit3A_2204 : i32 to vector<16xi32>
    %broadcast_in_dim3A_2207 = vector.broadcast %jit3A_2205 : i32 to vector<16xi32>
    %select_n3A_2208 = arith.select %gt3A_2203, %broadcast_in_dim3A_2206, %broadcast_in_dim3A_2207 : vector<16xi1>, vector<16xi32>
    %add3A_2209 = arith.addi %add3A_2200, %select_n3A_2208 : vector<16xi32>
    %gt3A_2210 = arith.constant 8.000000e-01 : f32
    %gt3A_2211 = vector.broadcast %gt3A_2210 : f32 to vector<16xf32>
    %gt3A_2212 = arith.cmpf ogt, %get3A_2135, %gt3A_2211 : vector<16xf32>
    %jit3A_2213 = arith.constant 1 : i32
    %jit3A_2214 = arith.constant 0 : i32
    %broadcast_in_dim3A_2215 = vector.broadcast %jit3A_2213 : i32 to vector<16xi32>
    %broadcast_in_dim3A_2216 = vector.broadcast %jit3A_2214 : i32 to vector<16xi32>
    %select_n3A_2217 = arith.select %gt3A_2212, %broadcast_in_dim3A_2215, %broadcast_in_dim3A_2216 : vector<16xi1>, vector<16xi32>
    %add3A_2218 = arith.addi %add3A_2209, %select_n3A_2217 : vector<16xi32>
    %gt3A_2219 = arith.constant 0.900000035 : f32
    %gt3A_2220 = vector.broadcast %gt3A_2219 : f32 to vector<16xf32>
    %gt3A_2221 = arith.cmpf ogt, %get3A_2135, %gt3A_2220 : vector<16xf32>
    %jit3A_2222 = arith.constant 1 : i32
    %jit3A_2223 = arith.constant 0 : i32
    %broadcast_in_dim3A_2224 = vector.broadcast %jit3A_2222 : i32 to vector<16xi32>
    %broadcast_in_dim3A_2225 = vector.broadcast %jit3A_2223 : i32 to vector<16xi32>
    %select_n3A_2226 = arith.select %gt3A_2221, %broadcast_in_dim3A_2224, %broadcast_in_dim3A_2225 : vector<16xi1>, vector<16xi32>
    %add3A_2227 = arith.addi %add3A_2218, %select_n3A_2226 : vector<16xi32>
    %gt3A_2228 = arith.constant 1.000000e+00 : f32
    %gt3A_2229 = vector.broadcast %gt3A_2228 : f32 to vector<16xf32>
    %gt3A_2230 = arith.cmpf ogt, %get3A_2135, %gt3A_2229 : vector<16xf32>
    %jit3A_2231 = arith.constant 1 : i32
    %jit3A_2232 = arith.constant 0 : i32
    %broadcast_in_dim3A_2233 = vector.broadcast %jit3A_2231 : i32 to vector<16xi32>
    %broadcast_in_dim3A_2234 = vector.broadcast %jit3A_2232 : i32 to vector<16xi32>
    %select_n3A_2235 = arith.select %gt3A_2230, %broadcast_in_dim3A_2233, %broadcast_in_dim3A_2234 : vector<16xi1>, vector<16xi32>
    %add3A_2236 = arith.addi %add3A_2227, %select_n3A_2235 : vector<16xi32>
    %sub3A_2237 = arith.constant 1 : i32
    %sub3A_2238 = vector.broadcast %sub3A_2237 : i32 to vector<16xi32>
    %sub3A_2239 = arith.subi %add3A_2236, %sub3A_2238 : vector<16xi32>
    %jit3A_2240 = arith.constant 0 : i32
    %jit3A_2241 = arith.constant 9 : i32
    %max3A_2242 = vector.broadcast %jit3A_2240 : i32 to vector<16xi32>
    %max3A_2243 = arith.maxsi %max3A_2242, %sub3A_2239 : vector<16xi32>
    %min3A_2244 = vector.broadcast %jit3A_2241 : i32 to vector<16xi32>
    %min3A_2245 = arith.minsi %min3A_2244, %max3A_2243 : vector<16xi32>
    %gather3A_2246 = tpu.vector_load_idx %arg6[%min3A_2245] : memref<16xf32, #tpu.memory_space<vmem>>[vector<16xi32>], vector<16xf32>,
    %mul3A_2247 = arith.mulf %gather3A_2246, %gather3A_2246 : vector<16xf32>
    %jit3A_2248 = arith.constant 0.00999999977 : f32
    %jit3A_2249 = arith.constant 1.000000e+02 : f32
    %max3A_2250 = vector.broadcast %jit3A_2248 : f32 to vector<16xf32>
    %max3A_2251 = arith.maximumf %max3A_2250, %mul3A_2247 : vector<16xf32>
    %min3A_2252 = vector.broadcast %jit3A_2249 : f32 to vector<16xf32>
    %min3A_2253 = arith.minimumf %min3A_2252, %max3A_2251 : vector<16xf32>
    %div3A_2254 = arith.constant 1.000000e+00 : f32
    %div3A_2255 = vector.broadcast %div3A_2254 : f32 to vector<16xf32>
    %div3A_2256 = arith.divf %div3A_2255, %min3A_2253 : vector<16xf32>
    %mul3A_2257 = arith.mulf %get3A_2135, %div3A_2256 : vector<16xf32>
    %swap3A_2258 = arith.constant 272 : index
    %swap3A_2259 = tpu.vector_load %arg7[%swap3A_2258] {strides = array<i32>} : memref<512xf32, #tpu.memory_space<vmem>>, vector<16xf32>,
    tpu.vector_store %arg7[%swap3A_2258], %mul3A_2257 {strides = array<i32>} : memref<512xf32, #tpu.memory_space<vmem>>, vector<16xf32>,
    %get3A_2260 = arith.constant 288 : index
    %get3A_2261 = tpu.vector_load %arg5[%get3A_2260] {strides = array<i32>} : memref<512xf32, #tpu.memory_space<vmem>>, vector<16xf32>,
    %broadcast_in_dim3A_2262 = arith.constant 0 : i32
    %broadcast_in_dim3A_2263 = vector.broadcast %broadcast_in_dim3A_2262 : i32 to vector<16xi32>
    %gt3A_2264 = arith.constant 0.000000e+00 : f32
    %gt3A_2265 = vector.broadcast %gt3A_2264 : f32 to vector<16xf32>
    %gt3A_2266 = arith.cmpf ogt, %get3A_2261, %gt3A_2265 : vector<16xf32>
    %jit3A_2267 = arith.constant 1 : i32
    %jit3A_2268 = arith.constant 0 : i32
    %broadcast_in_dim3A_2269 = vector.broadcast %jit3A_2267 : i32 to vector<16xi32>
    %broadcast_in_dim3A_2270 = vector.broadcast %jit3A_2268 : i32 to vector<16xi32>
    %select_n3A_2271 = arith.select %gt3A_2266, %broadcast_in_dim3A_2269, %broadcast_in_dim3A_2270 : vector<16xi1>, vector<16xi32>
    %add3A_2272 = arith.addi %broadcast_in_dim3A_2263, %select_n3A_2271 : vector<16xi32>
    %gt3A_2273 = arith.constant 1.000000e-01 : f32
    %gt3A_2274 = vector.broadcast %gt3A_2273 : f32 to vector<16xf32>
    %gt3A_2275 = arith.cmpf ogt, %get3A_2261, %gt3A_2274 : vector<16xf32>
    %jit3A_2276 = arith.constant 1 : i32
    %jit3A_2277 = arith.constant 0 : i32
    %broadcast_in_dim3A_2278 = vector.broadcast %jit3A_2276 : i32 to vector<16xi32>
    %broadcast_in_dim3A_2279 = vector.broadcast %jit3A_2277 : i32 to vector<16xi32>
    %select_n3A_2280 = arith.select %gt3A_2275, %broadcast_in_dim3A_2278, %broadcast_in_dim3A_2279 : vector<16xi1>, vector<16xi32>
    %add3A_2281 = arith.addi %add3A_2272, %select_n3A_2280 : vector<16xi32>
    %gt3A_2282 = arith.constant 2.000000e-01 : f32
    %gt3A_2283 = vector.broadcast %gt3A_2282 : f32 to vector<16xf32>
    %gt3A_2284 = arith.cmpf ogt, %get3A_2261, %gt3A_2283 : vector<16xf32>
    %jit3A_2285 = arith.constant 1 : i32
    %jit3A_2286 = arith.constant 0 : i32
    %broadcast_in_dim3A_2287 = vector.broadcast %jit3A_2285 : i32 to vector<16xi32>
    %broadcast_in_dim3A_2288 = vector.broadcast %jit3A_2286 : i32 to vector<16xi32>
    %select_n3A_2289 = arith.select %gt3A_2284, %broadcast_in_dim3A_2287, %broadcast_in_dim3A_2288 : vector<16xi1>, vector<16xi32>
    %add3A_2290 = arith.addi %add3A_2281, %select_n3A_2289 : vector<16xi32>
    %gt3A_2291 = arith.constant 3.000000e-01 : f32
    %gt3A_2292 = vector.broadcast %gt3A_2291 : f32 to vector<16xf32>
    %gt3A_2293 = arith.cmpf ogt, %get3A_2261, %gt3A_2292 : vector<16xf32>
    %jit3A_2294 = arith.constant 1 : i32
    %jit3A_2295 = arith.constant 0 : i32
    %broadcast_in_dim3A_2296 = vector.broadcast %jit3A_2294 : i32 to vector<16xi32>
    %broadcast_in_dim3A_2297 = vector.broadcast %jit3A_2295 : i32 to vector<16xi32>
    %select_n3A_2298 = arith.select %gt3A_2293, %broadcast_in_dim3A_2296, %broadcast_in_dim3A_2297 : vector<16xi1>, vector<16xi32>
    %add3A_2299 = arith.addi %add3A_2290, %select_n3A_2298 : vector<16xi32>
    %gt3A_2300 = arith.constant 4.000000e-01 : f32
    %gt3A_2301 = vector.broadcast %gt3A_2300 : f32 to vector<16xf32>
    %gt3A_2302 = arith.cmpf ogt, %get3A_2261, %gt3A_2301 : vector<16xf32>
    %jit3A_2303 = arith.constant 1 : i32
    %jit3A_2304 = arith.constant 0 : i32
    %broadcast_in_dim3A_2305 = vector.broadcast %jit3A_2303 : i32 to vector<16xi32>
    %broadcast_in_dim3A_2306 = vector.broadcast %jit3A_2304 : i32 to vector<16xi32>
    %select_n3A_2307 = arith.select %gt3A_2302, %broadcast_in_dim3A_2305, %broadcast_in_dim3A_2306 : vector<16xi1>, vector<16xi32>
    %add3A_2308 = arith.addi %add3A_2299, %select_n3A_2307 : vector<16xi32>
    %gt3A_2309 = arith.constant 5.000000e-01 : f32
    %gt3A_2310 = vector.broadcast %gt3A_2309 : f32 to vector<16xf32>
    %gt3A_2311 = arith.cmpf ogt, %get3A_2261, %gt3A_2310 : vector<16xf32>
    %jit3A_2312 = arith.constant 1 : i32
    %jit3A_2313 = arith.constant 0 : i32
    %broadcast_in_dim3A_2314 = vector.broadcast %jit3A_2312 : i32 to vector<16xi32>
    %broadcast_in_dim3A_2315 = vector.broadcast %jit3A_2313 : i32 to vector<16xi32>
    %select_n3A_2316 = arith.select %gt3A_2311, %broadcast_in_dim3A_2314, %broadcast_in_dim3A_2315 : vector<16xi1>, vector<16xi32>
    %add3A_2317 = arith.addi %add3A_2308, %select_n3A_2316 : vector<16xi32>
    %gt3A_2318 = arith.constant 6.000000e-01 : f32
    %gt3A_2319 = vector.broadcast %gt3A_2318 : f32 to vector<16xf32>
    %gt3A_2320 = arith.cmpf ogt, %get3A_2261, %gt3A_2319 : vector<16xf32>
    %jit3A_2321 = arith.constant 1 : i32
    %jit3A_2322 = arith.constant 0 : i32
    %broadcast_in_dim3A_2323 = vector.broadcast %jit3A_2321 : i32 to vector<16xi32>
    %broadcast_in_dim3A_2324 = vector.broadcast %jit3A_2322 : i32 to vector<16xi32>
    %select_n3A_2325 = arith.select %gt3A_2320, %broadcast_in_dim3A_2323, %broadcast_in_dim3A_2324 : vector<16xi1>, vector<16xi32>
    %add3A_2326 = arith.addi %add3A_2317, %select_n3A_2325 : vector<16xi32>
    %gt3A_2327 = arith.constant 0.699999988 : f32
    %gt3A_2328 = vector.broadcast %gt3A_2327 : f32 to vector<16xf32>
    %gt3A_2329 = arith.cmpf ogt, %get3A_2261, %gt3A_2328 : vector<16xf32>
    %jit3A_2330 = arith.constant 1 : i32
    %jit3A_2331 = arith.constant 0 : i32
    %broadcast_in_dim3A_2332 = vector.broadcast %jit3A_2330 : i32 to vector<16xi32>
    %broadcast_in_dim3A_2333 = vector.broadcast %jit3A_2331 : i32 to vector<16xi32>
    %select_n3A_2334 = arith.select %gt3A_2329, %broadcast_in_dim3A_2332, %broadcast_in_dim3A_2333 : vector<16xi1>, vector<16xi32>
    %add3A_2335 = arith.addi %add3A_2326, %select_n3A_2334 : vector<16xi32>
    %gt3A_2336 = arith.constant 8.000000e-01 : f32
    %gt3A_2337 = vector.broadcast %gt3A_2336 : f32 to vector<16xf32>
    %gt3A_2338 = arith.cmpf ogt, %get3A_2261, %gt3A_2337 : vector<16xf32>
    %jit3A_2339 = arith.constant 1 : i32
    %jit3A_2340 = arith.constant 0 : i32
    %broadcast_in_dim3A_2341 = vector.broadcast %jit3A_2339 : i32 to vector<16xi32>
    %broadcast_in_dim3A_2342 = vector.broadcast %jit3A_2340 : i32 to vector<16xi32>
    %select_n3A_2343 = arith.select %gt3A_2338, %broadcast_in_dim3A_2341, %broadcast_in_dim3A_2342 : vector<16xi1>, vector<16xi32>
    %add3A_2344 = arith.addi %add3A_2335, %select_n3A_2343 : vector<16xi32>
    %gt3A_2345 = arith.constant 0.900000035 : f32
    %gt3A_2346 = vector.broadcast %gt3A_2345 : f32 to vector<16xf32>
    %gt3A_2347 = arith.cmpf ogt, %get3A_2261, %gt3A_2346 : vector<16xf32>
    %jit3A_2348 = arith.constant 1 : i32
    %jit3A_2349 = arith.constant 0 : i32
    %broadcast_in_dim3A_2350 = vector.broadcast %jit3A_2348 : i32 to vector<16xi32>
    %broadcast_in_dim3A_2351 = vector.broadcast %jit3A_2349 : i32 to vector<16xi32>
    %select_n3A_2352 = arith.select %gt3A_2347, %broadcast_in_dim3A_2350, %broadcast_in_dim3A_2351 : vector<16xi1>, vector<16xi32>
    %add3A_2353 = arith.addi %add3A_2344, %select_n3A_2352 : vector<16xi32>
    %gt3A_2354 = arith.constant 1.000000e+00 : f32
    %gt3A_2355 = vector.broadcast %gt3A_2354 : f32 to vector<16xf32>
    %gt3A_2356 = arith.cmpf ogt, %get3A_2261, %gt3A_2355 : vector<16xf32>
    %jit3A_2357 = arith.constant 1 : i32
    %jit3A_2358 = arith.constant 0 : i32
    %broadcast_in_dim3A_2359 = vector.broadcast %jit3A_2357 : i32 to vector<16xi32>
    %broadcast_in_dim3A_2360 = vector.broadcast %jit3A_2358 : i32 to vector<16xi32>
    %select_n3A_2361 = arith.select %gt3A_2356, %broadcast_in_dim3A_2359, %broadcast_in_dim3A_2360 : vector<16xi1>, vector<16xi32>
    %add3A_2362 = arith.addi %add3A_2353, %select_n3A_2361 : vector<16xi32>
    %sub3A_2363 = arith.constant 1 : i32
    %sub3A_2364 = vector.broadcast %sub3A_2363 : i32 to vector<16xi32>
    %sub3A_2365 = arith.subi %add3A_2362, %sub3A_2364 : vector<16xi32>
    %jit3A_2366 = arith.constant 0 : i32
    %jit3A_2367 = arith.constant 9 : i32
    %max3A_2368 = vector.broadcast %jit3A_2366 : i32 to vector<16xi32>
    %max3A_2369 = arith.maxsi %max3A_2368, %sub3A_2365 : vector<16xi32>
    %min3A_2370 = vector.broadcast %jit3A_2367 : i32 to vector<16xi32>
    %min3A_2371 = arith.minsi %min3A_2370, %max3A_2369 : vector<16xi32>
    %gather3A_2372 = tpu.vector_load_idx %arg6[%min3A_2371] : memref<16xf32, #tpu.memory_space<vmem>>[vector<16xi32>], vector<16xf32>,
    %mul3A_2373 = arith.mulf %gather3A_2372, %gather3A_2372 : vector<16xf32>
    %jit3A_2374 = arith.constant 0.00999999977 : f32
    %jit3A_2375 = arith.constant 1.000000e+02 : f32
    %max3A_2376 = vector.broadcast %jit3A_2374 : f32 to vector<16xf32>
    %max3A_2377 = arith.maximumf %max3A_2376, %mul3A_2373 : vector<16xf32>
    %min3A_2378 = vector.broadcast %jit3A_2375 : f32 to vector<16xf32>
    %min3A_2379 = arith.minimumf %min3A_2378, %max3A_2377 : vector<16xf32>
    %div3A_2380 = arith.constant 1.000000e+00 : f32
    %div3A_2381 = vector.broadcast %div3A_2380 : f32 to vector<16xf32>
    %div3A_2382 = arith.divf %div3A_2381, %min3A_2379 : vector<16xf32>
    %mul3A_2383 = arith.mulf %get3A_2261, %div3A_2382 : vector<16xf32>
    %swap3A_2384 = arith.constant 288 : index
    %swap3A_2385 = tpu.vector_load %arg7[%swap3A_2384] {strides = array<i32>} : memref<512xf32, #tpu.memory_space<vmem>>, vector<16xf32>,
    tpu.vector_store %arg7[%swap3A_2384], %mul3A_2383 {strides = array<i32>} : memref<512xf32, #tpu.memory_space<vmem>>, vector<16xf32>,
    %get3A_2386 = arith.constant 304 : index
    %get3A_2387 = tpu.vector_load %arg5[%get3A_2386] {strides = array<i32>} : memref<512xf32, #tpu.memory_space<vmem>>, vector<16xf32>,
    %broadcast_in_dim3A_2388 = arith.constant 0 : i32
    %broadcast_in_dim3A_2389 = vector.broadcast %broadcast_in_dim3A_2388 : i32 to vector<16xi32>
    %gt3A_2390 = arith.constant 0.000000e+00 : f32
    %gt3A_2391 = vector.broadcast %gt3A_2390 : f32 to vector<16xf32>
    %gt3A_2392 = arith.cmpf ogt, %get3A_2387, %gt3A_2391 : vector<16xf32>
    %jit3A_2393 = arith.constant 1 : i32
    %jit3A_2394 = arith.constant 0 : i32
    %broadcast_in_dim3A_2395 = vector.broadcast %jit3A_2393 : i32 to vector<16xi32>
    %broadcast_in_dim3A_2396 = vector.broadcast %jit3A_2394 : i32 to vector<16xi32>
    %select_n3A_2397 = arith.select %gt3A_2392, %broadcast_in_dim3A_2395, %broadcast_in_dim3A_2396 : vector<16xi1>, vector<16xi32>
    %add3A_2398 = arith.addi %broadcast_in_dim3A_2389, %select_n3A_2397 : vector<16xi32>
    %gt3A_2399 = arith.constant 1.000000e-01 : f32
    %gt3A_2400 = vector.broadcast %gt3A_2399 : f32 to vector<16xf32>
    %gt3A_2401 = arith.cmpf ogt, %get3A_2387, %gt3A_2400 : vector<16xf32>
    %jit3A_2402 = arith.constant 1 : i32
    %jit3A_2403 = arith.constant 0 : i32
    %broadcast_in_dim3A_2404 = vector.broadcast %jit3A_2402 : i32 to vector<16xi32>
    %broadcast_in_dim3A_2405 = vector.broadcast %jit3A_2403 : i32 to vector<16xi32>
    %select_n3A_2406 = arith.select %gt3A_2401, %broadcast_in_dim3A_2404, %broadcast_in_dim3A_2405 : vector<16xi1>, vector<16xi32>
    %add3A_2407 = arith.addi %add3A_2398, %select_n3A_2406 : vector<16xi32>
    %gt3A_2408 = arith.constant 2.000000e-01 : f32
    %gt3A_2409 = vector.broadcast %gt3A_2408 : f32 to vector<16xf32>
    %gt3A_2410 = arith.cmpf ogt, %get3A_2387, %gt3A_2409 : vector<16xf32>
    %jit3A_2411 = arith.constant 1 : i32
    %jit3A_2412 = arith.constant 0 : i32
    %broadcast_in_dim3A_2413 = vector.broadcast %jit3A_2411 : i32 to vector<16xi32>
    %broadcast_in_dim3A_2414 = vector.broadcast %jit3A_2412 : i32 to vector<16xi32>
    %select_n3A_2415 = arith.select %gt3A_2410, %broadcast_in_dim3A_2413, %broadcast_in_dim3A_2414 : vector<16xi1>, vector<16xi32>
    %add3A_2416 = arith.addi %add3A_2407, %select_n3A_2415 : vector<16xi32>
    %gt3A_2417 = arith.constant 3.000000e-01 : f32
    %gt3A_2418 = vector.broadcast %gt3A_2417 : f32 to vector<16xf32>
    %gt3A_2419 = arith.cmpf ogt, %get3A_2387, %gt3A_2418 : vector<16xf32>
    %jit3A_2420 = arith.constant 1 : i32
    %jit3A_2421 = arith.constant 0 : i32
    %broadcast_in_dim3A_2422 = vector.broadcast %jit3A_2420 : i32 to vector<16xi32>
    %broadcast_in_dim3A_2423 = vector.broadcast %jit3A_2421 : i32 to vector<16xi32>
    %select_n3A_2424 = arith.select %gt3A_2419, %broadcast_in_dim3A_2422, %broadcast_in_dim3A_2423 : vector<16xi1>, vector<16xi32>
    %add3A_2425 = arith.addi %add3A_2416, %select_n3A_2424 : vector<16xi32>
    %gt3A_2426 = arith.constant 4.000000e-01 : f32
    %gt3A_2427 = vector.broadcast %gt3A_2426 : f32 to vector<16xf32>
    %gt3A_2428 = arith.cmpf ogt, %get3A_2387, %gt3A_2427 : vector<16xf32>
    %jit3A_2429 = arith.constant 1 : i32
    %jit3A_2430 = arith.constant 0 : i32
    %broadcast_in_dim3A_2431 = vector.broadcast %jit3A_2429 : i32 to vector<16xi32>
    %broadcast_in_dim3A_2432 = vector.broadcast %jit3A_2430 : i32 to vector<16xi32>
    %select_n3A_2433 = arith.select %gt3A_2428, %broadcast_in_dim3A_2431, %broadcast_in_dim3A_2432 : vector<16xi1>, vector<16xi32>
    %add3A_2434 = arith.addi %add3A_2425, %select_n3A_2433 : vector<16xi32>
    %gt3A_2435 = arith.constant 5.000000e-01 : f32
    %gt3A_2436 = vector.broadcast %gt3A_2435 : f32 to vector<16xf32>
    %gt3A_2437 = arith.cmpf ogt, %get3A_2387, %gt3A_2436 : vector<16xf32>
    %jit3A_2438 = arith.constant 1 : i32
    %jit3A_2439 = arith.constant 0 : i32
    %broadcast_in_dim3A_2440 = vector.broadcast %jit3A_2438 : i32 to vector<16xi32>
    %broadcast_in_dim3A_2441 = vector.broadcast %jit3A_2439 : i32 to vector<16xi32>
    %select_n3A_2442 = arith.select %gt3A_2437, %broadcast_in_dim3A_2440, %broadcast_in_dim3A_2441 : vector<16xi1>, vector<16xi32>
    %add3A_2443 = arith.addi %add3A_2434, %select_n3A_2442 : vector<16xi32>
    %gt3A_2444 = arith.constant 6.000000e-01 : f32
    %gt3A_2445 = vector.broadcast %gt3A_2444 : f32 to vector<16xf32>
    %gt3A_2446 = arith.cmpf ogt, %get3A_2387, %gt3A_2445 : vector<16xf32>
    %jit3A_2447 = arith.constant 1 : i32
    %jit3A_2448 = arith.constant 0 : i32
    %broadcast_in_dim3A_2449 = vector.broadcast %jit3A_2447 : i32 to vector<16xi32>
    %broadcast_in_dim3A_2450 = vector.broadcast %jit3A_2448 : i32 to vector<16xi32>
    %select_n3A_2451 = arith.select %gt3A_2446, %broadcast_in_dim3A_2449, %broadcast_in_dim3A_2450 : vector<16xi1>, vector<16xi32>
    %add3A_2452 = arith.addi %add3A_2443, %select_n3A_2451 : vector<16xi32>
    %gt3A_2453 = arith.constant 0.699999988 : f32
    %gt3A_2454 = vector.broadcast %gt3A_2453 : f32 to vector<16xf32>
    %gt3A_2455 = arith.cmpf ogt, %get3A_2387, %gt3A_2454 : vector<16xf32>
    %jit3A_2456 = arith.constant 1 : i32
    %jit3A_2457 = arith.constant 0 : i32
    %broadcast_in_dim3A_2458 = vector.broadcast %jit3A_2456 : i32 to vector<16xi32>
    %broadcast_in_dim3A_2459 = vector.broadcast %jit3A_2457 : i32 to vector<16xi32>
    %select_n3A_2460 = arith.select %gt3A_2455, %broadcast_in_dim3A_2458, %broadcast_in_dim3A_2459 : vector<16xi1>, vector<16xi32>
    %add3A_2461 = arith.addi %add3A_2452, %select_n3A_2460 : vector<16xi32>
    %gt3A_2462 = arith.constant 8.000000e-01 : f32
    %gt3A_2463 = vector.broadcast %gt3A_2462 : f32 to vector<16xf32>
    %gt3A_2464 = arith.cmpf ogt, %get3A_2387, %gt3A_2463 : vector<16xf32>
    %jit3A_2465 = arith.constant 1 : i32
    %jit3A_2466 = arith.constant 0 : i32
    %broadcast_in_dim3A_2467 = vector.broadcast %jit3A_2465 : i32 to vector<16xi32>
    %broadcast_in_dim3A_2468 = vector.broadcast %jit3A_2466 : i32 to vector<16xi32>
    %select_n3A_2469 = arith.select %gt3A_2464, %broadcast_in_dim3A_2467, %broadcast_in_dim3A_2468 : vector<16xi1>, vector<16xi32>
    %add3A_2470 = arith.addi %add3A_2461, %select_n3A_2469 : vector<16xi32>
    %gt3A_2471 = arith.constant 0.900000035 : f32
    %gt3A_2472 = vector.broadcast %gt3A_2471 : f32 to vector<16xf32>
    %gt3A_2473 = arith.cmpf ogt, %get3A_2387, %gt3A_2472 : vector<16xf32>
    %jit3A_2474 = arith.constant 1 : i32
    %jit3A_2475 = arith.constant 0 : i32
    %broadcast_in_dim3A_2476 = vector.broadcast %jit3A_2474 : i32 to vector<16xi32>
    %broadcast_in_dim3A_2477 = vector.broadcast %jit3A_2475 : i32 to vector<16xi32>
    %select_n3A_2478 = arith.select %gt3A_2473, %broadcast_in_dim3A_2476, %broadcast_in_dim3A_2477 : vector<16xi1>, vector<16xi32>
    %add3A_2479 = arith.addi %add3A_2470, %select_n3A_2478 : vector<16xi32>
    %gt3A_2480 = arith.constant 1.000000e+00 : f32
    %gt3A_2481 = vector.broadcast %gt3A_2480 : f32 to vector<16xf32>
    %gt3A_2482 = arith.cmpf ogt, %get3A_2387, %gt3A_2481 : vector<16xf32>
    %jit3A_2483 = arith.constant 1 : i32
    %jit3A_2484 = arith.constant 0 : i32
    %broadcast_in_dim3A_2485 = vector.broadcast %jit3A_2483 : i32 to vector<16xi32>
    %broadcast_in_dim3A_2486 = vector.broadcast %jit3A_2484 : i32 to vector<16xi32>
    %select_n3A_2487 = arith.select %gt3A_2482, %broadcast_in_dim3A_2485, %broadcast_in_dim3A_2486 : vector<16xi1>, vector<16xi32>
    %add3A_2488 = arith.addi %add3A_2479, %select_n3A_2487 : vector<16xi32>
    %sub3A_2489 = arith.constant 1 : i32
    %sub3A_2490 = vector.broadcast %sub3A_2489 : i32 to vector<16xi32>
    %sub3A_2491 = arith.subi %add3A_2488, %sub3A_2490 : vector<16xi32>
    %jit3A_2492 = arith.constant 0 : i32
    %jit3A_2493 = arith.constant 9 : i32
    %max3A_2494 = vector.broadcast %jit3A_2492 : i32 to vector<16xi32>
    %max3A_2495 = arith.maxsi %max3A_2494, %sub3A_2491 : vector<16xi32>
    %min3A_2496 = vector.broadcast %jit3A_2493 : i32 to vector<16xi32>
    %min3A_2497 = arith.minsi %min3A_2496, %max3A_2495 : vector<16xi32>
    %gather3A_2498 = tpu.vector_load_idx %arg6[%min3A_2497] : memref<16xf32, #tpu.memory_space<vmem>>[vector<16xi32>], vector<16xf32>,
    %mul3A_2499 = arith.mulf %gather3A_2498, %gather3A_2498 : vector<16xf32>
    %jit3A_2500 = arith.constant 0.00999999977 : f32
    %jit3A_2501 = arith.constant 1.000000e+02 : f32
    %max3A_2502 = vector.broadcast %jit3A_2500 : f32 to vector<16xf32>
    %max3A_2503 = arith.maximumf %max3A_2502, %mul3A_2499 : vector<16xf32>
    %min3A_2504 = vector.broadcast %jit3A_2501 : f32 to vector<16xf32>
    %min3A_2505 = arith.minimumf %min3A_2504, %max3A_2503 : vector<16xf32>
    %div3A_2506 = arith.constant 1.000000e+00 : f32
    %div3A_2507 = vector.broadcast %div3A_2506 : f32 to vector<16xf32>
    %div3A_2508 = arith.divf %div3A_2507, %min3A_2505 : vector<16xf32>
    %mul3A_2509 = arith.mulf %get3A_2387, %div3A_2508 : vector<16xf32>
    %swap3A_2510 = arith.constant 304 : index
    %swap3A_2511 = tpu.vector_load %arg7[%swap3A_2510] {strides = array<i32>} : memref<512xf32, #tpu.memory_space<vmem>>, vector<16xf32>,
    tpu.vector_store %arg7[%swap3A_2510], %mul3A_2509 {strides = array<i32>} : memref<512xf32, #tpu.memory_space<vmem>>, vector<16xf32>,
    %get3A_2512 = arith.constant 320 : index
    %get3A_2513 = tpu.vector_load %arg5[%get3A_2512] {strides = array<i32>} : memref<512xf32, #tpu.memory_space<vmem>>, vector<16xf32>,
    %broadcast_in_dim3A_2514 = arith.constant 0 : i32
    %broadcast_in_dim3A_2515 = vector.broadcast %broadcast_in_dim3A_2514 : i32 to vector<16xi32>
    %gt3A_2516 = arith.constant 0.000000e+00 : f32
    %gt3A_2517 = vector.broadcast %gt3A_2516 : f32 to vector<16xf32>
    %gt3A_2518 = arith.cmpf ogt, %get3A_2513, %gt3A_2517 : vector<16xf32>
    %jit3A_2519 = arith.constant 1 : i32
    %jit3A_2520 = arith.constant 0 : i32
    %broadcast_in_dim3A_2521 = vector.broadcast %jit3A_2519 : i32 to vector<16xi32>
    %broadcast_in_dim3A_2522 = vector.broadcast %jit3A_2520 : i32 to vector<16xi32>
    %select_n3A_2523 = arith.select %gt3A_2518, %broadcast_in_dim3A_2521, %broadcast_in_dim3A_2522 : vector<16xi1>, vector<16xi32>
    %add3A_2524 = arith.addi %broadcast_in_dim3A_2515, %select_n3A_2523 : vector<16xi32>
    %gt3A_2525 = arith.constant 1.000000e-01 : f32
    %gt3A_2526 = vector.broadcast %gt3A_2525 : f32 to vector<16xf32>
    %gt3A_2527 = arith.cmpf ogt, %get3A_2513, %gt3A_2526 : vector<16xf32>
    %jit3A_2528 = arith.constant 1 : i32
    %jit3A_2529 = arith.constant 0 : i32
    %broadcast_in_dim3A_2530 = vector.broadcast %jit3A_2528 : i32 to vector<16xi32>
    %broadcast_in_dim3A_2531 = vector.broadcast %jit3A_2529 : i32 to vector<16xi32>
    %select_n3A_2532 = arith.select %gt3A_2527, %broadcast_in_dim3A_2530, %broadcast_in_dim3A_2531 : vector<16xi1>, vector<16xi32>
    %add3A_2533 = arith.addi %add3A_2524, %select_n3A_2532 : vector<16xi32>
    %gt3A_2534 = arith.constant 2.000000e-01 : f32
    %gt3A_2535 = vector.broadcast %gt3A_2534 : f32 to vector<16xf32>
    %gt3A_2536 = arith.cmpf ogt, %get3A_2513, %gt3A_2535 : vector<16xf32>
    %jit3A_2537 = arith.constant 1 : i32
    %jit3A_2538 = arith.constant 0 : i32
    %broadcast_in_dim3A_2539 = vector.broadcast %jit3A_2537 : i32 to vector<16xi32>
    %broadcast_in_dim3A_2540 = vector.broadcast %jit3A_2538 : i32 to vector<16xi32>
    %select_n3A_2541 = arith.select %gt3A_2536, %broadcast_in_dim3A_2539, %broadcast_in_dim3A_2540 : vector<16xi1>, vector<16xi32>
    %add3A_2542 = arith.addi %add3A_2533, %select_n3A_2541 : vector<16xi32>
    %gt3A_2543 = arith.constant 3.000000e-01 : f32
    %gt3A_2544 = vector.broadcast %gt3A_2543 : f32 to vector<16xf32>
    %gt3A_2545 = arith.cmpf ogt, %get3A_2513, %gt3A_2544 : vector<16xf32>
    %jit3A_2546 = arith.constant 1 : i32
    %jit3A_2547 = arith.constant 0 : i32
    %broadcast_in_dim3A_2548 = vector.broadcast %jit3A_2546 : i32 to vector<16xi32>
    %broadcast_in_dim3A_2549 = vector.broadcast %jit3A_2547 : i32 to vector<16xi32>
    %select_n3A_2550 = arith.select %gt3A_2545, %broadcast_in_dim3A_2548, %broadcast_in_dim3A_2549 : vector<16xi1>, vector<16xi32>
    %add3A_2551 = arith.addi %add3A_2542, %select_n3A_2550 : vector<16xi32>
    %gt3A_2552 = arith.constant 4.000000e-01 : f32
    %gt3A_2553 = vector.broadcast %gt3A_2552 : f32 to vector<16xf32>
    %gt3A_2554 = arith.cmpf ogt, %get3A_2513, %gt3A_2553 : vector<16xf32>
    %jit3A_2555 = arith.constant 1 : i32
    %jit3A_2556 = arith.constant 0 : i32
    %broadcast_in_dim3A_2557 = vector.broadcast %jit3A_2555 : i32 to vector<16xi32>
    %broadcast_in_dim3A_2558 = vector.broadcast %jit3A_2556 : i32 to vector<16xi32>
    %select_n3A_2559 = arith.select %gt3A_2554, %broadcast_in_dim3A_2557, %broadcast_in_dim3A_2558 : vector<16xi1>, vector<16xi32>
    %add3A_2560 = arith.addi %add3A_2551, %select_n3A_2559 : vector<16xi32>
    %gt3A_2561 = arith.constant 5.000000e-01 : f32
    %gt3A_2562 = vector.broadcast %gt3A_2561 : f32 to vector<16xf32>
    %gt3A_2563 = arith.cmpf ogt, %get3A_2513, %gt3A_2562 : vector<16xf32>
    %jit3A_2564 = arith.constant 1 : i32
    %jit3A_2565 = arith.constant 0 : i32
    %broadcast_in_dim3A_2566 = vector.broadcast %jit3A_2564 : i32 to vector<16xi32>
    %broadcast_in_dim3A_2567 = vector.broadcast %jit3A_2565 : i32 to vector<16xi32>
    %select_n3A_2568 = arith.select %gt3A_2563, %broadcast_in_dim3A_2566, %broadcast_in_dim3A_2567 : vector<16xi1>, vector<16xi32>
    %add3A_2569 = arith.addi %add3A_2560, %select_n3A_2568 : vector<16xi32>
    %gt3A_2570 = arith.constant 6.000000e-01 : f32
    %gt3A_2571 = vector.broadcast %gt3A_2570 : f32 to vector<16xf32>
    %gt3A_2572 = arith.cmpf ogt, %get3A_2513, %gt3A_2571 : vector<16xf32>
    %jit3A_2573 = arith.constant 1 : i32
    %jit3A_2574 = arith.constant 0 : i32
    %broadcast_in_dim3A_2575 = vector.broadcast %jit3A_2573 : i32 to vector<16xi32>
    %broadcast_in_dim3A_2576 = vector.broadcast %jit3A_2574 : i32 to vector<16xi32>
    %select_n3A_2577 = arith.select %gt3A_2572, %broadcast_in_dim3A_2575, %broadcast_in_dim3A_2576 : vector<16xi1>, vector<16xi32>
    %add3A_2578 = arith.addi %add3A_2569, %select_n3A_2577 : vector<16xi32>
    %gt3A_2579 = arith.constant 0.699999988 : f32
    %gt3A_2580 = vector.broadcast %gt3A_2579 : f32 to vector<16xf32>
    %gt3A_2581 = arith.cmpf ogt, %get3A_2513, %gt3A_2580 : vector<16xf32>
    %jit3A_2582 = arith.constant 1 : i32
    %jit3A_2583 = arith.constant 0 : i32
    %broadcast_in_dim3A_2584 = vector.broadcast %jit3A_2582 : i32 to vector<16xi32>
    %broadcast_in_dim3A_2585 = vector.broadcast %jit3A_2583 : i32 to vector<16xi32>
    %select_n3A_2586 = arith.select %gt3A_2581, %broadcast_in_dim3A_2584, %broadcast_in_dim3A_2585 : vector<16xi1>, vector<16xi32>
    %add3A_2587 = arith.addi %add3A_2578, %select_n3A_2586 : vector<16xi32>
    %gt3A_2588 = arith.constant 8.000000e-01 : f32
    %gt3A_2589 = vector.broadcast %gt3A_2588 : f32 to vector<16xf32>
    %gt3A_2590 = arith.cmpf ogt, %get3A_2513, %gt3A_2589 : vector<16xf32>
    %jit3A_2591 = arith.constant 1 : i32
    %jit3A_2592 = arith.constant 0 : i32
    %broadcast_in_dim3A_2593 = vector.broadcast %jit3A_2591 : i32 to vector<16xi32>
    %broadcast_in_dim3A_2594 = vector.broadcast %jit3A_2592 : i32 to vector<16xi32>
    %select_n3A_2595 = arith.select %gt3A_2590, %broadcast_in_dim3A_2593, %broadcast_in_dim3A_2594 : vector<16xi1>, vector<16xi32>
    %add3A_2596 = arith.addi %add3A_2587, %select_n3A_2595 : vector<16xi32>
    %gt3A_2597 = arith.constant 0.900000035 : f32
    %gt3A_2598 = vector.broadcast %gt3A_2597 : f32 to vector<16xf32>
    %gt3A_2599 = arith.cmpf ogt, %get3A_2513, %gt3A_2598 : vector<16xf32>
    %jit3A_2600 = arith.constant 1 : i32
    %jit3A_2601 = arith.constant 0 : i32
    %broadcast_in_dim3A_2602 = vector.broadcast %jit3A_2600 : i32 to vector<16xi32>
    %broadcast_in_dim3A_2603 = vector.broadcast %jit3A_2601 : i32 to vector<16xi32>
    %select_n3A_2604 = arith.select %gt3A_2599, %broadcast_in_dim3A_2602, %broadcast_in_dim3A_2603 : vector<16xi1>, vector<16xi32>
    %add3A_2605 = arith.addi %add3A_2596, %select_n3A_2604 : vector<16xi32>
    %gt3A_2606 = arith.constant 1.000000e+00 : f32
    %gt3A_2607 = vector.broadcast %gt3A_2606 : f32 to vector<16xf32>
    %gt3A_2608 = arith.cmpf ogt, %get3A_2513, %gt3A_2607 : vector<16xf32>
    %jit3A_2609 = arith.constant 1 : i32
    %jit3A_2610 = arith.constant 0 : i32
    %broadcast_in_dim3A_2611 = vector.broadcast %jit3A_2609 : i32 to vector<16xi32>
    %broadcast_in_dim3A_2612 = vector.broadcast %jit3A_2610 : i32 to vector<16xi32>
    %select_n3A_2613 = arith.select %gt3A_2608, %broadcast_in_dim3A_2611, %broadcast_in_dim3A_2612 : vector<16xi1>, vector<16xi32>
    %add3A_2614 = arith.addi %add3A_2605, %select_n3A_2613 : vector<16xi32>
    %sub3A_2615 = arith.constant 1 : i32
    %sub3A_2616 = vector.broadcast %sub3A_2615 : i32 to vector<16xi32>
    %sub3A_2617 = arith.subi %add3A_2614, %sub3A_2616 : vector<16xi32>
    %jit3A_2618 = arith.constant 0 : i32
    %jit3A_2619 = arith.constant 9 : i32
    %max3A_2620 = vector.broadcast %jit3A_2618 : i32 to vector<16xi32>
    %max3A_2621 = arith.maxsi %max3A_2620, %sub3A_2617 : vector<16xi32>
    %min3A_2622 = vector.broadcast %jit3A_2619 : i32 to vector<16xi32>
    %min3A_2623 = arith.minsi %min3A_2622, %max3A_2621 : vector<16xi32>
    %gather3A_2624 = tpu.vector_load_idx %arg6[%min3A_2623] : memref<16xf32, #tpu.memory_space<vmem>>[vector<16xi32>], vector<16xf32>,
    %mul3A_2625 = arith.mulf %gather3A_2624, %gather3A_2624 : vector<16xf32>
    %jit3A_2626 = arith.constant 0.00999999977 : f32
    %jit3A_2627 = arith.constant 1.000000e+02 : f32
    %max3A_2628 = vector.broadcast %jit3A_2626 : f32 to vector<16xf32>
    %max3A_2629 = arith.maximumf %max3A_2628, %mul3A_2625 : vector<16xf32>
    %min3A_2630 = vector.broadcast %jit3A_2627 : f32 to vector<16xf32>
    %min3A_2631 = arith.minimumf %min3A_2630, %max3A_2629 : vector<16xf32>
    %div3A_2632 = arith.constant 1.000000e+00 : f32
    %div3A_2633 = vector.broadcast %div3A_2632 : f32 to vector<16xf32>
    %div3A_2634 = arith.divf %div3A_2633, %min3A_2631 : vector<16xf32>
    %mul3A_2635 = arith.mulf %get3A_2513, %div3A_2634 : vector<16xf32>
    %swap3A_2636 = arith.constant 320 : index
    %swap3A_2637 = tpu.vector_load %arg7[%swap3A_2636] {strides = array<i32>} : memref<512xf32, #tpu.memory_space<vmem>>, vector<16xf32>,
    tpu.vector_store %arg7[%swap3A_2636], %mul3A_2635 {strides = array<i32>} : memref<512xf32, #tpu.memory_space<vmem>>, vector<16xf32>,
    %get3A_2638 = arith.constant 336 : index
    %get3A_2639 = tpu.vector_load %arg5[%get3A_2638] {strides = array<i32>} : memref<512xf32, #tpu.memory_space<vmem>>, vector<16xf32>,
    %broadcast_in_dim3A_2640 = arith.constant 0 : i32
    %broadcast_in_dim3A_2641 = vector.broadcast %broadcast_in_dim3A_2640 : i32 to vector<16xi32>
    %gt3A_2642 = arith.constant 0.000000e+00 : f32
    %gt3A_2643 = vector.broadcast %gt3A_2642 : f32 to vector<16xf32>
    %gt3A_2644 = arith.cmpf ogt, %get3A_2639, %gt3A_2643 : vector<16xf32>
    %jit3A_2645 = arith.constant 1 : i32
    %jit3A_2646 = arith.constant 0 : i32
    %broadcast_in_dim3A_2647 = vector.broadcast %jit3A_2645 : i32 to vector<16xi32>
    %broadcast_in_dim3A_2648 = vector.broadcast %jit3A_2646 : i32 to vector<16xi32>
    %select_n3A_2649 = arith.select %gt3A_2644, %broadcast_in_dim3A_2647, %broadcast_in_dim3A_2648 : vector<16xi1>, vector<16xi32>
    %add3A_2650 = arith.addi %broadcast_in_dim3A_2641, %select_n3A_2649 : vector<16xi32>
    %gt3A_2651 = arith.constant 1.000000e-01 : f32
    %gt3A_2652 = vector.broadcast %gt3A_2651 : f32 to vector<16xf32>
    %gt3A_2653 = arith.cmpf ogt, %get3A_2639, %gt3A_2652 : vector<16xf32>
    %jit3A_2654 = arith.constant 1 : i32
    %jit3A_2655 = arith.constant 0 : i32
    %broadcast_in_dim3A_2656 = vector.broadcast %jit3A_2654 : i32 to vector<16xi32>
    %broadcast_in_dim3A_2657 = vector.broadcast %jit3A_2655 : i32 to vector<16xi32>
    %select_n3A_2658 = arith.select %gt3A_2653, %broadcast_in_dim3A_2656, %broadcast_in_dim3A_2657 : vector<16xi1>, vector<16xi32>
    %add3A_2659 = arith.addi %add3A_2650, %select_n3A_2658 : vector<16xi32>
    %gt3A_2660 = arith.constant 2.000000e-01 : f32
    %gt3A_2661 = vector.broadcast %gt3A_2660 : f32 to vector<16xf32>
    %gt3A_2662 = arith.cmpf ogt, %get3A_2639, %gt3A_2661 : vector<16xf32>
    %jit3A_2663 = arith.constant 1 : i32
    %jit3A_2664 = arith.constant 0 : i32
    %broadcast_in_dim3A_2665 = vector.broadcast %jit3A_2663 : i32 to vector<16xi32>
    %broadcast_in_dim3A_2666 = vector.broadcast %jit3A_2664 : i32 to vector<16xi32>
    %select_n3A_2667 = arith.select %gt3A_2662, %broadcast_in_dim3A_2665, %broadcast_in_dim3A_2666 : vector<16xi1>, vector<16xi32>
    %add3A_2668 = arith.addi %add3A_2659, %select_n3A_2667 : vector<16xi32>
    %gt3A_2669 = arith.constant 3.000000e-01 : f32
    %gt3A_2670 = vector.broadcast %gt3A_2669 : f32 to vector<16xf32>
    %gt3A_2671 = arith.cmpf ogt, %get3A_2639, %gt3A_2670 : vector<16xf32>
    %jit3A_2672 = arith.constant 1 : i32
    %jit3A_2673 = arith.constant 0 : i32
    %broadcast_in_dim3A_2674 = vector.broadcast %jit3A_2672 : i32 to vector<16xi32>
    %broadcast_in_dim3A_2675 = vector.broadcast %jit3A_2673 : i32 to vector<16xi32>
    %select_n3A_2676 = arith.select %gt3A_2671, %broadcast_in_dim3A_2674, %broadcast_in_dim3A_2675 : vector<16xi1>, vector<16xi32>
    %add3A_2677 = arith.addi %add3A_2668, %select_n3A_2676 : vector<16xi32>
    %gt3A_2678 = arith.constant 4.000000e-01 : f32
    %gt3A_2679 = vector.broadcast %gt3A_2678 : f32 to vector<16xf32>
    %gt3A_2680 = arith.cmpf ogt, %get3A_2639, %gt3A_2679 : vector<16xf32>
    %jit3A_2681 = arith.constant 1 : i32
    %jit3A_2682 = arith.constant 0 : i32
    %broadcast_in_dim3A_2683 = vector.broadcast %jit3A_2681 : i32 to vector<16xi32>
    %broadcast_in_dim3A_2684 = vector.broadcast %jit3A_2682 : i32 to vector<16xi32>
    %select_n3A_2685 = arith.select %gt3A_2680, %broadcast_in_dim3A_2683, %broadcast_in_dim3A_2684 : vector<16xi1>, vector<16xi32>
    %add3A_2686 = arith.addi %add3A_2677, %select_n3A_2685 : vector<16xi32>
    %gt3A_2687 = arith.constant 5.000000e-01 : f32
    %gt3A_2688 = vector.broadcast %gt3A_2687 : f32 to vector<16xf32>
    %gt3A_2689 = arith.cmpf ogt, %get3A_2639, %gt3A_2688 : vector<16xf32>
    %jit3A_2690 = arith.constant 1 : i32
    %jit3A_2691 = arith.constant 0 : i32
    %broadcast_in_dim3A_2692 = vector.broadcast %jit3A_2690 : i32 to vector<16xi32>
    %broadcast_in_dim3A_2693 = vector.broadcast %jit3A_2691 : i32 to vector<16xi32>
    %select_n3A_2694 = arith.select %gt3A_2689, %broadcast_in_dim3A_2692, %broadcast_in_dim3A_2693 : vector<16xi1>, vector<16xi32>
    %add3A_2695 = arith.addi %add3A_2686, %select_n3A_2694 : vector<16xi32>
    %gt3A_2696 = arith.constant 6.000000e-01 : f32
    %gt3A_2697 = vector.broadcast %gt3A_2696 : f32 to vector<16xf32>
    %gt3A_2698 = arith.cmpf ogt, %get3A_2639, %gt3A_2697 : vector<16xf32>
    %jit3A_2699 = arith.constant 1 : i32
    %jit3A_2700 = arith.constant 0 : i32
    %broadcast_in_dim3A_2701 = vector.broadcast %jit3A_2699 : i32 to vector<16xi32>
    %broadcast_in_dim3A_2702 = vector.broadcast %jit3A_2700 : i32 to vector<16xi32>
    %select_n3A_2703 = arith.select %gt3A_2698, %broadcast_in_dim3A_2701, %broadcast_in_dim3A_2702 : vector<16xi1>, vector<16xi32>
    %add3A_2704 = arith.addi %add3A_2695, %select_n3A_2703 : vector<16xi32>
    %gt3A_2705 = arith.constant 0.699999988 : f32
    %gt3A_2706 = vector.broadcast %gt3A_2705 : f32 to vector<16xf32>
    %gt3A_2707 = arith.cmpf ogt, %get3A_2639, %gt3A_2706 : vector<16xf32>
    %jit3A_2708 = arith.constant 1 : i32
    %jit3A_2709 = arith.constant 0 : i32
    %broadcast_in_dim3A_2710 = vector.broadcast %jit3A_2708 : i32 to vector<16xi32>
    %broadcast_in_dim3A_2711 = vector.broadcast %jit3A_2709 : i32 to vector<16xi32>
    %select_n3A_2712 = arith.select %gt3A_2707, %broadcast_in_dim3A_2710, %broadcast_in_dim3A_2711 : vector<16xi1>, vector<16xi32>
    %add3A_2713 = arith.addi %add3A_2704, %select_n3A_2712 : vector<16xi32>
    %gt3A_2714 = arith.constant 8.000000e-01 : f32
    %gt3A_2715 = vector.broadcast %gt3A_2714 : f32 to vector<16xf32>
    %gt3A_2716 = arith.cmpf ogt, %get3A_2639, %gt3A_2715 : vector<16xf32>
    %jit3A_2717 = arith.constant 1 : i32
    %jit3A_2718 = arith.constant 0 : i32
    %broadcast_in_dim3A_2719 = vector.broadcast %jit3A_2717 : i32 to vector<16xi32>
    %broadcast_in_dim3A_2720 = vector.broadcast %jit3A_2718 : i32 to vector<16xi32>
    %select_n3A_2721 = arith.select %gt3A_2716, %broadcast_in_dim3A_2719, %broadcast_in_dim3A_2720 : vector<16xi1>, vector<16xi32>
    %add3A_2722 = arith.addi %add3A_2713, %select_n3A_2721 : vector<16xi32>
    %gt3A_2723 = arith.constant 0.900000035 : f32
    %gt3A_2724 = vector.broadcast %gt3A_2723 : f32 to vector<16xf32>
    %gt3A_2725 = arith.cmpf ogt, %get3A_2639, %gt3A_2724 : vector<16xf32>
    %jit3A_2726 = arith.constant 1 : i32
    %jit3A_2727 = arith.constant 0 : i32
    %broadcast_in_dim3A_2728 = vector.broadcast %jit3A_2726 : i32 to vector<16xi32>
    %broadcast_in_dim3A_2729 = vector.broadcast %jit3A_2727 : i32 to vector<16xi32>
    %select_n3A_2730 = arith.select %gt3A_2725, %broadcast_in_dim3A_2728, %broadcast_in_dim3A_2729 : vector<16xi1>, vector<16xi32>
    %add3A_2731 = arith.addi %add3A_2722, %select_n3A_2730 : vector<16xi32>
    %gt3A_2732 = arith.constant 1.000000e+00 : f32
    %gt3A_2733 = vector.broadcast %gt3A_2732 : f32 to vector<16xf32>
    %gt3A_2734 = arith.cmpf ogt, %get3A_2639, %gt3A_2733 : vector<16xf32>
    %jit3A_2735 = arith.constant 1 : i32
    %jit3A_2736 = arith.constant 0 : i32
    %broadcast_in_dim3A_2737 = vector.broadcast %jit3A_2735 : i32 to vector<16xi32>
    %broadcast_in_dim3A_2738 = vector.broadcast %jit3A_2736 : i32 to vector<16xi32>
    %select_n3A_2739 = arith.select %gt3A_2734, %broadcast_in_dim3A_2737, %broadcast_in_dim3A_2738 : vector<16xi1>, vector<16xi32>
    %add3A_2740 = arith.addi %add3A_2731, %select_n3A_2739 : vector<16xi32>
    %sub3A_2741 = arith.constant 1 : i32
    %sub3A_2742 = vector.broadcast %sub3A_2741 : i32 to vector<16xi32>
    %sub3A_2743 = arith.subi %add3A_2740, %sub3A_2742 : vector<16xi32>
    %jit3A_2744 = arith.constant 0 : i32
    %jit3A_2745 = arith.constant 9 : i32
    %max3A_2746 = vector.broadcast %jit3A_2744 : i32 to vector<16xi32>
    %max3A_2747 = arith.maxsi %max3A_2746, %sub3A_2743 : vector<16xi32>
    %min3A_2748 = vector.broadcast %jit3A_2745 : i32 to vector<16xi32>
    %min3A_2749 = arith.minsi %min3A_2748, %max3A_2747 : vector<16xi32>
    %gather3A_2750 = tpu.vector_load_idx %arg6[%min3A_2749] : memref<16xf32, #tpu.memory_space<vmem>>[vector<16xi32>], vector<16xf32>,
    %mul3A_2751 = arith.mulf %gather3A_2750, %gather3A_2750 : vector<16xf32>
    %jit3A_2752 = arith.constant 0.00999999977 : f32
    %jit3A_2753 = arith.constant 1.000000e+02 : f32
    %max3A_2754 = vector.broadcast %jit3A_2752 : f32 to vector<16xf32>
    %max3A_2755 = arith.maximumf %max3A_2754, %mul3A_2751 : vector<16xf32>
    %min3A_2756 = vector.broadcast %jit3A_2753 : f32 to vector<16xf32>
    %min3A_2757 = arith.minimumf %min3A_2756, %max3A_2755 : vector<16xf32>
    %div3A_2758 = arith.constant 1.000000e+00 : f32
    %div3A_2759 = vector.broadcast %div3A_2758 : f32 to vector<16xf32>
    %div3A_2760 = arith.divf %div3A_2759, %min3A_2757 : vector<16xf32>
    %mul3A_2761 = arith.mulf %get3A_2639, %div3A_2760 : vector<16xf32>
    %swap3A_2762 = arith.constant 336 : index
    %swap3A_2763 = tpu.vector_load %arg7[%swap3A_2762] {strides = array<i32>} : memref<512xf32, #tpu.memory_space<vmem>>, vector<16xf32>,
    tpu.vector_store %arg7[%swap3A_2762], %mul3A_2761 {strides = array<i32>} : memref<512xf32, #tpu.memory_space<vmem>>, vector<16xf32>,
    %get3A_2764 = arith.constant 352 : index
    %get3A_2765 = tpu.vector_load %arg5[%get3A_2764] {strides = array<i32>} : memref<512xf32, #tpu.memory_space<vmem>>, vector<16xf32>,
    %broadcast_in_dim3A_2766 = arith.constant 0 : i32
    %broadcast_in_dim3A_2767 = vector.broadcast %broadcast_in_dim3A_2766 : i32 to vector<16xi32>
    %gt3A_2768 = arith.constant 0.000000e+00 : f32
    %gt3A_2769 = vector.broadcast %gt3A_2768 : f32 to vector<16xf32>
    %gt3A_2770 = arith.cmpf ogt, %get3A_2765, %gt3A_2769 : vector<16xf32>
    %jit3A_2771 = arith.constant 1 : i32
    %jit3A_2772 = arith.constant 0 : i32
    %broadcast_in_dim3A_2773 = vector.broadcast %jit3A_2771 : i32 to vector<16xi32>
    %broadcast_in_dim3A_2774 = vector.broadcast %jit3A_2772 : i32 to vector<16xi32>
    %select_n3A_2775 = arith.select %gt3A_2770, %broadcast_in_dim3A_2773, %broadcast_in_dim3A_2774 : vector<16xi1>, vector<16xi32>
    %add3A_2776 = arith.addi %broadcast_in_dim3A_2767, %select_n3A_2775 : vector<16xi32>
    %gt3A_2777 = arith.constant 1.000000e-01 : f32
    %gt3A_2778 = vector.broadcast %gt3A_2777 : f32 to vector<16xf32>
    %gt3A_2779 = arith.cmpf ogt, %get3A_2765, %gt3A_2778 : vector<16xf32>
    %jit3A_2780 = arith.constant 1 : i32
    %jit3A_2781 = arith.constant 0 : i32
    %broadcast_in_dim3A_2782 = vector.broadcast %jit3A_2780 : i32 to vector<16xi32>
    %broadcast_in_dim3A_2783 = vector.broadcast %jit3A_2781 : i32 to vector<16xi32>
    %select_n3A_2784 = arith.select %gt3A_2779, %broadcast_in_dim3A_2782, %broadcast_in_dim3A_2783 : vector<16xi1>, vector<16xi32>
    %add3A_2785 = arith.addi %add3A_2776, %select_n3A_2784 : vector<16xi32>
    %gt3A_2786 = arith.constant 2.000000e-01 : f32
    %gt3A_2787 = vector.broadcast %gt3A_2786 : f32 to vector<16xf32>
    %gt3A_2788 = arith.cmpf ogt, %get3A_2765, %gt3A_2787 : vector<16xf32>
    %jit3A_2789 = arith.constant 1 : i32
    %jit3A_2790 = arith.constant 0 : i32
    %broadcast_in_dim3A_2791 = vector.broadcast %jit3A_2789 : i32 to vector<16xi32>
    %broadcast_in_dim3A_2792 = vector.broadcast %jit3A_2790 : i32 to vector<16xi32>
    %select_n3A_2793 = arith.select %gt3A_2788, %broadcast_in_dim3A_2791, %broadcast_in_dim3A_2792 : vector<16xi1>, vector<16xi32>
    %add3A_2794 = arith.addi %add3A_2785, %select_n3A_2793 : vector<16xi32>
    %gt3A_2795 = arith.constant 3.000000e-01 : f32
    %gt3A_2796 = vector.broadcast %gt3A_2795 : f32 to vector<16xf32>
    %gt3A_2797 = arith.cmpf ogt, %get3A_2765, %gt3A_2796 : vector<16xf32>
    %jit3A_2798 = arith.constant 1 : i32
    %jit3A_2799 = arith.constant 0 : i32
    %broadcast_in_dim3A_2800 = vector.broadcast %jit3A_2798 : i32 to vector<16xi32>
    %broadcast_in_dim3A_2801 = vector.broadcast %jit3A_2799 : i32 to vector<16xi32>
    %select_n3A_2802 = arith.select %gt3A_2797, %broadcast_in_dim3A_2800, %broadcast_in_dim3A_2801 : vector<16xi1>, vector<16xi32>
    %add3A_2803 = arith.addi %add3A_2794, %select_n3A_2802 : vector<16xi32>
    %gt3A_2804 = arith.constant 4.000000e-01 : f32
    %gt3A_2805 = vector.broadcast %gt3A_2804 : f32 to vector<16xf32>
    %gt3A_2806 = arith.cmpf ogt, %get3A_2765, %gt3A_2805 : vector<16xf32>
    %jit3A_2807 = arith.constant 1 : i32
    %jit3A_2808 = arith.constant 0 : i32
    %broadcast_in_dim3A_2809 = vector.broadcast %jit3A_2807 : i32 to vector<16xi32>
    %broadcast_in_dim3A_2810 = vector.broadcast %jit3A_2808 : i32 to vector<16xi32>
    %select_n3A_2811 = arith.select %gt3A_2806, %broadcast_in_dim3A_2809, %broadcast_in_dim3A_2810 : vector<16xi1>, vector<16xi32>
    %add3A_2812 = arith.addi %add3A_2803, %select_n3A_2811 : vector<16xi32>
    %gt3A_2813 = arith.constant 5.000000e-01 : f32
    %gt3A_2814 = vector.broadcast %gt3A_2813 : f32 to vector<16xf32>
    %gt3A_2815 = arith.cmpf ogt, %get3A_2765, %gt3A_2814 : vector<16xf32>
    %jit3A_2816 = arith.constant 1 : i32
    %jit3A_2817 = arith.constant 0 : i32
    %broadcast_in_dim3A_2818 = vector.broadcast %jit3A_2816 : i32 to vector<16xi32>
    %broadcast_in_dim3A_2819 = vector.broadcast %jit3A_2817 : i32 to vector<16xi32>
    %select_n3A_2820 = arith.select %gt3A_2815, %broadcast_in_dim3A_2818, %broadcast_in_dim3A_2819 : vector<16xi1>, vector<16xi32>
    %add3A_2821 = arith.addi %add3A_2812, %select_n3A_2820 : vector<16xi32>
    %gt3A_2822 = arith.constant 6.000000e-01 : f32
    %gt3A_2823 = vector.broadcast %gt3A_2822 : f32 to vector<16xf32>
    %gt3A_2824 = arith.cmpf ogt, %get3A_2765, %gt3A_2823 : vector<16xf32>
    %jit3A_2825 = arith.constant 1 : i32
    %jit3A_2826 = arith.constant 0 : i32
    %broadcast_in_dim3A_2827 = vector.broadcast %jit3A_2825 : i32 to vector<16xi32>
    %broadcast_in_dim3A_2828 = vector.broadcast %jit3A_2826 : i32 to vector<16xi32>
    %select_n3A_2829 = arith.select %gt3A_2824, %broadcast_in_dim3A_2827, %broadcast_in_dim3A_2828 : vector<16xi1>, vector<16xi32>
    %add3A_2830 = arith.addi %add3A_2821, %select_n3A_2829 : vector<16xi32>
    %gt3A_2831 = arith.constant 0.699999988 : f32
    %gt3A_2832 = vector.broadcast %gt3A_2831 : f32 to vector<16xf32>
    %gt3A_2833 = arith.cmpf ogt, %get3A_2765, %gt3A_2832 : vector<16xf32>
    %jit3A_2834 = arith.constant 1 : i32
    %jit3A_2835 = arith.constant 0 : i32
    %broadcast_in_dim3A_2836 = vector.broadcast %jit3A_2834 : i32 to vector<16xi32>
    %broadcast_in_dim3A_2837 = vector.broadcast %jit3A_2835 : i32 to vector<16xi32>
    %select_n3A_2838 = arith.select %gt3A_2833, %broadcast_in_dim3A_2836, %broadcast_in_dim3A_2837 : vector<16xi1>, vector<16xi32>
    %add3A_2839 = arith.addi %add3A_2830, %select_n3A_2838 : vector<16xi32>
    %gt3A_2840 = arith.constant 8.000000e-01 : f32
    %gt3A_2841 = vector.broadcast %gt3A_2840 : f32 to vector<16xf32>
    %gt3A_2842 = arith.cmpf ogt, %get3A_2765, %gt3A_2841 : vector<16xf32>
    %jit3A_2843 = arith.constant 1 : i32
    %jit3A_2844 = arith.constant 0 : i32
    %broadcast_in_dim3A_2845 = vector.broadcast %jit3A_2843 : i32 to vector<16xi32>
    %broadcast_in_dim3A_2846 = vector.broadcast %jit3A_2844 : i32 to vector<16xi32>
    %select_n3A_2847 = arith.select %gt3A_2842, %broadcast_in_dim3A_2845, %broadcast_in_dim3A_2846 : vector<16xi1>, vector<16xi32>
    %add3A_2848 = arith.addi %add3A_2839, %select_n3A_2847 : vector<16xi32>
    %gt3A_2849 = arith.constant 0.900000035 : f32
    %gt3A_2850 = vector.broadcast %gt3A_2849 : f32 to vector<16xf32>
    %gt3A_2851 = arith.cmpf ogt, %get3A_2765, %gt3A_2850 : vector<16xf32>
    %jit3A_2852 = arith.constant 1 : i32
    %jit3A_2853 = arith.constant 0 : i32
    %broadcast_in_dim3A_2854 = vector.broadcast %jit3A_2852 : i32 to vector<16xi32>
    %broadcast_in_dim3A_2855 = vector.broadcast %jit3A_2853 : i32 to vector<16xi32>
    %select_n3A_2856 = arith.select %gt3A_2851, %broadcast_in_dim3A_2854, %broadcast_in_dim3A_2855 : vector<16xi1>, vector<16xi32>
    %add3A_2857 = arith.addi %add3A_2848, %select_n3A_2856 : vector<16xi32>
    %gt3A_2858 = arith.constant 1.000000e+00 : f32
    %gt3A_2859 = vector.broadcast %gt3A_2858 : f32 to vector<16xf32>
    %gt3A_2860 = arith.cmpf ogt, %get3A_2765, %gt3A_2859 : vector<16xf32>
    %jit3A_2861 = arith.constant 1 : i32
    %jit3A_2862 = arith.constant 0 : i32
    %broadcast_in_dim3A_2863 = vector.broadcast %jit3A_2861 : i32 to vector<16xi32>
    %broadcast_in_dim3A_2864 = vector.broadcast %jit3A_2862 : i32 to vector<16xi32>
    %select_n3A_2865 = arith.select %gt3A_2860, %broadcast_in_dim3A_2863, %broadcast_in_dim3A_2864 : vector<16xi1>, vector<16xi32>
    %add3A_2866 = arith.addi %add3A_2857, %select_n3A_2865 : vector<16xi32>
    %sub3A_2867 = arith.constant 1 : i32
    %sub3A_2868 = vector.broadcast %sub3A_2867 : i32 to vector<16xi32>
    %sub3A_2869 = arith.subi %add3A_2866, %sub3A_2868 : vector<16xi32>
    %jit3A_2870 = arith.constant 0 : i32
    %jit3A_2871 = arith.constant 9 : i32
    %max3A_2872 = vector.broadcast %jit3A_2870 : i32 to vector<16xi32>
    %max3A_2873 = arith.maxsi %max3A_2872, %sub3A_2869 : vector<16xi32>
    %min3A_2874 = vector.broadcast %jit3A_2871 : i32 to vector<16xi32>
    %min3A_2875 = arith.minsi %min3A_2874, %max3A_2873 : vector<16xi32>
    %gather3A_2876 = tpu.vector_load_idx %arg6[%min3A_2875] : memref<16xf32, #tpu.memory_space<vmem>>[vector<16xi32>], vector<16xf32>,
    %mul3A_2877 = arith.mulf %gather3A_2876, %gather3A_2876 : vector<16xf32>
    %jit3A_2878 = arith.constant 0.00999999977 : f32
    %jit3A_2879 = arith.constant 1.000000e+02 : f32
    %max3A_2880 = vector.broadcast %jit3A_2878 : f32 to vector<16xf32>
    %max3A_2881 = arith.maximumf %max3A_2880, %mul3A_2877 : vector<16xf32>
    %min3A_2882 = vector.broadcast %jit3A_2879 : f32 to vector<16xf32>
    %min3A_2883 = arith.minimumf %min3A_2882, %max3A_2881 : vector<16xf32>
    %div3A_2884 = arith.constant 1.000000e+00 : f32
    %div3A_2885 = vector.broadcast %div3A_2884 : f32 to vector<16xf32>
    %div3A_2886 = arith.divf %div3A_2885, %min3A_2883 : vector<16xf32>
    %mul3A_2887 = arith.mulf %get3A_2765, %div3A_2886 : vector<16xf32>
    %swap3A_2888 = arith.constant 352 : index
    %swap3A_2889 = tpu.vector_load %arg7[%swap3A_2888] {strides = array<i32>} : memref<512xf32, #tpu.memory_space<vmem>>, vector<16xf32>,
    tpu.vector_store %arg7[%swap3A_2888], %mul3A_2887 {strides = array<i32>} : memref<512xf32, #tpu.memory_space<vmem>>, vector<16xf32>,
    %get3A_2890 = arith.constant 368 : index
    %get3A_2891 = tpu.vector_load %arg5[%get3A_2890] {strides = array<i32>} : memref<512xf32, #tpu.memory_space<vmem>>, vector<16xf32>,
    %broadcast_in_dim3A_2892 = arith.constant 0 : i32
    %broadcast_in_dim3A_2893 = vector.broadcast %broadcast_in_dim3A_2892 : i32 to vector<16xi32>
    %gt3A_2894 = arith.constant 0.000000e+00 : f32
    %gt3A_2895 = vector.broadcast %gt3A_2894 : f32 to vector<16xf32>
    %gt3A_2896 = arith.cmpf ogt, %get3A_2891, %gt3A_2895 : vector<16xf32>
    %jit3A_2897 = arith.constant 1 : i32
    %jit3A_2898 = arith.constant 0 : i32
    %broadcast_in_dim3A_2899 = vector.broadcast %jit3A_2897 : i32 to vector<16xi32>
    %broadcast_in_dim3A_2900 = vector.broadcast %jit3A_2898 : i32 to vector<16xi32>
    %select_n3A_2901 = arith.select %gt3A_2896, %broadcast_in_dim3A_2899, %broadcast_in_dim3A_2900 : vector<16xi1>, vector<16xi32>
    %add3A_2902 = arith.addi %broadcast_in_dim3A_2893, %select_n3A_2901 : vector<16xi32>
    %gt3A_2903 = arith.constant 1.000000e-01 : f32
    %gt3A_2904 = vector.broadcast %gt3A_2903 : f32 to vector<16xf32>
    %gt3A_2905 = arith.cmpf ogt, %get3A_2891, %gt3A_2904 : vector<16xf32>
    %jit3A_2906 = arith.constant 1 : i32
    %jit3A_2907 = arith.constant 0 : i32
    %broadcast_in_dim3A_2908 = vector.broadcast %jit3A_2906 : i32 to vector<16xi32>
    %broadcast_in_dim3A_2909 = vector.broadcast %jit3A_2907 : i32 to vector<16xi32>
    %select_n3A_2910 = arith.select %gt3A_2905, %broadcast_in_dim3A_2908, %broadcast_in_dim3A_2909 : vector<16xi1>, vector<16xi32>
    %add3A_2911 = arith.addi %add3A_2902, %select_n3A_2910 : vector<16xi32>
    %gt3A_2912 = arith.constant 2.000000e-01 : f32
    %gt3A_2913 = vector.broadcast %gt3A_2912 : f32 to vector<16xf32>
    %gt3A_2914 = arith.cmpf ogt, %get3A_2891, %gt3A_2913 : vector<16xf32>
    %jit3A_2915 = arith.constant 1 : i32
    %jit3A_2916 = arith.constant 0 : i32
    %broadcast_in_dim3A_2917 = vector.broadcast %jit3A_2915 : i32 to vector<16xi32>
    %broadcast_in_dim3A_2918 = vector.broadcast %jit3A_2916 : i32 to vector<16xi32>
    %select_n3A_2919 = arith.select %gt3A_2914, %broadcast_in_dim3A_2917, %broadcast_in_dim3A_2918 : vector<16xi1>, vector<16xi32>
    %add3A_2920 = arith.addi %add3A_2911, %select_n3A_2919 : vector<16xi32>
    %gt3A_2921 = arith.constant 3.000000e-01 : f32
    %gt3A_2922 = vector.broadcast %gt3A_2921 : f32 to vector<16xf32>
    %gt3A_2923 = arith.cmpf ogt, %get3A_2891, %gt3A_2922 : vector<16xf32>
    %jit3A_2924 = arith.constant 1 : i32
    %jit3A_2925 = arith.constant 0 : i32
    %broadcast_in_dim3A_2926 = vector.broadcast %jit3A_2924 : i32 to vector<16xi32>
    %broadcast_in_dim3A_2927 = vector.broadcast %jit3A_2925 : i32 to vector<16xi32>
    %select_n3A_2928 = arith.select %gt3A_2923, %broadcast_in_dim3A_2926, %broadcast_in_dim3A_2927 : vector<16xi1>, vector<16xi32>
    %add3A_2929 = arith.addi %add3A_2920, %select_n3A_2928 : vector<16xi32>
    %gt3A_2930 = arith.constant 4.000000e-01 : f32
    %gt3A_2931 = vector.broadcast %gt3A_2930 : f32 to vector<16xf32>
    %gt3A_2932 = arith.cmpf ogt, %get3A_2891, %gt3A_2931 : vector<16xf32>
    %jit3A_2933 = arith.constant 1 : i32
    %jit3A_2934 = arith.constant 0 : i32
    %broadcast_in_dim3A_2935 = vector.broadcast %jit3A_2933 : i32 to vector<16xi32>
    %broadcast_in_dim3A_2936 = vector.broadcast %jit3A_2934 : i32 to vector<16xi32>
    %select_n3A_2937 = arith.select %gt3A_2932, %broadcast_in_dim3A_2935, %broadcast_in_dim3A_2936 : vector<16xi1>, vector<16xi32>
    %add3A_2938 = arith.addi %add3A_2929, %select_n3A_2937 : vector<16xi32>
    %gt3A_2939 = arith.constant 5.000000e-01 : f32
    %gt3A_2940 = vector.broadcast %gt3A_2939 : f32 to vector<16xf32>
    %gt3A_2941 = arith.cmpf ogt, %get3A_2891, %gt3A_2940 : vector<16xf32>
    %jit3A_2942 = arith.constant 1 : i32
    %jit3A_2943 = arith.constant 0 : i32
    %broadcast_in_dim3A_2944 = vector.broadcast %jit3A_2942 : i32 to vector<16xi32>
    %broadcast_in_dim3A_2945 = vector.broadcast %jit3A_2943 : i32 to vector<16xi32>
    %select_n3A_2946 = arith.select %gt3A_2941, %broadcast_in_dim3A_2944, %broadcast_in_dim3A_2945 : vector<16xi1>, vector<16xi32>
    %add3A_2947 = arith.addi %add3A_2938, %select_n3A_2946 : vector<16xi32>
    %gt3A_2948 = arith.constant 6.000000e-01 : f32
    %gt3A_2949 = vector.broadcast %gt3A_2948 : f32 to vector<16xf32>
    %gt3A_2950 = arith.cmpf ogt, %get3A_2891, %gt3A_2949 : vector<16xf32>
    %jit3A_2951 = arith.constant 1 : i32
    %jit3A_2952 = arith.constant 0 : i32
    %broadcast_in_dim3A_2953 = vector.broadcast %jit3A_2951 : i32 to vector<16xi32>
    %broadcast_in_dim3A_2954 = vector.broadcast %jit3A_2952 : i32 to vector<16xi32>
    %select_n3A_2955 = arith.select %gt3A_2950, %broadcast_in_dim3A_2953, %broadcast_in_dim3A_2954 : vector<16xi1>, vector<16xi32>
    %add3A_2956 = arith.addi %add3A_2947, %select_n3A_2955 : vector<16xi32>
    %gt3A_2957 = arith.constant 0.699999988 : f32
    %gt3A_2958 = vector.broadcast %gt3A_2957 : f32 to vector<16xf32>
    %gt3A_2959 = arith.cmpf ogt, %get3A_2891, %gt3A_2958 : vector<16xf32>
    %jit3A_2960 = arith.constant 1 : i32
    %jit3A_2961 = arith.constant 0 : i32
    %broadcast_in_dim3A_2962 = vector.broadcast %jit3A_2960 : i32 to vector<16xi32>
    %broadcast_in_dim3A_2963 = vector.broadcast %jit3A_2961 : i32 to vector<16xi32>
    %select_n3A_2964 = arith.select %gt3A_2959, %broadcast_in_dim3A_2962, %broadcast_in_dim3A_2963 : vector<16xi1>, vector<16xi32>
    %add3A_2965 = arith.addi %add3A_2956, %select_n3A_2964 : vector<16xi32>
    %gt3A_2966 = arith.constant 8.000000e-01 : f32
    %gt3A_2967 = vector.broadcast %gt3A_2966 : f32 to vector<16xf32>
    %gt3A_2968 = arith.cmpf ogt, %get3A_2891, %gt3A_2967 : vector<16xf32>
    %jit3A_2969 = arith.constant 1 : i32
    %jit3A_2970 = arith.constant 0 : i32
    %broadcast_in_dim3A_2971 = vector.broadcast %jit3A_2969 : i32 to vector<16xi32>
    %broadcast_in_dim3A_2972 = vector.broadcast %jit3A_2970 : i32 to vector<16xi32>
    %select_n3A_2973 = arith.select %gt3A_2968, %broadcast_in_dim3A_2971, %broadcast_in_dim3A_2972 : vector<16xi1>, vector<16xi32>
    %add3A_2974 = arith.addi %add3A_2965, %select_n3A_2973 : vector<16xi32>
    %gt3A_2975 = arith.constant 0.900000035 : f32
    %gt3A_2976 = vector.broadcast %gt3A_2975 : f32 to vector<16xf32>
    %gt3A_2977 = arith.cmpf ogt, %get3A_2891, %gt3A_2976 : vector<16xf32>
    %jit3A_2978 = arith.constant 1 : i32
    %jit3A_2979 = arith.constant 0 : i32
    %broadcast_in_dim3A_2980 = vector.broadcast %jit3A_2978 : i32 to vector<16xi32>
    %broadcast_in_dim3A_2981 = vector.broadcast %jit3A_2979 : i32 to vector<16xi32>
    %select_n3A_2982 = arith.select %gt3A_2977, %broadcast_in_dim3A_2980, %broadcast_in_dim3A_2981 : vector<16xi1>, vector<16xi32>
    %add3A_2983 = arith.addi %add3A_2974, %select_n3A_2982 : vector<16xi32>
    %gt3A_2984 = arith.constant 1.000000e+00 : f32
    %gt3A_2985 = vector.broadcast %gt3A_2984 : f32 to vector<16xf32>
    %gt3A_2986 = arith.cmpf ogt, %get3A_2891, %gt3A_2985 : vector<16xf32>
    %jit3A_2987 = arith.constant 1 : i32
    %jit3A_2988 = arith.constant 0 : i32
    %broadcast_in_dim3A_2989 = vector.broadcast %jit3A_2987 : i32 to vector<16xi32>
    %broadcast_in_dim3A_2990 = vector.broadcast %jit3A_2988 : i32 to vector<16xi32>
    %select_n3A_2991 = arith.select %gt3A_2986, %broadcast_in_dim3A_2989, %broadcast_in_dim3A_2990 : vector<16xi1>, vector<16xi32>
    %add3A_2992 = arith.addi %add3A_2983, %select_n3A_2991 : vector<16xi32>
    %sub3A_2993 = arith.constant 1 : i32
    %sub3A_2994 = vector.broadcast %sub3A_2993 : i32 to vector<16xi32>
    %sub3A_2995 = arith.subi %add3A_2992, %sub3A_2994 : vector<16xi32>
    %jit3A_2996 = arith.constant 0 : i32
    %jit3A_2997 = arith.constant 9 : i32
    %max3A_2998 = vector.broadcast %jit3A_2996 : i32 to vector<16xi32>
    %max3A_2999 = arith.maxsi %max3A_2998, %sub3A_2995 : vector<16xi32>
    %min3A_3000 = vector.broadcast %jit3A_2997 : i32 to vector<16xi32>
    %min3A_3001 = arith.minsi %min3A_3000, %max3A_2999 : vector<16xi32>
    %gather3A_3002 = tpu.vector_load_idx %arg6[%min3A_3001] : memref<16xf32, #tpu.memory_space<vmem>>[vector<16xi32>], vector<16xf32>,
    %mul3A_3003 = arith.mulf %gather3A_3002, %gather3A_3002 : vector<16xf32>
    %jit3A_3004 = arith.constant 0.00999999977 : f32
    %jit3A_3005 = arith.constant 1.000000e+02 : f32
    %max3A_3006 = vector.broadcast %jit3A_3004 : f32 to vector<16xf32>
    %max3A_3007 = arith.maximumf %max3A_3006, %mul3A_3003 : vector<16xf32>
    %min3A_3008 = vector.broadcast %jit3A_3005 : f32 to vector<16xf32>
    %min3A_3009 = arith.minimumf %min3A_3008, %max3A_3007 : vector<16xf32>
    %div3A_3010 = arith.constant 1.000000e+00 : f32
    %div3A_3011 = vector.broadcast %div3A_3010 : f32 to vector<16xf32>
    %div3A_3012 = arith.divf %div3A_3011, %min3A_3009 : vector<16xf32>
    %mul3A_3013 = arith.mulf %get3A_2891, %div3A_3012 : vector<16xf32>
    %swap3A_3014 = arith.constant 368 : index
    %swap3A_3015 = tpu.vector_load %arg7[%swap3A_3014] {strides = array<i32>} : memref<512xf32, #tpu.memory_space<vmem>>, vector<16xf32>,
    tpu.vector_store %arg7[%swap3A_3014], %mul3A_3013 {strides = array<i32>} : memref<512xf32, #tpu.memory_space<vmem>>, vector<16xf32>,
    %get3A_3016 = arith.constant 384 : index
    %get3A_3017 = tpu.vector_load %arg5[%get3A_3016] {strides = array<i32>} : memref<512xf32, #tpu.memory_space<vmem>>, vector<16xf32>,
    %broadcast_in_dim3A_3018 = arith.constant 0 : i32
    %broadcast_in_dim3A_3019 = vector.broadcast %broadcast_in_dim3A_3018 : i32 to vector<16xi32>
    %gt3A_3020 = arith.constant 0.000000e+00 : f32
    %gt3A_3021 = vector.broadcast %gt3A_3020 : f32 to vector<16xf32>
    %gt3A_3022 = arith.cmpf ogt, %get3A_3017, %gt3A_3021 : vector<16xf32>
    %jit3A_3023 = arith.constant 1 : i32
    %jit3A_3024 = arith.constant 0 : i32
    %broadcast_in_dim3A_3025 = vector.broadcast %jit3A_3023 : i32 to vector<16xi32>
    %broadcast_in_dim3A_3026 = vector.broadcast %jit3A_3024 : i32 to vector<16xi32>
    %select_n3A_3027 = arith.select %gt3A_3022, %broadcast_in_dim3A_3025, %broadcast_in_dim3A_3026 : vector<16xi1>, vector<16xi32>
    %add3A_3028 = arith.addi %broadcast_in_dim3A_3019, %select_n3A_3027 : vector<16xi32>
    %gt3A_3029 = arith.constant 1.000000e-01 : f32
    %gt3A_3030 = vector.broadcast %gt3A_3029 : f32 to vector<16xf32>
    %gt3A_3031 = arith.cmpf ogt, %get3A_3017, %gt3A_3030 : vector<16xf32>
    %jit3A_3032 = arith.constant 1 : i32
    %jit3A_3033 = arith.constant 0 : i32
    %broadcast_in_dim3A_3034 = vector.broadcast %jit3A_3032 : i32 to vector<16xi32>
    %broadcast_in_dim3A_3035 = vector.broadcast %jit3A_3033 : i32 to vector<16xi32>
    %select_n3A_3036 = arith.select %gt3A_3031, %broadcast_in_dim3A_3034, %broadcast_in_dim3A_3035 : vector<16xi1>, vector<16xi32>
    %add3A_3037 = arith.addi %add3A_3028, %select_n3A_3036 : vector<16xi32>
    %gt3A_3038 = arith.constant 2.000000e-01 : f32
    %gt3A_3039 = vector.broadcast %gt3A_3038 : f32 to vector<16xf32>
    %gt3A_3040 = arith.cmpf ogt, %get3A_3017, %gt3A_3039 : vector<16xf32>
    %jit3A_3041 = arith.constant 1 : i32
    %jit3A_3042 = arith.constant 0 : i32
    %broadcast_in_dim3A_3043 = vector.broadcast %jit3A_3041 : i32 to vector<16xi32>
    %broadcast_in_dim3A_3044 = vector.broadcast %jit3A_3042 : i32 to vector<16xi32>
    %select_n3A_3045 = arith.select %gt3A_3040, %broadcast_in_dim3A_3043, %broadcast_in_dim3A_3044 : vector<16xi1>, vector<16xi32>
    %add3A_3046 = arith.addi %add3A_3037, %select_n3A_3045 : vector<16xi32>
    %gt3A_3047 = arith.constant 3.000000e-01 : f32
    %gt3A_3048 = vector.broadcast %gt3A_3047 : f32 to vector<16xf32>
    %gt3A_3049 = arith.cmpf ogt, %get3A_3017, %gt3A_3048 : vector<16xf32>
    %jit3A_3050 = arith.constant 1 : i32
    %jit3A_3051 = arith.constant 0 : i32
    %broadcast_in_dim3A_3052 = vector.broadcast %jit3A_3050 : i32 to vector<16xi32>
    %broadcast_in_dim3A_3053 = vector.broadcast %jit3A_3051 : i32 to vector<16xi32>
    %select_n3A_3054 = arith.select %gt3A_3049, %broadcast_in_dim3A_3052, %broadcast_in_dim3A_3053 : vector<16xi1>, vector<16xi32>
    %add3A_3055 = arith.addi %add3A_3046, %select_n3A_3054 : vector<16xi32>
    %gt3A_3056 = arith.constant 4.000000e-01 : f32
    %gt3A_3057 = vector.broadcast %gt3A_3056 : f32 to vector<16xf32>
    %gt3A_3058 = arith.cmpf ogt, %get3A_3017, %gt3A_3057 : vector<16xf32>
    %jit3A_3059 = arith.constant 1 : i32
    %jit3A_3060 = arith.constant 0 : i32
    %broadcast_in_dim3A_3061 = vector.broadcast %jit3A_3059 : i32 to vector<16xi32>
    %broadcast_in_dim3A_3062 = vector.broadcast %jit3A_3060 : i32 to vector<16xi32>
    %select_n3A_3063 = arith.select %gt3A_3058, %broadcast_in_dim3A_3061, %broadcast_in_dim3A_3062 : vector<16xi1>, vector<16xi32>
    %add3A_3064 = arith.addi %add3A_3055, %select_n3A_3063 : vector<16xi32>
    %gt3A_3065 = arith.constant 5.000000e-01 : f32
    %gt3A_3066 = vector.broadcast %gt3A_3065 : f32 to vector<16xf32>
    %gt3A_3067 = arith.cmpf ogt, %get3A_3017, %gt3A_3066 : vector<16xf32>
    %jit3A_3068 = arith.constant 1 : i32
    %jit3A_3069 = arith.constant 0 : i32
    %broadcast_in_dim3A_3070 = vector.broadcast %jit3A_3068 : i32 to vector<16xi32>
    %broadcast_in_dim3A_3071 = vector.broadcast %jit3A_3069 : i32 to vector<16xi32>
    %select_n3A_3072 = arith.select %gt3A_3067, %broadcast_in_dim3A_3070, %broadcast_in_dim3A_3071 : vector<16xi1>, vector<16xi32>
    %add3A_3073 = arith.addi %add3A_3064, %select_n3A_3072 : vector<16xi32>
    %gt3A_3074 = arith.constant 6.000000e-01 : f32
    %gt3A_3075 = vector.broadcast %gt3A_3074 : f32 to vector<16xf32>
    %gt3A_3076 = arith.cmpf ogt, %get3A_3017, %gt3A_3075 : vector<16xf32>
    %jit3A_3077 = arith.constant 1 : i32
    %jit3A_3078 = arith.constant 0 : i32
    %broadcast_in_dim3A_3079 = vector.broadcast %jit3A_3077 : i32 to vector<16xi32>
    %broadcast_in_dim3A_3080 = vector.broadcast %jit3A_3078 : i32 to vector<16xi32>
    %select_n3A_3081 = arith.select %gt3A_3076, %broadcast_in_dim3A_3079, %broadcast_in_dim3A_3080 : vector<16xi1>, vector<16xi32>
    %add3A_3082 = arith.addi %add3A_3073, %select_n3A_3081 : vector<16xi32>
    %gt3A_3083 = arith.constant 0.699999988 : f32
    %gt3A_3084 = vector.broadcast %gt3A_3083 : f32 to vector<16xf32>
    %gt3A_3085 = arith.cmpf ogt, %get3A_3017, %gt3A_3084 : vector<16xf32>
    %jit3A_3086 = arith.constant 1 : i32
    %jit3A_3087 = arith.constant 0 : i32
    %broadcast_in_dim3A_3088 = vector.broadcast %jit3A_3086 : i32 to vector<16xi32>
    %broadcast_in_dim3A_3089 = vector.broadcast %jit3A_3087 : i32 to vector<16xi32>
    %select_n3A_3090 = arith.select %gt3A_3085, %broadcast_in_dim3A_3088, %broadcast_in_dim3A_3089 : vector<16xi1>, vector<16xi32>
    %add3A_3091 = arith.addi %add3A_3082, %select_n3A_3090 : vector<16xi32>
    %gt3A_3092 = arith.constant 8.000000e-01 : f32
    %gt3A_3093 = vector.broadcast %gt3A_3092 : f32 to vector<16xf32>
    %gt3A_3094 = arith.cmpf ogt, %get3A_3017, %gt3A_3093 : vector<16xf32>
    %jit3A_3095 = arith.constant 1 : i32
    %jit3A_3096 = arith.constant 0 : i32
    %broadcast_in_dim3A_3097 = vector.broadcast %jit3A_3095 : i32 to vector<16xi32>
    %broadcast_in_dim3A_3098 = vector.broadcast %jit3A_3096 : i32 to vector<16xi32>
    %select_n3A_3099 = arith.select %gt3A_3094, %broadcast_in_dim3A_3097, %broadcast_in_dim3A_3098 : vector<16xi1>, vector<16xi32>
    %add3A_3100 = arith.addi %add3A_3091, %select_n3A_3099 : vector<16xi32>
    %gt3A_3101 = arith.constant 0.900000035 : f32
    %gt3A_3102 = vector.broadcast %gt3A_3101 : f32 to vector<16xf32>
    %gt3A_3103 = arith.cmpf ogt, %get3A_3017, %gt3A_3102 : vector<16xf32>
    %jit3A_3104 = arith.constant 1 : i32
    %jit3A_3105 = arith.constant 0 : i32
    %broadcast_in_dim3A_3106 = vector.broadcast %jit3A_3104 : i32 to vector<16xi32>
    %broadcast_in_dim3A_3107 = vector.broadcast %jit3A_3105 : i32 to vector<16xi32>
    %select_n3A_3108 = arith.select %gt3A_3103, %broadcast_in_dim3A_3106, %broadcast_in_dim3A_3107 : vector<16xi1>, vector<16xi32>
    %add3A_3109 = arith.addi %add3A_3100, %select_n3A_3108 : vector<16xi32>
    %gt3A_3110 = arith.constant 1.000000e+00 : f32
    %gt3A_3111 = vector.broadcast %gt3A_3110 : f32 to vector<16xf32>
    %gt3A_3112 = arith.cmpf ogt, %get3A_3017, %gt3A_3111 : vector<16xf32>
    %jit3A_3113 = arith.constant 1 : i32
    %jit3A_3114 = arith.constant 0 : i32
    %broadcast_in_dim3A_3115 = vector.broadcast %jit3A_3113 : i32 to vector<16xi32>
    %broadcast_in_dim3A_3116 = vector.broadcast %jit3A_3114 : i32 to vector<16xi32>
    %select_n3A_3117 = arith.select %gt3A_3112, %broadcast_in_dim3A_3115, %broadcast_in_dim3A_3116 : vector<16xi1>, vector<16xi32>
    %add3A_3118 = arith.addi %add3A_3109, %select_n3A_3117 : vector<16xi32>
    %sub3A_3119 = arith.constant 1 : i32
    %sub3A_3120 = vector.broadcast %sub3A_3119 : i32 to vector<16xi32>
    %sub3A_3121 = arith.subi %add3A_3118, %sub3A_3120 : vector<16xi32>
    %jit3A_3122 = arith.constant 0 : i32
    %jit3A_3123 = arith.constant 9 : i32
    %max3A_3124 = vector.broadcast %jit3A_3122 : i32 to vector<16xi32>
    %max3A_3125 = arith.maxsi %max3A_3124, %sub3A_3121 : vector<16xi32>
    %min3A_3126 = vector.broadcast %jit3A_3123 : i32 to vector<16xi32>
    %min3A_3127 = arith.minsi %min3A_3126, %max3A_3125 : vector<16xi32>
    %gather3A_3128 = tpu.vector_load_idx %arg6[%min3A_3127] : memref<16xf32, #tpu.memory_space<vmem>>[vector<16xi32>], vector<16xf32>,
    %mul3A_3129 = arith.mulf %gather3A_3128, %gather3A_3128 : vector<16xf32>
    %jit3A_3130 = arith.constant 0.00999999977 : f32
    %jit3A_3131 = arith.constant 1.000000e+02 : f32
    %max3A_3132 = vector.broadcast %jit3A_3130 : f32 to vector<16xf32>
    %max3A_3133 = arith.maximumf %max3A_3132, %mul3A_3129 : vector<16xf32>
    %min3A_3134 = vector.broadcast %jit3A_3131 : f32 to vector<16xf32>
    %min3A_3135 = arith.minimumf %min3A_3134, %max3A_3133 : vector<16xf32>
    %div3A_3136 = arith.constant 1.000000e+00 : f32
    %div3A_3137 = vector.broadcast %div3A_3136 : f32 to vector<16xf32>
    %div3A_3138 = arith.divf %div3A_3137, %min3A_3135 : vector<16xf32>
    %mul3A_3139 = arith.mulf %get3A_3017, %div3A_3138 : vector<16xf32>
    %swap3A_3140 = arith.constant 384 : index
    %swap3A_3141 = tpu.vector_load %arg7[%swap3A_3140] {strides = array<i32>} : memref<512xf32, #tpu.memory_space<vmem>>, vector<16xf32>,
    tpu.vector_store %arg7[%swap3A_3140], %mul3A_3139 {strides = array<i32>} : memref<512xf32, #tpu.memory_space<vmem>>, vector<16xf32>,
    %get3A_3142 = arith.constant 400 : index
    %get3A_3143 = tpu.vector_load %arg5[%get3A_3142] {strides = array<i32>} : memref<512xf32, #tpu.memory_space<vmem>>, vector<16xf32>,
    %broadcast_in_dim3A_3144 = arith.constant 0 : i32
    %broadcast_in_dim3A_3145 = vector.broadcast %broadcast_in_dim3A_3144 : i32 to vector<16xi32>
    %gt3A_3146 = arith.constant 0.000000e+00 : f32
    %gt3A_3147 = vector.broadcast %gt3A_3146 : f32 to vector<16xf32>
    %gt3A_3148 = arith.cmpf ogt, %get3A_3143, %gt3A_3147 : vector<16xf32>
    %jit3A_3149 = arith.constant 1 : i32
    %jit3A_3150 = arith.constant 0 : i32
    %broadcast_in_dim3A_3151 = vector.broadcast %jit3A_3149 : i32 to vector<16xi32>
    %broadcast_in_dim3A_3152 = vector.broadcast %jit3A_3150 : i32 to vector<16xi32>
    %select_n3A_3153 = arith.select %gt3A_3148, %broadcast_in_dim3A_3151, %broadcast_in_dim3A_3152 : vector<16xi1>, vector<16xi32>
    %add3A_3154 = arith.addi %broadcast_in_dim3A_3145, %select_n3A_3153 : vector<16xi32>
    %gt3A_3155 = arith.constant 1.000000e-01 : f32
    %gt3A_3156 = vector.broadcast %gt3A_3155 : f32 to vector<16xf32>
    %gt3A_3157 = arith.cmpf ogt, %get3A_3143, %gt3A_3156 : vector<16xf32>
    %jit3A_3158 = arith.constant 1 : i32
    %jit3A_3159 = arith.constant 0 : i32
    %broadcast_in_dim3A_3160 = vector.broadcast %jit3A_3158 : i32 to vector<16xi32>
    %broadcast_in_dim3A_3161 = vector.broadcast %jit3A_3159 : i32 to vector<16xi32>
    %select_n3A_3162 = arith.select %gt3A_3157, %broadcast_in_dim3A_3160, %broadcast_in_dim3A_3161 : vector<16xi1>, vector<16xi32>
    %add3A_3163 = arith.addi %add3A_3154, %select_n3A_3162 : vector<16xi32>
    %gt3A_3164 = arith.constant 2.000000e-01 : f32
    %gt3A_3165 = vector.broadcast %gt3A_3164 : f32 to vector<16xf32>
    %gt3A_3166 = arith.cmpf ogt, %get3A_3143, %gt3A_3165 : vector<16xf32>
    %jit3A_3167 = arith.constant 1 : i32
    %jit3A_3168 = arith.constant 0 : i32
    %broadcast_in_dim3A_3169 = vector.broadcast %jit3A_3167 : i32 to vector<16xi32>
    %broadcast_in_dim3A_3170 = vector.broadcast %jit3A_3168 : i32 to vector<16xi32>
    %select_n3A_3171 = arith.select %gt3A_3166, %broadcast_in_dim3A_3169, %broadcast_in_dim3A_3170 : vector<16xi1>, vector<16xi32>
    %add3A_3172 = arith.addi %add3A_3163, %select_n3A_3171 : vector<16xi32>
    %gt3A_3173 = arith.constant 3.000000e-01 : f32
    %gt3A_3174 = vector.broadcast %gt3A_3173 : f32 to vector<16xf32>
    %gt3A_3175 = arith.cmpf ogt, %get3A_3143, %gt3A_3174 : vector<16xf32>
    %jit3A_3176 = arith.constant 1 : i32
    %jit3A_3177 = arith.constant 0 : i32
    %broadcast_in_dim3A_3178 = vector.broadcast %jit3A_3176 : i32 to vector<16xi32>
    %broadcast_in_dim3A_3179 = vector.broadcast %jit3A_3177 : i32 to vector<16xi32>
    %select_n3A_3180 = arith.select %gt3A_3175, %broadcast_in_dim3A_3178, %broadcast_in_dim3A_3179 : vector<16xi1>, vector<16xi32>
    %add3A_3181 = arith.addi %add3A_3172, %select_n3A_3180 : vector<16xi32>
    %gt3A_3182 = arith.constant 4.000000e-01 : f32
    %gt3A_3183 = vector.broadcast %gt3A_3182 : f32 to vector<16xf32>
    %gt3A_3184 = arith.cmpf ogt, %get3A_3143, %gt3A_3183 : vector<16xf32>
    %jit3A_3185 = arith.constant 1 : i32
    %jit3A_3186 = arith.constant 0 : i32
    %broadcast_in_dim3A_3187 = vector.broadcast %jit3A_3185 : i32 to vector<16xi32>
    %broadcast_in_dim3A_3188 = vector.broadcast %jit3A_3186 : i32 to vector<16xi32>
    %select_n3A_3189 = arith.select %gt3A_3184, %broadcast_in_dim3A_3187, %broadcast_in_dim3A_3188 : vector<16xi1>, vector<16xi32>
    %add3A_3190 = arith.addi %add3A_3181, %select_n3A_3189 : vector<16xi32>
    %gt3A_3191 = arith.constant 5.000000e-01 : f32
    %gt3A_3192 = vector.broadcast %gt3A_3191 : f32 to vector<16xf32>
    %gt3A_3193 = arith.cmpf ogt, %get3A_3143, %gt3A_3192 : vector<16xf32>
    %jit3A_3194 = arith.constant 1 : i32
    %jit3A_3195 = arith.constant 0 : i32
    %broadcast_in_dim3A_3196 = vector.broadcast %jit3A_3194 : i32 to vector<16xi32>
    %broadcast_in_dim3A_3197 = vector.broadcast %jit3A_3195 : i32 to vector<16xi32>
    %select_n3A_3198 = arith.select %gt3A_3193, %broadcast_in_dim3A_3196, %broadcast_in_dim3A_3197 : vector<16xi1>, vector<16xi32>
    %add3A_3199 = arith.addi %add3A_3190, %select_n3A_3198 : vector<16xi32>
    %gt3A_3200 = arith.constant 6.000000e-01 : f32
    %gt3A_3201 = vector.broadcast %gt3A_3200 : f32 to vector<16xf32>
    %gt3A_3202 = arith.cmpf ogt, %get3A_3143, %gt3A_3201 : vector<16xf32>
    %jit3A_3203 = arith.constant 1 : i32
    %jit3A_3204 = arith.constant 0 : i32
    %broadcast_in_dim3A_3205 = vector.broadcast %jit3A_3203 : i32 to vector<16xi32>
    %broadcast_in_dim3A_3206 = vector.broadcast %jit3A_3204 : i32 to vector<16xi32>
    %select_n3A_3207 = arith.select %gt3A_3202, %broadcast_in_dim3A_3205, %broadcast_in_dim3A_3206 : vector<16xi1>, vector<16xi32>
    %add3A_3208 = arith.addi %add3A_3199, %select_n3A_3207 : vector<16xi32>
    %gt3A_3209 = arith.constant 0.699999988 : f32
    %gt3A_3210 = vector.broadcast %gt3A_3209 : f32 to vector<16xf32>
    %gt3A_3211 = arith.cmpf ogt, %get3A_3143, %gt3A_3210 : vector<16xf32>
    %jit3A_3212 = arith.constant 1 : i32
    %jit3A_3213 = arith.constant 0 : i32
    %broadcast_in_dim3A_3214 = vector.broadcast %jit3A_3212 : i32 to vector<16xi32>
    %broadcast_in_dim3A_3215 = vector.broadcast %jit3A_3213 : i32 to vector<16xi32>
    %select_n3A_3216 = arith.select %gt3A_3211, %broadcast_in_dim3A_3214, %broadcast_in_dim3A_3215 : vector<16xi1>, vector<16xi32>
    %add3A_3217 = arith.addi %add3A_3208, %select_n3A_3216 : vector<16xi32>
    %gt3A_3218 = arith.constant 8.000000e-01 : f32
    %gt3A_3219 = vector.broadcast %gt3A_3218 : f32 to vector<16xf32>
    %gt3A_3220 = arith.cmpf ogt, %get3A_3143, %gt3A_3219 : vector<16xf32>
    %jit3A_3221 = arith.constant 1 : i32
    %jit3A_3222 = arith.constant 0 : i32
    %broadcast_in_dim3A_3223 = vector.broadcast %jit3A_3221 : i32 to vector<16xi32>
    %broadcast_in_dim3A_3224 = vector.broadcast %jit3A_3222 : i32 to vector<16xi32>
    %select_n3A_3225 = arith.select %gt3A_3220, %broadcast_in_dim3A_3223, %broadcast_in_dim3A_3224 : vector<16xi1>, vector<16xi32>
    %add3A_3226 = arith.addi %add3A_3217, %select_n3A_3225 : vector<16xi32>
    %gt3A_3227 = arith.constant 0.900000035 : f32
    %gt3A_3228 = vector.broadcast %gt3A_3227 : f32 to vector<16xf32>
    %gt3A_3229 = arith.cmpf ogt, %get3A_3143, %gt3A_3228 : vector<16xf32>
    %jit3A_3230 = arith.constant 1 : i32
    %jit3A_3231 = arith.constant 0 : i32
    %broadcast_in_dim3A_3232 = vector.broadcast %jit3A_3230 : i32 to vector<16xi32>
    %broadcast_in_dim3A_3233 = vector.broadcast %jit3A_3231 : i32 to vector<16xi32>
    %select_n3A_3234 = arith.select %gt3A_3229, %broadcast_in_dim3A_3232, %broadcast_in_dim3A_3233 : vector<16xi1>, vector<16xi32>
    %add3A_3235 = arith.addi %add3A_3226, %select_n3A_3234 : vector<16xi32>
    %gt3A_3236 = arith.constant 1.000000e+00 : f32
    %gt3A_3237 = vector.broadcast %gt3A_3236 : f32 to vector<16xf32>
    %gt3A_3238 = arith.cmpf ogt, %get3A_3143, %gt3A_3237 : vector<16xf32>
    %jit3A_3239 = arith.constant 1 : i32
    %jit3A_3240 = arith.constant 0 : i32
    %broadcast_in_dim3A_3241 = vector.broadcast %jit3A_3239 : i32 to vector<16xi32>
    %broadcast_in_dim3A_3242 = vector.broadcast %jit3A_3240 : i32 to vector<16xi32>
    %select_n3A_3243 = arith.select %gt3A_3238, %broadcast_in_dim3A_3241, %broadcast_in_dim3A_3242 : vector<16xi1>, vector<16xi32>
    %add3A_3244 = arith.addi %add3A_3235, %select_n3A_3243 : vector<16xi32>
    %sub3A_3245 = arith.constant 1 : i32
    %sub3A_3246 = vector.broadcast %sub3A_3245 : i32 to vector<16xi32>
    %sub3A_3247 = arith.subi %add3A_3244, %sub3A_3246 : vector<16xi32>
    %jit3A_3248 = arith.constant 0 : i32
    %jit3A_3249 = arith.constant 9 : i32
    %max3A_3250 = vector.broadcast %jit3A_3248 : i32 to vector<16xi32>
    %max3A_3251 = arith.maxsi %max3A_3250, %sub3A_3247 : vector<16xi32>
    %min3A_3252 = vector.broadcast %jit3A_3249 : i32 to vector<16xi32>
    %min3A_3253 = arith.minsi %min3A_3252, %max3A_3251 : vector<16xi32>
    %gather3A_3254 = tpu.vector_load_idx %arg6[%min3A_3253] : memref<16xf32, #tpu.memory_space<vmem>>[vector<16xi32>], vector<16xf32>,
    %mul3A_3255 = arith.mulf %gather3A_3254, %gather3A_3254 : vector<16xf32>
    %jit3A_3256 = arith.constant 0.00999999977 : f32
    %jit3A_3257 = arith.constant 1.000000e+02 : f32
    %max3A_3258 = vector.broadcast %jit3A_3256 : f32 to vector<16xf32>
    %max3A_3259 = arith.maximumf %max3A_3258, %mul3A_3255 : vector<16xf32>
    %min3A_3260 = vector.broadcast %jit3A_3257 : f32 to vector<16xf32>
    %min3A_3261 = arith.minimumf %min3A_3260, %max3A_3259 : vector<16xf32>
    %div3A_3262 = arith.constant 1.000000e+00 : f32
    %div3A_3263 = vector.broadcast %div3A_3262 : f32 to vector<16xf32>
    %div3A_3264 = arith.divf %div3A_3263, %min3A_3261 : vector<16xf32>
    %mul3A_3265 = arith.mulf %get3A_3143, %div3A_3264 : vector<16xf32>
    %swap3A_3266 = arith.constant 400 : index
    %swap3A_3267 = tpu.vector_load %arg7[%swap3A_3266] {strides = array<i32>} : memref<512xf32, #tpu.memory_space<vmem>>, vector<16xf32>,
    tpu.vector_store %arg7[%swap3A_3266], %mul3A_3265 {strides = array<i32>} : memref<512xf32, #tpu.memory_space<vmem>>, vector<16xf32>,
    %get3A_3268 = arith.constant 416 : index
    %get3A_3269 = tpu.vector_load %arg5[%get3A_3268] {strides = array<i32>} : memref<512xf32, #tpu.memory_space<vmem>>, vector<16xf32>,
    %broadcast_in_dim3A_3270 = arith.constant 0 : i32
    %broadcast_in_dim3A_3271 = vector.broadcast %broadcast_in_dim3A_3270 : i32 to vector<16xi32>
    %gt3A_3272 = arith.constant 0.000000e+00 : f32
    %gt3A_3273 = vector.broadcast %gt3A_3272 : f32 to vector<16xf32>
    %gt3A_3274 = arith.cmpf ogt, %get3A_3269, %gt3A_3273 : vector<16xf32>
    %jit3A_3275 = arith.constant 1 : i32
    %jit3A_3276 = arith.constant 0 : i32
    %broadcast_in_dim3A_3277 = vector.broadcast %jit3A_3275 : i32 to vector<16xi32>
    %broadcast_in_dim3A_3278 = vector.broadcast %jit3A_3276 : i32 to vector<16xi32>
    %select_n3A_3279 = arith.select %gt3A_3274, %broadcast_in_dim3A_3277, %broadcast_in_dim3A_3278 : vector<16xi1>, vector<16xi32>
    %add3A_3280 = arith.addi %broadcast_in_dim3A_3271, %select_n3A_3279 : vector<16xi32>
    %gt3A_3281 = arith.constant 1.000000e-01 : f32
    %gt3A_3282 = vector.broadcast %gt3A_3281 : f32 to vector<16xf32>
    %gt3A_3283 = arith.cmpf ogt, %get3A_3269, %gt3A_3282 : vector<16xf32>
    %jit3A_3284 = arith.constant 1 : i32
    %jit3A_3285 = arith.constant 0 : i32
    %broadcast_in_dim3A_3286 = vector.broadcast %jit3A_3284 : i32 to vector<16xi32>
    %broadcast_in_dim3A_3287 = vector.broadcast %jit3A_3285 : i32 to vector<16xi32>
    %select_n3A_3288 = arith.select %gt3A_3283, %broadcast_in_dim3A_3286, %broadcast_in_dim3A_3287 : vector<16xi1>, vector<16xi32>
    %add3A_3289 = arith.addi %add3A_3280, %select_n3A_3288 : vector<16xi32>
    %gt3A_3290 = arith.constant 2.000000e-01 : f32
    %gt3A_3291 = vector.broadcast %gt3A_3290 : f32 to vector<16xf32>
    %gt3A_3292 = arith.cmpf ogt, %get3A_3269, %gt3A_3291 : vector<16xf32>
    %jit3A_3293 = arith.constant 1 : i32
    %jit3A_3294 = arith.constant 0 : i32
    %broadcast_in_dim3A_3295 = vector.broadcast %jit3A_3293 : i32 to vector<16xi32>
    %broadcast_in_dim3A_3296 = vector.broadcast %jit3A_3294 : i32 to vector<16xi32>
    %select_n3A_3297 = arith.select %gt3A_3292, %broadcast_in_dim3A_3295, %broadcast_in_dim3A_3296 : vector<16xi1>, vector<16xi32>
    %add3A_3298 = arith.addi %add3A_3289, %select_n3A_3297 : vector<16xi32>
    %gt3A_3299 = arith.constant 3.000000e-01 : f32
    %gt3A_3300 = vector.broadcast %gt3A_3299 : f32 to vector<16xf32>
    %gt3A_3301 = arith.cmpf ogt, %get3A_3269, %gt3A_3300 : vector<16xf32>
    %jit3A_3302 = arith.constant 1 : i32
    %jit3A_3303 = arith.constant 0 : i32
    %broadcast_in_dim3A_3304 = vector.broadcast %jit3A_3302 : i32 to vector<16xi32>
    %broadcast_in_dim3A_3305 = vector.broadcast %jit3A_3303 : i32 to vector<16xi32>
    %select_n3A_3306 = arith.select %gt3A_3301, %broadcast_in_dim3A_3304, %broadcast_in_dim3A_3305 : vector<16xi1>, vector<16xi32>
    %add3A_3307 = arith.addi %add3A_3298, %select_n3A_3306 : vector<16xi32>
    %gt3A_3308 = arith.constant 4.000000e-01 : f32
    %gt3A_3309 = vector.broadcast %gt3A_3308 : f32 to vector<16xf32>
    %gt3A_3310 = arith.cmpf ogt, %get3A_3269, %gt3A_3309 : vector<16xf32>
    %jit3A_3311 = arith.constant 1 : i32
    %jit3A_3312 = arith.constant 0 : i32
    %broadcast_in_dim3A_3313 = vector.broadcast %jit3A_3311 : i32 to vector<16xi32>
    %broadcast_in_dim3A_3314 = vector.broadcast %jit3A_3312 : i32 to vector<16xi32>
    %select_n3A_3315 = arith.select %gt3A_3310, %broadcast_in_dim3A_3313, %broadcast_in_dim3A_3314 : vector<16xi1>, vector<16xi32>
    %add3A_3316 = arith.addi %add3A_3307, %select_n3A_3315 : vector<16xi32>
    %gt3A_3317 = arith.constant 5.000000e-01 : f32
    %gt3A_3318 = vector.broadcast %gt3A_3317 : f32 to vector<16xf32>
    %gt3A_3319 = arith.cmpf ogt, %get3A_3269, %gt3A_3318 : vector<16xf32>
    %jit3A_3320 = arith.constant 1 : i32
    %jit3A_3321 = arith.constant 0 : i32
    %broadcast_in_dim3A_3322 = vector.broadcast %jit3A_3320 : i32 to vector<16xi32>
    %broadcast_in_dim3A_3323 = vector.broadcast %jit3A_3321 : i32 to vector<16xi32>
    %select_n3A_3324 = arith.select %gt3A_3319, %broadcast_in_dim3A_3322, %broadcast_in_dim3A_3323 : vector<16xi1>, vector<16xi32>
    %add3A_3325 = arith.addi %add3A_3316, %select_n3A_3324 : vector<16xi32>
    %gt3A_3326 = arith.constant 6.000000e-01 : f32
    %gt3A_3327 = vector.broadcast %gt3A_3326 : f32 to vector<16xf32>
    %gt3A_3328 = arith.cmpf ogt, %get3A_3269, %gt3A_3327 : vector<16xf32>
    %jit3A_3329 = arith.constant 1 : i32
    %jit3A_3330 = arith.constant 0 : i32
    %broadcast_in_dim3A_3331 = vector.broadcast %jit3A_3329 : i32 to vector<16xi32>
    %broadcast_in_dim3A_3332 = vector.broadcast %jit3A_3330 : i32 to vector<16xi32>
    %select_n3A_3333 = arith.select %gt3A_3328, %broadcast_in_dim3A_3331, %broadcast_in_dim3A_3332 : vector<16xi1>, vector<16xi32>
    %add3A_3334 = arith.addi %add3A_3325, %select_n3A_3333 : vector<16xi32>
    %gt3A_3335 = arith.constant 0.699999988 : f32
    %gt3A_3336 = vector.broadcast %gt3A_3335 : f32 to vector<16xf32>
    %gt3A_3337 = arith.cmpf ogt, %get3A_3269, %gt3A_3336 : vector<16xf32>
    %jit3A_3338 = arith.constant 1 : i32
    %jit3A_3339 = arith.constant 0 : i32
    %broadcast_in_dim3A_3340 = vector.broadcast %jit3A_3338 : i32 to vector<16xi32>
    %broadcast_in_dim3A_3341 = vector.broadcast %jit3A_3339 : i32 to vector<16xi32>
    %select_n3A_3342 = arith.select %gt3A_3337, %broadcast_in_dim3A_3340, %broadcast_in_dim3A_3341 : vector<16xi1>, vector<16xi32>
    %add3A_3343 = arith.addi %add3A_3334, %select_n3A_3342 : vector<16xi32>
    %gt3A_3344 = arith.constant 8.000000e-01 : f32
    %gt3A_3345 = vector.broadcast %gt3A_3344 : f32 to vector<16xf32>
    %gt3A_3346 = arith.cmpf ogt, %get3A_3269, %gt3A_3345 : vector<16xf32>
    %jit3A_3347 = arith.constant 1 : i32
    %jit3A_3348 = arith.constant 0 : i32
    %broadcast_in_dim3A_3349 = vector.broadcast %jit3A_3347 : i32 to vector<16xi32>
    %broadcast_in_dim3A_3350 = vector.broadcast %jit3A_3348 : i32 to vector<16xi32>
    %select_n3A_3351 = arith.select %gt3A_3346, %broadcast_in_dim3A_3349, %broadcast_in_dim3A_3350 : vector<16xi1>, vector<16xi32>
    %add3A_3352 = arith.addi %add3A_3343, %select_n3A_3351 : vector<16xi32>
    %gt3A_3353 = arith.constant 0.900000035 : f32
    %gt3A_3354 = vector.broadcast %gt3A_3353 : f32 to vector<16xf32>
    %gt3A_3355 = arith.cmpf ogt, %get3A_3269, %gt3A_3354 : vector<16xf32>
    %jit3A_3356 = arith.constant 1 : i32
    %jit3A_3357 = arith.constant 0 : i32
    %broadcast_in_dim3A_3358 = vector.broadcast %jit3A_3356 : i32 to vector<16xi32>
    %broadcast_in_dim3A_3359 = vector.broadcast %jit3A_3357 : i32 to vector<16xi32>
    %select_n3A_3360 = arith.select %gt3A_3355, %broadcast_in_dim3A_3358, %broadcast_in_dim3A_3359 : vector<16xi1>, vector<16xi32>
    %add3A_3361 = arith.addi %add3A_3352, %select_n3A_3360 : vector<16xi32>
    %gt3A_3362 = arith.constant 1.000000e+00 : f32
    %gt3A_3363 = vector.broadcast %gt3A_3362 : f32 to vector<16xf32>
    %gt3A_3364 = arith.cmpf ogt, %get3A_3269, %gt3A_3363 : vector<16xf32>
    %jit3A_3365 = arith.constant 1 : i32
    %jit3A_3366 = arith.constant 0 : i32
    %broadcast_in_dim3A_3367 = vector.broadcast %jit3A_3365 : i32 to vector<16xi32>
    %broadcast_in_dim3A_3368 = vector.broadcast %jit3A_3366 : i32 to vector<16xi32>
    %select_n3A_3369 = arith.select %gt3A_3364, %broadcast_in_dim3A_3367, %broadcast_in_dim3A_3368 : vector<16xi1>, vector<16xi32>
    %add3A_3370 = arith.addi %add3A_3361, %select_n3A_3369 : vector<16xi32>
    %sub3A_3371 = arith.constant 1 : i32
    %sub3A_3372 = vector.broadcast %sub3A_3371 : i32 to vector<16xi32>
    %sub3A_3373 = arith.subi %add3A_3370, %sub3A_3372 : vector<16xi32>
    %jit3A_3374 = arith.constant 0 : i32
    %jit3A_3375 = arith.constant 9 : i32
    %max3A_3376 = vector.broadcast %jit3A_3374 : i32 to vector<16xi32>
    %max3A_3377 = arith.maxsi %max3A_3376, %sub3A_3373 : vector<16xi32>
    %min3A_3378 = vector.broadcast %jit3A_3375 : i32 to vector<16xi32>
    %min3A_3379 = arith.minsi %min3A_3378, %max3A_3377 : vector<16xi32>
    %gather3A_3380 = tpu.vector_load_idx %arg6[%min3A_3379] : memref<16xf32, #tpu.memory_space<vmem>>[vector<16xi32>], vector<16xf32>,
    %mul3A_3381 = arith.mulf %gather3A_3380, %gather3A_3380 : vector<16xf32>
    %jit3A_3382 = arith.constant 0.00999999977 : f32
    %jit3A_3383 = arith.constant 1.000000e+02 : f32
    %max3A_3384 = vector.broadcast %jit3A_3382 : f32 to vector<16xf32>
    %max3A_3385 = arith.maximumf %max3A_3384, %mul3A_3381 : vector<16xf32>
    %min3A_3386 = vector.broadcast %jit3A_3383 : f32 to vector<16xf32>
    %min3A_3387 = arith.minimumf %min3A_3386, %max3A_3385 : vector<16xf32>
    %div3A_3388 = arith.constant 1.000000e+00 : f32
    %div3A_3389 = vector.broadcast %div3A_3388 : f32 to vector<16xf32>
    %div3A_3390 = arith.divf %div3A_3389, %min3A_3387 : vector<16xf32>
    %mul3A_3391 = arith.mulf %get3A_3269, %div3A_3390 : vector<16xf32>
    %swap3A_3392 = arith.constant 416 : index
    %swap3A_3393 = tpu.vector_load %arg7[%swap3A_3392] {strides = array<i32>} : memref<512xf32, #tpu.memory_space<vmem>>, vector<16xf32>,
    tpu.vector_store %arg7[%swap3A_3392], %mul3A_3391 {strides = array<i32>} : memref<512xf32, #tpu.memory_space<vmem>>, vector<16xf32>,
    %get3A_3394 = arith.constant 432 : index
    %get3A_3395 = tpu.vector_load %arg5[%get3A_3394] {strides = array<i32>} : memref<512xf32, #tpu.memory_space<vmem>>, vector<16xf32>,
    %broadcast_in_dim3A_3396 = arith.constant 0 : i32
    %broadcast_in_dim3A_3397 = vector.broadcast %broadcast_in_dim3A_3396 : i32 to vector<16xi32>
    %gt3A_3398 = arith.constant 0.000000e+00 : f32
    %gt3A_3399 = vector.broadcast %gt3A_3398 : f32 to vector<16xf32>
    %gt3A_3400 = arith.cmpf ogt, %get3A_3395, %gt3A_3399 : vector<16xf32>
    %jit3A_3401 = arith.constant 1 : i32
    %jit3A_3402 = arith.constant 0 : i32
    %broadcast_in_dim3A_3403 = vector.broadcast %jit3A_3401 : i32 to vector<16xi32>
    %broadcast_in_dim3A_3404 = vector.broadcast %jit3A_3402 : i32 to vector<16xi32>
    %select_n3A_3405 = arith.select %gt3A_3400, %broadcast_in_dim3A_3403, %broadcast_in_dim3A_3404 : vector<16xi1>, vector<16xi32>
    %add3A_3406 = arith.addi %broadcast_in_dim3A_3397, %select_n3A_3405 : vector<16xi32>
    %gt3A_3407 = arith.constant 1.000000e-01 : f32
    %gt3A_3408 = vector.broadcast %gt3A_3407 : f32 to vector<16xf32>
    %gt3A_3409 = arith.cmpf ogt, %get3A_3395, %gt3A_3408 : vector<16xf32>
    %jit3A_3410 = arith.constant 1 : i32
    %jit3A_3411 = arith.constant 0 : i32
    %broadcast_in_dim3A_3412 = vector.broadcast %jit3A_3410 : i32 to vector<16xi32>
    %broadcast_in_dim3A_3413 = vector.broadcast %jit3A_3411 : i32 to vector<16xi32>
    %select_n3A_3414 = arith.select %gt3A_3409, %broadcast_in_dim3A_3412, %broadcast_in_dim3A_3413 : vector<16xi1>, vector<16xi32>
    %add3A_3415 = arith.addi %add3A_3406, %select_n3A_3414 : vector<16xi32>
    %gt3A_3416 = arith.constant 2.000000e-01 : f32
    %gt3A_3417 = vector.broadcast %gt3A_3416 : f32 to vector<16xf32>
    %gt3A_3418 = arith.cmpf ogt, %get3A_3395, %gt3A_3417 : vector<16xf32>
    %jit3A_3419 = arith.constant 1 : i32
    %jit3A_3420 = arith.constant 0 : i32
    %broadcast_in_dim3A_3421 = vector.broadcast %jit3A_3419 : i32 to vector<16xi32>
    %broadcast_in_dim3A_3422 = vector.broadcast %jit3A_3420 : i32 to vector<16xi32>
    %select_n3A_3423 = arith.select %gt3A_3418, %broadcast_in_dim3A_3421, %broadcast_in_dim3A_3422 : vector<16xi1>, vector<16xi32>
    %add3A_3424 = arith.addi %add3A_3415, %select_n3A_3423 : vector<16xi32>
    %gt3A_3425 = arith.constant 3.000000e-01 : f32
    %gt3A_3426 = vector.broadcast %gt3A_3425 : f32 to vector<16xf32>
    %gt3A_3427 = arith.cmpf ogt, %get3A_3395, %gt3A_3426 : vector<16xf32>
    %jit3A_3428 = arith.constant 1 : i32
    %jit3A_3429 = arith.constant 0 : i32
    %broadcast_in_dim3A_3430 = vector.broadcast %jit3A_3428 : i32 to vector<16xi32>
    %broadcast_in_dim3A_3431 = vector.broadcast %jit3A_3429 : i32 to vector<16xi32>
    %select_n3A_3432 = arith.select %gt3A_3427, %broadcast_in_dim3A_3430, %broadcast_in_dim3A_3431 : vector<16xi1>, vector<16xi32>
    %add3A_3433 = arith.addi %add3A_3424, %select_n3A_3432 : vector<16xi32>
    %gt3A_3434 = arith.constant 4.000000e-01 : f32
    %gt3A_3435 = vector.broadcast %gt3A_3434 : f32 to vector<16xf32>
    %gt3A_3436 = arith.cmpf ogt, %get3A_3395, %gt3A_3435 : vector<16xf32>
    %jit3A_3437 = arith.constant 1 : i32
    %jit3A_3438 = arith.constant 0 : i32
    %broadcast_in_dim3A_3439 = vector.broadcast %jit3A_3437 : i32 to vector<16xi32>
    %broadcast_in_dim3A_3440 = vector.broadcast %jit3A_3438 : i32 to vector<16xi32>
    %select_n3A_3441 = arith.select %gt3A_3436, %broadcast_in_dim3A_3439, %broadcast_in_dim3A_3440 : vector<16xi1>, vector<16xi32>
    %add3A_3442 = arith.addi %add3A_3433, %select_n3A_3441 : vector<16xi32>
    %gt3A_3443 = arith.constant 5.000000e-01 : f32
    %gt3A_3444 = vector.broadcast %gt3A_3443 : f32 to vector<16xf32>
    %gt3A_3445 = arith.cmpf ogt, %get3A_3395, %gt3A_3444 : vector<16xf32>
    %jit3A_3446 = arith.constant 1 : i32
    %jit3A_3447 = arith.constant 0 : i32
    %broadcast_in_dim3A_3448 = vector.broadcast %jit3A_3446 : i32 to vector<16xi32>
    %broadcast_in_dim3A_3449 = vector.broadcast %jit3A_3447 : i32 to vector<16xi32>
    %select_n3A_3450 = arith.select %gt3A_3445, %broadcast_in_dim3A_3448, %broadcast_in_dim3A_3449 : vector<16xi1>, vector<16xi32>
    %add3A_3451 = arith.addi %add3A_3442, %select_n3A_3450 : vector<16xi32>
    %gt3A_3452 = arith.constant 6.000000e-01 : f32
    %gt3A_3453 = vector.broadcast %gt3A_3452 : f32 to vector<16xf32>
    %gt3A_3454 = arith.cmpf ogt, %get3A_3395, %gt3A_3453 : vector<16xf32>
    %jit3A_3455 = arith.constant 1 : i32
    %jit3A_3456 = arith.constant 0 : i32
    %broadcast_in_dim3A_3457 = vector.broadcast %jit3A_3455 : i32 to vector<16xi32>
    %broadcast_in_dim3A_3458 = vector.broadcast %jit3A_3456 : i32 to vector<16xi32>
    %select_n3A_3459 = arith.select %gt3A_3454, %broadcast_in_dim3A_3457, %broadcast_in_dim3A_3458 : vector<16xi1>, vector<16xi32>
    %add3A_3460 = arith.addi %add3A_3451, %select_n3A_3459 : vector<16xi32>
    %gt3A_3461 = arith.constant 0.699999988 : f32
    %gt3A_3462 = vector.broadcast %gt3A_3461 : f32 to vector<16xf32>
    %gt3A_3463 = arith.cmpf ogt, %get3A_3395, %gt3A_3462 : vector<16xf32>
    %jit3A_3464 = arith.constant 1 : i32
    %jit3A_3465 = arith.constant 0 : i32
    %broadcast_in_dim3A_3466 = vector.broadcast %jit3A_3464 : i32 to vector<16xi32>
    %broadcast_in_dim3A_3467 = vector.broadcast %jit3A_3465 : i32 to vector<16xi32>
    %select_n3A_3468 = arith.select %gt3A_3463, %broadcast_in_dim3A_3466, %broadcast_in_dim3A_3467 : vector<16xi1>, vector<16xi32>
    %add3A_3469 = arith.addi %add3A_3460, %select_n3A_3468 : vector<16xi32>
    %gt3A_3470 = arith.constant 8.000000e-01 : f32
    %gt3A_3471 = vector.broadcast %gt3A_3470 : f32 to vector<16xf32>
    %gt3A_3472 = arith.cmpf ogt, %get3A_3395, %gt3A_3471 : vector<16xf32>
    %jit3A_3473 = arith.constant 1 : i32
    %jit3A_3474 = arith.constant 0 : i32
    %broadcast_in_dim3A_3475 = vector.broadcast %jit3A_3473 : i32 to vector<16xi32>
    %broadcast_in_dim3A_3476 = vector.broadcast %jit3A_3474 : i32 to vector<16xi32>
    %select_n3A_3477 = arith.select %gt3A_3472, %broadcast_in_dim3A_3475, %broadcast_in_dim3A_3476 : vector<16xi1>, vector<16xi32>
    %add3A_3478 = arith.addi %add3A_3469, %select_n3A_3477 : vector<16xi32>
    %gt3A_3479 = arith.constant 0.900000035 : f32
    %gt3A_3480 = vector.broadcast %gt3A_3479 : f32 to vector<16xf32>
    %gt3A_3481 = arith.cmpf ogt, %get3A_3395, %gt3A_3480 : vector<16xf32>
    %jit3A_3482 = arith.constant 1 : i32
    %jit3A_3483 = arith.constant 0 : i32
    %broadcast_in_dim3A_3484 = vector.broadcast %jit3A_3482 : i32 to vector<16xi32>
    %broadcast_in_dim3A_3485 = vector.broadcast %jit3A_3483 : i32 to vector<16xi32>
    %select_n3A_3486 = arith.select %gt3A_3481, %broadcast_in_dim3A_3484, %broadcast_in_dim3A_3485 : vector<16xi1>, vector<16xi32>
    %add3A_3487 = arith.addi %add3A_3478, %select_n3A_3486 : vector<16xi32>
    %gt3A_3488 = arith.constant 1.000000e+00 : f32
    %gt3A_3489 = vector.broadcast %gt3A_3488 : f32 to vector<16xf32>
    %gt3A_3490 = arith.cmpf ogt, %get3A_3395, %gt3A_3489 : vector<16xf32>
    %jit3A_3491 = arith.constant 1 : i32
    %jit3A_3492 = arith.constant 0 : i32
    %broadcast_in_dim3A_3493 = vector.broadcast %jit3A_3491 : i32 to vector<16xi32>
    %broadcast_in_dim3A_3494 = vector.broadcast %jit3A_3492 : i32 to vector<16xi32>
    %select_n3A_3495 = arith.select %gt3A_3490, %broadcast_in_dim3A_3493, %broadcast_in_dim3A_3494 : vector<16xi1>, vector<16xi32>
    %add3A_3496 = arith.addi %add3A_3487, %select_n3A_3495 : vector<16xi32>
    %sub3A_3497 = arith.constant 1 : i32
    %sub3A_3498 = vector.broadcast %sub3A_3497 : i32 to vector<16xi32>
    %sub3A_3499 = arith.subi %add3A_3496, %sub3A_3498 : vector<16xi32>
    %jit3A_3500 = arith.constant 0 : i32
    %jit3A_3501 = arith.constant 9 : i32
    %max3A_3502 = vector.broadcast %jit3A_3500 : i32 to vector<16xi32>
    %max3A_3503 = arith.maxsi %max3A_3502, %sub3A_3499 : vector<16xi32>
    %min3A_3504 = vector.broadcast %jit3A_3501 : i32 to vector<16xi32>
    %min3A_3505 = arith.minsi %min3A_3504, %max3A_3503 : vector<16xi32>
    %gather3A_3506 = tpu.vector_load_idx %arg6[%min3A_3505] : memref<16xf32, #tpu.memory_space<vmem>>[vector<16xi32>], vector<16xf32>,
    %mul3A_3507 = arith.mulf %gather3A_3506, %gather3A_3506 : vector<16xf32>
    %jit3A_3508 = arith.constant 0.00999999977 : f32
    %jit3A_3509 = arith.constant 1.000000e+02 : f32
    %max3A_3510 = vector.broadcast %jit3A_3508 : f32 to vector<16xf32>
    %max3A_3511 = arith.maximumf %max3A_3510, %mul3A_3507 : vector<16xf32>
    %min3A_3512 = vector.broadcast %jit3A_3509 : f32 to vector<16xf32>
    %min3A_3513 = arith.minimumf %min3A_3512, %max3A_3511 : vector<16xf32>
    %div3A_3514 = arith.constant 1.000000e+00 : f32
    %div3A_3515 = vector.broadcast %div3A_3514 : f32 to vector<16xf32>
    %div3A_3516 = arith.divf %div3A_3515, %min3A_3513 : vector<16xf32>
    %mul3A_3517 = arith.mulf %get3A_3395, %div3A_3516 : vector<16xf32>
    %swap3A_3518 = arith.constant 432 : index
    %swap3A_3519 = tpu.vector_load %arg7[%swap3A_3518] {strides = array<i32>} : memref<512xf32, #tpu.memory_space<vmem>>, vector<16xf32>,
    tpu.vector_store %arg7[%swap3A_3518], %mul3A_3517 {strides = array<i32>} : memref<512xf32, #tpu.memory_space<vmem>>, vector<16xf32>,
    %get3A_3520 = arith.constant 448 : index
    %get3A_3521 = tpu.vector_load %arg5[%get3A_3520] {strides = array<i32>} : memref<512xf32, #tpu.memory_space<vmem>>, vector<16xf32>,
    %broadcast_in_dim3A_3522 = arith.constant 0 : i32
    %broadcast_in_dim3A_3523 = vector.broadcast %broadcast_in_dim3A_3522 : i32 to vector<16xi32>
    %gt3A_3524 = arith.constant 0.000000e+00 : f32
    %gt3A_3525 = vector.broadcast %gt3A_3524 : f32 to vector<16xf32>
    %gt3A_3526 = arith.cmpf ogt, %get3A_3521, %gt3A_3525 : vector<16xf32>
    %jit3A_3527 = arith.constant 1 : i32
    %jit3A_3528 = arith.constant 0 : i32
    %broadcast_in_dim3A_3529 = vector.broadcast %jit3A_3527 : i32 to vector<16xi32>
    %broadcast_in_dim3A_3530 = vector.broadcast %jit3A_3528 : i32 to vector<16xi32>
    %select_n3A_3531 = arith.select %gt3A_3526, %broadcast_in_dim3A_3529, %broadcast_in_dim3A_3530 : vector<16xi1>, vector<16xi32>
    %add3A_3532 = arith.addi %broadcast_in_dim3A_3523, %select_n3A_3531 : vector<16xi32>
    %gt3A_3533 = arith.constant 1.000000e-01 : f32
    %gt3A_3534 = vector.broadcast %gt3A_3533 : f32 to vector<16xf32>
    %gt3A_3535 = arith.cmpf ogt, %get3A_3521, %gt3A_3534 : vector<16xf32>
    %jit3A_3536 = arith.constant 1 : i32
    %jit3A_3537 = arith.constant 0 : i32
    %broadcast_in_dim3A_3538 = vector.broadcast %jit3A_3536 : i32 to vector<16xi32>
    %broadcast_in_dim3A_3539 = vector.broadcast %jit3A_3537 : i32 to vector<16xi32>
    %select_n3A_3540 = arith.select %gt3A_3535, %broadcast_in_dim3A_3538, %broadcast_in_dim3A_3539 : vector<16xi1>, vector<16xi32>
    %add3A_3541 = arith.addi %add3A_3532, %select_n3A_3540 : vector<16xi32>
    %gt3A_3542 = arith.constant 2.000000e-01 : f32
    %gt3A_3543 = vector.broadcast %gt3A_3542 : f32 to vector<16xf32>
    %gt3A_3544 = arith.cmpf ogt, %get3A_3521, %gt3A_3543 : vector<16xf32>
    %jit3A_3545 = arith.constant 1 : i32
    %jit3A_3546 = arith.constant 0 : i32
    %broadcast_in_dim3A_3547 = vector.broadcast %jit3A_3545 : i32 to vector<16xi32>
    %broadcast_in_dim3A_3548 = vector.broadcast %jit3A_3546 : i32 to vector<16xi32>
    %select_n3A_3549 = arith.select %gt3A_3544, %broadcast_in_dim3A_3547, %broadcast_in_dim3A_3548 : vector<16xi1>, vector<16xi32>
    %add3A_3550 = arith.addi %add3A_3541, %select_n3A_3549 : vector<16xi32>
    %gt3A_3551 = arith.constant 3.000000e-01 : f32
    %gt3A_3552 = vector.broadcast %gt3A_3551 : f32 to vector<16xf32>
    %gt3A_3553 = arith.cmpf ogt, %get3A_3521, %gt3A_3552 : vector<16xf32>
    %jit3A_3554 = arith.constant 1 : i32
    %jit3A_3555 = arith.constant 0 : i32
    %broadcast_in_dim3A_3556 = vector.broadcast %jit3A_3554 : i32 to vector<16xi32>
    %broadcast_in_dim3A_3557 = vector.broadcast %jit3A_3555 : i32 to vector<16xi32>
    %select_n3A_3558 = arith.select %gt3A_3553, %broadcast_in_dim3A_3556, %broadcast_in_dim3A_3557 : vector<16xi1>, vector<16xi32>
    %add3A_3559 = arith.addi %add3A_3550, %select_n3A_3558 : vector<16xi32>
    %gt3A_3560 = arith.constant 4.000000e-01 : f32
    %gt3A_3561 = vector.broadcast %gt3A_3560 : f32 to vector<16xf32>
    %gt3A_3562 = arith.cmpf ogt, %get3A_3521, %gt3A_3561 : vector<16xf32>
    %jit3A_3563 = arith.constant 1 : i32
    %jit3A_3564 = arith.constant 0 : i32
    %broadcast_in_dim3A_3565 = vector.broadcast %jit3A_3563 : i32 to vector<16xi32>
    %broadcast_in_dim3A_3566 = vector.broadcast %jit3A_3564 : i32 to vector<16xi32>
    %select_n3A_3567 = arith.select %gt3A_3562, %broadcast_in_dim3A_3565, %broadcast_in_dim3A_3566 : vector<16xi1>, vector<16xi32>
    %add3A_3568 = arith.addi %add3A_3559, %select_n3A_3567 : vector<16xi32>
    %gt3A_3569 = arith.constant 5.000000e-01 : f32
    %gt3A_3570 = vector.broadcast %gt3A_3569 : f32 to vector<16xf32>
    %gt3A_3571 = arith.cmpf ogt, %get3A_3521, %gt3A_3570 : vector<16xf32>
    %jit3A_3572 = arith.constant 1 : i32
    %jit3A_3573 = arith.constant 0 : i32
    %broadcast_in_dim3A_3574 = vector.broadcast %jit3A_3572 : i32 to vector<16xi32>
    %broadcast_in_dim3A_3575 = vector.broadcast %jit3A_3573 : i32 to vector<16xi32>
    %select_n3A_3576 = arith.select %gt3A_3571, %broadcast_in_dim3A_3574, %broadcast_in_dim3A_3575 : vector<16xi1>, vector<16xi32>
    %add3A_3577 = arith.addi %add3A_3568, %select_n3A_3576 : vector<16xi32>
    %gt3A_3578 = arith.constant 6.000000e-01 : f32
    %gt3A_3579 = vector.broadcast %gt3A_3578 : f32 to vector<16xf32>
    %gt3A_3580 = arith.cmpf ogt, %get3A_3521, %gt3A_3579 : vector<16xf32>
    %jit3A_3581 = arith.constant 1 : i32
    %jit3A_3582 = arith.constant 0 : i32
    %broadcast_in_dim3A_3583 = vector.broadcast %jit3A_3581 : i32 to vector<16xi32>
    %broadcast_in_dim3A_3584 = vector.broadcast %jit3A_3582 : i32 to vector<16xi32>
    %select_n3A_3585 = arith.select %gt3A_3580, %broadcast_in_dim3A_3583, %broadcast_in_dim3A_3584 : vector<16xi1>, vector<16xi32>
    %add3A_3586 = arith.addi %add3A_3577, %select_n3A_3585 : vector<16xi32>
    %gt3A_3587 = arith.constant 0.699999988 : f32
    %gt3A_3588 = vector.broadcast %gt3A_3587 : f32 to vector<16xf32>
    %gt3A_3589 = arith.cmpf ogt, %get3A_3521, %gt3A_3588 : vector<16xf32>
    %jit3A_3590 = arith.constant 1 : i32
    %jit3A_3591 = arith.constant 0 : i32
    %broadcast_in_dim3A_3592 = vector.broadcast %jit3A_3590 : i32 to vector<16xi32>
    %broadcast_in_dim3A_3593 = vector.broadcast %jit3A_3591 : i32 to vector<16xi32>
    %select_n3A_3594 = arith.select %gt3A_3589, %broadcast_in_dim3A_3592, %broadcast_in_dim3A_3593 : vector<16xi1>, vector<16xi32>
    %add3A_3595 = arith.addi %add3A_3586, %select_n3A_3594 : vector<16xi32>
    %gt3A_3596 = arith.constant 8.000000e-01 : f32
    %gt3A_3597 = vector.broadcast %gt3A_3596 : f32 to vector<16xf32>
    %gt3A_3598 = arith.cmpf ogt, %get3A_3521, %gt3A_3597 : vector<16xf32>
    %jit3A_3599 = arith.constant 1 : i32
    %jit3A_3600 = arith.constant 0 : i32
    %broadcast_in_dim3A_3601 = vector.broadcast %jit3A_3599 : i32 to vector<16xi32>
    %broadcast_in_dim3A_3602 = vector.broadcast %jit3A_3600 : i32 to vector<16xi32>
    %select_n3A_3603 = arith.select %gt3A_3598, %broadcast_in_dim3A_3601, %broadcast_in_dim3A_3602 : vector<16xi1>, vector<16xi32>
    %add3A_3604 = arith.addi %add3A_3595, %select_n3A_3603 : vector<16xi32>
    %gt3A_3605 = arith.constant 0.900000035 : f32
    %gt3A_3606 = vector.broadcast %gt3A_3605 : f32 to vector<16xf32>
    %gt3A_3607 = arith.cmpf ogt, %get3A_3521, %gt3A_3606 : vector<16xf32>
    %jit3A_3608 = arith.constant 1 : i32
    %jit3A_3609 = arith.constant 0 : i32
    %broadcast_in_dim3A_3610 = vector.broadcast %jit3A_3608 : i32 to vector<16xi32>
    %broadcast_in_dim3A_3611 = vector.broadcast %jit3A_3609 : i32 to vector<16xi32>
    %select_n3A_3612 = arith.select %gt3A_3607, %broadcast_in_dim3A_3610, %broadcast_in_dim3A_3611 : vector<16xi1>, vector<16xi32>
    %add3A_3613 = arith.addi %add3A_3604, %select_n3A_3612 : vector<16xi32>
    %gt3A_3614 = arith.constant 1.000000e+00 : f32
    %gt3A_3615 = vector.broadcast %gt3A_3614 : f32 to vector<16xf32>
    %gt3A_3616 = arith.cmpf ogt, %get3A_3521, %gt3A_3615 : vector<16xf32>
    %jit3A_3617 = arith.constant 1 : i32
    %jit3A_3618 = arith.constant 0 : i32
    %broadcast_in_dim3A_3619 = vector.broadcast %jit3A_3617 : i32 to vector<16xi32>
    %broadcast_in_dim3A_3620 = vector.broadcast %jit3A_3618 : i32 to vector<16xi32>
    %select_n3A_3621 = arith.select %gt3A_3616, %broadcast_in_dim3A_3619, %broadcast_in_dim3A_3620 : vector<16xi1>, vector<16xi32>
    %add3A_3622 = arith.addi %add3A_3613, %select_n3A_3621 : vector<16xi32>
    %sub3A_3623 = arith.constant 1 : i32
    %sub3A_3624 = vector.broadcast %sub3A_3623 : i32 to vector<16xi32>
    %sub3A_3625 = arith.subi %add3A_3622, %sub3A_3624 : vector<16xi32>
    %jit3A_3626 = arith.constant 0 : i32
    %jit3A_3627 = arith.constant 9 : i32
    %max3A_3628 = vector.broadcast %jit3A_3626 : i32 to vector<16xi32>
    %max3A_3629 = arith.maxsi %max3A_3628, %sub3A_3625 : vector<16xi32>
    %min3A_3630 = vector.broadcast %jit3A_3627 : i32 to vector<16xi32>
    %min3A_3631 = arith.minsi %min3A_3630, %max3A_3629 : vector<16xi32>
    %gather3A_3632 = tpu.vector_load_idx %arg6[%min3A_3631] : memref<16xf32, #tpu.memory_space<vmem>>[vector<16xi32>], vector<16xf32>,
    %mul3A_3633 = arith.mulf %gather3A_3632, %gather3A_3632 : vector<16xf32>
    %jit3A_3634 = arith.constant 0.00999999977 : f32
    %jit3A_3635 = arith.constant 1.000000e+02 : f32
    %max3A_3636 = vector.broadcast %jit3A_3634 : f32 to vector<16xf32>
    %max3A_3637 = arith.maximumf %max3A_3636, %mul3A_3633 : vector<16xf32>
    %min3A_3638 = vector.broadcast %jit3A_3635 : f32 to vector<16xf32>
    %min3A_3639 = arith.minimumf %min3A_3638, %max3A_3637 : vector<16xf32>
    %div3A_3640 = arith.constant 1.000000e+00 : f32
    %div3A_3641 = vector.broadcast %div3A_3640 : f32 to vector<16xf32>
    %div3A_3642 = arith.divf %div3A_3641, %min3A_3639 : vector<16xf32>
    %mul3A_3643 = arith.mulf %get3A_3521, %div3A_3642 : vector<16xf32>
    %swap3A_3644 = arith.constant 448 : index
    %swap3A_3645 = tpu.vector_load %arg7[%swap3A_3644] {strides = array<i32>} : memref<512xf32, #tpu.memory_space<vmem>>, vector<16xf32>,
    tpu.vector_store %arg7[%swap3A_3644], %mul3A_3643 {strides = array<i32>} : memref<512xf32, #tpu.memory_space<vmem>>, vector<16xf32>,
    %get3A_3646 = arith.constant 464 : index
    %get3A_3647 = tpu.vector_load %arg5[%get3A_3646] {strides = array<i32>} : memref<512xf32, #tpu.memory_space<vmem>>, vector<16xf32>,
    %broadcast_in_dim3A_3648 = arith.constant 0 : i32
    %broadcast_in_dim3A_3649 = vector.broadcast %broadcast_in_dim3A_3648 : i32 to vector<16xi32>
    %gt3A_3650 = arith.constant 0.000000e+00 : f32
    %gt3A_3651 = vector.broadcast %gt3A_3650 : f32 to vector<16xf32>
    %gt3A_3652 = arith.cmpf ogt, %get3A_3647, %gt3A_3651 : vector<16xf32>
    %jit3A_3653 = arith.constant 1 : i32
    %jit3A_3654 = arith.constant 0 : i32
    %broadcast_in_dim3A_3655 = vector.broadcast %jit3A_3653 : i32 to vector<16xi32>
    %broadcast_in_dim3A_3656 = vector.broadcast %jit3A_3654 : i32 to vector<16xi32>
    %select_n3A_3657 = arith.select %gt3A_3652, %broadcast_in_dim3A_3655, %broadcast_in_dim3A_3656 : vector<16xi1>, vector<16xi32>
    %add3A_3658 = arith.addi %broadcast_in_dim3A_3649, %select_n3A_3657 : vector<16xi32>
    %gt3A_3659 = arith.constant 1.000000e-01 : f32
    %gt3A_3660 = vector.broadcast %gt3A_3659 : f32 to vector<16xf32>
    %gt3A_3661 = arith.cmpf ogt, %get3A_3647, %gt3A_3660 : vector<16xf32>
    %jit3A_3662 = arith.constant 1 : i32
    %jit3A_3663 = arith.constant 0 : i32
    %broadcast_in_dim3A_3664 = vector.broadcast %jit3A_3662 : i32 to vector<16xi32>
    %broadcast_in_dim3A_3665 = vector.broadcast %jit3A_3663 : i32 to vector<16xi32>
    %select_n3A_3666 = arith.select %gt3A_3661, %broadcast_in_dim3A_3664, %broadcast_in_dim3A_3665 : vector<16xi1>, vector<16xi32>
    %add3A_3667 = arith.addi %add3A_3658, %select_n3A_3666 : vector<16xi32>
    %gt3A_3668 = arith.constant 2.000000e-01 : f32
    %gt3A_3669 = vector.broadcast %gt3A_3668 : f32 to vector<16xf32>
    %gt3A_3670 = arith.cmpf ogt, %get3A_3647, %gt3A_3669 : vector<16xf32>
    %jit3A_3671 = arith.constant 1 : i32
    %jit3A_3672 = arith.constant 0 : i32
    %broadcast_in_dim3A_3673 = vector.broadcast %jit3A_3671 : i32 to vector<16xi32>
    %broadcast_in_dim3A_3674 = vector.broadcast %jit3A_3672 : i32 to vector<16xi32>
    %select_n3A_3675 = arith.select %gt3A_3670, %broadcast_in_dim3A_3673, %broadcast_in_dim3A_3674 : vector<16xi1>, vector<16xi32>
    %add3A_3676 = arith.addi %add3A_3667, %select_n3A_3675 : vector<16xi32>
    %gt3A_3677 = arith.constant 3.000000e-01 : f32
    %gt3A_3678 = vector.broadcast %gt3A_3677 : f32 to vector<16xf32>
    %gt3A_3679 = arith.cmpf ogt, %get3A_3647, %gt3A_3678 : vector<16xf32>
    %jit3A_3680 = arith.constant 1 : i32
    %jit3A_3681 = arith.constant 0 : i32
    %broadcast_in_dim3A_3682 = vector.broadcast %jit3A_3680 : i32 to vector<16xi32>
    %broadcast_in_dim3A_3683 = vector.broadcast %jit3A_3681 : i32 to vector<16xi32>
    %select_n3A_3684 = arith.select %gt3A_3679, %broadcast_in_dim3A_3682, %broadcast_in_dim3A_3683 : vector<16xi1>, vector<16xi32>
    %add3A_3685 = arith.addi %add3A_3676, %select_n3A_3684 : vector<16xi32>
    %gt3A_3686 = arith.constant 4.000000e-01 : f32
    %gt3A_3687 = vector.broadcast %gt3A_3686 : f32 to vector<16xf32>
    %gt3A_3688 = arith.cmpf ogt, %get3A_3647, %gt3A_3687 : vector<16xf32>
    %jit3A_3689 = arith.constant 1 : i32
    %jit3A_3690 = arith.constant 0 : i32
    %broadcast_in_dim3A_3691 = vector.broadcast %jit3A_3689 : i32 to vector<16xi32>
    %broadcast_in_dim3A_3692 = vector.broadcast %jit3A_3690 : i32 to vector<16xi32>
    %select_n3A_3693 = arith.select %gt3A_3688, %broadcast_in_dim3A_3691, %broadcast_in_dim3A_3692 : vector<16xi1>, vector<16xi32>
    %add3A_3694 = arith.addi %add3A_3685, %select_n3A_3693 : vector<16xi32>
    %gt3A_3695 = arith.constant 5.000000e-01 : f32
    %gt3A_3696 = vector.broadcast %gt3A_3695 : f32 to vector<16xf32>
    %gt3A_3697 = arith.cmpf ogt, %get3A_3647, %gt3A_3696 : vector<16xf32>
    %jit3A_3698 = arith.constant 1 : i32
    %jit3A_3699 = arith.constant 0 : i32
    %broadcast_in_dim3A_3700 = vector.broadcast %jit3A_3698 : i32 to vector<16xi32>
    %broadcast_in_dim3A_3701 = vector.broadcast %jit3A_3699 : i32 to vector<16xi32>
    %select_n3A_3702 = arith.select %gt3A_3697, %broadcast_in_dim3A_3700, %broadcast_in_dim3A_3701 : vector<16xi1>, vector<16xi32>
    %add3A_3703 = arith.addi %add3A_3694, %select_n3A_3702 : vector<16xi32>
    %gt3A_3704 = arith.constant 6.000000e-01 : f32
    %gt3A_3705 = vector.broadcast %gt3A_3704 : f32 to vector<16xf32>
    %gt3A_3706 = arith.cmpf ogt, %get3A_3647, %gt3A_3705 : vector<16xf32>
    %jit3A_3707 = arith.constant 1 : i32
    %jit3A_3708 = arith.constant 0 : i32
    %broadcast_in_dim3A_3709 = vector.broadcast %jit3A_3707 : i32 to vector<16xi32>
    %broadcast_in_dim3A_3710 = vector.broadcast %jit3A_3708 : i32 to vector<16xi32>
    %select_n3A_3711 = arith.select %gt3A_3706, %broadcast_in_dim3A_3709, %broadcast_in_dim3A_3710 : vector<16xi1>, vector<16xi32>
    %add3A_3712 = arith.addi %add3A_3703, %select_n3A_3711 : vector<16xi32>
    %gt3A_3713 = arith.constant 0.699999988 : f32
    %gt3A_3714 = vector.broadcast %gt3A_3713 : f32 to vector<16xf32>
    %gt3A_3715 = arith.cmpf ogt, %get3A_3647, %gt3A_3714 : vector<16xf32>
    %jit3A_3716 = arith.constant 1 : i32
    %jit3A_3717 = arith.constant 0 : i32
    %broadcast_in_dim3A_3718 = vector.broadcast %jit3A_3716 : i32 to vector<16xi32>
    %broadcast_in_dim3A_3719 = vector.broadcast %jit3A_3717 : i32 to vector<16xi32>
    %select_n3A_3720 = arith.select %gt3A_3715, %broadcast_in_dim3A_3718, %broadcast_in_dim3A_3719 : vector<16xi1>, vector<16xi32>
    %add3A_3721 = arith.addi %add3A_3712, %select_n3A_3720 : vector<16xi32>
    %gt3A_3722 = arith.constant 8.000000e-01 : f32
    %gt3A_3723 = vector.broadcast %gt3A_3722 : f32 to vector<16xf32>
    %gt3A_3724 = arith.cmpf ogt, %get3A_3647, %gt3A_3723 : vector<16xf32>
    %jit3A_3725 = arith.constant 1 : i32
    %jit3A_3726 = arith.constant 0 : i32
    %broadcast_in_dim3A_3727 = vector.broadcast %jit3A_3725 : i32 to vector<16xi32>
    %broadcast_in_dim3A_3728 = vector.broadcast %jit3A_3726 : i32 to vector<16xi32>
    %select_n3A_3729 = arith.select %gt3A_3724, %broadcast_in_dim3A_3727, %broadcast_in_dim3A_3728 : vector<16xi1>, vector<16xi32>
    %add3A_3730 = arith.addi %add3A_3721, %select_n3A_3729 : vector<16xi32>
    %gt3A_3731 = arith.constant 0.900000035 : f32
    %gt3A_3732 = vector.broadcast %gt3A_3731 : f32 to vector<16xf32>
    %gt3A_3733 = arith.cmpf ogt, %get3A_3647, %gt3A_3732 : vector<16xf32>
    %jit3A_3734 = arith.constant 1 : i32
    %jit3A_3735 = arith.constant 0 : i32
    %broadcast_in_dim3A_3736 = vector.broadcast %jit3A_3734 : i32 to vector<16xi32>
    %broadcast_in_dim3A_3737 = vector.broadcast %jit3A_3735 : i32 to vector<16xi32>
    %select_n3A_3738 = arith.select %gt3A_3733, %broadcast_in_dim3A_3736, %broadcast_in_dim3A_3737 : vector<16xi1>, vector<16xi32>
    %add3A_3739 = arith.addi %add3A_3730, %select_n3A_3738 : vector<16xi32>
    %gt3A_3740 = arith.constant 1.000000e+00 : f32
    %gt3A_3741 = vector.broadcast %gt3A_3740 : f32 to vector<16xf32>
    %gt3A_3742 = arith.cmpf ogt, %get3A_3647, %gt3A_3741 : vector<16xf32>
    %jit3A_3743 = arith.constant 1 : i32
    %jit3A_3744 = arith.constant 0 : i32
    %broadcast_in_dim3A_3745 = vector.broadcast %jit3A_3743 : i32 to vector<16xi32>
    %broadcast_in_dim3A_3746 = vector.broadcast %jit3A_3744 : i32 to vector<16xi32>
    %select_n3A_3747 = arith.select %gt3A_3742, %broadcast_in_dim3A_3745, %broadcast_in_dim3A_3746 : vector<16xi1>, vector<16xi32>
    %add3A_3748 = arith.addi %add3A_3739, %select_n3A_3747 : vector<16xi32>
    %sub3A_3749 = arith.constant 1 : i32
    %sub3A_3750 = vector.broadcast %sub3A_3749 : i32 to vector<16xi32>
    %sub3A_3751 = arith.subi %add3A_3748, %sub3A_3750 : vector<16xi32>
    %jit3A_3752 = arith.constant 0 : i32
    %jit3A_3753 = arith.constant 9 : i32
    %max3A_3754 = vector.broadcast %jit3A_3752 : i32 to vector<16xi32>
    %max3A_3755 = arith.maxsi %max3A_3754, %sub3A_3751 : vector<16xi32>
    %min3A_3756 = vector.broadcast %jit3A_3753 : i32 to vector<16xi32>
    %min3A_3757 = arith.minsi %min3A_3756, %max3A_3755 : vector<16xi32>
    %gather3A_3758 = tpu.vector_load_idx %arg6[%min3A_3757] : memref<16xf32, #tpu.memory_space<vmem>>[vector<16xi32>], vector<16xf32>,
    %mul3A_3759 = arith.mulf %gather3A_3758, %gather3A_3758 : vector<16xf32>
    %jit3A_3760 = arith.constant 0.00999999977 : f32
    %jit3A_3761 = arith.constant 1.000000e+02 : f32
    %max3A_3762 = vector.broadcast %jit3A_3760 : f32 to vector<16xf32>
    %max3A_3763 = arith.maximumf %max3A_3762, %mul3A_3759 : vector<16xf32>
    %min3A_3764 = vector.broadcast %jit3A_3761 : f32 to vector<16xf32>
    %min3A_3765 = arith.minimumf %min3A_3764, %max3A_3763 : vector<16xf32>
    %div3A_3766 = arith.constant 1.000000e+00 : f32
    %div3A_3767 = vector.broadcast %div3A_3766 : f32 to vector<16xf32>
    %div3A_3768 = arith.divf %div3A_3767, %min3A_3765 : vector<16xf32>
    %mul3A_3769 = arith.mulf %get3A_3647, %div3A_3768 : vector<16xf32>
    %swap3A_3770 = arith.constant 464 : index
    %swap3A_3771 = tpu.vector_load %arg7[%swap3A_3770] {strides = array<i32>} : memref<512xf32, #tpu.memory_space<vmem>>, vector<16xf32>,
    tpu.vector_store %arg7[%swap3A_3770], %mul3A_3769 {strides = array<i32>} : memref<512xf32, #tpu.memory_space<vmem>>, vector<16xf32>,
    %get3A_3772 = arith.constant 480 : index
    %get3A_3773 = tpu.vector_load %arg5[%get3A_3772] {strides = array<i32>} : memref<512xf32, #tpu.memory_space<vmem>>, vector<16xf32>,
    %broadcast_in_dim3A_3774 = arith.constant 0 : i32
    %broadcast_in_dim3A_3775 = vector.broadcast %broadcast_in_dim3A_3774 : i32 to vector<16xi32>
    %gt3A_3776 = arith.constant 0.000000e+00 : f32
    %gt3A_3777 = vector.broadcast %gt3A_3776 : f32 to vector<16xf32>
    %gt3A_3778 = arith.cmpf ogt, %get3A_3773, %gt3A_3777 : vector<16xf32>
    %jit3A_3779 = arith.constant 1 : i32
    %jit3A_3780 = arith.constant 0 : i32
    %broadcast_in_dim3A_3781 = vector.broadcast %jit3A_3779 : i32 to vector<16xi32>
    %broadcast_in_dim3A_3782 = vector.broadcast %jit3A_3780 : i32 to vector<16xi32>
    %select_n3A_3783 = arith.select %gt3A_3778, %broadcast_in_dim3A_3781, %broadcast_in_dim3A_3782 : vector<16xi1>, vector<16xi32>
    %add3A_3784 = arith.addi %broadcast_in_dim3A_3775, %select_n3A_3783 : vector<16xi32>
    %gt3A_3785 = arith.constant 1.000000e-01 : f32
    %gt3A_3786 = vector.broadcast %gt3A_3785 : f32 to vector<16xf32>
    %gt3A_3787 = arith.cmpf ogt, %get3A_3773, %gt3A_3786 : vector<16xf32>
    %jit3A_3788 = arith.constant 1 : i32
    %jit3A_3789 = arith.constant 0 : i32
    %broadcast_in_dim3A_3790 = vector.broadcast %jit3A_3788 : i32 to vector<16xi32>
    %broadcast_in_dim3A_3791 = vector.broadcast %jit3A_3789 : i32 to vector<16xi32>
    %select_n3A_3792 = arith.select %gt3A_3787, %broadcast_in_dim3A_3790, %broadcast_in_dim3A_3791 : vector<16xi1>, vector<16xi32>
    %add3A_3793 = arith.addi %add3A_3784, %select_n3A_3792 : vector<16xi32>
    %gt3A_3794 = arith.constant 2.000000e-01 : f32
    %gt3A_3795 = vector.broadcast %gt3A_3794 : f32 to vector<16xf32>
    %gt3A_3796 = arith.cmpf ogt, %get3A_3773, %gt3A_3795 : vector<16xf32>
    %jit3A_3797 = arith.constant 1 : i32
    %jit3A_3798 = arith.constant 0 : i32
    %broadcast_in_dim3A_3799 = vector.broadcast %jit3A_3797 : i32 to vector<16xi32>
    %broadcast_in_dim3A_3800 = vector.broadcast %jit3A_3798 : i32 to vector<16xi32>
    %select_n3A_3801 = arith.select %gt3A_3796, %broadcast_in_dim3A_3799, %broadcast_in_dim3A_3800 : vector<16xi1>, vector<16xi32>
    %add3A_3802 = arith.addi %add3A_3793, %select_n3A_3801 : vector<16xi32>
    %gt3A_3803 = arith.constant 3.000000e-01 : f32
    %gt3A_3804 = vector.broadcast %gt3A_3803 : f32 to vector<16xf32>
    %gt3A_3805 = arith.cmpf ogt, %get3A_3773, %gt3A_3804 : vector<16xf32>
    %jit3A_3806 = arith.constant 1 : i32
    %jit3A_3807 = arith.constant 0 : i32
    %broadcast_in_dim3A_3808 = vector.broadcast %jit3A_3806 : i32 to vector<16xi32>
    %broadcast_in_dim3A_3809 = vector.broadcast %jit3A_3807 : i32 to vector<16xi32>
    %select_n3A_3810 = arith.select %gt3A_3805, %broadcast_in_dim3A_3808, %broadcast_in_dim3A_3809 : vector<16xi1>, vector<16xi32>
    %add3A_3811 = arith.addi %add3A_3802, %select_n3A_3810 : vector<16xi32>
    %gt3A_3812 = arith.constant 4.000000e-01 : f32
    %gt3A_3813 = vector.broadcast %gt3A_3812 : f32 to vector<16xf32>
    %gt3A_3814 = arith.cmpf ogt, %get3A_3773, %gt3A_3813 : vector<16xf32>
    %jit3A_3815 = arith.constant 1 : i32
    %jit3A_3816 = arith.constant 0 : i32
    %broadcast_in_dim3A_3817 = vector.broadcast %jit3A_3815 : i32 to vector<16xi32>
    %broadcast_in_dim3A_3818 = vector.broadcast %jit3A_3816 : i32 to vector<16xi32>
    %select_n3A_3819 = arith.select %gt3A_3814, %broadcast_in_dim3A_3817, %broadcast_in_dim3A_3818 : vector<16xi1>, vector<16xi32>
    %add3A_3820 = arith.addi %add3A_3811, %select_n3A_3819 : vector<16xi32>
    %gt3A_3821 = arith.constant 5.000000e-01 : f32
    %gt3A_3822 = vector.broadcast %gt3A_3821 : f32 to vector<16xf32>
    %gt3A_3823 = arith.cmpf ogt, %get3A_3773, %gt3A_3822 : vector<16xf32>
    %jit3A_3824 = arith.constant 1 : i32
    %jit3A_3825 = arith.constant 0 : i32
    %broadcast_in_dim3A_3826 = vector.broadcast %jit3A_3824 : i32 to vector<16xi32>
    %broadcast_in_dim3A_3827 = vector.broadcast %jit3A_3825 : i32 to vector<16xi32>
    %select_n3A_3828 = arith.select %gt3A_3823, %broadcast_in_dim3A_3826, %broadcast_in_dim3A_3827 : vector<16xi1>, vector<16xi32>
    %add3A_3829 = arith.addi %add3A_3820, %select_n3A_3828 : vector<16xi32>
    %gt3A_3830 = arith.constant 6.000000e-01 : f32
    %gt3A_3831 = vector.broadcast %gt3A_3830 : f32 to vector<16xf32>
    %gt3A_3832 = arith.cmpf ogt, %get3A_3773, %gt3A_3831 : vector<16xf32>
    %jit3A_3833 = arith.constant 1 : i32
    %jit3A_3834 = arith.constant 0 : i32
    %broadcast_in_dim3A_3835 = vector.broadcast %jit3A_3833 : i32 to vector<16xi32>
    %broadcast_in_dim3A_3836 = vector.broadcast %jit3A_3834 : i32 to vector<16xi32>
    %select_n3A_3837 = arith.select %gt3A_3832, %broadcast_in_dim3A_3835, %broadcast_in_dim3A_3836 : vector<16xi1>, vector<16xi32>
    %add3A_3838 = arith.addi %add3A_3829, %select_n3A_3837 : vector<16xi32>
    %gt3A_3839 = arith.constant 0.699999988 : f32
    %gt3A_3840 = vector.broadcast %gt3A_3839 : f32 to vector<16xf32>
    %gt3A_3841 = arith.cmpf ogt, %get3A_3773, %gt3A_3840 : vector<16xf32>
    %jit3A_3842 = arith.constant 1 : i32
    %jit3A_3843 = arith.constant 0 : i32
    %broadcast_in_dim3A_3844 = vector.broadcast %jit3A_3842 : i32 to vector<16xi32>
    %broadcast_in_dim3A_3845 = vector.broadcast %jit3A_3843 : i32 to vector<16xi32>
    %select_n3A_3846 = arith.select %gt3A_3841, %broadcast_in_dim3A_3844, %broadcast_in_dim3A_3845 : vector<16xi1>, vector<16xi32>
    %add3A_3847 = arith.addi %add3A_3838, %select_n3A_3846 : vector<16xi32>
    %gt3A_3848 = arith.constant 8.000000e-01 : f32
    %gt3A_3849 = vector.broadcast %gt3A_3848 : f32 to vector<16xf32>
    %gt3A_3850 = arith.cmpf ogt, %get3A_3773, %gt3A_3849 : vector<16xf32>
    %jit3A_3851 = arith.constant 1 : i32
    %jit3A_3852 = arith.constant 0 : i32
    %broadcast_in_dim3A_3853 = vector.broadcast %jit3A_3851 : i32 to vector<16xi32>
    %broadcast_in_dim3A_3854 = vector.broadcast %jit3A_3852 : i32 to vector<16xi32>
    %select_n3A_3855 = arith.select %gt3A_3850, %broadcast_in_dim3A_3853, %broadcast_in_dim3A_3854 : vector<16xi1>, vector<16xi32>
    %add3A_3856 = arith.addi %add3A_3847, %select_n3A_3855 : vector<16xi32>
    %gt3A_3857 = arith.constant 0.900000035 : f32
    %gt3A_3858 = vector.broadcast %gt3A_3857 : f32 to vector<16xf32>
    %gt3A_3859 = arith.cmpf ogt, %get3A_3773, %gt3A_3858 : vector<16xf32>
    %jit3A_3860 = arith.constant 1 : i32
    %jit3A_3861 = arith.constant 0 : i32
    %broadcast_in_dim3A_3862 = vector.broadcast %jit3A_3860 : i32 to vector<16xi32>
    %broadcast_in_dim3A_3863 = vector.broadcast %jit3A_3861 : i32 to vector<16xi32>
    %select_n3A_3864 = arith.select %gt3A_3859, %broadcast_in_dim3A_3862, %broadcast_in_dim3A_3863 : vector<16xi1>, vector<16xi32>
    %add3A_3865 = arith.addi %add3A_3856, %select_n3A_3864 : vector<16xi32>
    %gt3A_3866 = arith.constant 1.000000e+00 : f32
    %gt3A_3867 = vector.broadcast %gt3A_3866 : f32 to vector<16xf32>
    %gt3A_3868 = arith.cmpf ogt, %get3A_3773, %gt3A_3867 : vector<16xf32>
    %jit3A_3869 = arith.constant 1 : i32
    %jit3A_3870 = arith.constant 0 : i32
    %broadcast_in_dim3A_3871 = vector.broadcast %jit3A_3869 : i32 to vector<16xi32>
    %broadcast_in_dim3A_3872 = vector.broadcast %jit3A_3870 : i32 to vector<16xi32>
    %select_n3A_3873 = arith.select %gt3A_3868, %broadcast_in_dim3A_3871, %broadcast_in_dim3A_3872 : vector<16xi1>, vector<16xi32>
    %add3A_3874 = arith.addi %add3A_3865, %select_n3A_3873 : vector<16xi32>
    %sub3A_3875 = arith.constant 1 : i32
    %sub3A_3876 = vector.broadcast %sub3A_3875 : i32 to vector<16xi32>
    %sub3A_3877 = arith.subi %add3A_3874, %sub3A_3876 : vector<16xi32>
    %jit3A_3878 = arith.constant 0 : i32
    %jit3A_3879 = arith.constant 9 : i32
    %max3A_3880 = vector.broadcast %jit3A_3878 : i32 to vector<16xi32>
    %max3A_3881 = arith.maxsi %max3A_3880, %sub3A_3877 : vector<16xi32>
    %min3A_3882 = vector.broadcast %jit3A_3879 : i32 to vector<16xi32>
    %min3A_3883 = arith.minsi %min3A_3882, %max3A_3881 : vector<16xi32>
    %gather3A_3884 = tpu.vector_load_idx %arg6[%min3A_3883] : memref<16xf32, #tpu.memory_space<vmem>>[vector<16xi32>], vector<16xf32>,
    %mul3A_3885 = arith.mulf %gather3A_3884, %gather3A_3884 : vector<16xf32>
    %jit3A_3886 = arith.constant 0.00999999977 : f32
    %jit3A_3887 = arith.constant 1.000000e+02 : f32
    %max3A_3888 = vector.broadcast %jit3A_3886 : f32 to vector<16xf32>
    %max3A_3889 = arith.maximumf %max3A_3888, %mul3A_3885 : vector<16xf32>
    %min3A_3890 = vector.broadcast %jit3A_3887 : f32 to vector<16xf32>
    %min3A_3891 = arith.minimumf %min3A_3890, %max3A_3889 : vector<16xf32>
    %div3A_3892 = arith.constant 1.000000e+00 : f32
    %div3A_3893 = vector.broadcast %div3A_3892 : f32 to vector<16xf32>
    %div3A_3894 = arith.divf %div3A_3893, %min3A_3891 : vector<16xf32>
    %mul3A_3895 = arith.mulf %get3A_3773, %div3A_3894 : vector<16xf32>
    %swap3A_3896 = arith.constant 480 : index
    %swap3A_3897 = tpu.vector_load %arg7[%swap3A_3896] {strides = array<i32>} : memref<512xf32, #tpu.memory_space<vmem>>, vector<16xf32>,
    tpu.vector_store %arg7[%swap3A_3896], %mul3A_3895 {strides = array<i32>} : memref<512xf32, #tpu.memory_space<vmem>>, vector<16xf32>,
    %get3A_3898 = arith.constant 496 : index
    %get3A_3899 = tpu.vector_load %arg5[%get3A_3898] {strides = array<i32>} : memref<512xf32, #tpu.memory_space<vmem>>, vector<16xf32>,
    %broadcast_in_dim3A_3900 = arith.constant 0 : i32
    %broadcast_in_dim3A_3901 = vector.broadcast %broadcast_in_dim3A_3900 : i32 to vector<16xi32>
    %gt3A_3902 = arith.constant 0.000000e+00 : f32
    %gt3A_3903 = vector.broadcast %gt3A_3902 : f32 to vector<16xf32>
    %gt3A_3904 = arith.cmpf ogt, %get3A_3899, %gt3A_3903 : vector<16xf32>
    %jit3A_3905 = arith.constant 1 : i32
    %jit3A_3906 = arith.constant 0 : i32
    %broadcast_in_dim3A_3907 = vector.broadcast %jit3A_3905 : i32 to vector<16xi32>
    %broadcast_in_dim3A_3908 = vector.broadcast %jit3A_3906 : i32 to vector<16xi32>
    %select_n3A_3909 = arith.select %gt3A_3904, %broadcast_in_dim3A_3907, %broadcast_in_dim3A_3908 : vector<16xi1>, vector<16xi32>
    %add3A_3910 = arith.addi %broadcast_in_dim3A_3901, %select_n3A_3909 : vector<16xi32>
    %gt3A_3911 = arith.constant 1.000000e-01 : f32
    %gt3A_3912 = vector.broadcast %gt3A_3911 : f32 to vector<16xf32>
    %gt3A_3913 = arith.cmpf ogt, %get3A_3899, %gt3A_3912 : vector<16xf32>
    %jit3A_3914 = arith.constant 1 : i32
    %jit3A_3915 = arith.constant 0 : i32
    %broadcast_in_dim3A_3916 = vector.broadcast %jit3A_3914 : i32 to vector<16xi32>
    %broadcast_in_dim3A_3917 = vector.broadcast %jit3A_3915 : i32 to vector<16xi32>
    %select_n3A_3918 = arith.select %gt3A_3913, %broadcast_in_dim3A_3916, %broadcast_in_dim3A_3917 : vector<16xi1>, vector<16xi32>
    %add3A_3919 = arith.addi %add3A_3910, %select_n3A_3918 : vector<16xi32>
    %gt3A_3920 = arith.constant 2.000000e-01 : f32
    %gt3A_3921 = vector.broadcast %gt3A_3920 : f32 to vector<16xf32>
    %gt3A_3922 = arith.cmpf ogt, %get3A_3899, %gt3A_3921 : vector<16xf32>
    %jit3A_3923 = arith.constant 1 : i32
    %jit3A_3924 = arith.constant 0 : i32
    %broadcast_in_dim3A_3925 = vector.broadcast %jit3A_3923 : i32 to vector<16xi32>
    %broadcast_in_dim3A_3926 = vector.broadcast %jit3A_3924 : i32 to vector<16xi32>
    %select_n3A_3927 = arith.select %gt3A_3922, %broadcast_in_dim3A_3925, %broadcast_in_dim3A_3926 : vector<16xi1>, vector<16xi32>
    %add3A_3928 = arith.addi %add3A_3919, %select_n3A_3927 : vector<16xi32>
    %gt3A_3929 = arith.constant 3.000000e-01 : f32
    %gt3A_3930 = vector.broadcast %gt3A_3929 : f32 to vector<16xf32>
    %gt3A_3931 = arith.cmpf ogt, %get3A_3899, %gt3A_3930 : vector<16xf32>
    %jit3A_3932 = arith.constant 1 : i32
    %jit3A_3933 = arith.constant 0 : i32
    %broadcast_in_dim3A_3934 = vector.broadcast %jit3A_3932 : i32 to vector<16xi32>
    %broadcast_in_dim3A_3935 = vector.broadcast %jit3A_3933 : i32 to vector<16xi32>
    %select_n3A_3936 = arith.select %gt3A_3931, %broadcast_in_dim3A_3934, %broadcast_in_dim3A_3935 : vector<16xi1>, vector<16xi32>
    %add3A_3937 = arith.addi %add3A_3928, %select_n3A_3936 : vector<16xi32>
    %gt3A_3938 = arith.constant 4.000000e-01 : f32
    %gt3A_3939 = vector.broadcast %gt3A_3938 : f32 to vector<16xf32>
    %gt3A_3940 = arith.cmpf ogt, %get3A_3899, %gt3A_3939 : vector<16xf32>
    %jit3A_3941 = arith.constant 1 : i32
    %jit3A_3942 = arith.constant 0 : i32
    %broadcast_in_dim3A_3943 = vector.broadcast %jit3A_3941 : i32 to vector<16xi32>
    %broadcast_in_dim3A_3944 = vector.broadcast %jit3A_3942 : i32 to vector<16xi32>
    %select_n3A_3945 = arith.select %gt3A_3940, %broadcast_in_dim3A_3943, %broadcast_in_dim3A_3944 : vector<16xi1>, vector<16xi32>
    %add3A_3946 = arith.addi %add3A_3937, %select_n3A_3945 : vector<16xi32>
    %gt3A_3947 = arith.constant 5.000000e-01 : f32
    %gt3A_3948 = vector.broadcast %gt3A_3947 : f32 to vector<16xf32>
    %gt3A_3949 = arith.cmpf ogt, %get3A_3899, %gt3A_3948 : vector<16xf32>
    %jit3A_3950 = arith.constant 1 : i32
    %jit3A_3951 = arith.constant 0 : i32
    %broadcast_in_dim3A_3952 = vector.broadcast %jit3A_3950 : i32 to vector<16xi32>
    %broadcast_in_dim3A_3953 = vector.broadcast %jit3A_3951 : i32 to vector<16xi32>
    %select_n3A_3954 = arith.select %gt3A_3949, %broadcast_in_dim3A_3952, %broadcast_in_dim3A_3953 : vector<16xi1>, vector<16xi32>
    %add3A_3955 = arith.addi %add3A_3946, %select_n3A_3954 : vector<16xi32>
    %gt3A_3956 = arith.constant 6.000000e-01 : f32
    %gt3A_3957 = vector.broadcast %gt3A_3956 : f32 to vector<16xf32>
    %gt3A_3958 = arith.cmpf ogt, %get3A_3899, %gt3A_3957 : vector<16xf32>
    %jit3A_3959 = arith.constant 1 : i32
    %jit3A_3960 = arith.constant 0 : i32
    %broadcast_in_dim3A_3961 = vector.broadcast %jit3A_3959 : i32 to vector<16xi32>
    %broadcast_in_dim3A_3962 = vector.broadcast %jit3A_3960 : i32 to vector<16xi32>
    %select_n3A_3963 = arith.select %gt3A_3958, %broadcast_in_dim3A_3961, %broadcast_in_dim3A_3962 : vector<16xi1>, vector<16xi32>
    %add3A_3964 = arith.addi %add3A_3955, %select_n3A_3963 : vector<16xi32>
    %gt3A_3965 = arith.constant 0.699999988 : f32
    %gt3A_3966 = vector.broadcast %gt3A_3965 : f32 to vector<16xf32>
    %gt3A_3967 = arith.cmpf ogt, %get3A_3899, %gt3A_3966 : vector<16xf32>
    %jit3A_3968 = arith.constant 1 : i32
    %jit3A_3969 = arith.constant 0 : i32
    %broadcast_in_dim3A_3970 = vector.broadcast %jit3A_3968 : i32 to vector<16xi32>
    %broadcast_in_dim3A_3971 = vector.broadcast %jit3A_3969 : i32 to vector<16xi32>
    %select_n3A_3972 = arith.select %gt3A_3967, %broadcast_in_dim3A_3970, %broadcast_in_dim3A_3971 : vector<16xi1>, vector<16xi32>
    %add3A_3973 = arith.addi %add3A_3964, %select_n3A_3972 : vector<16xi32>
    %gt3A_3974 = arith.constant 8.000000e-01 : f32
    %gt3A_3975 = vector.broadcast %gt3A_3974 : f32 to vector<16xf32>
    %gt3A_3976 = arith.cmpf ogt, %get3A_3899, %gt3A_3975 : vector<16xf32>
    %jit3A_3977 = arith.constant 1 : i32
    %jit3A_3978 = arith.constant 0 : i32
    %broadcast_in_dim3A_3979 = vector.broadcast %jit3A_3977 : i32 to vector<16xi32>
    %broadcast_in_dim3A_3980 = vector.broadcast %jit3A_3978 : i32 to vector<16xi32>
    %select_n3A_3981 = arith.select %gt3A_3976, %broadcast_in_dim3A_3979, %broadcast_in_dim3A_3980 : vector<16xi1>, vector<16xi32>
    %add3A_3982 = arith.addi %add3A_3973, %select_n3A_3981 : vector<16xi32>
    %gt3A_3983 = arith.constant 0.900000035 : f32
    %gt3A_3984 = vector.broadcast %gt3A_3983 : f32 to vector<16xf32>
    %gt3A_3985 = arith.cmpf ogt, %get3A_3899, %gt3A_3984 : vector<16xf32>
    %jit3A_3986 = arith.constant 1 : i32
    %jit3A_3987 = arith.constant 0 : i32
    %broadcast_in_dim3A_3988 = vector.broadcast %jit3A_3986 : i32 to vector<16xi32>
    %broadcast_in_dim3A_3989 = vector.broadcast %jit3A_3987 : i32 to vector<16xi32>
    %select_n3A_3990 = arith.select %gt3A_3985, %broadcast_in_dim3A_3988, %broadcast_in_dim3A_3989 : vector<16xi1>, vector<16xi32>
    %add3A_3991 = arith.addi %add3A_3982, %select_n3A_3990 : vector<16xi32>
    %gt3A_3992 = arith.constant 1.000000e+00 : f32
    %gt3A_3993 = vector.broadcast %gt3A_3992 : f32 to vector<16xf32>
    %gt3A_3994 = arith.cmpf ogt, %get3A_3899, %gt3A_3993 : vector<16xf32>
    %jit3A_3995 = arith.constant 1 : i32
    %jit3A_3996 = arith.constant 0 : i32
    %broadcast_in_dim3A_3997 = vector.broadcast %jit3A_3995 : i32 to vector<16xi32>
    %broadcast_in_dim3A_3998 = vector.broadcast %jit3A_3996 : i32 to vector<16xi32>
    %select_n3A_3999 = arith.select %gt3A_3994, %broadcast_in_dim3A_3997, %broadcast_in_dim3A_3998 : vector<16xi1>, vector<16xi32>
    %add3A_4000 = arith.addi %add3A_3991, %select_n3A_3999 : vector<16xi32>
    %sub3A_4001 = arith.constant 1 : i32
    %sub3A_4002 = vector.broadcast %sub3A_4001 : i32 to vector<16xi32>
    %sub3A_4003 = arith.subi %add3A_4000, %sub3A_4002 : vector<16xi32>
    %jit3A_4004 = arith.constant 0 : i32
    %jit3A_4005 = arith.constant 9 : i32
    %max3A_4006 = vector.broadcast %jit3A_4004 : i32 to vector<16xi32>
    %max3A_4007 = arith.maxsi %max3A_4006, %sub3A_4003 : vector<16xi32>
    %min3A_4008 = vector.broadcast %jit3A_4005 : i32 to vector<16xi32>
    %min3A_4009 = arith.minsi %min3A_4008, %max3A_4007 : vector<16xi32>
    %gather3A_4010 = tpu.vector_load_idx %arg6[%min3A_4009] : memref<16xf32, #tpu.memory_space<vmem>>[vector<16xi32>], vector<16xf32>,
    %mul3A_4011 = arith.mulf %gather3A_4010, %gather3A_4010 : vector<16xf32>
    %jit3A_4012 = arith.constant 0.00999999977 : f32
    %jit3A_4013 = arith.constant 1.000000e+02 : f32
    %max3A_4014 = vector.broadcast %jit3A_4012 : f32 to vector<16xf32>
    %max3A_4015 = arith.maximumf %max3A_4014, %mul3A_4011 : vector<16xf32>
    %min3A_4016 = vector.broadcast %jit3A_4013 : f32 to vector<16xf32>
    %min3A_4017 = arith.minimumf %min3A_4016, %max3A_4015 : vector<16xf32>
    %div3A_4018 = arith.constant 1.000000e+00 : f32
    %div3A_4019 = vector.broadcast %div3A_4018 : f32 to vector<16xf32>
    %div3A_4020 = arith.divf %div3A_4019, %min3A_4017 : vector<16xf32>
    %mul3A_4021 = arith.mulf %get3A_3899, %div3A_4020 : vector<16xf32>
    %swap3A_4022 = arith.constant 496 : index
    %swap3A_4023 = tpu.vector_load %arg7[%swap3A_4022] {strides = array<i32>} : memref<512xf32, #tpu.memory_space<vmem>>, vector<16xf32>,
    tpu.vector_store %arg7[%swap3A_4022], %mul3A_4021 {strides = array<i32>} : memref<512xf32, #tpu.memory_space<vmem>>, vector<16xf32>,
    "tpu.region"() ({
      %run_scoped3A = tpu.sem_alloc : memref<!tpu.dma_semaphore, #tpu.memory_space<semaphore_mem>>
      %dma_start3A = tpu.memref_slice %arg4[%mul3A_2] : memref<16384xf32, #tpu.memory_space<hbm>> -> memref<512xf32, #tpu.memory_space<hbm>>
      %dma_start3A_4024 = tpu.memref_slice %arg4[%mul3A_2] : memref<16384xf32, #tpu.memory_space<hbm>> -> memref<512xf32, #tpu.memory_space<hbm>>
      tpu.enqueue_dma source(%arg7 : memref<512xf32, #tpu.memory_space<vmem>>) target(%dma_start3A_4024 : memref<512xf32, #tpu.memory_space<hbm>>) target_semaphore(%run_scoped3A : memref<!tpu.dma_semaphore, #tpu.memory_space<semaphore_mem>>)
      %dma_wait3A = tpu.memref_slice %arg4[%mul3A_2] : memref<16384xf32, #tpu.memory_space<hbm>> -> memref<512xf32, #tpu.memory_space<hbm>>
      %dma_wait3A_4025 = tpu.memref_slice %arg4[%mul3A_2] : memref<16384xf32, #tpu.memory_space<hbm>> -> memref<512xf32, #tpu.memory_space<hbm>>
      tpu.wait_dma2 semaphore(%run_scoped3A : memref<!tpu.dma_semaphore, #tpu.memory_space<semaphore_mem>>) src(%arg7 : memref<512xf32, #tpu.memory_space<vmem>>) dst(%dma_wait3A_4025 : memref<512xf32, #tpu.memory_space<hbm>>)
      tpu.yield
    }) : () -> ()
    return
  }
}

module attributes {stable_mosaic.version = 14 : i64} {
  func.func @_tc_colmax_kernel(%arg0: i32, %arg1: memref<1000x2048xf32, #tpu.memory_space<vmem>>, %arg2: memref<16x128xf32, #tpu.memory_space<vmem>>) attributes {dimension_semantics = [#tpu.dimension_semantics<arbitrary>], iteration_bounds = array<i64: 8>, scalar_prefetch = 0 : i64, scratch_operands = 0 : i64, tpu.core_type = #tpu.core_type<tc>, window_params = [{transform_indices = @transform_0, window_bounds = array<i64: 1000, 2048>}, {transform_indices = @transform_1, window_bounds = array<i64: 16, 128>}]} {
    %get3A = arith.constant 0 : index
    %get3A_0 = arith.constant 0 : index
    %get3A_1 = vector.load %arg1[%get3A, %get3A_0] : memref<1000x2048xf32, #tpu.memory_space<vmem>>, vector<1000x2048xf32>
    %reduce_max3A = arith.constant dense<0xFF800000> : vector<2048xf32>
    %reduce_max3A_2 = vector.multi_reduction <maximumf>, %get3A_1, %reduce_max3A [0] : vector<1000x2048xf32> to vector<2048xf32>
    %reshape3A = vector.shape_cast %reduce_max3A_2 : vector<2048xf32> to vector<16x128xf32>
    %swap3A = arith.constant 0 : index
    %swap3A_3 = arith.constant 0 : index
    %swap3A_4 = vector.load %arg2[%swap3A, %swap3A_3] : memref<16x128xf32, #tpu.memory_space<vmem>>, vector<16x128xf32>
    tpu.vector_store %arg2[%swap3A, %swap3A_3], %reshape3A {strides = array<i32>} : memref<16x128xf32, #tpu.memory_space<vmem>>, vector<16x128xf32>,
    return
  }
  func.func @transform_0(%arg0: i32) -> (i32, i32) {
    %c0_i32 = arith.constant 0 : i32
    %c0_i32_0 = arith.constant 0 : i32
    return %c0_i32, %arg0 : i32, i32
  }
  func.func @transform_1(%arg0: i32) -> (i32, i32) {
    %c0_i32 = arith.constant 0 : i32
    %c0_i32_0 = arith.constant 0 : i32
    return %arg0, %c0_i32 : i32, i32
  }
}

</mosaic_0001>

<sc_bundles>
// kernel: _run.4.cloned.1.call-start
scs
__scs_entry_jumppad:
0x0: {  	(pc) =	sbr.rel $0x88, $3  }
0x1: {  	(tag) =	ssettag $0x0;
	lr =	simm.s32 $0x1  }
0x2: {  	[smem:$0x3F9F] =	sst lr;
	_ =	strace $0xD0000000  }
0x3: {  	_ = 	snop  }
0x4: {  	_ = 	snop  }
0x5: {  	_ = 	snop  }
0x6: {  	_ = 	snop  }
0x7: {  	_ = 	snop  }
__scs_overlays_trampoline_lowered:
0x8: {  	[smem:$0x3FAE] =	sst s0  }
0x9: {  	[smem:$0x3FAF] =	sst s1  }
0xa: {  	[smem:$0x3FB0] =	sst s2  }
0xb: {  	[smem:$0x3FB1] =	sst s3  }
0xc: {  	[smem:$0x3FB2] =	sst s4  }
0xd: {  	[smem:$0x3FB3] =	sst s5  }
0xe: {  	[smem:$0x3FB4] =	sst s6  }
0xf: {  	[smem:$0x3FB5] =	sst s7  }
0x10: {  	[smem:$0x3FB6] =	sst s8  }
0x11: {  	[smem:$0x3FB7] =	sst s9;
	s0 =	simm.s32 @!p0 $0x0  }
0x12: {  	s1 =	sld [smem:$0x3F9D];
	s0 =	simm.s32 @p0 $0x1  }
0x13: {  	[smem:$0x3FB8] =	sst s0;
	s0 =	simm.s32 @!p1 $0x0  }
0x14: {  	s2 =	sld [smem:$0x3F9C];
	s0 =	simm.s32 @p1 $0x1  }
0x15: {  	[smem:$0x3FB9] =	sst s0;
	s0 =	simm.s32 @!p2 $0x0  }
0x16: {  	s3 =	sld [smem:$0x3FDB];
	s0 =	simm.s32 @p2 $0x1  }
0x17: {  	s4 =	simm.s32 $0x1BF5;
	[smem:$0x3FBB] =	sst s0  }
0x18: {  	s0 =	sld [smem:$0x3F9E];
	_ =	swait.ge [sflag:s4], $0x0  }
0x19: {  	s7 =	sld [smem:$0x3F9F]  }
0x1a: {  	s8 =	sadd.s32 $0xFFFFE003, lr  }
0x1b: {  	s9 =	sadd.s32 $0xFFFFFEF7, lr;
	s5 =	simm.s32 $0xFFFFFFFF;
	p2 =	slt.u32 s8, $0xFFFFF086  }
0x1c: {  	p1 =	slt.u32 s9, $0xF7A;
	s5 =	simm.s32 @!p2 $0x0  }
0x1d: {  	s5 =	simm.s32 @p1 $0x1;
	p0 =	seq.s32 s7, s2  }
0x1e: {  	s7 =	smul.u32 @!p0 $0xF7A, s2;
	p2 =	seq.s32 @!p0 s5, $0x0  }
0x1f: {  	s9 =	smul.u32 $0xF7A, s1;
	s8 =	simm.s32 @!p0 $0x1BF5;
	p2 =	por !p2, p0  }
0x20: {  	[sflag:s8] =	ssyncset.s32 @!p0 $0xFFFFF086;
	s6 =	sadd.s32 @!p0 s3, s7;
	s7 =	simm.s32 @!p0 $0x108  }
0x21: {  	s3 =	sadd.s32 s3, s9;
	s6 =	sadd.s32 @!p0 $0x88, s6;
	s7 =	simm.s32 @p2 $0x1082  }
0x22: {  	[simem:s7], [sflag:s8] =	dma.local @!p0 [hbm:s6], $0xF7A  }
0x23: {  	s9 =	sor.u32 $0xD0000000, s2;
	s6 =	simm.s32 $0x108;
	_ =	swait.ge @!p0 [sflag:s8], $0x0  }
0x24: {  	s3 =	sadd.s32 $0x88, s3;
	s6 =	simm.s32 @!p1 $0x1082;
	[sflag:s4] =	ssyncset.s32 $0xFFFFF086  }
0x25: {  	[simem:s6], [sflag:s4] =	dma.local [hbm:s3], $0xF7A  }
0x26: {  	[smem:$0x3F9F] =	sst s1;
	(tag) =	ssettag s2;
	_ =	strace s9  }
0x27: {  	s1 =	sld [smem:$0x3FAF]  }
0x28: {  	s2 =	sld [smem:$0x3FB0]  }
0x29: {  	s4 =	sld [smem:$0x3FB2]  }
0x2a: {  	p0 =	seq.s32 s5, $0x0;
	s5 =	sld [smem:$0x3FB3]  }
0x2b: {  	s6 =	sld [smem:$0x3FB4]  }
0x2c: {  	s7 =	sld [smem:$0x3FB5]  }
0x2d: {  	s3 =	simm.s32 $0x108;
	s8 =	sld [smem:$0x3FB6]  }
0x2e: {  	s3 =	simm.s32 @!p0 $0x1082;
	s9 =	sld [smem:$0x3FB7]  }
0x2f: {  	lr =	sadd.s32 s0, s3;
	s0 =	sld [smem:$0x3FAE]  }
0x30: {  	s3 =	sld [smem:$0x3FB1]  }
0x31: {  	[smem:$0x3FBA] =	sst s10  }
0x32: {  	s10 =	sld [smem:$0x3FB8];
	_ =	sdelay $0x3  }
0x33: {  	p0 =	seq.s32 s10, $0x1;
	s10 =	sld [smem:$0x3FBA];
	_ =	sdelay $0x3  }
0x34: {  	[smem:$0x3FBA] =	sst s10  }
0x35: {  	s10 =	sld [smem:$0x3FB9];
	_ =	sdelay $0x3  }
0x36: {  	p1 =	seq.s32 s10, $0x1;
	s10 =	sld [smem:$0x3FBA];
	_ =	sdelay $0x3  }
0x37: {  	[smem:$0x3FBA] =	sst s10  }
0x38: {  	s10 =	sld [smem:$0x3FBB]  }
0x39: {  	_ = 	snop;
	(pc) =	sbr.ind lr, $3  }
0x3a: {  	_ = 	snop  }
0x3b: {  	_ = 	snop  }
0x3c: {  	p2 =	seq.s32 s10, $0x1;
	s10 =	sld [smem:$0x3FBA]  }
0x3d: {  	_ =	shalt  }
0x3e: {  	_ =	shalt  }
0x3f: {  	_ =	shalt  }
0x40: {  	_ =	shalt  }
0x41: {  	_ =	shalt  }
0x42: {  	_ =	shalt  }
0x43: {  	_ =	shalt  }
0x44: {  	_ =	shalt  }
0x45: {  	_ =	shalt  }
0x46: {  	_ =	shalt  }
0x47: {  	_ =	shalt  }
0x48: {  	_ =	shalt  }
0x49: {  	_ =	shalt  }
0x4a: {  	_ =	shalt  }
0x4b: {  	_ =	shalt  }
0x4c: {  	_ =	shalt  }
0x4d: {  	_ =	shalt  }
0x4e: {  	_ =	shalt  }
0x4f: {  	_ =	shalt  }
0x50: {  	_ =	shalt  }
0x51: {  	_ =	shalt  }
0x52: {  	_ =	shalt  }
0x53: {  	_ =	shalt  }
0x54: {  	_ =	shalt  }
0x55: {  	_ =	shalt  }
0x56: {  	_ =	shalt  }
0x57: {  	_ =	shalt  }
0x58: {  	_ =	shalt  }
0x59: {  	_ =	shalt  }
0x5a: {  	_ =	shalt  }
0x5b: {  	_ =	shalt  }
0x5c: {  	_ =	shalt  }
0x5d: {  	_ =	shalt  }
0x5e: {  	_ =	shalt  }
0x5f: {  	_ =	shalt  }
0x60: {  	_ =	shalt  }
0x61: {  	_ =	shalt  }
0x62: {  	_ =	shalt  }
0x63: {  	_ =	shalt  }
0x64: {  	_ =	shalt  }
0x65: {  	_ =	shalt  }
0x66: {  	_ =	shalt  }
0x67: {  	_ =	shalt  }
0x68: {  	_ =	shalt  }
0x69: {  	_ =	shalt  }
0x6a: {  	_ =	shalt  }
0x6b: {  	_ =	shalt  }
0x6c: {  	_ =	shalt  }
0x6d: {  	_ =	shalt  }
0x6e: {  	_ =	shalt  }
0x6f: {  	_ =	shalt  }
0x70: {  	_ =	shalt  }
0x71: {  	_ =	shalt  }
0x72: {  	_ =	shalt  }
0x73: {  	_ =	shalt  }
0x74: {  	_ =	shalt  }
0x75: {  	_ =	shalt  }
0x76: {  	_ =	shalt  }
0x77: {  	_ =	shalt  }
0x78: {  	_ =	shalt  }
0x79: {  	_ =	shalt  }
0x7a: {  	_ =	shalt  }
0x7b: {  	_ =	shalt  }
0x7c: {  	_ =	shalt  }
0x7d: {  	_ =	shalt  }
0x7e: {  	_ =	shalt  }
0x7f: {  	_ =	shalt  }
0x80: {  	_ =	shalt  }
0x81: {  	_ =	shalt  }
0x82: {  	_ =	shalt  }
0x83: {  	_ =	shalt  }
0x84: {  	_ =	shalt  }
0x85: {  	_ =	shalt  }
0x86: {  	_ =	shalt  }
0x87: {  	_ =	shalt  }
.Lfunc_end0:
.L_simem_size_0:
called_computation_lowered:
.L_overlay_start_0:
0x88: {  	s2 =	sld [smem:$0x3FD9]  }
0x89: {  	s3 =	sld [smem:$0x3FFE];
	_ =	sdelay $0x1  }
0x8a: {  	s1 =	srdreg.scid  }
0x8b: {  	s0 =	sand.u32 $0x1, s1  }
0x8c: {  	s15 =	sshll.u32 s0, $0xA;
	s2 =	sadd.s32 s3, s2  }
0x8d: {  	s2 =	sadd.s32 s2, s15  }
0x8e: {  	[smem:$0x3FC6] =	sst s2  }
0x8f: {  	_ = 	snop  }
0x90: {  	s2 =	sld [smem:$0x3FD0];
	_ =	sdelay $0x2  }
0x91: {  	s4 =	simm.s32 $0xA;
	s5 =	simm.s32 $0x10;
	s16 =	sld [smem:$0x3FC8]  }
0x92: {  	[smem:s5], [sflag:s4] =	dma.local [hbm:s2], $0x1  }
0x93: {  	_ =	swait.eq [sflag:s4], $0x1  }
0x94: {  	[sflag:s4] =	ssyncset.done $0x0  }
0x95: {  	s17 =	sld [smem:$0x10];
	[sflag:s4] =	ssyncadd.s32 $0xFFFFFFFF  }
0x96: {  	s18 =	sld [smem:$0x11];
	(tm) =	ssettm $0x1  }
0x97: {  	s19 =	sld [smem:$0x3FFB];
	_ =	sdelay $0x3  }
0x98: {  	_ =	strace s19  }
0x99: {  	s5 =	sld [smem:$0x3FFC];
	_ =	sdelay $0x3  }
0x9a: {  	_ =	strace s5  }
0x9b: {  	s5 =	sld [smem:$0x3FFD];
	_ =	sdelay $0x3  }
0x9c: {  	_ =	strace s5  }
0x9d: {  	_ =	strace $0x8FFFFFFF  }
0x9e: {  	s20 =	sld [smem:$0x3FDB];
	_ =	sdelay $0x1  }
0x9f: {  	s6 =	simm.s32 $_scs_section_size  }
0xa0: {  	s7 =	simm.s32 $_size__tile_overlayer_lowered;
	s8 =	simm.s32 $_tile_overlayer_lowered  }
0xa1: {  	s23 =	simm.s32 $0x1BFF;
	s22 =	sshll.u32 s8, $0x1;
	s5 =	sadd.s32 s6, s20  }
0xa2: {  	s9 =	simm.s32 $0x0;
	s21 =	sshll.u32 s7, $0x1;
	s7 =	sadd.s32 s22, s5  }
0xa3: {  	[timem:s9], [sflag:s23] =	dma.local [hbm:s7], s21  }
0xa4: {  	_ =	swait.ge [sflag:s23], s21  }
0xa5: {  	s6 =	ssub.s32 $0x0, s21;
	[sflag:s23] =	ssyncset.done $0x0  }
0xa6: {  	[sflag:s23] =	ssyncadd.s32 s6;
	_ =	sdelay $0x1  }
0xa7: {  	s24 =	simm.s32 $0x1B8B  }
0xa8: {  	_ =	swait.ge [sflag:s24], $0x1  }
0xa9: {  	[sflag:s24] =	ssyncset.done $0x0  }
0xaa: {  	s25 =	simm.s32 $0x1B8E;
	[sflag:s24] =	ssyncadd.s32 $0xFFFFFFFF  }
0xab: {  	s26 =	simm.s32 $execute0_lowered;
	[smem:$0x3FD2] =	sst s25  }
0xac: {  	s6 =	sshll.u32 s26, $0x1;
	_ =	strace $0x80000046;
	[dreg:$0x1] =	wrdreg $0xFFFFFFFF  }
0xad: {  	s28 =	simm.s32 $_size_execute0_lowered;
	s5 =	sadd.s32 s5, s6;
	[dreg:$0x0] =	wrdreg $0x0  }
0xae: {  	s6 =	sshll.u32 s28, $0x1;
	[dreg:$0x2] =	wrdreg s5  }
0xaf: {  	[dreg:$0x3] =	wrdreg s6  }
0xb0: {  	[dreg:$0x4] =	wrdreg $0xC0  }
0xb1: {  	_ =	task [dreg:s9], $0x5FFFF  }
0xb2: {  	[dreg:$0x1] =	wrdreg $0xFFFFFFFF  }
0xb3: {  	[dreg:$0x0] =	wrdreg $0x60  }
0xb4: {  	[dreg:$0x2] =	wrdreg s18  }
0xb5: {  	[dreg:$0x3] =	wrdreg s16  }
0xb6: {  	[dreg:$0x4] =	wrdreg s17  }
0xb7: {  	[dreg:$0x5] =	wrdreg $0x9  }
0xb8: {  	_ =	task.clear_ibuf [dreg:s9], $0x6FFFF;
	_ =	strace $0x90000046  }
0xb9: {  	s29 =	simm.s32 $0x9;
	_ =	strace $0x80000048  }
0xba: {  	_ =	swait.ge [sflag:s29], $0x1  }
0xbb: {  	[sflag:s29] =	ssyncadd.s32 $0xFFFFFFFF  }
0xbc: {  	_ =	strace $0x90000048  }
0xbd: {  	_ =	sfence  }
0xbe: {  	s30 =	sld [smem:$0x0];
	_ =	sdelay $0x2  }
0xbf: {  	s31 =	sshll.u32 s1, $0xD;
	s1 =	sshrl.u32 s1, $0x2  }
0xc0: {  	s3 =	sand.u32 $0x4000, s31;
	s1 =	sadd.s32 s1, s30  }
0xc1: {  	s0 =	sor.u32 s3, s0;
	s1 =	sshll.u32 s1, $0x11  }
0xc2: {  	s0 =	sor.u32 s1, s0  }
0xc3: {  	s0 =	sadd.s32 $0x8F2B, s0  }
0xc4: {  	[sflag:s0] =	ssyncadd.remote.s32 $0x1  }
0xc5: {  	_ =	sfence.sel $0xFFFF  }
0xc6: {  	[dreg:$0x0] =	wrdreg $0xFFFFFFFF;
	(pc) =	sbr.abs _section_cstart, $3  }
0xc7: {  	[dreg:$0x1] =	wrdreg $0xFFFFFFFF  }
0xc8: {  	_ =	task.clear_ibuf [dreg:s9], $0x2FFFF;
	_ =	strace $0x9FFFFFFF  }
0xc9: {  	(tm) =	ssettm $0x7FFFFFFF  }
tec
execute0_lowered:
.L_overlay_start_1:
0x0: {  	(tag) =	ssettag $0x1  }
0x1: {  	s4 =	rddreg [dreg:$0x0]  }
0x2: {  	s1 =	rddreg [dreg:$0x1]  }
0x3: {  	s5 =	rddreg [dreg:$0x2];
	s2 =	srdreg.scid  }
0x4: {  	s0 =	rddreg [dreg:$0x3];
	s3 =	simm.s32 $0x0;
	s6 =	sand.u32 $0x1, s2  }
0x5: {  	[smem:$0x7FF] =	sst s3;
	s2 =	stileid.u32;
	s7 =	ssub.s32 $0x2, s6  }
0x6: {  	s6 =	sshll.u32 s6, $0xA;
	s9 =	sshll.u32 s2, $0x6;
	_ =	strace $0x80000047  }
0x7: {  	s8 =	sshrl.u32 s7, $0x1;
	s6 =	sor.u32 s9, s6;
	s9 =	simm.s32 $0x280  }
0x8: {  	s7 =	ssub.s32 s7, s8;
	s4 =	sadd.s32 s4, s6;
	s5 =	sadd.s32 s5, s6  }
0x9: {  	v0 =	vimm.s32 $0x0;
	s8 =	simm.s32 $0x1;
	s6 =	smax.u32 s7, $0x1;
	s7 =	simm.s32 $0x200  }
.LBB2_1:
0xa: {  	[tilespmem:s7], [sflag:$0x1] =	stream.linear.gather [hbm4b:s1+s3], $0x80, $0x38;
	[tilespmem:$0x480] =	vst v63  }
0xb: {  	_ =	swait.ge [sflag:s8], $0x80  }
0xc: {  	[sflag:s8] =	ssyncset.done $0x0  }
0xd: {  	[sflag:s8] =	ssyncadd.s32 $0xFFFFFF80  }
0xe: {  	[tilespmem:s3], [sflag:$0x1] =	stream.linear.gather [hbm4b:s4+s3], $0x200, $0x38;
	[tilespmem:$0x480] =	vst v63  }
0xf: {  	_ =	swait.ge [sflag:s8], $0x200  }
0x10: {  	[sflag:s8] =	ssyncset.done $0x0  }
0x11: {  	[sflag:s8] =	ssyncadd.s32 $0xFFFFFE00  }
0x12: {  	v1 =	vld [tilespmem:$0x0];
	_ =	sdelay $0x4  }
0x13: {  	vm0 =	vgt.f32 v1, $0.0e+00;
	vm1 =	vgt.f32 v1, $1.000000010e-01  }
0x14: {  	vm14 =	vgt.f32 v1, $2.000000030e-01;
	v2 =	vsel vm0, $0x1, v0;
	v3 =	vsel vm1, $0x1, v0  }
0x15: {  	vm15 =	vgt.f32 v1, $3.000000120e-01;
	v2 =	vadd.s32 v3, v2;
	v3 =	vsel vm14, $0x1, v0  }
0x16: {  	vm4 =	vgt.f32 v1, $4.000000060e-01;
	v2 =	vadd.s32 v3, v2;
	v3 =	vsel vm15, $0x1, v0  }
0x17: {  	vm5 =	vgt.f32 v1, $5.000000000e-01;
	v2 =	vadd.s32 v3, v2;
	v3 =	vsel vm4, $0x1, v0  }
0x18: {  	vm6 =	vgt.f32 v1, $6.000000240e-01;
	v2 =	vadd.s32 v3, v2;
	v3 =	vsel vm5, $0x1, v0  }
0x19: {  	vm7 =	vgt.f32 v1, $6.999999880e-01;
	v2 =	vadd.s32 v3, v2;
	v3 =	vsel vm6, $0x1, v0  }
0x1a: {  	vm8 =	vgt.f32 v1, $8.000000110e-01;
	v2 =	vadd.s32 v3, v2;
	v3 =	vsel vm7, $0x1, v0  }
0x1b: {  	vm9 =	vgt.f32 v1, $9.000000350e-01;
	v2 =	vadd.s32 v3, v2;
	v3 =	vsel vm8, $0x1, v0  }
0x1c: {  	vm10 =	vgt.f32 v1, $1.000000000e+00;
	v2 =	vadd.s32 v3, v2;
	v3 =	vsel vm9, $0x1, v0  }
0x1d: {  	v2 =	vadd.s32 v3, v2;
	v3 =	vsel vm10, $0x1, v0  }
0x1e: {  	v2 =	vadd.s32 v3, v2  }
0x1f: {  	v2 =	vmax.u32 v2, $0x1  }
0x20: {  	v2 =	vmin.u32 v2, $0xA  }
0x21: {  	v2 =	vadd.s32 $0xFFFFFFFF, v2;
	_ =	sdelay $0x4  }
0x22: {  	v2 =	vld.idx.msk [tilespmem:v2+s7+$0x0], $0xffff;
	_ =	sdelay $0x1  }
0x23: {  	v3 =	vld [tilespmem:$0x10];
	_ =	sdelay $0x2  }
0x24: {  	v2 =	vmul.f32 v2, v2;
	_ =	sdelay $0x1  }
0x25: {  	vm11 =	vgt.f32 v3, $0.0e+00;
	v2 =	vmax.f32 v2, $9.999999770e-03  }
0x26: {  	vm12 =	vgt.f32 v3, $1.000000010e-01;
	vm13 =	vgt.f32 v3, $2.000000030e-01;
	v2 =	vmin.f32 v2, $1.000000000e+02  }
0x27: {  	v4 =	vsel vm11, $0x1, v0;
	(erf) = vrcp.f32 v2;
	v2 =	vsel vm12, $0x1, v0  }
0x28: {  	vm14 =	vgt.f32 v3, $3.000000120e-01;
	v60 =	vsel vm13, $0x1, v0;
	v2 =	vadd.s32 v2, v4  }
0x29: {  	vm15 =	vgt.f32 v3, $4.000000060e-01;
	v61 =	vsel vm14, $0x1, v0;
	v2 =	vadd.s32 v60, v2  }
0x2a: {  	vm4 =	vgt.f32 v3, $5.000000000e-01;
	v62 =	vsel vm15, $0x1, v0;
	v2 =	vadd.s32 v61, v2  }
0x2b: {  	vm5 =	vgt.f32 v3, $6.000000240e-01;
	v63 =	vsel vm4, $0x1, v0;
	v2 =	vadd.s32 v62, v2  }
0x2c: {  	vm6 =	vgt.f32 v3, $6.999999880e-01;
	v8 =	vsel vm5, $0x1, v0;
	v2 =	vadd.s32 v63, v2  }
0x2d: {  	vm7 =	vgt.f32 v3, $8.000000110e-01;
	v9 =	vsel vm6, $0x1, v0;
	v2 =	vadd.s32 v8, v2  }
0x2e: {  	vm8 =	vgt.f32 v3, $9.000000350e-01;
	v10 =	vsel vm7, $0x1, v0;
	v2 =	vadd.s32 v9, v2  }
0x2f: {  	vm9 =	vgt.f32 v3, $1.000000000e+00;
	v11 =	vsel vm8, $0x1, v0;
	v2 =	vadd.s32 v10, v2  }
0x30: {  	v12 =	vsel vm9, $0x1, v0;
	v2 =	vadd.s32 v11, v2  }
0x31: {  	v2 =	vadd.s32 v12, v2  }
0x32: {  	v2 =	vmax.u32 v2, $0x1  }
0x33: {  	v2 =	vmin.u32 v2, $0xA  }
0x34: {  	v2 =	vadd.s32 $0xFFFFFFFF, v2  }
0x35: {  	v13 =	vpop (erf)  }
0x36: {  	v1 =	vmul.f32 v13, v1;
	_ =	sdelay $0x1  }
0x37: {  	[tilespmem:$0x280] =	vst v1  }
0x38: {  	v1 =	vld.idx.msk [tilespmem:v2+s7+$0x0], $0xffff;
	_ =	sdelay $0x1  }
0x39: {  	v2 =	vld [tilespmem:$0x20];
	_ =	sdelay $0x2  }
0x3a: {  	v1 =	vmul.f32 v1, v1;
	_ =	sdelay $0x1  }
0x3b: {  	vm10 =	vgt.f32 v2, $0.0e+00;
	v1 =	vmax.f32 v1, $9.999999770e-03  }
0x3c: {  	vm11 =	vgt.f32 v2, $1.000000010e-01;
	vm12 =	vgt.f32 v2, $2.000000030e-01;
	v1 =	vmin.f32 v1, $1.000000000e+02  }
0x3d: {  	v14 =	vsel vm10, $0x1, v0;
	(erf) = vrcp.f32 v1;
	v1 =	vsel vm11, $0x1, v0  }
0x3e: {  	vm13 =	vgt.f32 v2, $3.000000120e-01;
	v15 =	vsel vm12, $0x1, v0;
	v1 =	vadd.s32 v1, v14  }
0x3f: {  	vm14 =	vgt.f32 v2, $4.000000060e-01;
	v16 =	vsel vm13, $0x1, v0;
	v1 =	vadd.s32 v15, v1  }
0x40: {  	vm15 =	vgt.f32 v2, $5.000000000e-01;
	v17 =	vsel vm14, $0x1, v0;
	v1 =	vadd.s32 v16, v1  }
0x41: {  	vm4 =	vgt.f32 v2, $6.000000240e-01;
	v18 =	vsel vm15, $0x1, v0;
	v1 =	vadd.s32 v17, v1  }
0x42: {  	vm5 =	vgt.f32 v2, $6.999999880e-01;
	v19 =	vsel vm4, $0x1, v0;
	v1 =	vadd.s32 v18, v1  }
0x43: {  	vm6 =	vgt.f32 v2, $8.000000110e-01;
	v20 =	vsel vm5, $0x1, v0;
	v1 =	vadd.s32 v19, v1  }
0x44: {  	vm7 =	vgt.f32 v2, $9.000000350e-01;
	v21 =	vsel vm6, $0x1, v0;
	v1 =	vadd.s32 v20, v1  }
0x45: {  	vm8 =	vgt.f32 v2, $1.000000000e+00;
	v22 =	vsel vm7, $0x1, v0;
	v1 =	vadd.s32 v21, v1  }
0x46: {  	v23 =	vsel vm8, $0x1, v0;
	v1 =	vadd.s32 v22, v1  }
0x47: {  	v1 =	vadd.s32 v23, v1  }
0x48: {  	v1 =	vmax.u32 v1, $0x1  }
0x49: {  	v1 =	vmin.u32 v1, $0xA  }
0x4a: {  	v1 =	vadd.s32 $0xFFFFFFFF, v1  }
0x4b: {  	v24 =	vpop (erf)  }
0x4c: {  	v3 =	vmul.f32 v24, v3;
	_ =	sdelay $0x1  }
0x4d: {  	[tilespmem:$0x290] =	vst v3  }
0x4e: {  	v1 =	vld.idx.msk [tilespmem:v1+s7+$0x0], $0xffff;
	_ =	sdelay $0x1  }
0x4f: {  	v3 =	vld [tilespmem:$0x30];
	_ =	sdelay $0x2  }
0x50: {  	v1 =	vmul.f32 v1, v1;
	_ =	sdelay $0x1  }
0x51: {  	vm9 =	vgt.f32 v3, $0.0e+00;
	v1 =	vmax.f32 v1, $9.999999770e-03  }
0x52: {  	vm10 =	vgt.f32 v3, $1.000000010e-01;
	vm11 =	vgt.f32 v3, $2.000000030e-01;
	v1 =	vmin.f32 v1, $1.000000000e+02  }
0x53: {  	v25 =	vsel vm9, $0x1, v0;
	(erf) = vrcp.f32 v1;
	v1 =	vsel vm10, $0x1, v0  }
0x54: {  	vm12 =	vgt.f32 v3, $3.000000120e-01;
	v26 =	vsel vm11, $0x1, v0;
	v1 =	vadd.s32 v1, v25  }
0x55: {  	vm13 =	vgt.f32 v3, $4.000000060e-01;
	v27 =	vsel vm12, $0x1, v0;
	v1 =	vadd.s32 v26, v1  }
0x56: {  	vm14 =	vgt.f32 v3, $5.000000000e-01;
	v28 =	vsel vm13, $0x1, v0;
	v1 =	vadd.s32 v27, v1  }
0x57: {  	vm15 =	vgt.f32 v3, $6.000000240e-01;
	v29 =	vsel vm14, $0x1, v0;
	v1 =	vadd.s32 v28, v1  }
0x58: {  	vm4 =	vgt.f32 v3, $6.999999880e-01;
	v30 =	vsel vm15, $0x1, v0;
	v1 =	vadd.s32 v29, v1  }
0x59: {  	vm5 =	vgt.f32 v3, $8.000000110e-01;
	v31 =	vsel vm4, $0x1, v0;
	v1 =	vadd.s32 v30, v1  }
0x5a: {  	vm6 =	vgt.f32 v3, $9.000000350e-01;
	v32 =	vsel vm5, $0x1, v0;
	v1 =	vadd.s32 v31, v1  }
0x5b: {  	vm7 =	vgt.f32 v3, $1.000000000e+00;
	v33 =	vsel vm6, $0x1, v0;
	v1 =	vadd.s32 v32, v1  }
0x5c: {  	v34 =	vsel vm7, $0x1, v0;
	v1 =	vadd.s32 v33, v1  }
0x5d: {  	v1 =	vadd.s32 v34, v1  }
0x5e: {  	v1 =	vmax.u32 v1, $0x1  }
0x5f: {  	v1 =	vmin.u32 v1, $0xA  }
0x60: {  	v1 =	vadd.s32 $0xFFFFFFFF, v1  }
0x61: {  	v35 =	vpop (erf)  }
0x62: {  	v2 =	vmul.f32 v35, v2;
	_ =	sdelay $0x1  }
0x63: {  	[tilespmem:$0x2A0] =	vst v2  }
0x64: {  	v1 =	vld.idx.msk [tilespmem:v1+s7+$0x0], $0xffff;
	_ =	sdelay $0x1  }
0x65: {  	v2 =	vld [tilespmem:$0x40];
	_ =	sdelay $0x2  }
0x66: {  	v1 =	vmul.f32 v1, v1;
	_ =	sdelay $0x1  }
0x67: {  	vm8 =	vgt.f32 v2, $0.0e+00;
	v1 =	vmax.f32 v1, $9.999999770e-03  }
0x68: {  	vm9 =	vgt.f32 v2, $1.000000010e-01;
	vm10 =	vgt.f32 v2, $2.000000030e-01;
	v1 =	vmin.f32 v1, $1.000000000e+02  }
0x69: {  	v36 =	vsel vm8, $0x1, v0;
	(erf) = vrcp.f32 v1;
	v1 =	vsel vm9, $0x1, v0  }
0x6a: {  	vm11 =	vgt.f32 v2, $3.000000120e-01;
	v37 =	vsel vm10, $0x1, v0;
	v1 =	vadd.s32 v1, v36  }
0x6b: {  	vm12 =	vgt.f32 v2, $4.000000060e-01;
	v38 =	vsel vm11, $0x1, v0;
	v1 =	vadd.s32 v37, v1  }
0x6c: {  	vm13 =	vgt.f32 v2, $5.000000000e-01;
	v39 =	vsel vm12, $0x1, v0;
	v1 =	vadd.s32 v38, v1  }
0x6d: {  	vm14 =	vgt.f32 v2, $6.000000240e-01;
	v40 =	vsel vm13, $0x1, v0;
	v1 =	vadd.s32 v39, v1  }
0x6e: {  	vm15 =	vgt.f32 v2, $6.999999880e-01;
	v41 =	vsel vm14, $0x1, v0;
	v1 =	vadd.s32 v40, v1  }
0x6f: {  	vm4 =	vgt.f32 v2, $8.000000110e-01;
	v42 =	vsel vm15, $0x1, v0;
	v1 =	vadd.s32 v41, v1  }
0x70: {  	vm5 =	vgt.f32 v2, $9.000000350e-01;
	v43 =	vsel vm4, $0x1, v0;
	v1 =	vadd.s32 v42, v1  }
0x71: {  	vm6 =	vgt.f32 v2, $1.000000000e+00;
	v44 =	vsel vm5, $0x1, v0;
	v1 =	vadd.s32 v43, v1  }
0x72: {  	v45 =	vsel vm6, $0x1, v0;
	v1 =	vadd.s32 v44, v1  }
0x73: {  	v1 =	vadd.s32 v45, v1  }
0x74: {  	v1 =	vmax.u32 v1, $0x1  }
0x75: {  	v1 =	vmin.u32 v1, $0xA  }
0x76: {  	v1 =	vadd.s32 $0xFFFFFFFF, v1  }
0x77: {  	v46 =	vpop (erf)  }
0x78: {  	v3 =	vmul.f32 v46, v3;
	_ =	sdelay $0x1  }
0x79: {  	[tilespmem:$0x2B0] =	vst v3  }
0x7a: {  	v1 =	vld.idx.msk [tilespmem:v1+s7+$0x0], $0xffff;
	_ =	sdelay $0x1  }
0x7b: {  	v3 =	vld [tilespmem:$0x50];
	_ =	sdelay $0x2  }
0x7c: {  	v1 =	vmul.f32 v1, v1;
	_ =	sdelay $0x1  }
0x7d: {  	vm7 =	vgt.f32 v3, $0.0e+00;
	v1 =	vmax.f32 v1, $9.999999770e-03  }
0x7e: {  	vm8 =	vgt.f32 v3, $1.000000010e-01;
	vm9 =	vgt.f32 v3, $2.000000030e-01;
	v1 =	vmin.f32 v1, $1.000000000e+02  }
0x7f: {  	v47 =	vsel vm7, $0x1, v0;
	(erf) = vrcp.f32 v1;
	v1 =	vsel vm8, $0x1, v0  }
0x80: {  	vm10 =	vgt.f32 v3, $3.000000120e-01;
	v48 =	vsel vm9, $0x1, v0;
	v1 =	vadd.s32 v1, v47  }
0x81: {  	vm11 =	vgt.f32 v3, $4.000000060e-01;
	v49 =	vsel vm10, $0x1, v0;
	v1 =	vadd.s32 v48, v1  }
0x82: {  	vm12 =	vgt.f32 v3, $5.000000000e-01;
	v50 =	vsel vm11, $0x1, v0;
	v1 =	vadd.s32 v49, v1  }
0x83: {  	vm13 =	vgt.f32 v3, $6.000000240e-01;
	v51 =	vsel vm12, $0x1, v0;
	v1 =	vadd.s32 v50, v1  }
0x84: {  	vm14 =	vgt.f32 v3, $6.999999880e-01;
	v52 =	vsel vm13, $0x1, v0;
	v1 =	vadd.s32 v51, v1  }
0x85: {  	vm15 =	vgt.f32 v3, $8.000000110e-01;
	v53 =	vsel vm14, $0x1, v0;
	v1 =	vadd.s32 v52, v1  }
0x86: {  	vm4 =	vgt.f32 v3, $9.000000350e-01;
	v54 =	vsel vm15, $0x1, v0;
	v1 =	vadd.s32 v53, v1  }
0x87: {  	vm5 =	vgt.f32 v3, $1.000000000e+00;
	v55 =	vsel vm4, $0x1, v0;
	v1 =	vadd.s32 v54, v1  }
0x88: {  	v56 =	vsel vm5, $0x1, v0;
	v1 =	vadd.s32 v55, v1  }
0x89: {  	v1 =	vadd.s32 v56, v1  }
0x8a: {  	v1 =	vmax.u32 v1, $0x1  }
0x8b: {  	v1 =	vmin.u32 v1, $0xA  }
0x8c: {  	v1 =	vadd.s32 $0xFFFFFFFF, v1  }
0x8d: {  	v57 =	vpop (erf)  }
0x8e: {  	v2 =	vmul.f32 v57, v2;
	_ =	sdelay $0x1  }
0x8f: {  	[tilespmem:$0x2C0] =	vst v2  }
0x90: {  	v1 =	vld.idx.msk [tilespmem:v1+s7+$0x0], $0xffff;
	_ =	sdelay $0x1  }
0x91: {  	v2 =	vld [tilespmem:$0x60];
	_ =	sdelay $0x2  }
0x92: {  	v1 =	vmul.f32 v1, v1;
	_ =	sdelay $0x1  }
0x93: {  	vm6 =	vgt.f32 v2, $0.0e+00;
	v1 =	vmax.f32 v1, $9.999999770e-03  }
0x94: {  	vm7 =	vgt.f32 v2, $1.000000010e-01;
	vm8 =	vgt.f32 v2, $2.000000030e-01;
	v1 =	vmin.f32 v1, $1.000000000e+02  }
0x95: {  	v58 =	vsel vm6, $0x1, v0;
	(erf) = vrcp.f32 v1;
	v1 =	vsel vm7, $0x1, v0  }
0x96: {  	vm9 =	vgt.f32 v2, $3.000000120e-01;
	v59 =	vsel vm8, $0x1, v0;
	v1 =	vadd.s32 v1, v58  }
0x97: {  	vm10 =	vgt.f32 v2, $4.000000060e-01;
	v60 =	vsel vm9, $0x1, v0;
	v1 =	vadd.s32 v59, v1  }
0x98: {  	vm11 =	vgt.f32 v2, $5.000000000e-01;
	v61 =	vsel vm10, $0x1, v0;
	v1 =	vadd.s32 v60, v1  }
0x99: {  	vm12 =	vgt.f32 v2, $6.000000240e-01;
	v62 =	vsel vm11, $0x1, v0;
	v1 =	vadd.s32 v61, v1  }
0x9a: {  	vm13 =	vgt.f32 v2, $6.999999880e-01;
	v63 =	vsel vm12, $0x1, v0;
	v1 =	vadd.s32 v62, v1  }
0x9b: {  	vm14 =	vgt.f32 v2, $8.000000110e-01;
	v8 =	vsel vm13, $0x1, v0;
	v1 =	vadd.s32 v63, v1  }
0x9c: {  	vm15 =	vgt.f32 v2, $9.000000350e-01;
	v9 =	vsel vm14, $0x1, v0;
	v1 =	vadd.s32 v8, v1  }
0x9d: {  	vm4 =	vgt.f32 v2, $1.000000000e+00;
	v10 =	vsel vm15, $0x1, v0;
	v1 =	vadd.s32 v9, v1  }
0x9e: {  	v11 =	vsel vm4, $0x1, v0;
	v1 =	vadd.s32 v10, v1  }
0x9f: {  	v1 =	vadd.s32 v11, v1  }
0xa0: {  	v1 =	vmax.u32 v1, $0x1  }
0xa1: {  	v1 =	vmin.u32 v1, $0xA  }
0xa2: {  	v1 =	vadd.s32 $0xFFFFFFFF, v1  }
0xa3: {  	v12 =	vpop (erf)  }
0xa4: {  	v3 =	vmul.f32 v12, v3;
	_ =	sdelay $0x1  }
0xa5: {  	[tilespmem:$0x2D0] =	vst v3  }
0xa6: {  	v1 =	vld.idx.msk [tilespmem:v1+s7+$0x0], $0xffff;
	_ =	sdelay $0x1  }
0xa7: {  	v3 =	vld [tilespmem:$0x70];
	_ =	sdelay $0x2  }
0xa8: {  	v1 =	vmul.f32 v1, v1;
	_ =	sdelay $0x1  }
0xa9: {  	vm5 =	vgt.f32 v3, $0.0e+00;
	v1 =	vmax.f32 v1, $9.999999770e-03  }
0xaa: {  	vm6 =	vgt.f32 v3, $1.000000010e-01;
	vm7 =	vgt.f32 v3, $2.000000030e-01;
	v1 =	vmin.f32 v1, $1.000000000e+02  }
0xab: {  	v13 =	vsel vm5, $0x1, v0;
	(erf) = vrcp.f32 v1;
	v1 =	vsel vm6, $0x1, v0  }
0xac: {  	vm8 =	vgt.f32 v3, $3.000000120e-01;
	v14 =	vsel vm7, $0x1, v0;
	v1 =	vadd.s32 v1, v13  }
0xad: {  	vm9 =	vgt.f32 v3, $4.000000060e-01;
	v15 =	vsel vm8, $0x1, v0;
	v1 =	vadd.s32 v14, v1  }
0xae: {  	vm10 =	vgt.f32 v3, $5.000000000e-01;
	v16 =	vsel vm9, $0x1, v0;
	v1 =	vadd.s32 v15, v1  }
0xaf: {  	vm11 =	vgt.f32 v3, $6.000000240e-01;
	v17 =	vsel vm10, $0x1, v0;
	v1 =	vadd.s32 v16, v1  }
0xb0: {  	vm12 =	vgt.f32 v3, $6.999999880e-01;
	v18 =	vsel vm11, $0x1, v0;
	v1 =	vadd.s32 v17, v1  }
0xb1: {  	vm13 =	vgt.f32 v3, $8.000000110e-01;
	v19 =	vsel vm12, $0x1, v0;
	v1 =	vadd.s32 v18, v1  }
0xb2: {  	vm14 =	vgt.f32 v3, $9.000000350e-01;
	v20 =	vsel vm13, $0x1, v0;
	v1 =	vadd.s32 v19, v1  }
0xb3: {  	vm15 =	vgt.f32 v3, $1.000000000e+00;
	v21 =	vsel vm14, $0x1, v0;
	v1 =	vadd.s32 v20, v1  }
0xb4: {  	v22 =	vsel vm15, $0x1, v0;
	v1 =	vadd.s32 v21, v1  }
0xb5: {  	v1 =	vadd.s32 v22, v1  }
0xb6: {  	v1 =	vmax.u32 v1, $0x1  }
0xb7: {  	v1 =	vmin.u32 v1, $0xA  }
0xb8: {  	v1 =	vadd.s32 $0xFFFFFFFF, v1  }
0xb9: {  	v23 =	vpop (erf)  }
0xba: {  	v2 =	vmul.f32 v23, v2;
	_ =	sdelay $0x1  }
0xbb: {  	[tilespmem:$0x2E0] =	vst v2  }
0xbc: {  	v1 =	vld.idx.msk [tilespmem:v1+s7+$0x0], $0xffff;
	_ =	sdelay $0x1  }
0xbd: {  	v2 =	vld [tilespmem:$0x80];
	_ =	sdelay $0x2  }
0xbe: {  	v1 =	vmul.f32 v1, v1;
	_ =	sdelay $0x1  }
0xbf: {  	vm4 =	vgt.f32 v2, $0.0e+00;
	v1 =	vmax.f32 v1, $9.999999770e-03  }
0xc0: {  	vm5 =	vgt.f32 v2, $1.000000010e-01;
	vm6 =	vgt.f32 v2, $2.000000030e-01;
	v1 =	vmin.f32 v1, $1.000000000e+02  }
0xc1: {  	v24 =	vsel vm4, $0x1, v0;
	(erf) = vrcp.f32 v1;
	v1 =	vsel vm5, $0x1, v0  }
0xc2: {  	vm7 =	vgt.f32 v2, $3.000000120e-01;
	v25 =	vsel vm6, $0x1, v0;
	v1 =	vadd.s32 v1, v24  }
0xc3: {  	vm8 =	vgt.f32 v2, $4.000000060e-01;
	v26 =	vsel vm7, $0x1, v0;
	v1 =	vadd.s32 v25, v1  }
0xc4: {  	vm9 =	vgt.f32 v2, $5.000000000e-01;
	v27 =	vsel vm8, $0x1, v0;
	v1 =	vadd.s32 v26, v1  }
0xc5: {  	vm10 =	vgt.f32 v2, $6.000000240e-01;
	v28 =	vsel vm9, $0x1, v0;
	v1 =	vadd.s32 v27, v1  }
0xc6: {  	vm11 =	vgt.f32 v2, $6.999999880e-01;
	v29 =	vsel vm10, $0x1, v0;
	v1 =	vadd.s32 v28, v1  }
0xc7: {  	vm12 =	vgt.f32 v2, $8.000000110e-01;
	v30 =	vsel vm11, $0x1, v0;
	v1 =	vadd.s32 v29, v1  }
0xc8: {  	vm13 =	vgt.f32 v2, $9.000000350e-01;
	v31 =	vsel vm12, $0x1, v0;
	v1 =	vadd.s32 v30, v1  }
0xc9: {  	vm14 =	vgt.f32 v2, $1.000000000e+00;
	v32 =	vsel vm13, $0x1, v0;
	v1 =	vadd.s32 v31, v1  }
0xca: {  	v33 =	vsel vm14, $0x1, v0;
	v1 =	vadd.s32 v32, v1  }
0xcb: {  	v1 =	vadd.s32 v33, v1  }
0xcc: {  	v1 =	vmax.u32 v1, $0x1  }
0xcd: {  	v1 =	vmin.u32 v1, $0xA  }
0xce: {  	v1 =	vadd.s32 $0xFFFFFFFF, v1  }
0xcf: {  	v34 =	vpop (erf)  }
0xd0: {  	v3 =	vmul.f32 v34, v3;
	_ =	sdelay $0x1  }
0xd1: {  	[tilespmem:$0x2F0] =	vst v3  }
0xd2: {  	v1 =	vld.idx.msk [tilespmem:v1+s7+$0x0], $0xffff;
	_ =	sdelay $0x1  }
0xd3: {  	v3 =	vld [tilespmem:$0x90];
	_ =	sdelay $0x2  }
0xd4: {  	v1 =	vmul.f32 v1, v1;
	_ =	sdelay $0x1  }
0xd5: {  	vm15 =	vgt.f32 v3, $0.0e+00;
	v1 =	vmax.f32 v1, $9.999999770e-03  }
0xd6: {  	vm4 =	vgt.f32 v3, $1.000000010e-01;
	vm5 =	vgt.f32 v3, $2.000000030e-01;
	v1 =	vmin.f32 v1, $1.000000000e+02  }
0xd7: {  	v35 =	vsel vm15, $0x1, v0;
	(erf) = vrcp.f32 v1;
	v1 =	vsel vm4, $0x1, v0  }
0xd8: {  	vm6 =	vgt.f32 v3, $3.000000120e-01;
	v36 =	vsel vm5, $0x1, v0;
	v1 =	vadd.s32 v1, v35  }
0xd9: {  	vm7 =	vgt.f32 v3, $4.000000060e-01;
	v37 =	vsel vm6, $0x1, v0;
	v1 =	vadd.s32 v36, v1  }
0xda: {  	vm8 =	vgt.f32 v3, $5.000000000e-01;
	v38 =	vsel vm7, $0x1, v0;
	v1 =	vadd.s32 v37, v1  }
0xdb: {  	vm9 =	vgt.f32 v3, $6.000000240e-01;
	v39 =	vsel vm8, $0x1, v0;
	v1 =	vadd.s32 v38, v1  }
0xdc: {  	vm10 =	vgt.f32 v3, $6.999999880e-01;
	v40 =	vsel vm9, $0x1, v0;
	v1 =	vadd.s32 v39, v1  }
0xdd: {  	vm11 =	vgt.f32 v3, $8.000000110e-01;
	v41 =	vsel vm10, $0x1, v0;
	v1 =	vadd.s32 v40, v1  }
0xde: {  	vm12 =	vgt.f32 v3, $9.000000350e-01;
	v42 =	vsel vm11, $0x1, v0;
	v1 =	vadd.s32 v41, v1  }
0xdf: {  	vm13 =	vgt.f32 v3, $1.000000000e+00;
	v43 =	vsel vm12, $0x1, v0;
	v1 =	vadd.s32 v42, v1  }
0xe0: {  	v44 =	vsel vm13, $0x1, v0;
	v1 =	vadd.s32 v43, v1  }
0xe1: {  	v1 =	vadd.s32 v44, v1  }
0xe2: {  	v1 =	vmax.u32 v1, $0x1  }
0xe3: {  	v1 =	vmin.u32 v1, $0xA  }
0xe4: {  	v1 =	vadd.s32 $0xFFFFFFFF, v1  }
0xe5: {  	v45 =	vpop (erf)  }
0xe6: {  	v2 =	vmul.f32 v45, v2;
	_ =	sdelay $0x1  }
0xe7: {  	[tilespmem:$0x300] =	vst v2  }
0xe8: {  	v1 =	vld.idx.msk [tilespmem:v1+s7+$0x0], $0xffff;
	_ =	sdelay $0x1  }
0xe9: {  	v2 =	vld [tilespmem:$0xA0];
	_ =	sdelay $0x2  }
0xea: {  	v1 =	vmul.f32 v1, v1;
	_ =	sdelay $0x1  }
0xeb: {  	vm14 =	vgt.f32 v2, $0.0e+00;
	v1 =	vmax.f32 v1, $9.999999770e-03  }
0xec: {  	vm15 =	vgt.f32 v2, $1.000000010e-01;
	vm4 =	vgt.f32 v2, $2.000000030e-01;
	v1 =	vmin.f32 v1, $1.000000000e+02  }
0xed: {  	v46 =	vsel vm14, $0x1, v0;
	(erf) = vrcp.f32 v1;
	v1 =	vsel vm15, $0x1, v0  }
0xee: {  	vm5 =	vgt.f32 v2, $3.000000120e-01;
	v47 =	vsel vm4, $0x1, v0;
	v1 =	vadd.s32 v1, v46  }
0xef: {  	vm6 =	vgt.f32 v2, $4.000000060e-01;
	v48 =	vsel vm5, $0x1, v0;
	v1 =	vadd.s32 v47, v1  }
0xf0: {  	vm7 =	vgt.f32 v2, $5.000000000e-01;
	v49 =	vsel vm6, $0x1, v0;
	v1 =	vadd.s32 v48, v1  }
0xf1: {  	vm8 =	vgt.f32 v2, $6.000000240e-01;
	v50 =	vsel vm7, $0x1, v0;
	v1 =	vadd.s32 v49, v1  }
0xf2: {  	vm9 =	vgt.f32 v2, $6.999999880e-01;
	v51 =	vsel vm8, $0x1, v0;
	v1 =	vadd.s32 v50, v1  }
0xf3: {  	vm10 =	vgt.f32 v2, $8.000000110e-01;
	v52 =	vsel vm9, $0x1, v0;
	v1 =	vadd.s32 v51, v1  }
0xf4: {  	vm11 =	vgt.f32 v2, $9.000000350e-01;
	v53 =	vsel vm10, $0x1, v0;
	v1 =	vadd.s32 v52, v1  }
0xf5: {  	vm12 =	vgt.f32 v2, $1.000000000e+00;
	v54 =	vsel vm11, $0x1, v0;
	v1 =	vadd.s32 v53, v1  }
0xf6: {  	v55 =	vsel vm12, $0x1, v0;
	v1 =	vadd.s32 v54, v1  }
0xf7: {  	v1 =	vadd.s32 v55, v1  }
0xf8: {  	v1 =	vmax.u32 v1, $0x1  }
0xf9: {  	v1 =	vmin.u32 v1, $0xA  }
0xfa: {  	v1 =	vadd.s32 $0xFFFFFFFF, v1  }
0xfb: {  	v56 =	vpop (erf)  }
0xfc: {  	v3 =	vmul.f32 v56, v3;
	_ =	sdelay $0x1  }
0xfd: {  	[tilespmem:$0x310] =	vst v3  }
0xfe: {  	v1 =	vld.idx.msk [tilespmem:v1+s7+$0x0], $0xffff;
	_ =	sdelay $0x1  }
0xff: {  	v3 =	vld [tilespmem:$0xB0];
	_ =	sdelay $0x2  }
0x100: {  	v1 =	vmul.f32 v1, v1;
	_ =	sdelay $0x1  }
0x101: {  	vm13 =	vgt.f32 v3, $0.0e+00;
	v1 =	vmax.f32 v1, $9.999999770e-03  }
0x102: {  	vm14 =	vgt.f32 v3, $1.000000010e-01;
	vm15 =	vgt.f32 v3, $2.000000030e-01;
	v1 =	vmin.f32 v1, $1.000000000e+02  }
0x103: {  	v57 =	vsel vm13, $0x1, v0;
	(erf) = vrcp.f32 v1;
	v1 =	vsel vm14, $0x1, v0  }
0x104: {  	vm4 =	vgt.f32 v3, $3.000000120e-01;
	v58 =	vsel vm15, $0x1, v0;
	v1 =	vadd.s32 v1, v57  }
0x105: {  	vm5 =	vgt.f32 v3, $4.000000060e-01;
	v59 =	vsel vm4, $0x1, v0;
	v1 =	vadd.s32 v58, v1  }
0x106: {  	vm6 =	vgt.f32 v3, $5.000000000e-01;
	v60 =	vsel vm5, $0x1, v0;
	v1 =	vadd.s32 v59, v1  }
0x107: {  	vm7 =	vgt.f32 v3, $6.000000240e-01;
	v61 =	vsel vm6, $0x1, v0;
	v1 =	vadd.s32 v60, v1  }
0x108: {  	vm8 =	vgt.f32 v3, $6.999999880e-01;
	v62 =	vsel vm7, $0x1, v0;
	v1 =	vadd.s32 v61, v1  }
0x109: {  	vm9 =	vgt.f32 v3, $8.000000110e-01;
	v63 =	vsel vm8, $0x1, v0;
	v1 =	vadd.s32 v62, v1  }
0x10a: {  	vm10 =	vgt.f32 v3, $9.000000350e-01;
	v8 =	vsel vm9, $0x1, v0;
	v1 =	vadd.s32 v63, v1  }
0x10b: {  	vm11 =	vgt.f32 v3, $1.000000000e+00;
	v9 =	vsel vm10, $0x1, v0;
	v1 =	vadd.s32 v8, v1  }
0x10c: {  	v10 =	vsel vm11, $0x1, v0;
	v1 =	vadd.s32 v9, v1  }
0x10d: {  	v1 =	vadd.s32 v10, v1  }
0x10e: {  	v1 =	vmax.u32 v1, $0x1  }
0x10f: {  	v1 =	vmin.u32 v1, $0xA  }
0x110: {  	v1 =	vadd.s32 $0xFFFFFFFF, v1  }
0x111: {  	v11 =	vpop (erf)  }
0x112: {  	v2 =	vmul.f32 v11, v2;
	_ =	sdelay $0x1  }
0x113: {  	[tilespmem:$0x320] =	vst v2  }
0x114: {  	v1 =	vld.idx.msk [tilespmem:v1+s7+$0x0], $0xffff;
	_ =	sdelay $0x1  }
0x115: {  	v2 =	vld [tilespmem:$0xC0];
	_ =	sdelay $0x2  }
0x116: {  	v1 =	vmul.f32 v1, v1;
	_ =	sdelay $0x1  }
0x117: {  	vm12 =	vgt.f32 v2, $0.0e+00;
	v1 =	vmax.f32 v1, $9.999999770e-03  }
0x118: {  	vm13 =	vgt.f32 v2, $1.000000010e-01;
	vm14 =	vgt.f32 v2, $2.000000030e-01;
	v1 =	vmin.f32 v1, $1.000000000e+02  }
0x119: {  	v12 =	vsel vm12, $0x1, v0;
	(erf) = vrcp.f32 v1;
	v1 =	vsel vm13, $0x1, v0  }
0x11a: {  	vm15 =	vgt.f32 v2, $3.000000120e-01;
	v13 =	vsel vm14, $0x1, v0;
	v1 =	vadd.s32 v1, v12  }
0x11b: {  	vm4 =	vgt.f32 v2, $4.000000060e-01;
	v14 =	vsel vm15, $0x1, v0;
	v1 =	vadd.s32 v13, v1  }
0x11c: {  	vm5 =	vgt.f32 v2, $5.000000000e-01;
	v15 =	vsel vm4, $0x1, v0;
	v1 =	vadd.s32 v14, v1  }
0x11d: {  	vm6 =	vgt.f32 v2, $6.000000240e-01;
	v16 =	vsel vm5, $0x1, v0;
	v1 =	vadd.s32 v15, v1  }
0x11e: {  	vm7 =	vgt.f32 v2, $6.999999880e-01;
	v17 =	vsel vm6, $0x1, v0;
	v1 =	vadd.s32 v16, v1  }
0x11f: {  	vm8 =	vgt.f32 v2, $8.000000110e-01;
	v18 =	vsel vm7, $0x1, v0;
	v1 =	vadd.s32 v17, v1  }
0x120: {  	vm9 =	vgt.f32 v2, $9.000000350e-01;
	v19 =	vsel vm8, $0x1, v0;
	v1 =	vadd.s32 v18, v1  }
0x121: {  	vm10 =	vgt.f32 v2, $1.000000000e+00;
	v20 =	vsel vm9, $0x1, v0;
	v1 =	vadd.s32 v19, v1  }
0x122: {  	v21 =	vsel vm10, $0x1, v0;
	v1 =	vadd.s32 v20, v1  }
0x123: {  	v1 =	vadd.s32 v21, v1  }
0x124: {  	v1 =	vmax.u32 v1, $0x1  }
0x125: {  	v1 =	vmin.u32 v1, $0xA  }
0x126: {  	v1 =	vadd.s32 $0xFFFFFFFF, v1  }
0x127: {  	v22 =	vpop (erf)  }
0x128: {  	v3 =	vmul.f32 v22, v3;
	_ =	sdelay $0x1  }
0x129: {  	[tilespmem:$0x330] =	vst v3  }
0x12a: {  	v1 =	vld.idx.msk [tilespmem:v1+s7+$0x0], $0xffff;
	_ =	sdelay $0x1  }
0x12b: {  	v3 =	vld [tilespmem:$0xD0];
	_ =	sdelay $0x2  }
0x12c: {  	v1 =	vmul.f32 v1, v1;
	_ =	sdelay $0x1  }
0x12d: {  	vm11 =	vgt.f32 v3, $0.0e+00;
	v1 =	vmax.f32 v1, $9.999999770e-03  }
0x12e: {  	vm12 =	vgt.f32 v3, $1.000000010e-01;
	vm13 =	vgt.f32 v3, $2.000000030e-01;
	v1 =	vmin.f32 v1, $1.000000000e+02  }
0x12f: {  	v23 =	vsel vm11, $0x1, v0;
	(erf) = vrcp.f32 v1;
	v1 =	vsel vm12, $0x1, v0  }
0x130: {  	vm14 =	vgt.f32 v3, $3.000000120e-01;
	v24 =	vsel vm13, $0x1, v0;
	v1 =	vadd.s32 v1, v23  }
0x131: {  	vm15 =	vgt.f32 v3, $4.000000060e-01;
	v25 =	vsel vm14, $0x1, v0;
	v1 =	vadd.s32 v24, v1  }
0x132: {  	vm4 =	vgt.f32 v3, $5.000000000e-01;
	v26 =	vsel vm15, $0x1, v0;
	v1 =	vadd.s32 v25, v1  }
0x133: {  	vm5 =	vgt.f32 v3, $6.000000240e-01;
	v27 =	vsel vm4, $0x1, v0;
	v1 =	vadd.s32 v26, v1  }
0x134: {  	vm6 =	vgt.f32 v3, $6.999999880e-01;
	v28 =	vsel vm5, $0x1, v0;
	v1 =	vadd.s32 v27, v1  }
0x135: {  	vm7 =	vgt.f32 v3, $8.000000110e-01;
	v29 =	vsel vm6, $0x1, v0;
	v1 =	vadd.s32 v28, v1  }
0x136: {  	vm8 =	vgt.f32 v3, $9.000000350e-01;
	v30 =	vsel vm7, $0x1, v0;
	v1 =	vadd.s32 v29, v1  }
0x137: {  	vm9 =	vgt.f32 v3, $1.000000000e+00;
	v31 =	vsel vm8, $0x1, v0;
	v1 =	vadd.s32 v30, v1  }
0x138: {  	v32 =	vsel vm9, $0x1, v0;
	v1 =	vadd.s32 v31, v1  }
0x139: {  	v1 =	vadd.s32 v32, v1  }
0x13a: {  	v1 =	vmax.u32 v1, $0x1  }
0x13b: {  	v1 =	vmin.u32 v1, $0xA  }
0x13c: {  	v1 =	vadd.s32 $0xFFFFFFFF, v1  }
0x13d: {  	v33 =	vpop (erf)  }
0x13e: {  	v2 =	vmul.f32 v33, v2;
	_ =	sdelay $0x1  }
0x13f: {  	[tilespmem:$0x340] =	vst v2  }
0x140: {  	v1 =	vld.idx.msk [tilespmem:v1+s7+$0x0], $0xffff;
	_ =	sdelay $0x1  }
0x141: {  	v2 =	vld [tilespmem:$0xE0];
	_ =	sdelay $0x2  }
0x142: {  	v1 =	vmul.f32 v1, v1;
	_ =	sdelay $0x1  }
0x143: {  	vm10 =	vgt.f32 v2, $0.0e+00;
	v1 =	vmax.f32 v1, $9.999999770e-03  }
0x144: {  	vm11 =	vgt.f32 v2, $1.000000010e-01;
	vm12 =	vgt.f32 v2, $2.000000030e-01;
	v1 =	vmin.f32 v1, $1.000000000e+02  }
0x145: {  	v34 =	vsel vm10, $0x1, v0;
	(erf) = vrcp.f32 v1;
	v1 =	vsel vm11, $0x1, v0  }
0x146: {  	vm13 =	vgt.f32 v2, $3.000000120e-01;
	v35 =	vsel vm12, $0x1, v0;
	v1 =	vadd.s32 v1, v34  }
0x147: {  	vm14 =	vgt.f32 v2, $4.000000060e-01;
	v36 =	vsel vm13, $0x1, v0;
	v1 =	vadd.s32 v35, v1  }
0x148: {  	vm15 =	vgt.f32 v2, $5.000000000e-01;
	v37 =	vsel vm14, $0x1, v0;
	v1 =	vadd.s32 v36, v1  }
0x149: {  	vm4 =	vgt.f32 v2, $6.000000240e-01;
	v38 =	vsel vm15, $0x1, v0;
	v1 =	vadd.s32 v37, v1  }
0x14a: {  	vm5 =	vgt.f32 v2, $6.999999880e-01;
	v39 =	vsel vm4, $0x1, v0;
	v1 =	vadd.s32 v38, v1  }
0x14b: {  	vm6 =	vgt.f32 v2, $8.000000110e-01;
	v40 =	vsel vm5, $0x1, v0;
	v1 =	vadd.s32 v39, v1  }
0x14c: {  	vm7 =	vgt.f32 v2, $9.000000350e-01;
	v41 =	vsel vm6, $0x1, v0;
	v1 =	vadd.s32 v40, v1  }
0x14d: {  	vm8 =	vgt.f32 v2, $1.000000000e+00;
	v42 =	vsel vm7, $0x1, v0;
	v1 =	vadd.s32 v41, v1  }
0x14e: {  	v43 =	vsel vm8, $0x1, v0;
	v1 =	vadd.s32 v42, v1  }
0x14f: {  	v1 =	vadd.s32 v43, v1  }
0x150: {  	v1 =	vmax.u32 v1, $0x1  }
0x151: {  	v1 =	vmin.u32 v1, $0xA  }
0x152: {  	v1 =	vadd.s32 $0xFFFFFFFF, v1  }
0x153: {  	v44 =	vpop (erf)  }
0x154: {  	v3 =	vmul.f32 v44, v3;
	_ =	sdelay $0x1  }
0x155: {  	[tilespmem:$0x350] =	vst v3  }
0x156: {  	v1 =	vld.idx.msk [tilespmem:v1+s7+$0x0], $0xffff;
	_ =	sdelay $0x1  }
0x157: {  	v3 =	vld [tilespmem:$0xF0];
	_ =	sdelay $0x2  }
0x158: {  	v1 =	vmul.f32 v1, v1;
	_ =	sdelay $0x1  }
0x159: {  	vm9 =	vgt.f32 v3, $0.0e+00;
	v1 =	vmax.f32 v1, $9.999999770e-03  }
0x15a: {  	vm10 =	vgt.f32 v3, $1.000000010e-01;
	vm11 =	vgt.f32 v3, $2.000000030e-01;
	v1 =	vmin.f32 v1, $1.000000000e+02  }
0x15b: {  	v45 =	vsel vm9, $0x1, v0;
	(erf) = vrcp.f32 v1;
	v1 =	vsel vm10, $0x1, v0  }
0x15c: {  	vm12 =	vgt.f32 v3, $3.000000120e-01;
	v46 =	vsel vm11, $0x1, v0;
	v1 =	vadd.s32 v1, v45  }
0x15d: {  	vm13 =	vgt.f32 v3, $4.000000060e-01;
	v47 =	vsel vm12, $0x1, v0;
	v1 =	vadd.s32 v46, v1  }
0x15e: {  	vm14 =	vgt.f32 v3, $5.000000000e-01;
	v48 =	vsel vm13, $0x1, v0;
	v1 =	vadd.s32 v47, v1  }
0x15f: {  	vm15 =	vgt.f32 v3, $6.000000240e-01;
	v49 =	vsel vm14, $0x1, v0;
	v1 =	vadd.s32 v48, v1  }
0x160: {  	vm4 =	vgt.f32 v3, $6.999999880e-01;
	v50 =	vsel vm15, $0x1, v0;
	v1 =	vadd.s32 v49, v1  }
0x161: {  	vm5 =	vgt.f32 v3, $8.000000110e-01;
	v51 =	vsel vm4, $0x1, v0;
	v1 =	vadd.s32 v50, v1  }
0x162: {  	vm6 =	vgt.f32 v3, $9.000000350e-01;
	v52 =	vsel vm5, $0x1, v0;
	v1 =	vadd.s32 v51, v1  }
0x163: {  	vm7 =	vgt.f32 v3, $1.000000000e+00;
	v53 =	vsel vm6, $0x1, v0;
	v1 =	vadd.s32 v52, v1  }
0x164: {  	v54 =	vsel vm7, $0x1, v0;
	v1 =	vadd.s32 v53, v1  }
0x165: {  	v1 =	vadd.s32 v54, v1  }
0x166: {  	v1 =	vmax.u32 v1, $0x1  }
0x167: {  	v1 =	vmin.u32 v1, $0xA  }
0x168: {  	v1 =	vadd.s32 $0xFFFFFFFF, v1  }
0x169: {  	v55 =	vpop (erf)  }
0x16a: {  	v2 =	vmul.f32 v55, v2;
	_ =	sdelay $0x1  }
0x16b: {  	[tilespmem:$0x360] =	vst v2  }
0x16c: {  	v1 =	vld.idx.msk [tilespmem:v1+s7+$0x0], $0xffff;
	_ =	sdelay $0x1  }
0x16d: {  	v2 =	vld [tilespmem:$0x100];
	_ =	sdelay $0x2  }
0x16e: {  	v1 =	vmul.f32 v1, v1;
	_ =	sdelay $0x1  }
0x16f: {  	vm8 =	vgt.f32 v2, $0.0e+00;
	v1 =	vmax.f32 v1, $9.999999770e-03  }
0x170: {  	vm9 =	vgt.f32 v2, $1.000000010e-01;
	vm10 =	vgt.f32 v2, $2.000000030e-01;
	v1 =	vmin.f32 v1, $1.000000000e+02  }
0x171: {  	v56 =	vsel vm8, $0x1, v0;
	(erf) = vrcp.f32 v1;
	v1 =	vsel vm9, $0x1, v0  }
0x172: {  	vm11 =	vgt.f32 v2, $3.000000120e-01;
	v57 =	vsel vm10, $0x1, v0;
	v1 =	vadd.s32 v1, v56  }
0x173: {  	vm12 =	vgt.f32 v2, $4.000000060e-01;
	v58 =	vsel vm11, $0x1, v0;
	v1 =	vadd.s32 v57, v1  }
0x174: {  	vm13 =	vgt.f32 v2, $5.000000000e-01;
	v59 =	vsel vm12, $0x1, v0;
	v1 =	vadd.s32 v58, v1  }
0x175: {  	vm14 =	vgt.f32 v2, $6.000000240e-01;
	v60 =	vsel vm13, $0x1, v0;
	v1 =	vadd.s32 v59, v1  }
0x176: {  	vm15 =	vgt.f32 v2, $6.999999880e-01;
	v61 =	vsel vm14, $0x1, v0;
	v1 =	vadd.s32 v60, v1  }
0x177: {  	vm4 =	vgt.f32 v2, $8.000000110e-01;
	v62 =	vsel vm15, $0x1, v0;
	v1 =	vadd.s32 v61, v1  }
0x178: {  	vm5 =	vgt.f32 v2, $9.000000350e-01;
	v63 =	vsel vm4, $0x1, v0;
	v1 =	vadd.s32 v62, v1  }
0x179: {  	vm6 =	vgt.f32 v2, $1.000000000e+00;
	v8 =	vsel vm5, $0x1, v0;
	v1 =	vadd.s32 v63, v1  }
0x17a: {  	v9 =	vsel vm6, $0x1, v0;
	v1 =	vadd.s32 v8, v1  }
0x17b: {  	v1 =	vadd.s32 v9, v1  }
0x17c: {  	v1 =	vmax.u32 v1, $0x1  }
0x17d: {  	v1 =	vmin.u32 v1, $0xA  }
0x17e: {  	v1 =	vadd.s32 $0xFFFFFFFF, v1  }
0x17f: {  	v10 =	vpop (erf)  }
0x180: {  	v3 =	vmul.f32 v10, v3;
	_ =	sdelay $0x1  }
0x181: {  	[tilespmem:$0x370] =	vst v3  }
0x182: {  	v1 =	vld.idx.msk [tilespmem:v1+s7+$0x0], $0xffff;
	_ =	sdelay $0x1  }
0x183: {  	v3 =	vld [tilespmem:$0x110];
	_ =	sdelay $0x2  }
0x184: {  	v1 =	vmul.f32 v1, v1;
	_ =	sdelay $0x1  }
0x185: {  	vm7 =	vgt.f32 v3, $0.0e+00;
	v1 =	vmax.f32 v1, $9.999999770e-03  }
0x186: {  	vm8 =	vgt.f32 v3, $1.000000010e-01;
	vm9 =	vgt.f32 v3, $2.000000030e-01;
	v1 =	vmin.f32 v1, $1.000000000e+02  }
0x187: {  	v11 =	vsel vm7, $0x1, v0;
	(erf) = vrcp.f32 v1;
	v1 =	vsel vm8, $0x1, v0  }
0x188: {  	vm10 =	vgt.f32 v3, $3.000000120e-01;
	v12 =	vsel vm9, $0x1, v0;
	v1 =	vadd.s32 v1, v11  }
0x189: {  	vm11 =	vgt.f32 v3, $4.000000060e-01;
	v13 =	vsel vm10, $0x1, v0;
	v1 =	vadd.s32 v12, v1  }
0x18a: {  	vm12 =	vgt.f32 v3, $5.000000000e-01;
	v14 =	vsel vm11, $0x1, v0;
	v1 =	vadd.s32 v13, v1  }
0x18b: {  	vm13 =	vgt.f32 v3, $6.000000240e-01;
	v15 =	vsel vm12, $0x1, v0;
	v1 =	vadd.s32 v14, v1  }
0x18c: {  	vm14 =	vgt.f32 v3, $6.999999880e-01;
	v16 =	vsel vm13, $0x1, v0;
	v1 =	vadd.s32 v15, v1  }
0x18d: {  	vm15 =	vgt.f32 v3, $8.000000110e-01;
	v17 =	vsel vm14, $0x1, v0;
	v1 =	vadd.s32 v16, v1  }
0x18e: {  	vm4 =	vgt.f32 v3, $9.000000350e-01;
	v18 =	vsel vm15, $0x1, v0;
	v1 =	vadd.s32 v17, v1  }
0x18f: {  	vm5 =	vgt.f32 v3, $1.000000000e+00;
	v19 =	vsel vm4, $0x1, v0;
	v1 =	vadd.s32 v18, v1  }
0x190: {  	v20 =	vsel vm5, $0x1, v0;
	v1 =	vadd.s32 v19, v1  }
0x191: {  	v1 =	vadd.s32 v20, v1  }
0x192: {  	v1 =	vmax.u32 v1, $0x1  }
0x193: {  	v1 =	vmin.u32 v1, $0xA  }
0x194: {  	v1 =	vadd.s32 $0xFFFFFFFF, v1  }
0x195: {  	v21 =	vpop (erf)  }
0x196: {  	v2 =	vmul.f32 v21, v2;
	_ =	sdelay $0x1  }
0x197: {  	[tilespmem:$0x380] =	vst v2  }
0x198: {  	v1 =	vld.idx.msk [tilespmem:v1+s7+$0x0], $0xffff;
	_ =	sdelay $0x1  }
0x199: {  	v2 =	vld [tilespmem:$0x120];
	_ =	sdelay $0x2  }
0x19a: {  	v1 =	vmul.f32 v1, v1;
	_ =	sdelay $0x1  }
0x19b: {  	vm6 =	vgt.f32 v2, $0.0e+00;
	v1 =	vmax.f32 v1, $9.999999770e-03  }
0x19c: {  	vm7 =	vgt.f32 v2, $1.000000010e-01;
	vm8 =	vgt.f32 v2, $2.000000030e-01;
	v1 =	vmin.f32 v1, $1.000000000e+02  }
0x19d: {  	v22 =	vsel vm6, $0x1, v0;
	(erf) = vrcp.f32 v1;
	v1 =	vsel vm7, $0x1, v0  }
0x19e: {  	vm9 =	vgt.f32 v2, $3.000000120e-01;
	v23 =	vsel vm8, $0x1, v0;
	v1 =	vadd.s32 v1, v22  }
0x19f: {  	vm10 =	vgt.f32 v2, $4.000000060e-01;
	v24 =	vsel vm9, $0x1, v0;
	v1 =	vadd.s32 v23, v1  }
0x1a0: {  	vm11 =	vgt.f32 v2, $5.000000000e-01;
	v25 =	vsel vm10, $0x1, v0;
	v1 =	vadd.s32 v24, v1  }
0x1a1: {  	vm12 =	vgt.f32 v2, $6.000000240e-01;
	v26 =	vsel vm11, $0x1, v0;
	v1 =	vadd.s32 v25, v1  }
0x1a2: {  	vm13 =	vgt.f32 v2, $6.999999880e-01;
	v27 =	vsel vm12, $0x1, v0;
	v1 =	vadd.s32 v26, v1  }
0x1a3: {  	vm14 =	vgt.f32 v2, $8.000000110e-01;
	v28 =	vsel vm13, $0x1, v0;
	v1 =	vadd.s32 v27, v1  }
0x1a4: {  	vm15 =	vgt.f32 v2, $9.000000350e-01;
	v29 =	vsel vm14, $0x1, v0;
	v1 =	vadd.s32 v28, v1  }
0x1a5: {  	vm4 =	vgt.f32 v2, $1.000000000e+00;
	v30 =	vsel vm15, $0x1, v0;
	v1 =	vadd.s32 v29, v1  }
0x1a6: {  	v31 =	vsel vm4, $0x1, v0;
	v1 =	vadd.s32 v30, v1  }
0x1a7: {  	v1 =	vadd.s32 v31, v1  }
0x1a8: {  	v1 =	vmax.u32 v1, $0x1  }
0x1a9: {  	v1 =	vmin.u32 v1, $0xA  }
0x1aa: {  	v1 =	vadd.s32 $0xFFFFFFFF, v1  }
0x1ab: {  	v32 =	vpop (erf)  }
0x1ac: {  	v3 =	vmul.f32 v32, v3;
	_ =	sdelay $0x1  }
0x1ad: {  	[tilespmem:$0x390] =	vst v3  }
0x1ae: {  	v1 =	vld.idx.msk [tilespmem:v1+s7+$0x0], $0xffff;
	_ =	sdelay $0x1  }
0x1af: {  	v3 =	vld [tilespmem:$0x130];
	_ =	sdelay $0x2  }
0x1b0: {  	v1 =	vmul.f32 v1, v1;
	_ =	sdelay $0x1  }
0x1b1: {  	vm5 =	vgt.f32 v3, $0.0e+00;
	v1 =	vmax.f32 v1, $9.999999770e-03  }
0x1b2: {  	vm6 =	vgt.f32 v3, $1.000000010e-01;
	vm7 =	vgt.f32 v3, $2.000000030e-01;
	v1 =	vmin.f32 v1, $1.000000000e+02  }
0x1b3: {  	v33 =	vsel vm5, $0x1, v0;
	(erf) = vrcp.f32 v1;
	v1 =	vsel vm6, $0x1, v0  }
0x1b4: {  	vm8 =	vgt.f32 v3, $3.000000120e-01;
	v34 =	vsel vm7, $0x1, v0;
	v1 =	vadd.s32 v1, v33  }
0x1b5: {  	vm9 =	vgt.f32 v3, $4.000000060e-01;
	v35 =	vsel vm8, $0x1, v0;
	v1 =	vadd.s32 v34, v1  }
0x1b6: {  	vm10 =	vgt.f32 v3, $5.000000000e-01;
	v36 =	vsel vm9, $0x1, v0;
	v1 =	vadd.s32 v35, v1  }
0x1b7: {  	vm11 =	vgt.f32 v3, $6.000000240e-01;
	v37 =	vsel vm10, $0x1, v0;
	v1 =	vadd.s32 v36, v1  }
0x1b8: {  	vm12 =	vgt.f32 v3, $6.999999880e-01;
	v38 =	vsel vm11, $0x1, v0;
	v1 =	vadd.s32 v37, v1  }
0x1b9: {  	vm13 =	vgt.f32 v3, $8.000000110e-01;
	v39 =	vsel vm12, $0x1, v0;
	v1 =	vadd.s32 v38, v1  }
0x1ba: {  	vm14 =	vgt.f32 v3, $9.000000350e-01;
	v40 =	vsel vm13, $0x1, v0;
	v1 =	vadd.s32 v39, v1  }
0x1bb: {  	vm15 =	vgt.f32 v3, $1.000000000e+00;
	v41 =	vsel vm14, $0x1, v0;
	v1 =	vadd.s32 v40, v1  }
0x1bc: {  	v42 =	vsel vm15, $0x1, v0;
	v1 =	vadd.s32 v41, v1  }
0x1bd: {  	v1 =	vadd.s32 v42, v1  }
0x1be: {  	v1 =	vmax.u32 v1, $0x1  }
0x1bf: {  	v1 =	vmin.u32 v1, $0xA  }
0x1c0: {  	v1 =	vadd.s32 $0xFFFFFFFF, v1  }
0x1c1: {  	v43 =	vpop (erf)  }
0x1c2: {  	v2 =	vmul.f32 v43, v2;
	_ =	sdelay $0x1  }
0x1c3: {  	[tilespmem:$0x3A0] =	vst v2  }
0x1c4: {  	v1 =	vld.idx.msk [tilespmem:v1+s7+$0x0], $0xffff;
	_ =	sdelay $0x1  }
0x1c5: {  	v2 =	vld [tilespmem:$0x140];
	_ =	sdelay $0x2  }
0x1c6: {  	v1 =	vmul.f32 v1, v1;
	_ =	sdelay $0x1  }
0x1c7: {  	vm4 =	vgt.f32 v2, $0.0e+00;
	v1 =	vmax.f32 v1, $9.999999770e-03  }
0x1c8: {  	vm5 =	vgt.f32 v2, $1.000000010e-01;
	vm6 =	vgt.f32 v2, $2.000000030e-01;
	v1 =	vmin.f32 v1, $1.000000000e+02  }
0x1c9: {  	v44 =	vsel vm4, $0x1, v0;
	(erf) = vrcp.f32 v1;
	v1 =	vsel vm5, $0x1, v0  }
0x1ca: {  	vm7 =	vgt.f32 v2, $3.000000120e-01;
	v45 =	vsel vm6, $0x1, v0;
	v1 =	vadd.s32 v1, v44  }
0x1cb: {  	vm8 =	vgt.f32 v2, $4.000000060e-01;
	v46 =	vsel vm7, $0x1, v0;
	v1 =	vadd.s32 v45, v1  }
0x1cc: {  	vm9 =	vgt.f32 v2, $5.000000000e-01;
	v47 =	vsel vm8, $0x1, v0;
	v1 =	vadd.s32 v46, v1  }
0x1cd: {  	vm10 =	vgt.f32 v2, $6.000000240e-01;
	v48 =	vsel vm9, $0x1, v0;
	v1 =	vadd.s32 v47, v1  }
0x1ce: {  	vm11 =	vgt.f32 v2, $6.999999880e-01;
	v49 =	vsel vm10, $0x1, v0;
	v1 =	vadd.s32 v48, v1  }
0x1cf: {  	vm12 =	vgt.f32 v2, $8.000000110e-01;
	v50 =	vsel vm11, $0x1, v0;
	v1 =	vadd.s32 v49, v1  }
0x1d0: {  	vm13 =	vgt.f32 v2, $9.000000350e-01;
	v51 =	vsel vm12, $0x1, v0;
	v1 =	vadd.s32 v50, v1  }
0x1d1: {  	vm14 =	vgt.f32 v2, $1.000000000e+00;
	v52 =	vsel vm13, $0x1, v0;
	v1 =	vadd.s32 v51, v1  }
0x1d2: {  	v53 =	vsel vm14, $0x1, v0;
	v1 =	vadd.s32 v52, v1  }
0x1d3: {  	v1 =	vadd.s32 v53, v1  }
0x1d4: {  	v1 =	vmax.u32 v1, $0x1  }
0x1d5: {  	v1 =	vmin.u32 v1, $0xA  }
0x1d6: {  	v1 =	vadd.s32 $0xFFFFFFFF, v1  }
0x1d7: {  	v54 =	vpop (erf)  }
0x1d8: {  	v3 =	vmul.f32 v54, v3;
	_ =	sdelay $0x1  }
0x1d9: {  	[tilespmem:$0x3B0] =	vst v3  }
0x1da: {  	v1 =	vld.idx.msk [tilespmem:v1+s7+$0x0], $0xffff;
	_ =	sdelay $0x1  }
0x1db: {  	v3 =	vld [tilespmem:$0x150];
	_ =	sdelay $0x2  }
0x1dc: {  	v1 =	vmul.f32 v1, v1;
	_ =	sdelay $0x1  }
0x1dd: {  	vm15 =	vgt.f32 v3, $0.0e+00;
	v1 =	vmax.f32 v1, $9.999999770e-03  }
0x1de: {  	vm4 =	vgt.f32 v3, $1.000000010e-01;
	vm5 =	vgt.f32 v3, $2.000000030e-01;
	v1 =	vmin.f32 v1, $1.000000000e+02  }
0x1df: {  	v55 =	vsel vm15, $0x1, v0;
	(erf) = vrcp.f32 v1;
	v1 =	vsel vm4, $0x1, v0  }
0x1e0: {  	vm6 =	vgt.f32 v3, $3.000000120e-01;
	v56 =	vsel vm5, $0x1, v0;
	v1 =	vadd.s32 v1, v55  }
0x1e1: {  	vm7 =	vgt.f32 v3, $4.000000060e-01;
	v57 =	vsel vm6, $0x1, v0;
	v1 =	vadd.s32 v56, v1  }
0x1e2: {  	vm8 =	vgt.f32 v3, $5.000000000e-01;
	v58 =	vsel vm7, $0x1, v0;
	v1 =	vadd.s32 v57, v1  }
0x1e3: {  	vm9 =	vgt.f32 v3, $6.000000240e-01;
	v59 =	vsel vm8, $0x1, v0;
	v1 =	vadd.s32 v58, v1  }
0x1e4: {  	vm10 =	vgt.f32 v3, $6.999999880e-01;
	v60 =	vsel vm9, $0x1, v0;
	v1 =	vadd.s32 v59, v1  }
0x1e5: {  	vm11 =	vgt.f32 v3, $8.000000110e-01;
	v61 =	vsel vm10, $0x1, v0;
	v1 =	vadd.s32 v60, v1  }
0x1e6: {  	vm12 =	vgt.f32 v3, $9.000000350e-01;
	v62 =	vsel vm11, $0x1, v0;
	v1 =	vadd.s32 v61, v1  }
0x1e7: {  	vm13 =	vgt.f32 v3, $1.000000000e+00;
	v63 =	vsel vm12, $0x1, v0;
	v1 =	vadd.s32 v62, v1  }
0x1e8: {  	v8 =	vsel vm13, $0x1, v0;
	v1 =	vadd.s32 v63, v1  }
0x1e9: {  	v1 =	vadd.s32 v8, v1  }
0x1ea: {  	v1 =	vmax.u32 v1, $0x1  }
0x1eb: {  	v1 =	vmin.u32 v1, $0xA  }
0x1ec: {  	v1 =	vadd.s32 $0xFFFFFFFF, v1  }
0x1ed: {  	v9 =	vpop (erf)  }
0x1ee: {  	v2 =	vmul.f32 v9, v2;
	_ =	sdelay $0x1  }
0x1ef: {  	[tilespmem:$0x3C0] =	vst v2  }
0x1f0: {  	v1 =	vld.idx.msk [tilespmem:v1+s7+$0x0], $0xffff;
	_ =	sdelay $0x1  }
0x1f1: {  	v2 =	vld [tilespmem:$0x160];
	_ =	sdelay $0x2  }
0x1f2: {  	v1 =	vmul.f32 v1, v1;
	_ =	sdelay $0x1  }
0x1f3: {  	vm14 =	vgt.f32 v2, $0.0e+00;
	v1 =	vmax.f32 v1, $9.999999770e-03  }
0x1f4: {  	vm15 =	vgt.f32 v2, $1.000000010e-01;
	vm4 =	vgt.f32 v2, $2.000000030e-01;
	v1 =	vmin.f32 v1, $1.000000000e+02  }
0x1f5: {  	v10 =	vsel vm14, $0x1, v0;
	(erf) = vrcp.f32 v1;
	v1 =	vsel vm15, $0x1, v0  }
0x1f6: {  	vm5 =	vgt.f32 v2, $3.000000120e-01;
	v11 =	vsel vm4, $0x1, v0;
	v1 =	vadd.s32 v1, v10  }
0x1f7: {  	vm6 =	vgt.f32 v2, $4.000000060e-01;
	v12 =	vsel vm5, $0x1, v0;
	v1 =	vadd.s32 v11, v1  }
0x1f8: {  	vm7 =	vgt.f32 v2, $5.000000000e-01;
	v13 =	vsel vm6, $0x1, v0;
	v1 =	vadd.s32 v12, v1  }
0x1f9: {  	vm8 =	vgt.f32 v2, $6.000000240e-01;
	v14 =	vsel vm7, $0x1, v0;
	v1 =	vadd.s32 v13, v1  }
0x1fa: {  	vm9 =	vgt.f32 v2, $6.999999880e-01;
	v15 =	vsel vm8, $0x1, v0;
	v1 =	vadd.s32 v14, v1  }
0x1fb: {  	vm10 =	vgt.f32 v2, $8.000000110e-01;
	v16 =	vsel vm9, $0x1, v0;
	v1 =	vadd.s32 v15, v1  }
0x1fc: {  	vm11 =	vgt.f32 v2, $9.000000350e-01;
	v17 =	vsel vm10, $0x1, v0;
	v1 =	vadd.s32 v16, v1  }
0x1fd: {  	vm12 =	vgt.f32 v2, $1.000000000e+00;
	v18 =	vsel vm11, $0x1, v0;
	v1 =	vadd.s32 v17, v1  }
0x1fe: {  	v19 =	vsel vm12, $0x1, v0;
	v1 =	vadd.s32 v18, v1  }
0x1ff: {  	v1 =	vadd.s32 v19, v1  }
0x200: {  	v1 =	vmax.u32 v1, $0x1  }
0x201: {  	v1 =	vmin.u32 v1, $0xA  }
0x202: {  	v1 =	vadd.s32 $0xFFFFFFFF, v1  }
0x203: {  	v20 =	vpop (erf)  }
0x204: {  	v3 =	vmul.f32 v20, v3;
	_ =	sdelay $0x1  }
0x205: {  	[tilespmem:$0x3D0] =	vst v3  }
0x206: {  	v1 =	vld.idx.msk [tilespmem:v1+s7+$0x0], $0xffff;
	_ =	sdelay $0x1  }
0x207: {  	v3 =	vld [tilespmem:$0x170];
	_ =	sdelay $0x2  }
0x208: {  	v1 =	vmul.f32 v1, v1;
	_ =	sdelay $0x1  }
0x209: {  	vm13 =	vgt.f32 v3, $0.0e+00;
	v1 =	vmax.f32 v1, $9.999999770e-03  }
0x20a: {  	vm14 =	vgt.f32 v3, $1.000000010e-01;
	vm15 =	vgt.f32 v3, $2.000000030e-01;
	v1 =	vmin.f32 v1, $1.000000000e+02  }
0x20b: {  	v21 =	vsel vm13, $0x1, v0;
	(erf) = vrcp.f32 v1;
	v1 =	vsel vm14, $0x1, v0  }
0x20c: {  	vm4 =	vgt.f32 v3, $3.000000120e-01;
	v22 =	vsel vm15, $0x1, v0;
	v1 =	vadd.s32 v1, v21  }
0x20d: {  	vm5 =	vgt.f32 v3, $4.000000060e-01;
	v23 =	vsel vm4, $0x1, v0;
	v1 =	vadd.s32 v22, v1  }
0x20e: {  	vm6 =	vgt.f32 v3, $5.000000000e-01;
	v24 =	vsel vm5, $0x1, v0;
	v1 =	vadd.s32 v23, v1  }
0x20f: {  	vm7 =	vgt.f32 v3, $6.000000240e-01;
	v25 =	vsel vm6, $0x1, v0;
	v1 =	vadd.s32 v24, v1  }
0x210: {  	vm8 =	vgt.f32 v3, $6.999999880e-01;
	v26 =	vsel vm7, $0x1, v0;
	v1 =	vadd.s32 v25, v1  }
0x211: {  	vm9 =	vgt.f32 v3, $8.000000110e-01;
	v27 =	vsel vm8, $0x1, v0;
	v1 =	vadd.s32 v26, v1  }
0x212: {  	vm10 =	vgt.f32 v3, $9.000000350e-01;
	v28 =	vsel vm9, $0x1, v0;
	v1 =	vadd.s32 v27, v1  }
0x213: {  	vm11 =	vgt.f32 v3, $1.000000000e+00;
	v29 =	vsel vm10, $0x1, v0;
	v1 =	vadd.s32 v28, v1  }
0x214: {  	v30 =	vsel vm11, $0x1, v0;
	v1 =	vadd.s32 v29, v1  }
0x215: {  	v1 =	vadd.s32 v30, v1  }
0x216: {  	v1 =	vmax.u32 v1, $0x1  }
0x217: {  	v1 =	vmin.u32 v1, $0xA  }
0x218: {  	v1 =	vadd.s32 $0xFFFFFFFF, v1  }
0x219: {  	v31 =	vpop (erf)  }
0x21a: {  	v2 =	vmul.f32 v31, v2;
	_ =	sdelay $0x1  }
0x21b: {  	[tilespmem:$0x3E0] =	vst v2  }
0x21c: {  	v1 =	vld.idx.msk [tilespmem:v1+s7+$0x0], $0xffff;
	_ =	sdelay $0x1  }
0x21d: {  	v2 =	vld [tilespmem:$0x180];
	_ =	sdelay $0x2  }
0x21e: {  	v1 =	vmul.f32 v1, v1;
	_ =	sdelay $0x1  }
0x21f: {  	vm12 =	vgt.f32 v2, $0.0e+00;
	v1 =	vmax.f32 v1, $9.999999770e-03  }
0x220: {  	vm13 =	vgt.f32 v2, $1.000000010e-01;
	vm14 =	vgt.f32 v2, $2.000000030e-01;
	v1 =	vmin.f32 v1, $1.000000000e+02  }
0x221: {  	v32 =	vsel vm12, $0x1, v0;
	(erf) = vrcp.f32 v1;
	v1 =	vsel vm13, $0x1, v0  }
0x222: {  	vm15 =	vgt.f32 v2, $3.000000120e-01;
	v33 =	vsel vm14, $0x1, v0;
	v1 =	vadd.s32 v1, v32  }
0x223: {  	vm4 =	vgt.f32 v2, $4.000000060e-01;
	v34 =	vsel vm15, $0x1, v0;
	v1 =	vadd.s32 v33, v1  }
0x224: {  	vm5 =	vgt.f32 v2, $5.000000000e-01;
	v35 =	vsel vm4, $0x1, v0;
	v1 =	vadd.s32 v34, v1  }
0x225: {  	vm6 =	vgt.f32 v2, $6.000000240e-01;
	v36 =	vsel vm5, $0x1, v0;
	v1 =	vadd.s32 v35, v1  }
0x226: {  	vm7 =	vgt.f32 v2, $6.999999880e-01;
	v37 =	vsel vm6, $0x1, v0;
	v1 =	vadd.s32 v36, v1  }
0x227: {  	vm8 =	vgt.f32 v2, $8.000000110e-01;
	v38 =	vsel vm7, $0x1, v0;
	v1 =	vadd.s32 v37, v1  }
0x228: {  	vm9 =	vgt.f32 v2, $9.000000350e-01;
	v39 =	vsel vm8, $0x1, v0;
	v1 =	vadd.s32 v38, v1  }
0x229: {  	vm10 =	vgt.f32 v2, $1.000000000e+00;
	v40 =	vsel vm9, $0x1, v0;
	v1 =	vadd.s32 v39, v1  }
0x22a: {  	v41 =	vsel vm10, $0x1, v0;
	v1 =	vadd.s32 v40, v1  }
0x22b: {  	v1 =	vadd.s32 v41, v1  }
0x22c: {  	v1 =	vmax.u32 v1, $0x1  }
0x22d: {  	v1 =	vmin.u32 v1, $0xA  }
0x22e: {  	v1 =	vadd.s32 $0xFFFFFFFF, v1  }
0x22f: {  	v42 =	vpop (erf)  }
0x230: {  	v3 =	vmul.f32 v42, v3;
	_ =	sdelay $0x1  }
0x231: {  	[tilespmem:$0x3F0] =	vst v3  }
0x232: {  	v1 =	vld.idx.msk [tilespmem:v1+s7+$0x0], $0xffff;
	_ =	sdelay $0x1  }
0x233: {  	v3 =	vld [tilespmem:$0x190];
	_ =	sdelay $0x2  }
0x234: {  	v1 =	vmul.f32 v1, v1;
	_ =	sdelay $0x1  }
0x235: {  	vm11 =	vgt.f32 v3, $0.0e+00;
	v1 =	vmax.f32 v1, $9.999999770e-03  }
0x236: {  	vm12 =	vgt.f32 v3, $1.000000010e-01;
	vm13 =	vgt.f32 v3, $2.000000030e-01;
	v1 =	vmin.f32 v1, $1.000000000e+02  }
0x237: {  	v43 =	vsel vm11, $0x1, v0;
	(erf) = vrcp.f32 v1;
	v1 =	vsel vm12, $0x1, v0  }
0x238: {  	vm14 =	vgt.f32 v3, $3.000000120e-01;
	v44 =	vsel vm13, $0x1, v0;
	v1 =	vadd.s32 v1, v43  }
0x239: {  	vm15 =	vgt.f32 v3, $4.000000060e-01;
	v45 =	vsel vm14, $0x1, v0;
	v1 =	vadd.s32 v44, v1  }
0x23a: {  	vm4 =	vgt.f32 v3, $5.000000000e-01;
	v46 =	vsel vm15, $0x1, v0;
	v1 =	vadd.s32 v45, v1  }
0x23b: {  	vm5 =	vgt.f32 v3, $6.000000240e-01;
	v47 =	vsel vm4, $0x1, v0;
	v1 =	vadd.s32 v46, v1  }
0x23c: {  	vm6 =	vgt.f32 v3, $6.999999880e-01;
	v48 =	vsel vm5, $0x1, v0;
	v1 =	vadd.s32 v47, v1  }
0x23d: {  	vm7 =	vgt.f32 v3, $8.000000110e-01;
	v49 =	vsel vm6, $0x1, v0;
	v1 =	vadd.s32 v48, v1  }
0x23e: {  	vm8 =	vgt.f32 v3, $9.000000350e-01;
	v50 =	vsel vm7, $0x1, v0;
	v1 =	vadd.s32 v49, v1  }
0x23f: {  	vm9 =	vgt.f32 v3, $1.000000000e+00;
	v51 =	vsel vm8, $0x1, v0;
	v1 =	vadd.s32 v50, v1  }
0x240: {  	v52 =	vsel vm9, $0x1, v0;
	v1 =	vadd.s32 v51, v1  }
0x241: {  	v1 =	vadd.s32 v52, v1  }
0x242: {  	v1 =	vmax.u32 v1, $0x1  }
0x243: {  	v1 =	vmin.u32 v1, $0xA  }
0x244: {  	v1 =	vadd.s32 $0xFFFFFFFF, v1  }
0x245: {  	v53 =	vpop (erf)  }
0x246: {  	v2 =	vmul.f32 v53, v2;
	_ =	sdelay $0x1  }
0x247: {  	[tilespmem:$0x400] =	vst v2  }
0x248: {  	v1 =	vld.idx.msk [tilespmem:v1+s7+$0x0], $0xffff;
	_ =	sdelay $0x1  }
0x249: {  	v2 =	vld [tilespmem:$0x1A0];
	_ =	sdelay $0x2  }
0x24a: {  	v1 =	vmul.f32 v1, v1;
	_ =	sdelay $0x1  }
0x24b: {  	vm10 =	vgt.f32 v2, $0.0e+00;
	v1 =	vmax.f32 v1, $9.999999770e-03  }
0x24c: {  	vm11 =	vgt.f32 v2, $1.000000010e-01;
	vm12 =	vgt.f32 v2, $2.000000030e-01;
	v1 =	vmin.f32 v1, $1.000000000e+02  }
0x24d: {  	v54 =	vsel vm10, $0x1, v0;
	(erf) = vrcp.f32 v1;
	v1 =	vsel vm11, $0x1, v0  }
0x24e: {  	vm13 =	vgt.f32 v2, $3.000000120e-01;
	v55 =	vsel vm12, $0x1, v0;
	v1 =	vadd.s32 v1, v54  }
0x24f: {  	vm14 =	vgt.f32 v2, $4.000000060e-01;
	v56 =	vsel vm13, $0x1, v0;
	v1 =	vadd.s32 v55, v1  }
0x250: {  	vm15 =	vgt.f32 v2, $5.000000000e-01;
	v57 =	vsel vm14, $0x1, v0;
	v1 =	vadd.s32 v56, v1  }
0x251: {  	vm4 =	vgt.f32 v2, $6.000000240e-01;
	v58 =	vsel vm15, $0x1, v0;
	v1 =	vadd.s32 v57, v1  }
0x252: {  	vm5 =	vgt.f32 v2, $6.999999880e-01;
	v59 =	vsel vm4, $0x1, v0;
	v1 =	vadd.s32 v58, v1  }
0x253: {  	vm6 =	vgt.f32 v2, $8.000000110e-01;
	v60 =	vsel vm5, $0x1, v0;
	v1 =	vadd.s32 v59, v1  }
0x254: {  	vm7 =	vgt.f32 v2, $9.000000350e-01;
	v61 =	vsel vm6, $0x1, v0;
	v1 =	vadd.s32 v60, v1  }
0x255: {  	vm8 =	vgt.f32 v2, $1.000000000e+00;
	v62 =	vsel vm7, $0x1, v0;
	v1 =	vadd.s32 v61, v1  }
0x256: {  	v63 =	vsel vm8, $0x1, v0;
	v1 =	vadd.s32 v62, v1  }
0x257: {  	v1 =	vadd.s32 v63, v1  }
0x258: {  	v1 =	vmax.u32 v1, $0x1  }
0x259: {  	v1 =	vmin.u32 v1, $0xA  }
0x25a: {  	v1 =	vadd.s32 $0xFFFFFFFF, v1  }
0x25b: {  	v8 =	vpop (erf)  }
0x25c: {  	v3 =	vmul.f32 v8, v3;
	_ =	sdelay $0x1  }
0x25d: {  	[tilespmem:$0x410] =	vst v3  }
0x25e: {  	v1 =	vld.idx.msk [tilespmem:v1+s7+$0x0], $0xffff;
	_ =	sdelay $0x1  }
0x25f: {  	v3 =	vld [tilespmem:$0x1B0];
	_ =	sdelay $0x2  }
0x260: {  	v1 =	vmul.f32 v1, v1;
	_ =	sdelay $0x1  }
0x261: {  	vm9 =	vgt.f32 v3, $0.0e+00;
	v1 =	vmax.f32 v1, $9.999999770e-03  }
0x262: {  	vm10 =	vgt.f32 v3, $1.000000010e-01;
	vm11 =	vgt.f32 v3, $2.000000030e-01;
	v1 =	vmin.f32 v1, $1.000000000e+02  }
0x263: {  	v9 =	vsel vm9, $0x1, v0;
	(erf) = vrcp.f32 v1;
	v1 =	vsel vm10, $0x1, v0  }
0x264: {  	vm12 =	vgt.f32 v3, $3.000000120e-01;
	v10 =	vsel vm11, $0x1, v0;
	v1 =	vadd.s32 v1, v9  }
0x265: {  	vm13 =	vgt.f32 v3, $4.000000060e-01;
	v11 =	vsel vm12, $0x1, v0;
	v1 =	vadd.s32 v10, v1  }
0x266: {  	vm14 =	vgt.f32 v3, $5.000000000e-01;
	v12 =	vsel vm13, $0x1, v0;
	v1 =	vadd.s32 v11, v1  }
0x267: {  	vm15 =	vgt.f32 v3, $6.000000240e-01;
	v13 =	vsel vm14, $0x1, v0;
	v1 =	vadd.s32 v12, v1  }
0x268: {  	vm4 =	vgt.f32 v3, $6.999999880e-01;
	v14 =	vsel vm15, $0x1, v0;
	v1 =	vadd.s32 v13, v1  }
0x269: {  	vm5 =	vgt.f32 v3, $8.000000110e-01;
	v15 =	vsel vm4, $0x1, v0;
	v1 =	vadd.s32 v14, v1  }
0x26a: {  	vm6 =	vgt.f32 v3, $9.000000350e-01;
	v16 =	vsel vm5, $0x1, v0;
	v1 =	vadd.s32 v15, v1  }
0x26b: {  	vm7 =	vgt.f32 v3, $1.000000000e+00;
	v17 =	vsel vm6, $0x1, v0;
	v1 =	vadd.s32 v16, v1  }
0x26c: {  	v18 =	vsel vm7, $0x1, v0;
	v1 =	vadd.s32 v17, v1  }
0x26d: {  	v1 =	vadd.s32 v18, v1  }
0x26e: {  	v1 =	vmax.u32 v1, $0x1  }
0x26f: {  	v1 =	vmin.u32 v1, $0xA  }
0x270: {  	v1 =	vadd.s32 $0xFFFFFFFF, v1  }
0x271: {  	v19 =	vpop (erf)  }
0x272: {  	v2 =	vmul.f32 v19, v2;
	_ =	sdelay $0x1  }
0x273: {  	[tilespmem:$0x420] =	vst v2  }
0x274: {  	v1 =	vld.idx.msk [tilespmem:v1+s7+$0x0], $0xffff;
	_ =	sdelay $0x1  }
0x275: {  	v2 =	vld [tilespmem:$0x1C0];
	_ =	sdelay $0x2  }
0x276: {  	v1 =	vmul.f32 v1, v1;
	_ =	sdelay $0x1  }
0x277: {  	vm8 =	vgt.f32 v2, $0.0e+00;
	v1 =	vmax.f32 v1, $9.999999770e-03  }
0x278: {  	vm9 =	vgt.f32 v2, $1.000000010e-01;
	vm10 =	vgt.f32 v2, $2.000000030e-01;
	v1 =	vmin.f32 v1, $1.000000000e+02  }
0x279: {  	v20 =	vsel vm8, $0x1, v0;
	(erf) = vrcp.f32 v1;
	v1 =	vsel vm9, $0x1, v0  }
0x27a: {  	vm11 =	vgt.f32 v2, $3.000000120e-01;
	v21 =	vsel vm10, $0x1, v0;
	v1 =	vadd.s32 v1, v20  }
0x27b: {  	vm12 =	vgt.f32 v2, $4.000000060e-01;
	v22 =	vsel vm11, $0x1, v0;
	v1 =	vadd.s32 v21, v1  }
0x27c: {  	vm13 =	vgt.f32 v2, $5.000000000e-01;
	v23 =	vsel vm12, $0x1, v0;
	v1 =	vadd.s32 v22, v1  }
0x27d: {  	vm14 =	vgt.f32 v2, $6.000000240e-01;
	v24 =	vsel vm13, $0x1, v0;
	v1 =	vadd.s32 v23, v1  }
0x27e: {  	vm15 =	vgt.f32 v2, $6.999999880e-01;
	v25 =	vsel vm14, $0x1, v0;
	v1 =	vadd.s32 v24, v1  }
0x27f: {  	vm4 =	vgt.f32 v2, $8.000000110e-01;
	v26 =	vsel vm15, $0x1, v0;
	v1 =	vadd.s32 v25, v1  }
0x280: {  	vm5 =	vgt.f32 v2, $9.000000350e-01;
	v27 =	vsel vm4, $0x1, v0;
	v1 =	vadd.s32 v26, v1  }
0x281: {  	vm6 =	vgt.f32 v2, $1.000000000e+00;
	v28 =	vsel vm5, $0x1, v0;
	v1 =	vadd.s32 v27, v1  }
0x282: {  	v29 =	vsel vm6, $0x1, v0;
	v1 =	vadd.s32 v28, v1  }
0x283: {  	v1 =	vadd.s32 v29, v1  }
0x284: {  	v1 =	vmax.u32 v1, $0x1  }
0x285: {  	v1 =	vmin.u32 v1, $0xA  }
0x286: {  	v1 =	vadd.s32 $0xFFFFFFFF, v1  }
0x287: {  	v30 =	vpop (erf)  }
0x288: {  	v3 =	vmul.f32 v30, v3;
	_ =	sdelay $0x1  }
0x289: {  	[tilespmem:$0x430] =	vst v3  }
0x28a: {  	v1 =	vld.idx.msk [tilespmem:v1+s7+$0x0], $0xffff;
	_ =	sdelay $0x1  }
0x28b: {  	v3 =	vld [tilespmem:$0x1D0];
	_ =	sdelay $0x2  }
0x28c: {  	v1 =	vmul.f32 v1, v1;
	_ =	sdelay $0x1  }
0x28d: {  	vm7 =	vgt.f32 v3, $0.0e+00;
	v1 =	vmax.f32 v1, $9.999999770e-03  }
0x28e: {  	vm8 =	vgt.f32 v3, $1.000000010e-01;
	vm9 =	vgt.f32 v3, $2.000000030e-01;
	v1 =	vmin.f32 v1, $1.000000000e+02  }
0x28f: {  	v31 =	vsel vm7, $0x1, v0;
	(erf) = vrcp.f32 v1;
	v1 =	vsel vm8, $0x1, v0  }
0x290: {  	vm10 =	vgt.f32 v3, $3.000000120e-01;
	v32 =	vsel vm9, $0x1, v0;
	v1 =	vadd.s32 v1, v31  }
0x291: {  	vm11 =	vgt.f32 v3, $4.000000060e-01;
	v33 =	vsel vm10, $0x1, v0;
	v1 =	vadd.s32 v32, v1  }
0x292: {  	vm12 =	vgt.f32 v3, $5.000000000e-01;
	v34 =	vsel vm11, $0x1, v0;
	v1 =	vadd.s32 v33, v1  }
0x293: {  	vm13 =	vgt.f32 v3, $6.000000240e-01;
	v35 =	vsel vm12, $0x1, v0;
	v1 =	vadd.s32 v34, v1  }
0x294: {  	vm14 =	vgt.f32 v3, $6.999999880e-01;
	v36 =	vsel vm13, $0x1, v0;
	v1 =	vadd.s32 v35, v1  }
0x295: {  	vm15 =	vgt.f32 v3, $8.000000110e-01;
	v37 =	vsel vm14, $0x1, v0;
	v1 =	vadd.s32 v36, v1  }
0x296: {  	vm4 =	vgt.f32 v3, $9.000000350e-01;
	v38 =	vsel vm15, $0x1, v0;
	v1 =	vadd.s32 v37, v1  }
0x297: {  	vm5 =	vgt.f32 v3, $1.000000000e+00;
	v39 =	vsel vm4, $0x1, v0;
	v1 =	vadd.s32 v38, v1  }
0x298: {  	v40 =	vsel vm5, $0x1, v0;
	v1 =	vadd.s32 v39, v1  }
0x299: {  	v1 =	vadd.s32 v40, v1  }
0x29a: {  	v1 =	vmax.u32 v1, $0x1  }
0x29b: {  	v1 =	vmin.u32 v1, $0xA  }
0x29c: {  	v1 =	vadd.s32 $0xFFFFFFFF, v1  }
0x29d: {  	v41 =	vpop (erf)  }
0x29e: {  	v2 =	vmul.f32 v41, v2;
	_ =	sdelay $0x1  }
0x29f: {  	[tilespmem:$0x440] =	vst v2  }
0x2a0: {  	v1 =	vld.idx.msk [tilespmem:v1+s7+$0x0], $0xffff;
	_ =	sdelay $0x1  }
0x2a1: {  	v2 =	vld [tilespmem:$0x1E0];
	_ =	sdelay $0x2  }
0x2a2: {  	v1 =	vmul.f32 v1, v1;
	_ =	sdelay $0x1  }
0x2a3: {  	vm6 =	vgt.f32 v2, $0.0e+00;
	v1 =	vmax.f32 v1, $9.999999770e-03  }
0x2a4: {  	vm7 =	vgt.f32 v2, $1.000000010e-01;
	vm8 =	vgt.f32 v2, $2.000000030e-01;
	v1 =	vmin.f32 v1, $1.000000000e+02  }
0x2a5: {  	v42 =	vsel vm6, $0x1, v0;
	(erf) = vrcp.f32 v1;
	v1 =	vsel vm7, $0x1, v0  }
0x2a6: {  	vm9 =	vgt.f32 v2, $3.000000120e-01;
	v43 =	vsel vm8, $0x1, v0;
	v1 =	vadd.s32 v1, v42  }
0x2a7: {  	vm10 =	vgt.f32 v2, $4.000000060e-01;
	v44 =	vsel vm9, $0x1, v0;
	v1 =	vadd.s32 v43, v1  }
0x2a8: {  	vm11 =	vgt.f32 v2, $5.000000000e-01;
	v45 =	vsel vm10, $0x1, v0;
	v1 =	vadd.s32 v44, v1  }
0x2a9: {  	vm12 =	vgt.f32 v2, $6.000000240e-01;
	v46 =	vsel vm11, $0x1, v0;
	v1 =	vadd.s32 v45, v1  }
0x2aa: {  	vm13 =	vgt.f32 v2, $6.999999880e-01;
	v47 =	vsel vm12, $0x1, v0;
	v1 =	vadd.s32 v46, v1  }
0x2ab: {  	vm14 =	vgt.f32 v2, $8.000000110e-01;
	v48 =	vsel vm13, $0x1, v0;
	v1 =	vadd.s32 v47, v1  }
0x2ac: {  	vm15 =	vgt.f32 v2, $9.000000350e-01;
	v49 =	vsel vm14, $0x1, v0;
	v1 =	vadd.s32 v48, v1  }
0x2ad: {  	vm4 =	vgt.f32 v2, $1.000000000e+00;
	v50 =	vsel vm15, $0x1, v0;
	v1 =	vadd.s32 v49, v1  }
0x2ae: {  	v51 =	vsel vm4, $0x1, v0;
	v1 =	vadd.s32 v50, v1  }
0x2af: {  	v1 =	vadd.s32 v51, v1  }
0x2b0: {  	v1 =	vmax.u32 v1, $0x1  }
0x2b1: {  	v1 =	vmin.u32 v1, $0xA  }
0x2b2: {  	v1 =	vadd.s32 $0xFFFFFFFF, v1  }
0x2b3: {  	v52 =	vpop (erf)  }
0x2b4: {  	v3 =	vmul.f32 v52, v3;
	_ =	sdelay $0x1  }
0x2b5: {  	[tilespmem:$0x450] =	vst v3  }
0x2b6: {  	v1 =	vld.idx.msk [tilespmem:v1+s7+$0x0], $0xffff;
	_ =	sdelay $0x1  }
0x2b7: {  	v3 =	vld [tilespmem:$0x1F0];
	_ =	sdelay $0x2  }
0x2b8: {  	v1 =	vmul.f32 v1, v1;
	_ =	sdelay $0x1  }
0x2b9: {  	vm5 =	vgt.f32 v3, $0.0e+00;
	v1 =	vmax.f32 v1, $9.999999770e-03  }
0x2ba: {  	vm6 =	vgt.f32 v3, $1.000000010e-01;
	vm7 =	vgt.f32 v3, $2.000000030e-01;
	v1 =	vmin.f32 v1, $1.000000000e+02  }
0x2bb: {  	v53 =	vsel vm5, $0x1, v0;
	(erf) = vrcp.f32 v1;
	v1 =	vsel vm6, $0x1, v0  }
0x2bc: {  	vm8 =	vgt.f32 v3, $3.000000120e-01;
	v54 =	vsel vm7, $0x1, v0;
	v1 =	vadd.s32 v1, v53  }
0x2bd: {  	vm9 =	vgt.f32 v3, $4.000000060e-01;
	v55 =	vsel vm8, $0x1, v0;
	v1 =	vadd.s32 v54, v1  }
0x2be: {  	vm10 =	vgt.f32 v3, $5.000000000e-01;
	v56 =	vsel vm9, $0x1, v0;
	v1 =	vadd.s32 v55, v1  }
0x2bf: {  	vm11 =	vgt.f32 v3, $6.000000240e-01;
	v57 =	vsel vm10, $0x1, v0;
	v1 =	vadd.s32 v56, v1  }
0x2c0: {  	vm12 =	vgt.f32 v3, $6.999999880e-01;
	v58 =	vsel vm11, $0x1, v0;
	v1 =	vadd.s32 v57, v1  }
0x2c1: {  	vm13 =	vgt.f32 v3, $8.000000110e-01;
	v59 =	vsel vm12, $0x1, v0;
	v1 =	vadd.s32 v58, v1  }
0x2c2: {  	vm14 =	vgt.f32 v3, $9.000000350e-01;
	v60 =	vsel vm13, $0x1, v0;
	v1 =	vadd.s32 v59, v1  }
0x2c3: {  	vm15 =	vgt.f32 v3, $1.000000000e+00;
	v61 =	vsel vm14, $0x1, v0;
	v1 =	vadd.s32 v60, v1  }
0x2c4: {  	v62 =	vsel vm15, $0x1, v0;
	v1 =	vadd.s32 v61, v1  }
0x2c5: {  	v1 =	vadd.s32 v62, v1  }
0x2c6: {  	v1 =	vmax.u32 v1, $0x1  }
0x2c7: {  	v1 =	vmin.u32 v1, $0xA  }
0x2c8: {  	v1 =	vadd.s32 $0xFFFFFFFF, v1  }
0x2c9: {  	v63 =	vpop (erf)  }
0x2ca: {  	v2 =	vmul.f32 v63, v2;
	_ =	sdelay $0x1  }
0x2cb: {  	[tilespmem:$0x460] =	vst v2  }
0x2cc: {  	v1 =	vld.idx.msk [tilespmem:v1+s7+$0x0], $0xffff;
	_ =	sdelay $0x4  }
0x2cd: {  	v1 =	vmul.f32 v1, v1;
	_ =	sdelay $0x1  }
0x2ce: {  	v1 =	vmax.f32 v1, $9.999999770e-03  }
0x2cf: {  	v1 =	vmin.f32 v1, $1.000000000e+02  }
0x2d0: {  	(erf) = vrcp.f32 v1;
	_ =	sdelay $0x8  }
0x2d1: {  	v1 =	vpop (erf)  }
0x2d2: {  	v1 =	vmul.f32 v1, v3  }
0x2d3: {  	p0 =	sne.s32 s6, $0x1  }
.Ltmp0:
0x2d4: {  	[tilespmem:$0x470] =	vst v1;
	(pc) =	sbr.rel @p0 .LBB2_1-.Ltmp0, $4  }
0x2d5: {  	[hbm4b:s5+s3] =	stream.linear.scatter [tilespmem:s9], [sflag:$0x1], $0x200, $0x38;
	[tilespmem:$0x480] =	vst v63  }
0x2d6: {  	_ =	swait.ge [sflag:s8], $0x200  }
0x2d7: {  	[sflag:s8] =	ssyncset.done $0x0  }
0x2d8: {  	s6 =	sadd.s32 $0xFFFFFFFF, s6;
	[sflag:s8] =	ssyncadd.s32 $0xFFFFFE00  }
0x2d9: {  	_ =	sfence.sel $0x180000  }
0x2da: {  	[bflag:$0x0] =	sbarrier.arrive $0xFFFF  }
0x2db: {  	p0 =	sne.s32 s2, $0x0;
	_ =	strace $0x90000047  }
0x2dc: {  	s0 =	sadd.s32 @!p0 $0x100000, s0;
	[bflag:$0x2] =	sbarrier.arrive $0xFFFF  }
0x2dd: {  	[sflag:s0] =	ssyncadd.tile.s32 @!p0 $0x1;
	_ =	shalt  }
.Lfunc_end2:
_tile_overlayer_lowered:
.L_overlay_start_2:
0x2de: {  	(tag) =	ssettag $0x2  }
0x2df: {  	s0 =	rddreg [dreg:$0x0];
	s2 =	stileid.u32  }
0x2e0: {  	s1 =	rddreg [dreg:$0x1];
	p0 =	sne.s32 s2, $0x0  }
0x2e1: {  	s3 =	rddreg [dreg:$0x2];
	[bflag:$0x3] =	sbarrier.arrive $0xFFFF;
	s2 =	simm.s32 @!p0 $0x1C01  }
0x2e2: {  	[timem:s3], [sflag:s2] =	dma.local @!p0 [hbm:s0], s1  }
0x2e3: {  	s0 =	simm.s32 @!p0 $0x1  }
0x2e4: {  	_ =	swait.ge @!p0 [sflag:s0], s1  }
0x2e5: {  	s1 =	ssub.s32 @!p0 $0x0, s1;
	[sflag:s0] =	ssyncset.done @!p0 $0x0  }
0x2e6: {  	[sflag:s0] =	ssyncadd.s32 @!p0 s1  }
0x2e7: {  	[bflag:$0x3] =	sbarrier.arrive $0xFFFF  }
0x2e8: {  	_ =	shalt  }

</sc_bundles>
